<compile_context>
chip_gen: v7x
topology: tpu7x:2x2x1
jax: 0.10.2.dev20260603
libtpu: 0.0.44.dev20260713+nightly
codegen_flags: <defaults>
</compile_context>

<pallas_src>
import functools

import jax
import jax.numpy as jnp
from jax import lax
from jax.experimental import pallas as pl
from jax.experimental.pallas import tpu as pltpu
from jax.experimental.pallas import tpu_sc as plsc

_B, _S, _C, _M = 16, 512, 256, 2048
_NW = 32
_FPW = _M * _B // _NW
_CH = 64
_NCH = _FPW // _CH
_L = 16


def _sc_body(xpad_hbm, dur_hbm, ml_hbm, out_hbm, mask_hbm,
             dur_v, cs_v, ml_v, idx_v, msk_v, bufa, bufb,
             ga, gb, wa, wb):
    wid = lax.axis_index("s") * 2 + lax.axis_index("c")
    b = wid // 2
    fb = (wid % 2) * _FPW

    pltpu.sync_copy(ml_hbm, ml_v)
    pltpu.sync_copy(dur_hbm.at[b], dur_v)
    mlv = ml_v[...]

    carry = jnp.int32(0)
    for j in range(_S // _L):
        d_i = dur_v[pl.ds(j * _L, _L)].astype(jnp.int32)
        cc = jnp.minimum(plsc.cumsum(d_i) + carry, mlv)
        cs_v[pl.ds(j * _L, _L)] = cc
        carry = carry + jnp.sum(d_i)
    total_v = jnp.minimum(jnp.full((_L,), carry, jnp.int32), mlv)

    lane = lax.iota(jnp.int32, _L)
    zrow = jnp.int32(b * (_S + 1) + _S)

    def _index_chunk(c):
        def body(v, _):
            t = fb + c * _CH + v * _L + lane
            lo = jnp.zeros((_L,), jnp.int32)
            hi = jnp.full((_L,), _S, jnp.int32)
            for _ in range(10):
                mid = (lo + hi) >> 1
                le = plsc.load_gather(cs_v, [mid]) <= t
                lo = jnp.where(le, mid + 1, lo)
                hi = jnp.where(le, hi, mid)
            valid = t < total_v
            g = jnp.where(valid, b * (_S + 1) + lo, zrow)
            idx_v[pl.ds(c * _CH + v * _L, _L)] = g
            msk_v[pl.ds(c * _CH + v * _L, _L)] = (~valid).astype(jnp.int32)
            return 0

        lax.fori_loop(0, _CH // _L, body, 0)

    bufs, gsems, wsems = [bufa, bufb], [ga, gb], [wa, wb]
    gh = [None] * _NCH
    wh = [None] * _NCH
    obase = wid * _FPW
    for c in range(_NCH):
        _index_chunk(c)
        if c >= 2:
            wh[c - 2].wait()
        gh[c] = pltpu.async_copy(
            xpad_hbm.at[idx_v.at[pl.ds(c * _CH, _CH)]], bufs[c % 2],
            gsems[c % 2])
        if c >= 1:
            gh[c - 1].wait()
            wh[c - 1] = pltpu.async_copy(
                bufs[(c - 1) % 2], out_hbm.at[pl.ds(obase + (c - 1) * _CH, _CH)],
                wsems[(c - 1) % 2])
    gh[_NCH - 1].wait()
    wh[_NCH - 1] = pltpu.async_copy(
        bufs[(_NCH - 1) % 2],
        out_hbm.at[pl.ds(obase + (_NCH - 1) * _CH, _CH)],
        wsems[(_NCH - 1) % 2])
    wh[_NCH - 2].wait()
    wh[_NCH - 1].wait()

    pltpu.sync_copy(msk_v, mask_hbm.at[pl.ds(obase, _FPW)])


_sc_expand = functools.partial(
    pl.kernel,
    mesh=plsc.VectorSubcoreMesh(core_axis_name="c", subcore_axis_name="s"),
    out_type=[
        jax.ShapeDtypeStruct((_B * _M, _C), jnp.float32),
        jax.ShapeDtypeStruct((_B * _M,), jnp.int32),
    ],
    scratch_types=[
        pltpu.VMEM((_S,), jnp.float32),
        pltpu.VMEM((_S,), jnp.int32),
        pltpu.VMEM((_L,), jnp.int32),
        pltpu.VMEM((_FPW,), jnp.int32),
        pltpu.VMEM((_FPW,), jnp.int32),
        pltpu.VMEM((_CH, _C), jnp.float32),
        pltpu.VMEM((_CH, _C), jnp.float32),
        pltpu.SemaphoreType.DMA,
        pltpu.SemaphoreType.DMA,
        pltpu.SemaphoreType.DMA,
        pltpu.SemaphoreType.DMA,
    ],
    compiler_params=pltpu.CompilerParams(needs_layout_passes=False),
)(_sc_body)


def kernel(x, durations, max_length):
    B, S, C = x.shape
    xpad = jnp.concatenate(
        [x, jnp.zeros((B, 1, C), x.dtype)], axis=1).reshape(B * (S + 1), C)
    d = jnp.round(durations)
    ml = jnp.full((_L,), max_length, jnp.int32)
    out, mask_i = _sc_expand(xpad, d, ml)
    expanded = out.reshape(B, _M, C)
    mel_masks = mask_i.reshape(B, _M).astype(bool)
    return expanded, mel_masks

# --- scband reference (transcript-rebuilt; emitter-appended) ---
"""Pipeline reference for scband-length-regulator-55611236549511 (READ-ONLY COPY).

The authoritative reference and input builder live on the scoring server;
editing this copy changes nothing except your own understanding.
"""

import jax, jax.numpy as jnp
import numpy as np


def setup_inputs(seed: int = 0) -> dict:
    key = jax.random.key(seed)
    k1, k2 = jax.random.split(key)
    x = jax.random.normal(k1, (16, 512, 256), dtype=jnp.float32)
    durations = jax.random.randint(k2, (16, 512), 0, 8).astype(jnp.float32)
    return {"x": x, "durations": durations, "max_length": 2048}


def reference(x, durations, max_length):
    # Faithful translation of LengthRegulator.forward with explicit max_length.
    B, S, C = x.shape
    M = 2048
    # torch.round(durations).long()
    d = jnp.round(durations).astype(jnp.int32)
    # _limit_durations: equivalent to clipping the cumulative sum at max_length.
    # d'[j] = min(cumsum[j], M) - min(cumsum[j-1], M) reproduces the torch loop:
    # at the first index exceeding M the duration is shortened, later ones zeroed.
    cs = jnp.cumsum(d, axis=1)
    cs_clip = jnp.minimum(cs, jnp.asarray(max_length, cs.dtype))
    total = cs_clip[:, -1]  # total valid frames per sequence (<= M)
    # Frame t belongs to the first phoneme j with cs_clip[j] > t.
    # searchsorted(..., side='right') gives exactly that (zero-duration phonemes
    # are skipped, matching the `if durations[i, j] > 0` branch).
    t = jnp.arange(M)
    idx = jax.vmap(lambda c: jnp.searchsorted(c, t, side='right'))(cs_clip)
    idx = jnp.clip(idx, 0, S - 1)
    expanded = jnp.take_along_axis(x, idx[:, :, None], axis=1)
    valid = t[None, :] < total[:, None]
    # padded frames stay zero (torch initializes `expanded` with zeros)
    expanded = jnp.where(valid[:, :, None], expanded, 0.0)
    # mel_masks: True for padded frames
    mel_masks = ~valid
    return expanded, mel_masks

if __name__ == "__main__":
    import jax
    _d = setup_inputs()
    print(jax.jit(kernel)(*tuple(_d.values())))

</pallas_src>

<mosaic_0001>
#map = affine_map<(d0, d1) -> (0, 0)>
#map1 = affine_map<(d0, d1) -> (0)>
module attributes {stable_mosaic.version = 14 : i64} {
  func.func @_sc_body(%arg0: i32, %arg1: i32, %arg2: memref<8208x256xf32, #tpu.memory_space<hbm>>, %arg3: memref<16x512xf32, #tpu.memory_space<hbm>>, %arg4: memref<16xi32, #tpu.memory_space<hbm>>, %arg5: memref<32768x256xf32, #tpu.memory_space<hbm>>, %arg6: memref<32768xi32, #tpu.memory_space<hbm>>, %arg7: memref<512xf32, #tpu.memory_space<vmem>>, %arg8: memref<512xi32, #tpu.memory_space<vmem>>, %arg9: memref<16xi32, #tpu.memory_space<vmem>>, %arg10: memref<1024xi32, #tpu.memory_space<vmem>>, %arg11: memref<1024xi32, #tpu.memory_space<vmem>>, %arg12: memref<64x256xf32, #tpu.memory_space<vmem>>, %arg13: memref<64x256xf32, #tpu.memory_space<vmem>>, %arg14: memref<!tpu.dma_semaphore, #tpu.memory_space<semaphore_mem>>, %arg15: memref<!tpu.dma_semaphore, #tpu.memory_space<semaphore_mem>>, %arg16: memref<!tpu.dma_semaphore, #tpu.memory_space<semaphore_mem>>, %arg17: memref<!tpu.dma_semaphore, #tpu.memory_space<semaphore_mem>>) attributes {dimension_semantics = [#tpu.dimension_semantics<core_parallel>, #tpu.dimension_semantics<subcore_parallel>], iteration_bounds = array<i64: 2, 16>, scalar_prefetch = 0 : i64, scratch_operands = 11 : i64, tpu.core_type = #tpu.core_type<sc_vector_subcore>, window_params = [{transform_indices = #map}, {transform_indices = #map}, {transform_indices = #map1}, {transform_indices = #map}, {transform_indices = #map1}]} {
    %mul3A = arith.constant 2 : i32
    %mul3A_0 = arith.muli %arg1, %mul3A : i32
    %add3A = arith.addi %mul3A_0, %arg0 : i32
    %jit3A = arith.constant 2 : i32
    %div3A = arith.divsi %add3A, %jit3A : i32
    %sign3A = arith.constant 0 : i32
    %sign3A_1 = arith.cmpi sgt, %add3A, %sign3A : i32
    %sign3A_2 = arith.extui %sign3A_1 : i1 to i32
    %sign3A_3 = arith.constant 0 : i32
    %sign3A_4 = arith.cmpi slt, %add3A, %sign3A_3 : i32
    %sign3A_5 = arith.extui %sign3A_4 : i1 to i32
    %sign3A_6 = arith.subi %sign3A_2, %sign3A_5 : i32
    %sign3A_7 = arith.constant 0 : i32
    %sign3A_8 = arith.cmpi sgt, %jit3A, %sign3A_7 : i32
    %sign3A_9 = arith.extui %sign3A_8 : i1 to i32
    %sign3A_10 = arith.constant 0 : i32
    %sign3A_11 = arith.cmpi slt, %jit3A, %sign3A_10 : i32
    %sign3A_12 = arith.extui %sign3A_11 : i1 to i32
    %sign3A_13 = arith.subi %sign3A_9, %sign3A_12 : i32
    %ne3A = arith.cmpi ne, %sign3A_6, %sign3A_13 : i32
    %rem3A = arith.remsi %add3A, %jit3A : i32
    %ne3A_14 = arith.constant 0 : i32
    %ne3A_15 = arith.cmpi ne, %rem3A, %ne3A_14 : i32
    %and3A = arith.andi %ne3A, %ne3A_15 : i1
    %sub3A = arith.constant 1 : i32
    %sub3A_16 = arith.subi %div3A, %sub3A : i32
    %select_n3A = arith.select %and3A, %sub3A_16, %div3A : i32
    %jit3A_17 = arith.constant 2 : i32
    %eq3A = arith.constant 0 : i32
    %eq3A_18 = arith.cmpi eq, %jit3A_17, %eq3A : i32
    %jit3A_19 = arith.constant 1 : i32
    %select_n3A_20 = arith.select %eq3A_18, %jit3A_19, %jit3A_17 : i32
    %rem3A_21 = arith.remsi %add3A, %select_n3A_20 : i32
    %ne3A_22 = arith.constant 0 : i32
    %ne3A_23 = arith.cmpi ne, %rem3A_21, %ne3A_22 : i32
    %lt3A = arith.constant 0 : i32
    %lt3A_24 = arith.cmpi slt, %rem3A_21, %lt3A : i32
    %lt3A_25 = arith.constant 0 : i32
    %lt3A_26 = arith.cmpi slt, %select_n3A_20, %lt3A_25 : i32
    %ne3A_27 = arith.xori %lt3A_24, %lt3A_26 : i1
    %and3A_28 = arith.andi %ne3A_27, %ne3A_23 : i1
    %add3A_29 = arith.addi %rem3A_21, %select_n3A_20 : i32
    %select_n3A_30 = arith.select %and3A_28, %add3A_29, %rem3A_21 : i32
    %mul3A_31 = arith.constant 1024 : i32
    %mul3A_32 = arith.muli %select_n3A_30, %mul3A_31 : i32
    "tpu.region"() ({
      %run_scoped3A = tpu.sem_alloc : memref<!tpu.dma_semaphore, #tpu.memory_space<semaphore_mem>>
      tpu.enqueue_dma source(%arg4 : memref<16xi32, #tpu.memory_space<hbm>>) target(%arg9 : memref<16xi32, #tpu.memory_space<vmem>>) target_semaphore(%run_scoped3A : memref<!tpu.dma_semaphore, #tpu.memory_space<semaphore_mem>>)
      tpu.wait_dma2 semaphore(%run_scoped3A : memref<!tpu.dma_semaphore, #tpu.memory_space<semaphore_mem>>) src(%arg4 : memref<16xi32, #tpu.memory_space<hbm>>) dst(%arg9 : memref<16xi32, #tpu.memory_space<vmem>>)
      tpu.yield
    }) : () -> ()
    "tpu.region"() ({
      %run_scoped3A = tpu.sem_alloc : memref<!tpu.dma_semaphore, #tpu.memory_space<semaphore_mem>>
      %dma_start3A_979 = arith.constant 0 : i32
      %dma_start3A_980 = tpu.memref_slice %arg3[%select_n3A, %dma_start3A_979] : memref<16x512xf32, #tpu.memory_space<hbm>> -> memref<1x512xf32, #tpu.memory_space<hbm>>
      %dma_start3A_981 = tpu.memref_squeeze %dma_start3A_980 : memref<1x512xf32, #tpu.memory_space<hbm>> -> memref<512xf32, #tpu.memory_space<hbm>>
      %dma_start3A_982 = arith.constant 0 : i32
      %dma_start3A_983 = tpu.memref_slice %arg3[%select_n3A, %dma_start3A_982] : memref<16x512xf32, #tpu.memory_space<hbm>> -> memref<1x512xf32, #tpu.memory_space<hbm>>
      %dma_start3A_984 = tpu.memref_squeeze %dma_start3A_983 : memref<1x512xf32, #tpu.memory_space<hbm>> -> memref<512xf32, #tpu.memory_space<hbm>>
      tpu.enqueue_dma source(%dma_start3A_984 : memref<512xf32, #tpu.memory_space<hbm>>) target(%arg7 : memref<512xf32, #tpu.memory_space<vmem>>) target_semaphore(%run_scoped3A : memref<!tpu.dma_semaphore, #tpu.memory_space<semaphore_mem>>)
      %dma_wait3A_985 = arith.constant 0 : i32
      %dma_wait3A_986 = tpu.memref_slice %arg3[%select_n3A, %dma_wait3A_985] : memref<16x512xf32, #tpu.memory_space<hbm>> -> memref<1x512xf32, #tpu.memory_space<hbm>>
      %dma_wait3A_987 = tpu.memref_squeeze %dma_wait3A_986 : memref<1x512xf32, #tpu.memory_space<hbm>> -> memref<512xf32, #tpu.memory_space<hbm>>
      %dma_wait3A_988 = arith.constant 0 : i32
      %dma_wait3A_989 = tpu.memref_slice %arg3[%select_n3A, %dma_wait3A_988] : memref<16x512xf32, #tpu.memory_space<hbm>> -> memref<1x512xf32, #tpu.memory_space<hbm>>
      %dma_wait3A_990 = tpu.memref_squeeze %dma_wait3A_989 : memref<1x512xf32, #tpu.memory_space<hbm>> -> memref<512xf32, #tpu.memory_space<hbm>>
      tpu.wait_dma2 semaphore(%run_scoped3A : memref<!tpu.dma_semaphore, #tpu.memory_space<semaphore_mem>>) src(%dma_wait3A_990 : memref<512xf32, #tpu.memory_space<hbm>>) dst(%arg7 : memref<512xf32, #tpu.memory_space<vmem>>)
      tpu.yield
    }) : () -> ()
    %get3A = arith.constant 0 : index
    %get3A_33 = tpu.vector_load %arg9[%get3A] {strides = array<i32>} : memref<16xi32, #tpu.memory_space<vmem>>, vector<16xi32>,
    %get3A_34 = arith.constant 0 : index
    %get3A_35 = tpu.vector_load %arg7[%get3A_34] {strides = array<i32>} : memref<512xf32, #tpu.memory_space<vmem>>, vector<16xf32>,
    %convert_element_type3A = arith.fptosi %get3A_35 : vector<16xf32> to vector<16xi32>
    %broadcast_in_dim3A = arith.constant true
    %broadcast_in_dim3A_36 = vector.broadcast %broadcast_in_dim3A : i1 to vector<16xi1>
    %masked_cumsum3A = tpu.scan <sum>, %convert_element_type3A masked %broadcast_in_dim3A_36 : vector<16xi32>, vector<16xi1> -> vector<16xi32>
    %add3A_37 = arith.constant 0 : i32
    %add3A_38 = vector.broadcast %add3A_37 : i32 to vector<16xi32>
    %add3A_39 = arith.addi %masked_cumsum3A, %add3A_38 : vector<16xi32>
    %min3A = arith.minsi %add3A_39, %get3A_33 : vector<16xi32>
    %swap3A = arith.constant 0 : index
    %swap3A_40 = tpu.vector_load %arg8[%swap3A] {strides = array<i32>} : memref<512xi32, #tpu.memory_space<vmem>>, vector<16xi32>,
    tpu.vector_store %arg8[%swap3A], %min3A {strides = array<i32>} : memref<512xi32, #tpu.memory_space<vmem>>, vector<16xi32>,
    %reduce_sum3A = arith.constant true
    %reduce_sum3A_41 = vector.broadcast %reduce_sum3A : i1 to vector<16xi1>
    %reduce_sum3A_42 = tpu.scan <sum>, %convert_element_type3A masked %reduce_sum3A_41 : vector<16xi32>, vector<16xi1> -> vector<16xi32>
    %reduce_sum3A_43 = vector.extract %reduce_sum3A_42[15] : i32 from vector<16xi32>
    %add3A_44 = arith.constant 0 : i32
    %add3A_45 = arith.addi %add3A_44, %reduce_sum3A_43 : i32
    %get3A_46 = arith.constant 16 : index
    %get3A_47 = tpu.vector_load %arg7[%get3A_46] {strides = array<i32>} : memref<512xf32, #tpu.memory_space<vmem>>, vector<16xf32>,
    %convert_element_type3A_48 = arith.fptosi %get3A_47 : vector<16xf32> to vector<16xi32>
    %broadcast_in_dim3A_49 = arith.constant true
    %broadcast_in_dim3A_50 = vector.broadcast %broadcast_in_dim3A_49 : i1 to vector<16xi1>
    %masked_cumsum3A_51 = tpu.scan <sum>, %convert_element_type3A_48 masked %broadcast_in_dim3A_50 : vector<16xi32>, vector<16xi1> -> vector<16xi32>
    %add3A_52 = vector.broadcast %add3A_45 : i32 to vector<16xi32>
    %add3A_53 = arith.addi %masked_cumsum3A_51, %add3A_52 : vector<16xi32>
    %min3A_54 = arith.minsi %add3A_53, %get3A_33 : vector<16xi32>
    %swap3A_55 = arith.constant 16 : index
    %swap3A_56 = tpu.vector_load %arg8[%swap3A_55] {strides = array<i32>} : memref<512xi32, #tpu.memory_space<vmem>>, vector<16xi32>,
    tpu.vector_store %arg8[%swap3A_55], %min3A_54 {strides = array<i32>} : memref<512xi32, #tpu.memory_space<vmem>>, vector<16xi32>,
    %reduce_sum3A_57 = arith.constant true
    %reduce_sum3A_58 = vector.broadcast %reduce_sum3A_57 : i1 to vector<16xi1>
    %reduce_sum3A_59 = tpu.scan <sum>, %convert_element_type3A_48 masked %reduce_sum3A_58 : vector<16xi32>, vector<16xi1> -> vector<16xi32>
    %reduce_sum3A_60 = vector.extract %reduce_sum3A_59[15] : i32 from vector<16xi32>
    %add3A_61 = arith.addi %add3A_45, %reduce_sum3A_60 : i32
    %get3A_62 = arith.constant 32 : index
    %get3A_63 = tpu.vector_load %arg7[%get3A_62] {strides = array<i32>} : memref<512xf32, #tpu.memory_space<vmem>>, vector<16xf32>,
    %convert_element_type3A_64 = arith.fptosi %get3A_63 : vector<16xf32> to vector<16xi32>
    %broadcast_in_dim3A_65 = arith.constant true
    %broadcast_in_dim3A_66 = vector.broadcast %broadcast_in_dim3A_65 : i1 to vector<16xi1>
    %masked_cumsum3A_67 = tpu.scan <sum>, %convert_element_type3A_64 masked %broadcast_in_dim3A_66 : vector<16xi32>, vector<16xi1> -> vector<16xi32>
    %add3A_68 = vector.broadcast %add3A_61 : i32 to vector<16xi32>
    %add3A_69 = arith.addi %masked_cumsum3A_67, %add3A_68 : vector<16xi32>
    %min3A_70 = arith.minsi %add3A_69, %get3A_33 : vector<16xi32>
    %swap3A_71 = arith.constant 32 : index
    %swap3A_72 = tpu.vector_load %arg8[%swap3A_71] {strides = array<i32>} : memref<512xi32, #tpu.memory_space<vmem>>, vector<16xi32>,
    tpu.vector_store %arg8[%swap3A_71], %min3A_70 {strides = array<i32>} : memref<512xi32, #tpu.memory_space<vmem>>, vector<16xi32>,
    %reduce_sum3A_73 = arith.constant true
    %reduce_sum3A_74 = vector.broadcast %reduce_sum3A_73 : i1 to vector<16xi1>
    %reduce_sum3A_75 = tpu.scan <sum>, %convert_element_type3A_64 masked %reduce_sum3A_74 : vector<16xi32>, vector<16xi1> -> vector<16xi32>
    %reduce_sum3A_76 = vector.extract %reduce_sum3A_75[15] : i32 from vector<16xi32>
    %add3A_77 = arith.addi %add3A_61, %reduce_sum3A_76 : i32
    %get3A_78 = arith.constant 48 : index
    %get3A_79 = tpu.vector_load %arg7[%get3A_78] {strides = array<i32>} : memref<512xf32, #tpu.memory_space<vmem>>, vector<16xf32>,
    %convert_element_type3A_80 = arith.fptosi %get3A_79 : vector<16xf32> to vector<16xi32>
    %broadcast_in_dim3A_81 = arith.constant true
    %broadcast_in_dim3A_82 = vector.broadcast %broadcast_in_dim3A_81 : i1 to vector<16xi1>
    %masked_cumsum3A_83 = tpu.scan <sum>, %convert_element_type3A_80 masked %broadcast_in_dim3A_82 : vector<16xi32>, vector<16xi1> -> vector<16xi32>
    %add3A_84 = vector.broadcast %add3A_77 : i32 to vector<16xi32>
    %add3A_85 = arith.addi %masked_cumsum3A_83, %add3A_84 : vector<16xi32>
    %min3A_86 = arith.minsi %add3A_85, %get3A_33 : vector<16xi32>
    %swap3A_87 = arith.constant 48 : index
    %swap3A_88 = tpu.vector_load %arg8[%swap3A_87] {strides = array<i32>} : memref<512xi32, #tpu.memory_space<vmem>>, vector<16xi32>,
    tpu.vector_store %arg8[%swap3A_87], %min3A_86 {strides = array<i32>} : memref<512xi32, #tpu.memory_space<vmem>>, vector<16xi32>,
    %reduce_sum3A_89 = arith.constant true
    %reduce_sum3A_90 = vector.broadcast %reduce_sum3A_89 : i1 to vector<16xi1>
    %reduce_sum3A_91 = tpu.scan <sum>, %convert_element_type3A_80 masked %reduce_sum3A_90 : vector<16xi32>, vector<16xi1> -> vector<16xi32>
    %reduce_sum3A_92 = vector.extract %reduce_sum3A_91[15] : i32 from vector<16xi32>
    %add3A_93 = arith.addi %add3A_77, %reduce_sum3A_92 : i32
    %get3A_94 = arith.constant 64 : index
    %get3A_95 = tpu.vector_load %arg7[%get3A_94] {strides = array<i32>} : memref<512xf32, #tpu.memory_space<vmem>>, vector<16xf32>,
    %convert_element_type3A_96 = arith.fptosi %get3A_95 : vector<16xf32> to vector<16xi32>
    %broadcast_in_dim3A_97 = arith.constant true
    %broadcast_in_dim3A_98 = vector.broadcast %broadcast_in_dim3A_97 : i1 to vector<16xi1>
    %masked_cumsum3A_99 = tpu.scan <sum>, %convert_element_type3A_96 masked %broadcast_in_dim3A_98 : vector<16xi32>, vector<16xi1> -> vector<16xi32>
    %add3A_100 = vector.broadcast %add3A_93 : i32 to vector<16xi32>
    %add3A_101 = arith.addi %masked_cumsum3A_99, %add3A_100 : vector<16xi32>
    %min3A_102 = arith.minsi %add3A_101, %get3A_33 : vector<16xi32>
    %swap3A_103 = arith.constant 64 : index
    %swap3A_104 = tpu.vector_load %arg8[%swap3A_103] {strides = array<i32>} : memref<512xi32, #tpu.memory_space<vmem>>, vector<16xi32>,
    tpu.vector_store %arg8[%swap3A_103], %min3A_102 {strides = array<i32>} : memref<512xi32, #tpu.memory_space<vmem>>, vector<16xi32>,
    %reduce_sum3A_105 = arith.constant true
    %reduce_sum3A_106 = vector.broadcast %reduce_sum3A_105 : i1 to vector<16xi1>
    %reduce_sum3A_107 = tpu.scan <sum>, %convert_element_type3A_96 masked %reduce_sum3A_106 : vector<16xi32>, vector<16xi1> -> vector<16xi32>
    %reduce_sum3A_108 = vector.extract %reduce_sum3A_107[15] : i32 from vector<16xi32>
    %add3A_109 = arith.addi %add3A_93, %reduce_sum3A_108 : i32
    %get3A_110 = arith.constant 80 : index
    %get3A_111 = tpu.vector_load %arg7[%get3A_110] {strides = array<i32>} : memref<512xf32, #tpu.memory_space<vmem>>, vector<16xf32>,
    %convert_element_type3A_112 = arith.fptosi %get3A_111 : vector<16xf32> to vector<16xi32>
    %broadcast_in_dim3A_113 = arith.constant true
    %broadcast_in_dim3A_114 = vector.broadcast %broadcast_in_dim3A_113 : i1 to vector<16xi1>
    %masked_cumsum3A_115 = tpu.scan <sum>, %convert_element_type3A_112 masked %broadcast_in_dim3A_114 : vector<16xi32>, vector<16xi1> -> vector<16xi32>
    %add3A_116 = vector.broadcast %add3A_109 : i32 to vector<16xi32>
    %add3A_117 = arith.addi %masked_cumsum3A_115, %add3A_116 : vector<16xi32>
    %min3A_118 = arith.minsi %add3A_117, %get3A_33 : vector<16xi32>
    %swap3A_119 = arith.constant 80 : index
    %swap3A_120 = tpu.vector_load %arg8[%swap3A_119] {strides = array<i32>} : memref<512xi32, #tpu.memory_space<vmem>>, vector<16xi32>,
    tpu.vector_store %arg8[%swap3A_119], %min3A_118 {strides = array<i32>} : memref<512xi32, #tpu.memory_space<vmem>>, vector<16xi32>,
    %reduce_sum3A_121 = arith.constant true
    %reduce_sum3A_122 = vector.broadcast %reduce_sum3A_121 : i1 to vector<16xi1>
    %reduce_sum3A_123 = tpu.scan <sum>, %convert_element_type3A_112 masked %reduce_sum3A_122 : vector<16xi32>, vector<16xi1> -> vector<16xi32>
    %reduce_sum3A_124 = vector.extract %reduce_sum3A_123[15] : i32 from vector<16xi32>
    %add3A_125 = arith.addi %add3A_109, %reduce_sum3A_124 : i32
    %get3A_126 = arith.constant 96 : index
    %get3A_127 = tpu.vector_load %arg7[%get3A_126] {strides = array<i32>} : memref<512xf32, #tpu.memory_space<vmem>>, vector<16xf32>,
    %convert_element_type3A_128 = arith.fptosi %get3A_127 : vector<16xf32> to vector<16xi32>
    %broadcast_in_dim3A_129 = arith.constant true
    %broadcast_in_dim3A_130 = vector.broadcast %broadcast_in_dim3A_129 : i1 to vector<16xi1>
    %masked_cumsum3A_131 = tpu.scan <sum>, %convert_element_type3A_128 masked %broadcast_in_dim3A_130 : vector<16xi32>, vector<16xi1> -> vector<16xi32>
    %add3A_132 = vector.broadcast %add3A_125 : i32 to vector<16xi32>
    %add3A_133 = arith.addi %masked_cumsum3A_131, %add3A_132 : vector<16xi32>
    %min3A_134 = arith.minsi %add3A_133, %get3A_33 : vector<16xi32>
    %swap3A_135 = arith.constant 96 : index
    %swap3A_136 = tpu.vector_load %arg8[%swap3A_135] {strides = array<i32>} : memref<512xi32, #tpu.memory_space<vmem>>, vector<16xi32>,
    tpu.vector_store %arg8[%swap3A_135], %min3A_134 {strides = array<i32>} : memref<512xi32, #tpu.memory_space<vmem>>, vector<16xi32>,
    %reduce_sum3A_137 = arith.constant true
    %reduce_sum3A_138 = vector.broadcast %reduce_sum3A_137 : i1 to vector<16xi1>
    %reduce_sum3A_139 = tpu.scan <sum>, %convert_element_type3A_128 masked %reduce_sum3A_138 : vector<16xi32>, vector<16xi1> -> vector<16xi32>
    %reduce_sum3A_140 = vector.extract %reduce_sum3A_139[15] : i32 from vector<16xi32>
    %add3A_141 = arith.addi %add3A_125, %reduce_sum3A_140 : i32
    %get3A_142 = arith.constant 112 : index
    %get3A_143 = tpu.vector_load %arg7[%get3A_142] {strides = array<i32>} : memref<512xf32, #tpu.memory_space<vmem>>, vector<16xf32>,
    %convert_element_type3A_144 = arith.fptosi %get3A_143 : vector<16xf32> to vector<16xi32>
    %broadcast_in_dim3A_145 = arith.constant true
    %broadcast_in_dim3A_146 = vector.broadcast %broadcast_in_dim3A_145 : i1 to vector<16xi1>
    %masked_cumsum3A_147 = tpu.scan <sum>, %convert_element_type3A_144 masked %broadcast_in_dim3A_146 : vector<16xi32>, vector<16xi1> -> vector<16xi32>
    %add3A_148 = vector.broadcast %add3A_141 : i32 to vector<16xi32>
    %add3A_149 = arith.addi %masked_cumsum3A_147, %add3A_148 : vector<16xi32>
    %min3A_150 = arith.minsi %add3A_149, %get3A_33 : vector<16xi32>
    %swap3A_151 = arith.constant 112 : index
    %swap3A_152 = tpu.vector_load %arg8[%swap3A_151] {strides = array<i32>} : memref<512xi32, #tpu.memory_space<vmem>>, vector<16xi32>,
    tpu.vector_store %arg8[%swap3A_151], %min3A_150 {strides = array<i32>} : memref<512xi32, #tpu.memory_space<vmem>>, vector<16xi32>,
    %reduce_sum3A_153 = arith.constant true
    %reduce_sum3A_154 = vector.broadcast %reduce_sum3A_153 : i1 to vector<16xi1>
    %reduce_sum3A_155 = tpu.scan <sum>, %convert_element_type3A_144 masked %reduce_sum3A_154 : vector<16xi32>, vector<16xi1> -> vector<16xi32>
    %reduce_sum3A_156 = vector.extract %reduce_sum3A_155[15] : i32 from vector<16xi32>
    %add3A_157 = arith.addi %add3A_141, %reduce_sum3A_156 : i32
    %get3A_158 = arith.constant 128 : index
    %get3A_159 = tpu.vector_load %arg7[%get3A_158] {strides = array<i32>} : memref<512xf32, #tpu.memory_space<vmem>>, vector<16xf32>,
    %convert_element_type3A_160 = arith.fptosi %get3A_159 : vector<16xf32> to vector<16xi32>
    %broadcast_in_dim3A_161 = arith.constant true
    %broadcast_in_dim3A_162 = vector.broadcast %broadcast_in_dim3A_161 : i1 to vector<16xi1>
    %masked_cumsum3A_163 = tpu.scan <sum>, %convert_element_type3A_160 masked %broadcast_in_dim3A_162 : vector<16xi32>, vector<16xi1> -> vector<16xi32>
    %add3A_164 = vector.broadcast %add3A_157 : i32 to vector<16xi32>
    %add3A_165 = arith.addi %masked_cumsum3A_163, %add3A_164 : vector<16xi32>
    %min3A_166 = arith.minsi %add3A_165, %get3A_33 : vector<16xi32>
    %swap3A_167 = arith.constant 128 : index
    %swap3A_168 = tpu.vector_load %arg8[%swap3A_167] {strides = array<i32>} : memref<512xi32, #tpu.memory_space<vmem>>, vector<16xi32>,
    tpu.vector_store %arg8[%swap3A_167], %min3A_166 {strides = array<i32>} : memref<512xi32, #tpu.memory_space<vmem>>, vector<16xi32>,
    %reduce_sum3A_169 = arith.constant true
    %reduce_sum3A_170 = vector.broadcast %reduce_sum3A_169 : i1 to vector<16xi1>
    %reduce_sum3A_171 = tpu.scan <sum>, %convert_element_type3A_160 masked %reduce_sum3A_170 : vector<16xi32>, vector<16xi1> -> vector<16xi32>
    %reduce_sum3A_172 = vector.extract %reduce_sum3A_171[15] : i32 from vector<16xi32>
    %add3A_173 = arith.addi %add3A_157, %reduce_sum3A_172 : i32
    %get3A_174 = arith.constant 144 : index
    %get3A_175 = tpu.vector_load %arg7[%get3A_174] {strides = array<i32>} : memref<512xf32, #tpu.memory_space<vmem>>, vector<16xf32>,
    %convert_element_type3A_176 = arith.fptosi %get3A_175 : vector<16xf32> to vector<16xi32>
    %broadcast_in_dim3A_177 = arith.constant true
    %broadcast_in_dim3A_178 = vector.broadcast %broadcast_in_dim3A_177 : i1 to vector<16xi1>
    %masked_cumsum3A_179 = tpu.scan <sum>, %convert_element_type3A_176 masked %broadcast_in_dim3A_178 : vector<16xi32>, vector<16xi1> -> vector<16xi32>
    %add3A_180 = vector.broadcast %add3A_173 : i32 to vector<16xi32>
    %add3A_181 = arith.addi %masked_cumsum3A_179, %add3A_180 : vector<16xi32>
    %min3A_182 = arith.minsi %add3A_181, %get3A_33 : vector<16xi32>
    %swap3A_183 = arith.constant 144 : index
    %swap3A_184 = tpu.vector_load %arg8[%swap3A_183] {strides = array<i32>} : memref<512xi32, #tpu.memory_space<vmem>>, vector<16xi32>,
    tpu.vector_store %arg8[%swap3A_183], %min3A_182 {strides = array<i32>} : memref<512xi32, #tpu.memory_space<vmem>>, vector<16xi32>,
    %reduce_sum3A_185 = arith.constant true
    %reduce_sum3A_186 = vector.broadcast %reduce_sum3A_185 : i1 to vector<16xi1>
    %reduce_sum3A_187 = tpu.scan <sum>, %convert_element_type3A_176 masked %reduce_sum3A_186 : vector<16xi32>, vector<16xi1> -> vector<16xi32>
    %reduce_sum3A_188 = vector.extract %reduce_sum3A_187[15] : i32 from vector<16xi32>
    %add3A_189 = arith.addi %add3A_173, %reduce_sum3A_188 : i32
    %get3A_190 = arith.constant 160 : index
    %get3A_191 = tpu.vector_load %arg7[%get3A_190] {strides = array<i32>} : memref<512xf32, #tpu.memory_space<vmem>>, vector<16xf32>,
    %convert_element_type3A_192 = arith.fptosi %get3A_191 : vector<16xf32> to vector<16xi32>
    %broadcast_in_dim3A_193 = arith.constant true
    %broadcast_in_dim3A_194 = vector.broadcast %broadcast_in_dim3A_193 : i1 to vector<16xi1>
    %masked_cumsum3A_195 = tpu.scan <sum>, %convert_element_type3A_192 masked %broadcast_in_dim3A_194 : vector<16xi32>, vector<16xi1> -> vector<16xi32>
    %add3A_196 = vector.broadcast %add3A_189 : i32 to vector<16xi32>
    %add3A_197 = arith.addi %masked_cumsum3A_195, %add3A_196 : vector<16xi32>
    %min3A_198 = arith.minsi %add3A_197, %get3A_33 : vector<16xi32>
    %swap3A_199 = arith.constant 160 : index
    %swap3A_200 = tpu.vector_load %arg8[%swap3A_199] {strides = array<i32>} : memref<512xi32, #tpu.memory_space<vmem>>, vector<16xi32>,
    tpu.vector_store %arg8[%swap3A_199], %min3A_198 {strides = array<i32>} : memref<512xi32, #tpu.memory_space<vmem>>, vector<16xi32>,
    %reduce_sum3A_201 = arith.constant true
    %reduce_sum3A_202 = vector.broadcast %reduce_sum3A_201 : i1 to vector<16xi1>
    %reduce_sum3A_203 = tpu.scan <sum>, %convert_element_type3A_192 masked %reduce_sum3A_202 : vector<16xi32>, vector<16xi1> -> vector<16xi32>
    %reduce_sum3A_204 = vector.extract %reduce_sum3A_203[15] : i32 from vector<16xi32>
    %add3A_205 = arith.addi %add3A_189, %reduce_sum3A_204 : i32
    %get3A_206 = arith.constant 176 : index
    %get3A_207 = tpu.vector_load %arg7[%get3A_206] {strides = array<i32>} : memref<512xf32, #tpu.memory_space<vmem>>, vector<16xf32>,
    %convert_element_type3A_208 = arith.fptosi %get3A_207 : vector<16xf32> to vector<16xi32>
    %broadcast_in_dim3A_209 = arith.constant true
    %broadcast_in_dim3A_210 = vector.broadcast %broadcast_in_dim3A_209 : i1 to vector<16xi1>
    %masked_cumsum3A_211 = tpu.scan <sum>, %convert_element_type3A_208 masked %broadcast_in_dim3A_210 : vector<16xi32>, vector<16xi1> -> vector<16xi32>
    %add3A_212 = vector.broadcast %add3A_205 : i32 to vector<16xi32>
    %add3A_213 = arith.addi %masked_cumsum3A_211, %add3A_212 : vector<16xi32>
    %min3A_214 = arith.minsi %add3A_213, %get3A_33 : vector<16xi32>
    %swap3A_215 = arith.constant 176 : index
    %swap3A_216 = tpu.vector_load %arg8[%swap3A_215] {strides = array<i32>} : memref<512xi32, #tpu.memory_space<vmem>>, vector<16xi32>,
    tpu.vector_store %arg8[%swap3A_215], %min3A_214 {strides = array<i32>} : memref<512xi32, #tpu.memory_space<vmem>>, vector<16xi32>,
    %reduce_sum3A_217 = arith.constant true
    %reduce_sum3A_218 = vector.broadcast %reduce_sum3A_217 : i1 to vector<16xi1>
    %reduce_sum3A_219 = tpu.scan <sum>, %convert_element_type3A_208 masked %reduce_sum3A_218 : vector<16xi32>, vector<16xi1> -> vector<16xi32>
    %reduce_sum3A_220 = vector.extract %reduce_sum3A_219[15] : i32 from vector<16xi32>
    %add3A_221 = arith.addi %add3A_205, %reduce_sum3A_220 : i32
    %get3A_222 = arith.constant 192 : index
    %get3A_223 = tpu.vector_load %arg7[%get3A_222] {strides = array<i32>} : memref<512xf32, #tpu.memory_space<vmem>>, vector<16xf32>,
    %convert_element_type3A_224 = arith.fptosi %get3A_223 : vector<16xf32> to vector<16xi32>
    %broadcast_in_dim3A_225 = arith.constant true
    %broadcast_in_dim3A_226 = vector.broadcast %broadcast_in_dim3A_225 : i1 to vector<16xi1>
    %masked_cumsum3A_227 = tpu.scan <sum>, %convert_element_type3A_224 masked %broadcast_in_dim3A_226 : vector<16xi32>, vector<16xi1> -> vector<16xi32>
    %add3A_228 = vector.broadcast %add3A_221 : i32 to vector<16xi32>
    %add3A_229 = arith.addi %masked_cumsum3A_227, %add3A_228 : vector<16xi32>
    %min3A_230 = arith.minsi %add3A_229, %get3A_33 : vector<16xi32>
    %swap3A_231 = arith.constant 192 : index
    %swap3A_232 = tpu.vector_load %arg8[%swap3A_231] {strides = array<i32>} : memref<512xi32, #tpu.memory_space<vmem>>, vector<16xi32>,
    tpu.vector_store %arg8[%swap3A_231], %min3A_230 {strides = array<i32>} : memref<512xi32, #tpu.memory_space<vmem>>, vector<16xi32>,
    %reduce_sum3A_233 = arith.constant true
    %reduce_sum3A_234 = vector.broadcast %reduce_sum3A_233 : i1 to vector<16xi1>
    %reduce_sum3A_235 = tpu.scan <sum>, %convert_element_type3A_224 masked %reduce_sum3A_234 : vector<16xi32>, vector<16xi1> -> vector<16xi32>
    %reduce_sum3A_236 = vector.extract %reduce_sum3A_235[15] : i32 from vector<16xi32>
    %add3A_237 = arith.addi %add3A_221, %reduce_sum3A_236 : i32
    %get3A_238 = arith.constant 208 : index
    %get3A_239 = tpu.vector_load %arg7[%get3A_238] {strides = array<i32>} : memref<512xf32, #tpu.memory_space<vmem>>, vector<16xf32>,
    %convert_element_type3A_240 = arith.fptosi %get3A_239 : vector<16xf32> to vector<16xi32>
    %broadcast_in_dim3A_241 = arith.constant true
    %broadcast_in_dim3A_242 = vector.broadcast %broadcast_in_dim3A_241 : i1 to vector<16xi1>
    %masked_cumsum3A_243 = tpu.scan <sum>, %convert_element_type3A_240 masked %broadcast_in_dim3A_242 : vector<16xi32>, vector<16xi1> -> vector<16xi32>
    %add3A_244 = vector.broadcast %add3A_237 : i32 to vector<16xi32>
    %add3A_245 = arith.addi %masked_cumsum3A_243, %add3A_244 : vector<16xi32>
    %min3A_246 = arith.minsi %add3A_245, %get3A_33 : vector<16xi32>
    %swap3A_247 = arith.constant 208 : index
    %swap3A_248 = tpu.vector_load %arg8[%swap3A_247] {strides = array<i32>} : memref<512xi32, #tpu.memory_space<vmem>>, vector<16xi32>,
    tpu.vector_store %arg8[%swap3A_247], %min3A_246 {strides = array<i32>} : memref<512xi32, #tpu.memory_space<vmem>>, vector<16xi32>,
    %reduce_sum3A_249 = arith.constant true
    %reduce_sum3A_250 = vector.broadcast %reduce_sum3A_249 : i1 to vector<16xi1>
    %reduce_sum3A_251 = tpu.scan <sum>, %convert_element_type3A_240 masked %reduce_sum3A_250 : vector<16xi32>, vector<16xi1> -> vector<16xi32>
    %reduce_sum3A_252 = vector.extract %reduce_sum3A_251[15] : i32 from vector<16xi32>
    %add3A_253 = arith.addi %add3A_237, %reduce_sum3A_252 : i32
    %get3A_254 = arith.constant 224 : index
    %get3A_255 = tpu.vector_load %arg7[%get3A_254] {strides = array<i32>} : memref<512xf32, #tpu.memory_space<vmem>>, vector<16xf32>,
    %convert_element_type3A_256 = arith.fptosi %get3A_255 : vector<16xf32> to vector<16xi32>
    %broadcast_in_dim3A_257 = arith.constant true
    %broadcast_in_dim3A_258 = vector.broadcast %broadcast_in_dim3A_257 : i1 to vector<16xi1>
    %masked_cumsum3A_259 = tpu.scan <sum>, %convert_element_type3A_256 masked %broadcast_in_dim3A_258 : vector<16xi32>, vector<16xi1> -> vector<16xi32>
    %add3A_260 = vector.broadcast %add3A_253 : i32 to vector<16xi32>
    %add3A_261 = arith.addi %masked_cumsum3A_259, %add3A_260 : vector<16xi32>
    %min3A_262 = arith.minsi %add3A_261, %get3A_33 : vector<16xi32>
    %swap3A_263 = arith.constant 224 : index
    %swap3A_264 = tpu.vector_load %arg8[%swap3A_263] {strides = array<i32>} : memref<512xi32, #tpu.memory_space<vmem>>, vector<16xi32>,
    tpu.vector_store %arg8[%swap3A_263], %min3A_262 {strides = array<i32>} : memref<512xi32, #tpu.memory_space<vmem>>, vector<16xi32>,
    %reduce_sum3A_265 = arith.constant true
    %reduce_sum3A_266 = vector.broadcast %reduce_sum3A_265 : i1 to vector<16xi1>
    %reduce_sum3A_267 = tpu.scan <sum>, %convert_element_type3A_256 masked %reduce_sum3A_266 : vector<16xi32>, vector<16xi1> -> vector<16xi32>
    %reduce_sum3A_268 = vector.extract %reduce_sum3A_267[15] : i32 from vector<16xi32>
    %add3A_269 = arith.addi %add3A_253, %reduce_sum3A_268 : i32
    %get3A_270 = arith.constant 240 : index
    %get3A_271 = tpu.vector_load %arg7[%get3A_270] {strides = array<i32>} : memref<512xf32, #tpu.memory_space<vmem>>, vector<16xf32>,
    %convert_element_type3A_272 = arith.fptosi %get3A_271 : vector<16xf32> to vector<16xi32>
    %broadcast_in_dim3A_273 = arith.constant true
    %broadcast_in_dim3A_274 = vector.broadcast %broadcast_in_dim3A_273 : i1 to vector<16xi1>
    %masked_cumsum3A_275 = tpu.scan <sum>, %convert_element_type3A_272 masked %broadcast_in_dim3A_274 : vector<16xi32>, vector<16xi1> -> vector<16xi32>
    %add3A_276 = vector.broadcast %add3A_269 : i32 to vector<16xi32>
    %add3A_277 = arith.addi %masked_cumsum3A_275, %add3A_276 : vector<16xi32>
    %min3A_278 = arith.minsi %add3A_277, %get3A_33 : vector<16xi32>
    %swap3A_279 = arith.constant 240 : index
    %swap3A_280 = tpu.vector_load %arg8[%swap3A_279] {strides = array<i32>} : memref<512xi32, #tpu.memory_space<vmem>>, vector<16xi32>,
    tpu.vector_store %arg8[%swap3A_279], %min3A_278 {strides = array<i32>} : memref<512xi32, #tpu.memory_space<vmem>>, vector<16xi32>,
    %reduce_sum3A_281 = arith.constant true
    %reduce_sum3A_282 = vector.broadcast %reduce_sum3A_281 : i1 to vector<16xi1>
    %reduce_sum3A_283 = tpu.scan <sum>, %convert_element_type3A_272 masked %reduce_sum3A_282 : vector<16xi32>, vector<16xi1> -> vector<16xi32>
    %reduce_sum3A_284 = vector.extract %reduce_sum3A_283[15] : i32 from vector<16xi32>
    %add3A_285 = arith.addi %add3A_269, %reduce_sum3A_284 : i32
    %get3A_286 = arith.constant 256 : index
    %get3A_287 = tpu.vector_load %arg7[%get3A_286] {strides = array<i32>} : memref<512xf32, #tpu.memory_space<vmem>>, vector<16xf32>,
    %convert_element_type3A_288 = arith.fptosi %get3A_287 : vector<16xf32> to vector<16xi32>
    %broadcast_in_dim3A_289 = arith.constant true
    %broadcast_in_dim3A_290 = vector.broadcast %broadcast_in_dim3A_289 : i1 to vector<16xi1>
    %masked_cumsum3A_291 = tpu.scan <sum>, %convert_element_type3A_288 masked %broadcast_in_dim3A_290 : vector<16xi32>, vector<16xi1> -> vector<16xi32>
    %add3A_292 = vector.broadcast %add3A_285 : i32 to vector<16xi32>
    %add3A_293 = arith.addi %masked_cumsum3A_291, %add3A_292 : vector<16xi32>
    %min3A_294 = arith.minsi %add3A_293, %get3A_33 : vector<16xi32>
    %swap3A_295 = arith.constant 256 : index
    %swap3A_296 = tpu.vector_load %arg8[%swap3A_295] {strides = array<i32>} : memref<512xi32, #tpu.memory_space<vmem>>, vector<16xi32>,
    tpu.vector_store %arg8[%swap3A_295], %min3A_294 {strides = array<i32>} : memref<512xi32, #tpu.memory_space<vmem>>, vector<16xi32>,
    %reduce_sum3A_297 = arith.constant true
    %reduce_sum3A_298 = vector.broadcast %reduce_sum3A_297 : i1 to vector<16xi1>
    %reduce_sum3A_299 = tpu.scan <sum>, %convert_element_type3A_288 masked %reduce_sum3A_298 : vector<16xi32>, vector<16xi1> -> vector<16xi32>
    %reduce_sum3A_300 = vector.extract %reduce_sum3A_299[15] : i32 from vector<16xi32>
    %add3A_301 = arith.addi %add3A_285, %reduce_sum3A_300 : i32
    %get3A_302 = arith.constant 272 : index
    %get3A_303 = tpu.vector_load %arg7[%get3A_302] {strides = array<i32>} : memref<512xf32, #tpu.memory_space<vmem>>, vector<16xf32>,
    %convert_element_type3A_304 = arith.fptosi %get3A_303 : vector<16xf32> to vector<16xi32>
    %broadcast_in_dim3A_305 = arith.constant true
    %broadcast_in_dim3A_306 = vector.broadcast %broadcast_in_dim3A_305 : i1 to vector<16xi1>
    %masked_cumsum3A_307 = tpu.scan <sum>, %convert_element_type3A_304 masked %broadcast_in_dim3A_306 : vector<16xi32>, vector<16xi1> -> vector<16xi32>
    %add3A_308 = vector.broadcast %add3A_301 : i32 to vector<16xi32>
    %add3A_309 = arith.addi %masked_cumsum3A_307, %add3A_308 : vector<16xi32>
    %min3A_310 = arith.minsi %add3A_309, %get3A_33 : vector<16xi32>
    %swap3A_311 = arith.constant 272 : index
    %swap3A_312 = tpu.vector_load %arg8[%swap3A_311] {strides = array<i32>} : memref<512xi32, #tpu.memory_space<vmem>>, vector<16xi32>,
    tpu.vector_store %arg8[%swap3A_311], %min3A_310 {strides = array<i32>} : memref<512xi32, #tpu.memory_space<vmem>>, vector<16xi32>,
    %reduce_sum3A_313 = arith.constant true
    %reduce_sum3A_314 = vector.broadcast %reduce_sum3A_313 : i1 to vector<16xi1>
    %reduce_sum3A_315 = tpu.scan <sum>, %convert_element_type3A_304 masked %reduce_sum3A_314 : vector<16xi32>, vector<16xi1> -> vector<16xi32>
    %reduce_sum3A_316 = vector.extract %reduce_sum3A_315[15] : i32 from vector<16xi32>
    %add3A_317 = arith.addi %add3A_301, %reduce_sum3A_316 : i32
    %get3A_318 = arith.constant 288 : index
    %get3A_319 = tpu.vector_load %arg7[%get3A_318] {strides = array<i32>} : memref<512xf32, #tpu.memory_space<vmem>>, vector<16xf32>,
    %convert_element_type3A_320 = arith.fptosi %get3A_319 : vector<16xf32> to vector<16xi32>
    %broadcast_in_dim3A_321 = arith.constant true
    %broadcast_in_dim3A_322 = vector.broadcast %broadcast_in_dim3A_321 : i1 to vector<16xi1>
    %masked_cumsum3A_323 = tpu.scan <sum>, %convert_element_type3A_320 masked %broadcast_in_dim3A_322 : vector<16xi32>, vector<16xi1> -> vector<16xi32>
    %add3A_324 = vector.broadcast %add3A_317 : i32 to vector<16xi32>
    %add3A_325 = arith.addi %masked_cumsum3A_323, %add3A_324 : vector<16xi32>
    %min3A_326 = arith.minsi %add3A_325, %get3A_33 : vector<16xi32>
    %swap3A_327 = arith.constant 288 : index
    %swap3A_328 = tpu.vector_load %arg8[%swap3A_327] {strides = array<i32>} : memref<512xi32, #tpu.memory_space<vmem>>, vector<16xi32>,
    tpu.vector_store %arg8[%swap3A_327], %min3A_326 {strides = array<i32>} : memref<512xi32, #tpu.memory_space<vmem>>, vector<16xi32>,
    %reduce_sum3A_329 = arith.constant true
    %reduce_sum3A_330 = vector.broadcast %reduce_sum3A_329 : i1 to vector<16xi1>
    %reduce_sum3A_331 = tpu.scan <sum>, %convert_element_type3A_320 masked %reduce_sum3A_330 : vector<16xi32>, vector<16xi1> -> vector<16xi32>
    %reduce_sum3A_332 = vector.extract %reduce_sum3A_331[15] : i32 from vector<16xi32>
    %add3A_333 = arith.addi %add3A_317, %reduce_sum3A_332 : i32
    %get3A_334 = arith.constant 304 : index
    %get3A_335 = tpu.vector_load %arg7[%get3A_334] {strides = array<i32>} : memref<512xf32, #tpu.memory_space<vmem>>, vector<16xf32>,
    %convert_element_type3A_336 = arith.fptosi %get3A_335 : vector<16xf32> to vector<16xi32>
    %broadcast_in_dim3A_337 = arith.constant true
    %broadcast_in_dim3A_338 = vector.broadcast %broadcast_in_dim3A_337 : i1 to vector<16xi1>
    %masked_cumsum3A_339 = tpu.scan <sum>, %convert_element_type3A_336 masked %broadcast_in_dim3A_338 : vector<16xi32>, vector<16xi1> -> vector<16xi32>
    %add3A_340 = vector.broadcast %add3A_333 : i32 to vector<16xi32>
    %add3A_341 = arith.addi %masked_cumsum3A_339, %add3A_340 : vector<16xi32>
    %min3A_342 = arith.minsi %add3A_341, %get3A_33 : vector<16xi32>
    %swap3A_343 = arith.constant 304 : index
    %swap3A_344 = tpu.vector_load %arg8[%swap3A_343] {strides = array<i32>} : memref<512xi32, #tpu.memory_space<vmem>>, vector<16xi32>,
    tpu.vector_store %arg8[%swap3A_343], %min3A_342 {strides = array<i32>} : memref<512xi32, #tpu.memory_space<vmem>>, vector<16xi32>,
    %reduce_sum3A_345 = arith.constant true
    %reduce_sum3A_346 = vector.broadcast %reduce_sum3A_345 : i1 to vector<16xi1>
    %reduce_sum3A_347 = tpu.scan <sum>, %convert_element_type3A_336 masked %reduce_sum3A_346 : vector<16xi32>, vector<16xi1> -> vector<16xi32>
    %reduce_sum3A_348 = vector.extract %reduce_sum3A_347[15] : i32 from vector<16xi32>
    %add3A_349 = arith.addi %add3A_333, %reduce_sum3A_348 : i32
    %get3A_350 = arith.constant 320 : index
    %get3A_351 = tpu.vector_load %arg7[%get3A_350] {strides = array<i32>} : memref<512xf32, #tpu.memory_space<vmem>>, vector<16xf32>,
    %convert_element_type3A_352 = arith.fptosi %get3A_351 : vector<16xf32> to vector<16xi32>
    %broadcast_in_dim3A_353 = arith.constant true
    %broadcast_in_dim3A_354 = vector.broadcast %broadcast_in_dim3A_353 : i1 to vector<16xi1>
    %masked_cumsum3A_355 = tpu.scan <sum>, %convert_element_type3A_352 masked %broadcast_in_dim3A_354 : vector<16xi32>, vector<16xi1> -> vector<16xi32>
    %add3A_356 = vector.broadcast %add3A_349 : i32 to vector<16xi32>
    %add3A_357 = arith.addi %masked_cumsum3A_355, %add3A_356 : vector<16xi32>
    %min3A_358 = arith.minsi %add3A_357, %get3A_33 : vector<16xi32>
    %swap3A_359 = arith.constant 320 : index
    %swap3A_360 = tpu.vector_load %arg8[%swap3A_359] {strides = array<i32>} : memref<512xi32, #tpu.memory_space<vmem>>, vector<16xi32>,
    tpu.vector_store %arg8[%swap3A_359], %min3A_358 {strides = array<i32>} : memref<512xi32, #tpu.memory_space<vmem>>, vector<16xi32>,
    %reduce_sum3A_361 = arith.constant true
    %reduce_sum3A_362 = vector.broadcast %reduce_sum3A_361 : i1 to vector<16xi1>
    %reduce_sum3A_363 = tpu.scan <sum>, %convert_element_type3A_352 masked %reduce_sum3A_362 : vector<16xi32>, vector<16xi1> -> vector<16xi32>
    %reduce_sum3A_364 = vector.extract %reduce_sum3A_363[15] : i32 from vector<16xi32>
    %add3A_365 = arith.addi %add3A_349, %reduce_sum3A_364 : i32
    %get3A_366 = arith.constant 336 : index
    %get3A_367 = tpu.vector_load %arg7[%get3A_366] {strides = array<i32>} : memref<512xf32, #tpu.memory_space<vmem>>, vector<16xf32>,
    %convert_element_type3A_368 = arith.fptosi %get3A_367 : vector<16xf32> to vector<16xi32>
    %broadcast_in_dim3A_369 = arith.constant true
    %broadcast_in_dim3A_370 = vector.broadcast %broadcast_in_dim3A_369 : i1 to vector<16xi1>
    %masked_cumsum3A_371 = tpu.scan <sum>, %convert_element_type3A_368 masked %broadcast_in_dim3A_370 : vector<16xi32>, vector<16xi1> -> vector<16xi32>
    %add3A_372 = vector.broadcast %add3A_365 : i32 to vector<16xi32>
    %add3A_373 = arith.addi %masked_cumsum3A_371, %add3A_372 : vector<16xi32>
    %min3A_374 = arith.minsi %add3A_373, %get3A_33 : vector<16xi32>
    %swap3A_375 = arith.constant 336 : index
    %swap3A_376 = tpu.vector_load %arg8[%swap3A_375] {strides = array<i32>} : memref<512xi32, #tpu.memory_space<vmem>>, vector<16xi32>,
    tpu.vector_store %arg8[%swap3A_375], %min3A_374 {strides = array<i32>} : memref<512xi32, #tpu.memory_space<vmem>>, vector<16xi32>,
    %reduce_sum3A_377 = arith.constant true
    %reduce_sum3A_378 = vector.broadcast %reduce_sum3A_377 : i1 to vector<16xi1>
    %reduce_sum3A_379 = tpu.scan <sum>, %convert_element_type3A_368 masked %reduce_sum3A_378 : vector<16xi32>, vector<16xi1> -> vector<16xi32>
    %reduce_sum3A_380 = vector.extract %reduce_sum3A_379[15] : i32 from vector<16xi32>
    %add3A_381 = arith.addi %add3A_365, %reduce_sum3A_380 : i32
    %get3A_382 = arith.constant 352 : index
    %get3A_383 = tpu.vector_load %arg7[%get3A_382] {strides = array<i32>} : memref<512xf32, #tpu.memory_space<vmem>>, vector<16xf32>,
    %convert_element_type3A_384 = arith.fptosi %get3A_383 : vector<16xf32> to vector<16xi32>
    %broadcast_in_dim3A_385 = arith.constant true
    %broadcast_in_dim3A_386 = vector.broadcast %broadcast_in_dim3A_385 : i1 to vector<16xi1>
    %masked_cumsum3A_387 = tpu.scan <sum>, %convert_element_type3A_384 masked %broadcast_in_dim3A_386 : vector<16xi32>, vector<16xi1> -> vector<16xi32>
    %add3A_388 = vector.broadcast %add3A_381 : i32 to vector<16xi32>
    %add3A_389 = arith.addi %masked_cumsum3A_387, %add3A_388 : vector<16xi32>
    %min3A_390 = arith.minsi %add3A_389, %get3A_33 : vector<16xi32>
    %swap3A_391 = arith.constant 352 : index
    %swap3A_392 = tpu.vector_load %arg8[%swap3A_391] {strides = array<i32>} : memref<512xi32, #tpu.memory_space<vmem>>, vector<16xi32>,
    tpu.vector_store %arg8[%swap3A_391], %min3A_390 {strides = array<i32>} : memref<512xi32, #tpu.memory_space<vmem>>, vector<16xi32>,
    %reduce_sum3A_393 = arith.constant true
    %reduce_sum3A_394 = vector.broadcast %reduce_sum3A_393 : i1 to vector<16xi1>
    %reduce_sum3A_395 = tpu.scan <sum>, %convert_element_type3A_384 masked %reduce_sum3A_394 : vector<16xi32>, vector<16xi1> -> vector<16xi32>
    %reduce_sum3A_396 = vector.extract %reduce_sum3A_395[15] : i32 from vector<16xi32>
    %add3A_397 = arith.addi %add3A_381, %reduce_sum3A_396 : i32
    %get3A_398 = arith.constant 368 : index
    %get3A_399 = tpu.vector_load %arg7[%get3A_398] {strides = array<i32>} : memref<512xf32, #tpu.memory_space<vmem>>, vector<16xf32>,
    %convert_element_type3A_400 = arith.fptosi %get3A_399 : vector<16xf32> to vector<16xi32>
    %broadcast_in_dim3A_401 = arith.constant true
    %broadcast_in_dim3A_402 = vector.broadcast %broadcast_in_dim3A_401 : i1 to vector<16xi1>
    %masked_cumsum3A_403 = tpu.scan <sum>, %convert_element_type3A_400 masked %broadcast_in_dim3A_402 : vector<16xi32>, vector<16xi1> -> vector<16xi32>
    %add3A_404 = vector.broadcast %add3A_397 : i32 to vector<16xi32>
    %add3A_405 = arith.addi %masked_cumsum3A_403, %add3A_404 : vector<16xi32>
    %min3A_406 = arith.minsi %add3A_405, %get3A_33 : vector<16xi32>
    %swap3A_407 = arith.constant 368 : index
    %swap3A_408 = tpu.vector_load %arg8[%swap3A_407] {strides = array<i32>} : memref<512xi32, #tpu.memory_space<vmem>>, vector<16xi32>,
    tpu.vector_store %arg8[%swap3A_407], %min3A_406 {strides = array<i32>} : memref<512xi32, #tpu.memory_space<vmem>>, vector<16xi32>,
    %reduce_sum3A_409 = arith.constant true
    %reduce_sum3A_410 = vector.broadcast %reduce_sum3A_409 : i1 to vector<16xi1>
    %reduce_sum3A_411 = tpu.scan <sum>, %convert_element_type3A_400 masked %reduce_sum3A_410 : vector<16xi32>, vector<16xi1> -> vector<16xi32>
    %reduce_sum3A_412 = vector.extract %reduce_sum3A_411[15] : i32 from vector<16xi32>
    %add3A_413 = arith.addi %add3A_397, %reduce_sum3A_412 : i32
    %get3A_414 = arith.constant 384 : index
    %get3A_415 = tpu.vector_load %arg7[%get3A_414] {strides = array<i32>} : memref<512xf32, #tpu.memory_space<vmem>>, vector<16xf32>,
    %convert_element_type3A_416 = arith.fptosi %get3A_415 : vector<16xf32> to vector<16xi32>
    %broadcast_in_dim3A_417 = arith.constant true
    %broadcast_in_dim3A_418 = vector.broadcast %broadcast_in_dim3A_417 : i1 to vector<16xi1>
    %masked_cumsum3A_419 = tpu.scan <sum>, %convert_element_type3A_416 masked %broadcast_in_dim3A_418 : vector<16xi32>, vector<16xi1> -> vector<16xi32>
    %add3A_420 = vector.broadcast %add3A_413 : i32 to vector<16xi32>
    %add3A_421 = arith.addi %masked_cumsum3A_419, %add3A_420 : vector<16xi32>
    %min3A_422 = arith.minsi %add3A_421, %get3A_33 : vector<16xi32>
    %swap3A_423 = arith.constant 384 : index
    %swap3A_424 = tpu.vector_load %arg8[%swap3A_423] {strides = array<i32>} : memref<512xi32, #tpu.memory_space<vmem>>, vector<16xi32>,
    tpu.vector_store %arg8[%swap3A_423], %min3A_422 {strides = array<i32>} : memref<512xi32, #tpu.memory_space<vmem>>, vector<16xi32>,
    %reduce_sum3A_425 = arith.constant true
    %reduce_sum3A_426 = vector.broadcast %reduce_sum3A_425 : i1 to vector<16xi1>
    %reduce_sum3A_427 = tpu.scan <sum>, %convert_element_type3A_416 masked %reduce_sum3A_426 : vector<16xi32>, vector<16xi1> -> vector<16xi32>
    %reduce_sum3A_428 = vector.extract %reduce_sum3A_427[15] : i32 from vector<16xi32>
    %add3A_429 = arith.addi %add3A_413, %reduce_sum3A_428 : i32
    %get3A_430 = arith.constant 400 : index
    %get3A_431 = tpu.vector_load %arg7[%get3A_430] {strides = array<i32>} : memref<512xf32, #tpu.memory_space<vmem>>, vector<16xf32>,
    %convert_element_type3A_432 = arith.fptosi %get3A_431 : vector<16xf32> to vector<16xi32>
    %broadcast_in_dim3A_433 = arith.constant true
    %broadcast_in_dim3A_434 = vector.broadcast %broadcast_in_dim3A_433 : i1 to vector<16xi1>
    %masked_cumsum3A_435 = tpu.scan <sum>, %convert_element_type3A_432 masked %broadcast_in_dim3A_434 : vector<16xi32>, vector<16xi1> -> vector<16xi32>
    %add3A_436 = vector.broadcast %add3A_429 : i32 to vector<16xi32>
    %add3A_437 = arith.addi %masked_cumsum3A_435, %add3A_436 : vector<16xi32>
    %min3A_438 = arith.minsi %add3A_437, %get3A_33 : vector<16xi32>
    %swap3A_439 = arith.constant 400 : index
    %swap3A_440 = tpu.vector_load %arg8[%swap3A_439] {strides = array<i32>} : memref<512xi32, #tpu.memory_space<vmem>>, vector<16xi32>,
    tpu.vector_store %arg8[%swap3A_439], %min3A_438 {strides = array<i32>} : memref<512xi32, #tpu.memory_space<vmem>>, vector<16xi32>,
    %reduce_sum3A_441 = arith.constant true
    %reduce_sum3A_442 = vector.broadcast %reduce_sum3A_441 : i1 to vector<16xi1>
    %reduce_sum3A_443 = tpu.scan <sum>, %convert_element_type3A_432 masked %reduce_sum3A_442 : vector<16xi32>, vector<16xi1> -> vector<16xi32>
    %reduce_sum3A_444 = vector.extract %reduce_sum3A_443[15] : i32 from vector<16xi32>
    %add3A_445 = arith.addi %add3A_429, %reduce_sum3A_444 : i32
    %get3A_446 = arith.constant 416 : index
    %get3A_447 = tpu.vector_load %arg7[%get3A_446] {strides = array<i32>} : memref<512xf32, #tpu.memory_space<vmem>>, vector<16xf32>,
    %convert_element_type3A_448 = arith.fptosi %get3A_447 : vector<16xf32> to vector<16xi32>
    %broadcast_in_dim3A_449 = arith.constant true
    %broadcast_in_dim3A_450 = vector.broadcast %broadcast_in_dim3A_449 : i1 to vector<16xi1>
    %masked_cumsum3A_451 = tpu.scan <sum>, %convert_element_type3A_448 masked %broadcast_in_dim3A_450 : vector<16xi32>, vector<16xi1> -> vector<16xi32>
    %add3A_452 = vector.broadcast %add3A_445 : i32 to vector<16xi32>
    %add3A_453 = arith.addi %masked_cumsum3A_451, %add3A_452 : vector<16xi32>
    %min3A_454 = arith.minsi %add3A_453, %get3A_33 : vector<16xi32>
    %swap3A_455 = arith.constant 416 : index
    %swap3A_456 = tpu.vector_load %arg8[%swap3A_455] {strides = array<i32>} : memref<512xi32, #tpu.memory_space<vmem>>, vector<16xi32>,
    tpu.vector_store %arg8[%swap3A_455], %min3A_454 {strides = array<i32>} : memref<512xi32, #tpu.memory_space<vmem>>, vector<16xi32>,
    %reduce_sum3A_457 = arith.constant true
    %reduce_sum3A_458 = vector.broadcast %reduce_sum3A_457 : i1 to vector<16xi1>
    %reduce_sum3A_459 = tpu.scan <sum>, %convert_element_type3A_448 masked %reduce_sum3A_458 : vector<16xi32>, vector<16xi1> -> vector<16xi32>
    %reduce_sum3A_460 = vector.extract %reduce_sum3A_459[15] : i32 from vector<16xi32>
    %add3A_461 = arith.addi %add3A_445, %reduce_sum3A_460 : i32
    %get3A_462 = arith.constant 432 : index
    %get3A_463 = tpu.vector_load %arg7[%get3A_462] {strides = array<i32>} : memref<512xf32, #tpu.memory_space<vmem>>, vector<16xf32>,
    %convert_element_type3A_464 = arith.fptosi %get3A_463 : vector<16xf32> to vector<16xi32>
    %broadcast_in_dim3A_465 = arith.constant true
    %broadcast_in_dim3A_466 = vector.broadcast %broadcast_in_dim3A_465 : i1 to vector<16xi1>
    %masked_cumsum3A_467 = tpu.scan <sum>, %convert_element_type3A_464 masked %broadcast_in_dim3A_466 : vector<16xi32>, vector<16xi1> -> vector<16xi32>
    %add3A_468 = vector.broadcast %add3A_461 : i32 to vector<16xi32>
    %add3A_469 = arith.addi %masked_cumsum3A_467, %add3A_468 : vector<16xi32>
    %min3A_470 = arith.minsi %add3A_469, %get3A_33 : vector<16xi32>
    %swap3A_471 = arith.constant 432 : index
    %swap3A_472 = tpu.vector_load %arg8[%swap3A_471] {strides = array<i32>} : memref<512xi32, #tpu.memory_space<vmem>>, vector<16xi32>,
    tpu.vector_store %arg8[%swap3A_471], %min3A_470 {strides = array<i32>} : memref<512xi32, #tpu.memory_space<vmem>>, vector<16xi32>,
    %reduce_sum3A_473 = arith.constant true
    %reduce_sum3A_474 = vector.broadcast %reduce_sum3A_473 : i1 to vector<16xi1>
    %reduce_sum3A_475 = tpu.scan <sum>, %convert_element_type3A_464 masked %reduce_sum3A_474 : vector<16xi32>, vector<16xi1> -> vector<16xi32>
    %reduce_sum3A_476 = vector.extract %reduce_sum3A_475[15] : i32 from vector<16xi32>
    %add3A_477 = arith.addi %add3A_461, %reduce_sum3A_476 : i32
    %get3A_478 = arith.constant 448 : index
    %get3A_479 = tpu.vector_load %arg7[%get3A_478] {strides = array<i32>} : memref<512xf32, #tpu.memory_space<vmem>>, vector<16xf32>,
    %convert_element_type3A_480 = arith.fptosi %get3A_479 : vector<16xf32> to vector<16xi32>
    %broadcast_in_dim3A_481 = arith.constant true
    %broadcast_in_dim3A_482 = vector.broadcast %broadcast_in_dim3A_481 : i1 to vector<16xi1>
    %masked_cumsum3A_483 = tpu.scan <sum>, %convert_element_type3A_480 masked %broadcast_in_dim3A_482 : vector<16xi32>, vector<16xi1> -> vector<16xi32>
    %add3A_484 = vector.broadcast %add3A_477 : i32 to vector<16xi32>
    %add3A_485 = arith.addi %masked_cumsum3A_483, %add3A_484 : vector<16xi32>
    %min3A_486 = arith.minsi %add3A_485, %get3A_33 : vector<16xi32>
    %swap3A_487 = arith.constant 448 : index
    %swap3A_488 = tpu.vector_load %arg8[%swap3A_487] {strides = array<i32>} : memref<512xi32, #tpu.memory_space<vmem>>, vector<16xi32>,
    tpu.vector_store %arg8[%swap3A_487], %min3A_486 {strides = array<i32>} : memref<512xi32, #tpu.memory_space<vmem>>, vector<16xi32>,
    %reduce_sum3A_489 = arith.constant true
    %reduce_sum3A_490 = vector.broadcast %reduce_sum3A_489 : i1 to vector<16xi1>
    %reduce_sum3A_491 = tpu.scan <sum>, %convert_element_type3A_480 masked %reduce_sum3A_490 : vector<16xi32>, vector<16xi1> -> vector<16xi32>
    %reduce_sum3A_492 = vector.extract %reduce_sum3A_491[15] : i32 from vector<16xi32>
    %add3A_493 = arith.addi %add3A_477, %reduce_sum3A_492 : i32
    %get3A_494 = arith.constant 464 : index
    %get3A_495 = tpu.vector_load %arg7[%get3A_494] {strides = array<i32>} : memref<512xf32, #tpu.memory_space<vmem>>, vector<16xf32>,
    %convert_element_type3A_496 = arith.fptosi %get3A_495 : vector<16xf32> to vector<16xi32>
    %broadcast_in_dim3A_497 = arith.constant true
    %broadcast_in_dim3A_498 = vector.broadcast %broadcast_in_dim3A_497 : i1 to vector<16xi1>
    %masked_cumsum3A_499 = tpu.scan <sum>, %convert_element_type3A_496 masked %broadcast_in_dim3A_498 : vector<16xi32>, vector<16xi1> -> vector<16xi32>
    %add3A_500 = vector.broadcast %add3A_493 : i32 to vector<16xi32>
    %add3A_501 = arith.addi %masked_cumsum3A_499, %add3A_500 : vector<16xi32>
    %min3A_502 = arith.minsi %add3A_501, %get3A_33 : vector<16xi32>
    %swap3A_503 = arith.constant 464 : index
    %swap3A_504 = tpu.vector_load %arg8[%swap3A_503] {strides = array<i32>} : memref<512xi32, #tpu.memory_space<vmem>>, vector<16xi32>,
    tpu.vector_store %arg8[%swap3A_503], %min3A_502 {strides = array<i32>} : memref<512xi32, #tpu.memory_space<vmem>>, vector<16xi32>,
    %reduce_sum3A_505 = arith.constant true
    %reduce_sum3A_506 = vector.broadcast %reduce_sum3A_505 : i1 to vector<16xi1>
    %reduce_sum3A_507 = tpu.scan <sum>, %convert_element_type3A_496 masked %reduce_sum3A_506 : vector<16xi32>, vector<16xi1> -> vector<16xi32>
    %reduce_sum3A_508 = vector.extract %reduce_sum3A_507[15] : i32 from vector<16xi32>
    %add3A_509 = arith.addi %add3A_493, %reduce_sum3A_508 : i32
    %get3A_510 = arith.constant 480 : index
    %get3A_511 = tpu.vector_load %arg7[%get3A_510] {strides = array<i32>} : memref<512xf32, #tpu.memory_space<vmem>>, vector<16xf32>,
    %convert_element_type3A_512 = arith.fptosi %get3A_511 : vector<16xf32> to vector<16xi32>
    %broadcast_in_dim3A_513 = arith.constant true
    %broadcast_in_dim3A_514 = vector.broadcast %broadcast_in_dim3A_513 : i1 to vector<16xi1>
    %masked_cumsum3A_515 = tpu.scan <sum>, %convert_element_type3A_512 masked %broadcast_in_dim3A_514 : vector<16xi32>, vector<16xi1> -> vector<16xi32>
    %add3A_516 = vector.broadcast %add3A_509 : i32 to vector<16xi32>
    %add3A_517 = arith.addi %masked_cumsum3A_515, %add3A_516 : vector<16xi32>
    %min3A_518 = arith.minsi %add3A_517, %get3A_33 : vector<16xi32>
    %swap3A_519 = arith.constant 480 : index
    %swap3A_520 = tpu.vector_load %arg8[%swap3A_519] {strides = array<i32>} : memref<512xi32, #tpu.memory_space<vmem>>, vector<16xi32>,
    tpu.vector_store %arg8[%swap3A_519], %min3A_518 {strides = array<i32>} : memref<512xi32, #tpu.memory_space<vmem>>, vector<16xi32>,
    %reduce_sum3A_521 = arith.constant true
    %reduce_sum3A_522 = vector.broadcast %reduce_sum3A_521 : i1 to vector<16xi1>
    %reduce_sum3A_523 = tpu.scan <sum>, %convert_element_type3A_512 masked %reduce_sum3A_522 : vector<16xi32>, vector<16xi1> -> vector<16xi32>
    %reduce_sum3A_524 = vector.extract %reduce_sum3A_523[15] : i32 from vector<16xi32>
    %add3A_525 = arith.addi %add3A_509, %reduce_sum3A_524 : i32
    %get3A_526 = arith.constant 496 : index
    %get3A_527 = tpu.vector_load %arg7[%get3A_526] {strides = array<i32>} : memref<512xf32, #tpu.memory_space<vmem>>, vector<16xf32>,
    %convert_element_type3A_528 = arith.fptosi %get3A_527 : vector<16xf32> to vector<16xi32>
    %broadcast_in_dim3A_529 = arith.constant true
    %broadcast_in_dim3A_530 = vector.broadcast %broadcast_in_dim3A_529 : i1 to vector<16xi1>
    %masked_cumsum3A_531 = tpu.scan <sum>, %convert_element_type3A_528 masked %broadcast_in_dim3A_530 : vector<16xi32>, vector<16xi1> -> vector<16xi32>
    %add3A_532 = vector.broadcast %add3A_525 : i32 to vector<16xi32>
    %add3A_533 = arith.addi %masked_cumsum3A_531, %add3A_532 : vector<16xi32>
    %min3A_534 = arith.minsi %add3A_533, %get3A_33 : vector<16xi32>
    %swap3A_535 = arith.constant 496 : index
    %swap3A_536 = tpu.vector_load %arg8[%swap3A_535] {strides = array<i32>} : memref<512xi32, #tpu.memory_space<vmem>>, vector<16xi32>,
    tpu.vector_store %arg8[%swap3A_535], %min3A_534 {strides = array<i32>} : memref<512xi32, #tpu.memory_space<vmem>>, vector<16xi32>,
    %reduce_sum3A_537 = arith.constant true
    %reduce_sum3A_538 = vector.broadcast %reduce_sum3A_537 : i1 to vector<16xi1>
    %reduce_sum3A_539 = tpu.scan <sum>, %convert_element_type3A_528 masked %reduce_sum3A_538 : vector<16xi32>, vector<16xi1> -> vector<16xi32>
    %reduce_sum3A_540 = vector.extract %reduce_sum3A_539[15] : i32 from vector<16xi32>
    %add3A_541 = arith.addi %add3A_525, %reduce_sum3A_540 : i32
    %broadcast_in_dim3A_542 = vector.broadcast %add3A_541 : i32 to vector<16xi32>
    %min3A_543 = arith.minsi %broadcast_in_dim3A_542, %get3A_33 : vector<16xi32>
    %iota3A = tpu.iota {dimensions = array<i32: 0>} : vector<16xi32>
    %mul3A_544 = arith.constant 513 : i32
    %mul3A_545 = arith.muli %select_n3A, %mul3A_544 : i32
    %add3A_546 = arith.constant 512 : i32
    %add3A_547 = arith.addi %mul3A_545, %add3A_546 : i32
    %mul3A_548 = arith.constant 1024 : i32
    %mul3A_549 = arith.muli %add3A, %mul3A_548 : i32
    %scan3A = arith.constant 0 : i32
    %scan3A_550 = arith.constant 0 : i32
    %scan3A_551 = arith.constant 4 : i32
    %scan3A_552 = arith.addi %scan3A_550, %scan3A_551 : i32
    %scan3A_553 = arith.constant 1 : i32
    %scan3A_554 = scf.for %scan3A_979 = %scan3A_550 to %scan3A_552 step %scan3A_553 iter_args(%scan3A_980 = %scan3A) -> (i32)  : i32 {
      %add3A_981 = arith.constant 0 : i32
      %add3A_982 = arith.addi %mul3A_32, %add3A_981 : i32
      %mul3A_983 = arith.constant 16 : i32
      %mul3A_984 = arith.muli %scan3A_979, %mul3A_983 : i32
      %add3A_985 = arith.addi %add3A_982, %mul3A_984 : i32
      %add3A_986 = vector.broadcast %add3A_985 : i32 to vector<16xi32>
      %add3A_987 = arith.addi %add3A_986, %iota3A : vector<16xi32>
      %broadcast_in_dim3A_988 = arith.constant 0 : i32
      %broadcast_in_dim3A_989 = vector.broadcast %broadcast_in_dim3A_988 : i32 to vector<16xi32>
      %broadcast_in_dim3A_990 = arith.constant 512 : i32
      %broadcast_in_dim3A_991 = vector.broadcast %broadcast_in_dim3A_990 : i32 to vector<16xi32>
      %add3A_992 = arith.addi %broadcast_in_dim3A_989, %broadcast_in_dim3A_991 : vector<16xi32>
      %shift_right_arithmetic3A = arith.constant 1 : i32
      %shift_right_arithmetic3A_993 = vector.broadcast %shift_right_arithmetic3A : i32 to vector<16xi32>
      %shift_right_arithmetic3A_994 = arith.shrsi %add3A_992, %shift_right_arithmetic3A_993 : vector<16xi32>
      %gather3A = tpu.vector_load_idx %arg8[%shift_right_arithmetic3A_994] : memref<512xi32, #tpu.memory_space<vmem>>[vector<16xi32>], vector<16xi32>,
      %le3A = arith.cmpi sle, %gather3A, %add3A_987 : vector<16xi32>
      %add3A_995 = arith.constant 1 : i32
      %add3A_996 = vector.broadcast %add3A_995 : i32 to vector<16xi32>
      %add3A_997 = arith.addi %shift_right_arithmetic3A_994, %add3A_996 : vector<16xi32>
      %select_n3A_998 = arith.select %le3A, %add3A_997, %broadcast_in_dim3A_989 : vector<16xi1>, vector<16xi32>
      %select_n3A_999 = arith.select %le3A, %broadcast_in_dim3A_991, %shift_right_arithmetic3A_994 : vector<16xi1>, vector<16xi32>
      %add3A_1000 = arith.addi %select_n3A_998, %select_n3A_999 : vector<16xi32>
      %shift_right_arithmetic3A_1001 = arith.constant 1 : i32
      %shift_right_arithmetic3A_1002 = vector.broadcast %shift_right_arithmetic3A_1001 : i32 to vector<16xi32>
      %shift_right_arithmetic3A_1003 = arith.shrsi %add3A_1000, %shift_right_arithmetic3A_1002 : vector<16xi32>
      %gather3A_1004 = tpu.vector_load_idx %arg8[%shift_right_arithmetic3A_1003] : memref<512xi32, #tpu.memory_space<vmem>>[vector<16xi32>], vector<16xi32>,
      %le3A_1005 = arith.cmpi sle, %gather3A_1004, %add3A_987 : vector<16xi32>
      %add3A_1006 = arith.constant 1 : i32
      %add3A_1007 = vector.broadcast %add3A_1006 : i32 to vector<16xi32>
      %add3A_1008 = arith.addi %shift_right_arithmetic3A_1003, %add3A_1007 : vector<16xi32>
      %select_n3A_1009 = arith.select %le3A_1005, %add3A_1008, %select_n3A_998 : vector<16xi1>, vector<16xi32>
      %select_n3A_1010 = arith.select %le3A_1005, %select_n3A_999, %shift_right_arithmetic3A_1003 : vector<16xi1>, vector<16xi32>
      %add3A_1011 = arith.addi %select_n3A_1009, %select_n3A_1010 : vector<16xi32>
      %shift_right_arithmetic3A_1012 = arith.constant 1 : i32
      %shift_right_arithmetic3A_1013 = vector.broadcast %shift_right_arithmetic3A_1012 : i32 to vector<16xi32>
      %shift_right_arithmetic3A_1014 = arith.shrsi %add3A_1011, %shift_right_arithmetic3A_1013 : vector<16xi32>
      %gather3A_1015 = tpu.vector_load_idx %arg8[%shift_right_arithmetic3A_1014] : memref<512xi32, #tpu.memory_space<vmem>>[vector<16xi32>], vector<16xi32>,
      %le3A_1016 = arith.cmpi sle, %gather3A_1015, %add3A_987 : vector<16xi32>
      %add3A_1017 = arith.constant 1 : i32
      %add3A_1018 = vector.broadcast %add3A_1017 : i32 to vector<16xi32>
      %add3A_1019 = arith.addi %shift_right_arithmetic3A_1014, %add3A_1018 : vector<16xi32>
      %select_n3A_1020 = arith.select %le3A_1016, %add3A_1019, %select_n3A_1009 : vector<16xi1>, vector<16xi32>
      %select_n3A_1021 = arith.select %le3A_1016, %select_n3A_1010, %shift_right_arithmetic3A_1014 : vector<16xi1>, vector<16xi32>
      %add3A_1022 = arith.addi %select_n3A_1020, %select_n3A_1021 : vector<16xi32>
      %shift_right_arithmetic3A_1023 = arith.constant 1 : i32
      %shift_right_arithmetic3A_1024 = vector.broadcast %shift_right_arithmetic3A_1023 : i32 to vector<16xi32>
      %shift_right_arithmetic3A_1025 = arith.shrsi %add3A_1022, %shift_right_arithmetic3A_1024 : vector<16xi32>
      %gather3A_1026 = tpu.vector_load_idx %arg8[%shift_right_arithmetic3A_1025] : memref<512xi32, #tpu.memory_space<vmem>>[vector<16xi32>], vector<16xi32>,
      %le3A_1027 = arith.cmpi sle, %gather3A_1026, %add3A_987 : vector<16xi32>
      %add3A_1028 = arith.constant 1 : i32
      %add3A_1029 = vector.broadcast %add3A_1028 : i32 to vector<16xi32>
      %add3A_1030 = arith.addi %shift_right_arithmetic3A_1025, %add3A_1029 : vector<16xi32>
      %select_n3A_1031 = arith.select %le3A_1027, %add3A_1030, %select_n3A_1020 : vector<16xi1>, vector<16xi32>
      %select_n3A_1032 = arith.select %le3A_1027, %select_n3A_1021, %shift_right_arithmetic3A_1025 : vector<16xi1>, vector<16xi32>
      %add3A_1033 = arith.addi %select_n3A_1031, %select_n3A_1032 : vector<16xi32>
      %shift_right_arithmetic3A_1034 = arith.constant 1 : i32
      %shift_right_arithmetic3A_1035 = vector.broadcast %shift_right_arithmetic3A_1034 : i32 to vector<16xi32>
      %shift_right_arithmetic3A_1036 = arith.shrsi %add3A_1033, %shift_right_arithmetic3A_1035 : vector<16xi32>
      %gather3A_1037 = tpu.vector_load_idx %arg8[%shift_right_arithmetic3A_1036] : memref<512xi32, #tpu.memory_space<vmem>>[vector<16xi32>], vector<16xi32>,
      %le3A_1038 = arith.cmpi sle, %gather3A_1037, %add3A_987 : vector<16xi32>
      %add3A_1039 = arith.constant 1 : i32
      %add3A_1040 = vector.broadcast %add3A_1039 : i32 to vector<16xi32>
      %add3A_1041 = arith.addi %shift_right_arithmetic3A_1036, %add3A_1040 : vector<16xi32>
      %select_n3A_1042 = arith.select %le3A_1038, %add3A_1041, %select_n3A_1031 : vector<16xi1>, vector<16xi32>
      %select_n3A_1043 = arith.select %le3A_1038, %select_n3A_1032, %shift_right_arithmetic3A_1036 : vector<16xi1>, vector<16xi32>
      %add3A_1044 = arith.addi %select_n3A_1042, %select_n3A_1043 : vector<16xi32>
      %shift_right_arithmetic3A_1045 = arith.constant 1 : i32
      %shift_right_arithmetic3A_1046 = vector.broadcast %shift_right_arithmetic3A_1045 : i32 to vector<16xi32>
      %shift_right_arithmetic3A_1047 = arith.shrsi %add3A_1044, %shift_right_arithmetic3A_1046 : vector<16xi32>
      %gather3A_1048 = tpu.vector_load_idx %arg8[%shift_right_arithmetic3A_1047] : memref<512xi32, #tpu.memory_space<vmem>>[vector<16xi32>], vector<16xi32>,
      %le3A_1049 = arith.cmpi sle, %gather3A_1048, %add3A_987 : vector<16xi32>
      %add3A_1050 = arith.constant 1 : i32
      %add3A_1051 = vector.broadcast %add3A_1050 : i32 to vector<16xi32>
      %add3A_1052 = arith.addi %shift_right_arithmetic3A_1047, %add3A_1051 : vector<16xi32>
      %select_n3A_1053 = arith.select %le3A_1049, %add3A_1052, %select_n3A_1042 : vector<16xi1>, vector<16xi32>
      %select_n3A_1054 = arith.select %le3A_1049, %select_n3A_1043, %shift_right_arithmetic3A_1047 : vector<16xi1>, vector<16xi32>
      %add3A_1055 = arith.addi %select_n3A_1053, %select_n3A_1054 : vector<16xi32>
      %shift_right_arithmetic3A_1056 = arith.constant 1 : i32
      %shift_right_arithmetic3A_1057 = vector.broadcast %shift_right_arithmetic3A_1056 : i32 to vector<16xi32>
      %shift_right_arithmetic3A_1058 = arith.shrsi %add3A_1055, %shift_right_arithmetic3A_1057 : vector<16xi32>
      %gather3A_1059 = tpu.vector_load_idx %arg8[%shift_right_arithmetic3A_1058] : memref<512xi32, #tpu.memory_space<vmem>>[vector<16xi32>], vector<16xi32>,
      %le3A_1060 = arith.cmpi sle, %gather3A_1059, %add3A_987 : vector<16xi32>
      %add3A_1061 = arith.constant 1 : i32
      %add3A_1062 = vector.broadcast %add3A_1061 : i32 to vector<16xi32>
      %add3A_1063 = arith.addi %shift_right_arithmetic3A_1058, %add3A_1062 : vector<16xi32>
      %select_n3A_1064 = arith.select %le3A_1060, %add3A_1063, %select_n3A_1053 : vector<16xi1>, vector<16xi32>
      %select_n3A_1065 = arith.select %le3A_1060, %select_n3A_1054, %shift_right_arithmetic3A_1058 : vector<16xi1>, vector<16xi32>
      %add3A_1066 = arith.addi %select_n3A_1064, %select_n3A_1065 : vector<16xi32>
      %shift_right_arithmetic3A_1067 = arith.constant 1 : i32
      %shift_right_arithmetic3A_1068 = vector.broadcast %shift_right_arithmetic3A_1067 : i32 to vector<16xi32>
      %shift_right_arithmetic3A_1069 = arith.shrsi %add3A_1066, %shift_right_arithmetic3A_1068 : vector<16xi32>
      %gather3A_1070 = tpu.vector_load_idx %arg8[%shift_right_arithmetic3A_1069] : memref<512xi32, #tpu.memory_space<vmem>>[vector<16xi32>], vector<16xi32>,
      %le3A_1071 = arith.cmpi sle, %gather3A_1070, %add3A_987 : vector<16xi32>
      %add3A_1072 = arith.constant 1 : i32
      %add3A_1073 = vector.broadcast %add3A_1072 : i32 to vector<16xi32>
      %add3A_1074 = arith.addi %shift_right_arithmetic3A_1069, %add3A_1073 : vector<16xi32>
      %select_n3A_1075 = arith.select %le3A_1071, %add3A_1074, %select_n3A_1064 : vector<16xi1>, vector<16xi32>
      %select_n3A_1076 = arith.select %le3A_1071, %select_n3A_1065, %shift_right_arithmetic3A_1069 : vector<16xi1>, vector<16xi32>
      %add3A_1077 = arith.addi %select_n3A_1075, %select_n3A_1076 : vector<16xi32>
      %shift_right_arithmetic3A_1078 = arith.constant 1 : i32
      %shift_right_arithmetic3A_1079 = vector.broadcast %shift_right_arithmetic3A_1078 : i32 to vector<16xi32>
      %shift_right_arithmetic3A_1080 = arith.shrsi %add3A_1077, %shift_right_arithmetic3A_1079 : vector<16xi32>
      %gather3A_1081 = tpu.vector_load_idx %arg8[%shift_right_arithmetic3A_1080] : memref<512xi32, #tpu.memory_space<vmem>>[vector<16xi32>], vector<16xi32>,
      %le3A_1082 = arith.cmpi sle, %gather3A_1081, %add3A_987 : vector<16xi32>
      %add3A_1083 = arith.constant 1 : i32
      %add3A_1084 = vector.broadcast %add3A_1083 : i32 to vector<16xi32>
      %add3A_1085 = arith.addi %shift_right_arithmetic3A_1080, %add3A_1084 : vector<16xi32>
      %select_n3A_1086 = arith.select %le3A_1082, %add3A_1085, %select_n3A_1075 : vector<16xi1>, vector<16xi32>
      %select_n3A_1087 = arith.select %le3A_1082, %select_n3A_1076, %shift_right_arithmetic3A_1080 : vector<16xi1>, vector<16xi32>
      %add3A_1088 = arith.addi %select_n3A_1086, %select_n3A_1087 : vector<16xi32>
      %shift_right_arithmetic3A_1089 = arith.constant 1 : i32
      %shift_right_arithmetic3A_1090 = vector.broadcast %shift_right_arithmetic3A_1089 : i32 to vector<16xi32>
      %shift_right_arithmetic3A_1091 = arith.shrsi %add3A_1088, %shift_right_arithmetic3A_1090 : vector<16xi32>
      %gather3A_1092 = tpu.vector_load_idx %arg8[%shift_right_arithmetic3A_1091] : memref<512xi32, #tpu.memory_space<vmem>>[vector<16xi32>], vector<16xi32>,
      %le3A_1093 = arith.cmpi sle, %gather3A_1092, %add3A_987 : vector<16xi32>
      %add3A_1094 = arith.constant 1 : i32
      %add3A_1095 = vector.broadcast %add3A_1094 : i32 to vector<16xi32>
      %add3A_1096 = arith.addi %shift_right_arithmetic3A_1091, %add3A_1095 : vector<16xi32>
      %select_n3A_1097 = arith.select %le3A_1093, %add3A_1096, %select_n3A_1086 : vector<16xi1>, vector<16xi32>
      %select_n3A_1098 = arith.select %le3A_1093, %select_n3A_1087, %shift_right_arithmetic3A_1091 : vector<16xi1>, vector<16xi32>
      %lt3A_1099 = arith.cmpi slt, %add3A_987, %min3A_543 : vector<16xi32>
      %mul3A_1100 = arith.constant 513 : i32
      %mul3A_1101 = arith.muli %select_n3A, %mul3A_1100 : i32
      %add3A_1102 = vector.broadcast %mul3A_1101 : i32 to vector<16xi32>
      %add3A_1103 = arith.addi %add3A_1102, %select_n3A_1097 : vector<16xi32>
      %broadcast_in_dim3A_1104 = vector.broadcast %add3A_547 : i32 to vector<16xi32>
      %select_n3A_1105 = arith.select %lt3A_1099, %add3A_1103, %broadcast_in_dim3A_1104 : vector<16xi1>, vector<16xi32>
      %mul3A_1106 = arith.constant 16 : i32
      %mul3A_1107 = arith.muli %scan3A_979, %mul3A_1106 : i32
      %add3A_1108 = arith.constant 0 : i32
      %add3A_1109 = arith.addi %add3A_1108, %mul3A_1107 : i32
      %swap3A_1110 = arith.index_cast %add3A_1109 : i32 to index
      %swap3A_1111 = tpu.vector_load %arg10[%swap3A_1110] {strides = array<i32>} : memref<1024xi32, #tpu.memory_space<vmem>>, vector<16xi32>,
      tpu.vector_store %arg10[%swap3A_1110], %select_n3A_1105 {strides = array<i32>} : memref<1024xi32, #tpu.memory_space<vmem>>, vector<16xi32>,
      %not3A = arith.constant dense<true> : vector<16xi1>
      %not3A_1112 = arith.xori %lt3A_1099, %not3A : vector<16xi1>
      %convert_element_type3A_1113 = arith.extui %not3A_1112 : vector<16xi1> to vector<16xi32>
      %mul3A_1114 = arith.constant 16 : i32
      %mul3A_1115 = arith.muli %scan3A_979, %mul3A_1114 : i32
      %add3A_1116 = arith.constant 0 : i32
      %add3A_1117 = arith.addi %add3A_1116, %mul3A_1115 : i32
      %swap3A_1118 = arith.index_cast %add3A_1117 : i32 to index
      %swap3A_1119 = tpu.vector_load %arg11[%swap3A_1118] {strides = array<i32>} : memref<1024xi32, #tpu.memory_space<vmem>>, vector<16xi32>,
      tpu.vector_store %arg11[%swap3A_1118], %convert_element_type3A_1113 {strides = array<i32>} : memref<1024xi32, #tpu.memory_space<vmem>>, vector<16xi32>,
      %scan3A_1120 = arith.constant 0 : i32
      scf.yield %scan3A_1120 : i32
    }
    %scan3A_555 = arith.constant 4 : i32
    %dma_start3A = arith.constant 0 : i32
    %dma_start3A_556 = tpu.memref_slice %arg10[%dma_start3A] : memref<1024xi32, #tpu.memory_space<vmem>> -> memref<64xi32, #tpu.memory_space<vmem>>
    %dma_start3A_557 = arith.constant 0 : i32
    %dma_start3A_558 = arith.constant 0 : i32
    %dma_start3A_559 = tpu.memref_slice %arg2[%dma_start3A_557, %dma_start3A_558] : memref<8208x256xf32, #tpu.memory_space<hbm>> -> memref<8208x256xf32, #tpu.memory_space<hbm>>
    tpu.enqueue_indirect_dma source(%dma_start3A_559 : memref<8208x256xf32, #tpu.memory_space<hbm>>) target(%arg12 : memref<64x256xf32, #tpu.memory_space<vmem>>) offsets(%dma_start3A_556 : memref<64xi32, #tpu.memory_space<vmem>>) semaphore(%arg14 : memref<!tpu.dma_semaphore, #tpu.memory_space<semaphore_mem>>)
    %scan3A_560 = arith.constant 0 : i32
    %scan3A_561 = arith.constant 0 : i32
    %scan3A_562 = arith.constant 4 : i32
    %scan3A_563 = arith.addi %scan3A_561, %scan3A_562 : i32
    %scan3A_564 = arith.constant 1 : i32
    %scan3A_565 = scf.for %scan3A_979 = %scan3A_561 to %scan3A_563 step %scan3A_564 iter_args(%scan3A_980 = %scan3A_560) -> (i32)  : i32 {
      %add3A_981 = arith.constant 64 : i32
      %add3A_982 = arith.addi %mul3A_32, %add3A_981 : i32
      %mul3A_983 = arith.constant 16 : i32
      %mul3A_984 = arith.muli %scan3A_979, %mul3A_983 : i32
      %add3A_985 = arith.addi %add3A_982, %mul3A_984 : i32
      %add3A_986 = vector.broadcast %add3A_985 : i32 to vector<16xi32>
      %add3A_987 = arith.addi %add3A_986, %iota3A : vector<16xi32>
      %broadcast_in_dim3A_988 = arith.constant 0 : i32
      %broadcast_in_dim3A_989 = vector.broadcast %broadcast_in_dim3A_988 : i32 to vector<16xi32>
      %broadcast_in_dim3A_990 = arith.constant 512 : i32
      %broadcast_in_dim3A_991 = vector.broadcast %broadcast_in_dim3A_990 : i32 to vector<16xi32>
      %add3A_992 = arith.addi %broadcast_in_dim3A_989, %broadcast_in_dim3A_991 : vector<16xi32>
      %shift_right_arithmetic3A = arith.constant 1 : i32
      %shift_right_arithmetic3A_993 = vector.broadcast %shift_right_arithmetic3A : i32 to vector<16xi32>
      %shift_right_arithmetic3A_994 = arith.shrsi %add3A_992, %shift_right_arithmetic3A_993 : vector<16xi32>
      %gather3A = tpu.vector_load_idx %arg8[%shift_right_arithmetic3A_994] : memref<512xi32, #tpu.memory_space<vmem>>[vector<16xi32>], vector<16xi32>,
      %le3A = arith.cmpi sle, %gather3A, %add3A_987 : vector<16xi32>
      %add3A_995 = arith.constant 1 : i32
      %add3A_996 = vector.broadcast %add3A_995 : i32 to vector<16xi32>
      %add3A_997 = arith.addi %shift_right_arithmetic3A_994, %add3A_996 : vector<16xi32>
      %select_n3A_998 = arith.select %le3A, %add3A_997, %broadcast_in_dim3A_989 : vector<16xi1>, vector<16xi32>
      %select_n3A_999 = arith.select %le3A, %broadcast_in_dim3A_991, %shift_right_arithmetic3A_994 : vector<16xi1>, vector<16xi32>
      %add3A_1000 = arith.addi %select_n3A_998, %select_n3A_999 : vector<16xi32>
      %shift_right_arithmetic3A_1001 = arith.constant 1 : i32
      %shift_right_arithmetic3A_1002 = vector.broadcast %shift_right_arithmetic3A_1001 : i32 to vector<16xi32>
      %shift_right_arithmetic3A_1003 = arith.shrsi %add3A_1000, %shift_right_arithmetic3A_1002 : vector<16xi32>
      %gather3A_1004 = tpu.vector_load_idx %arg8[%shift_right_arithmetic3A_1003] : memref<512xi32, #tpu.memory_space<vmem>>[vector<16xi32>], vector<16xi32>,
      %le3A_1005 = arith.cmpi sle, %gather3A_1004, %add3A_987 : vector<16xi32>
      %add3A_1006 = arith.constant 1 : i32
      %add3A_1007 = vector.broadcast %add3A_1006 : i32 to vector<16xi32>
      %add3A_1008 = arith.addi %shift_right_arithmetic3A_1003, %add3A_1007 : vector<16xi32>
      %select_n3A_1009 = arith.select %le3A_1005, %add3A_1008, %select_n3A_998 : vector<16xi1>, vector<16xi32>
      %select_n3A_1010 = arith.select %le3A_1005, %select_n3A_999, %shift_right_arithmetic3A_1003 : vector<16xi1>, vector<16xi32>
      %add3A_1011 = arith.addi %select_n3A_1009, %select_n3A_1010 : vector<16xi32>
      %shift_right_arithmetic3A_1012 = arith.constant 1 : i32
      %shift_right_arithmetic3A_1013 = vector.broadcast %shift_right_arithmetic3A_1012 : i32 to vector<16xi32>
      %shift_right_arithmetic3A_1014 = arith.shrsi %add3A_1011, %shift_right_arithmetic3A_1013 : vector<16xi32>
      %gather3A_1015 = tpu.vector_load_idx %arg8[%shift_right_arithmetic3A_1014] : memref<512xi32, #tpu.memory_space<vmem>>[vector<16xi32>], vector<16xi32>,
      %le3A_1016 = arith.cmpi sle, %gather3A_1015, %add3A_987 : vector<16xi32>
      %add3A_1017 = arith.constant 1 : i32
      %add3A_1018 = vector.broadcast %add3A_1017 : i32 to vector<16xi32>
      %add3A_1019 = arith.addi %shift_right_arithmetic3A_1014, %add3A_1018 : vector<16xi32>
      %select_n3A_1020 = arith.select %le3A_1016, %add3A_1019, %select_n3A_1009 : vector<16xi1>, vector<16xi32>
      %select_n3A_1021 = arith.select %le3A_1016, %select_n3A_1010, %shift_right_arithmetic3A_1014 : vector<16xi1>, vector<16xi32>
      %add3A_1022 = arith.addi %select_n3A_1020, %select_n3A_1021 : vector<16xi32>
      %shift_right_arithmetic3A_1023 = arith.constant 1 : i32
      %shift_right_arithmetic3A_1024 = vector.broadcast %shift_right_arithmetic3A_1023 : i32 to vector<16xi32>
      %shift_right_arithmetic3A_1025 = arith.shrsi %add3A_1022, %shift_right_arithmetic3A_1024 : vector<16xi32>
      %gather3A_1026 = tpu.vector_load_idx %arg8[%shift_right_arithmetic3A_1025] : memref<512xi32, #tpu.memory_space<vmem>>[vector<16xi32>], vector<16xi32>,
      %le3A_1027 = arith.cmpi sle, %gather3A_1026, %add3A_987 : vector<16xi32>
      %add3A_1028 = arith.constant 1 : i32
      %add3A_1029 = vector.broadcast %add3A_1028 : i32 to vector<16xi32>
      %add3A_1030 = arith.addi %shift_right_arithmetic3A_1025, %add3A_1029 : vector<16xi32>
      %select_n3A_1031 = arith.select %le3A_1027, %add3A_1030, %select_n3A_1020 : vector<16xi1>, vector<16xi32>
      %select_n3A_1032 = arith.select %le3A_1027, %select_n3A_1021, %shift_right_arithmetic3A_1025 : vector<16xi1>, vector<16xi32>
      %add3A_1033 = arith.addi %select_n3A_1031, %select_n3A_1032 : vector<16xi32>
      %shift_right_arithmetic3A_1034 = arith.constant 1 : i32
      %shift_right_arithmetic3A_1035 = vector.broadcast %shift_right_arithmetic3A_1034 : i32 to vector<16xi32>
      %shift_right_arithmetic3A_1036 = arith.shrsi %add3A_1033, %shift_right_arithmetic3A_1035 : vector<16xi32>
      %gather3A_1037 = tpu.vector_load_idx %arg8[%shift_right_arithmetic3A_1036] : memref<512xi32, #tpu.memory_space<vmem>>[vector<16xi32>], vector<16xi32>,
      %le3A_1038 = arith.cmpi sle, %gather3A_1037, %add3A_987 : vector<16xi32>
      %add3A_1039 = arith.constant 1 : i32
      %add3A_1040 = vector.broadcast %add3A_1039 : i32 to vector<16xi32>
      %add3A_1041 = arith.addi %shift_right_arithmetic3A_1036, %add3A_1040 : vector<16xi32>
      %select_n3A_1042 = arith.select %le3A_1038, %add3A_1041, %select_n3A_1031 : vector<16xi1>, vector<16xi32>
      %select_n3A_1043 = arith.select %le3A_1038, %select_n3A_1032, %shift_right_arithmetic3A_1036 : vector<16xi1>, vector<16xi32>
      %add3A_1044 = arith.addi %select_n3A_1042, %select_n3A_1043 : vector<16xi32>
      %shift_right_arithmetic3A_1045 = arith.constant 1 : i32
      %shift_right_arithmetic3A_1046 = vector.broadcast %shift_right_arithmetic3A_1045 : i32 to vector<16xi32>
      %shift_right_arithmetic3A_1047 = arith.shrsi %add3A_1044, %shift_right_arithmetic3A_1046 : vector<16xi32>
      %gather3A_1048 = tpu.vector_load_idx %arg8[%shift_right_arithmetic3A_1047] : memref<512xi32, #tpu.memory_space<vmem>>[vector<16xi32>], vector<16xi32>,
      %le3A_1049 = arith.cmpi sle, %gather3A_1048, %add3A_987 : vector<16xi32>
      %add3A_1050 = arith.constant 1 : i32
      %add3A_1051 = vector.broadcast %add3A_1050 : i32 to vector<16xi32>
      %add3A_1052 = arith.addi %shift_right_arithmetic3A_1047, %add3A_1051 : vector<16xi32>
      %select_n3A_1053 = arith.select %le3A_1049, %add3A_1052, %select_n3A_1042 : vector<16xi1>, vector<16xi32>
      %select_n3A_1054 = arith.select %le3A_1049, %select_n3A_1043, %shift_right_arithmetic3A_1047 : vector<16xi1>, vector<16xi32>
      %add3A_1055 = arith.addi %select_n3A_1053, %select_n3A_1054 : vector<16xi32>
      %shift_right_arithmetic3A_1056 = arith.constant 1 : i32
      %shift_right_arithmetic3A_1057 = vector.broadcast %shift_right_arithmetic3A_1056 : i32 to vector<16xi32>
      %shift_right_arithmetic3A_1058 = arith.shrsi %add3A_1055, %shift_right_arithmetic3A_1057 : vector<16xi32>
      %gather3A_1059 = tpu.vector_load_idx %arg8[%shift_right_arithmetic3A_1058] : memref<512xi32, #tpu.memory_space<vmem>>[vector<16xi32>], vector<16xi32>,
      %le3A_1060 = arith.cmpi sle, %gather3A_1059, %add3A_987 : vector<16xi32>
      %add3A_1061 = arith.constant 1 : i32
      %add3A_1062 = vector.broadcast %add3A_1061 : i32 to vector<16xi32>
      %add3A_1063 = arith.addi %shift_right_arithmetic3A_1058, %add3A_1062 : vector<16xi32>
      %select_n3A_1064 = arith.select %le3A_1060, %add3A_1063, %select_n3A_1053 : vector<16xi1>, vector<16xi32>
      %select_n3A_1065 = arith.select %le3A_1060, %select_n3A_1054, %shift_right_arithmetic3A_1058 : vector<16xi1>, vector<16xi32>
      %add3A_1066 = arith.addi %select_n3A_1064, %select_n3A_1065 : vector<16xi32>
      %shift_right_arithmetic3A_1067 = arith.constant 1 : i32
      %shift_right_arithmetic3A_1068 = vector.broadcast %shift_right_arithmetic3A_1067 : i32 to vector<16xi32>
      %shift_right_arithmetic3A_1069 = arith.shrsi %add3A_1066, %shift_right_arithmetic3A_1068 : vector<16xi32>
      %gather3A_1070 = tpu.vector_load_idx %arg8[%shift_right_arithmetic3A_1069] : memref<512xi32, #tpu.memory_space<vmem>>[vector<16xi32>], vector<16xi32>,
      %le3A_1071 = arith.cmpi sle, %gather3A_1070, %add3A_987 : vector<16xi32>
      %add3A_1072 = arith.constant 1 : i32
      %add3A_1073 = vector.broadcast %add3A_1072 : i32 to vector<16xi32>
      %add3A_1074 = arith.addi %shift_right_arithmetic3A_1069, %add3A_1073 : vector<16xi32>
      %select_n3A_1075 = arith.select %le3A_1071, %add3A_1074, %select_n3A_1064 : vector<16xi1>, vector<16xi32>
      %select_n3A_1076 = arith.select %le3A_1071, %select_n3A_1065, %shift_right_arithmetic3A_1069 : vector<16xi1>, vector<16xi32>
      %add3A_1077 = arith.addi %select_n3A_1075, %select_n3A_1076 : vector<16xi32>
      %shift_right_arithmetic3A_1078 = arith.constant 1 : i32
      %shift_right_arithmetic3A_1079 = vector.broadcast %shift_right_arithmetic3A_1078 : i32 to vector<16xi32>
      %shift_right_arithmetic3A_1080 = arith.shrsi %add3A_1077, %shift_right_arithmetic3A_1079 : vector<16xi32>
      %gather3A_1081 = tpu.vector_load_idx %arg8[%shift_right_arithmetic3A_1080] : memref<512xi32, #tpu.memory_space<vmem>>[vector<16xi32>], vector<16xi32>,
      %le3A_1082 = arith.cmpi sle, %gather3A_1081, %add3A_987 : vector<16xi32>
      %add3A_1083 = arith.constant 1 : i32
      %add3A_1084 = vector.broadcast %add3A_1083 : i32 to vector<16xi32>
      %add3A_1085 = arith.addi %shift_right_arithmetic3A_1080, %add3A_1084 : vector<16xi32>
      %select_n3A_1086 = arith.select %le3A_1082, %add3A_1085, %select_n3A_1075 : vector<16xi1>, vector<16xi32>
      %select_n3A_1087 = arith.select %le3A_1082, %select_n3A_1076, %shift_right_arithmetic3A_1080 : vector<16xi1>, vector<16xi32>
      %add3A_1088 = arith.addi %select_n3A_1086, %select_n3A_1087 : vector<16xi32>
      %shift_right_arithmetic3A_1089 = arith.constant 1 : i32
      %shift_right_arithmetic3A_1090 = vector.broadcast %shift_right_arithmetic3A_1089 : i32 to vector<16xi32>
      %shift_right_arithmetic3A_1091 = arith.shrsi %add3A_1088, %shift_right_arithmetic3A_1090 : vector<16xi32>
      %gather3A_1092 = tpu.vector_load_idx %arg8[%shift_right_arithmetic3A_1091] : memref<512xi32, #tpu.memory_space<vmem>>[vector<16xi32>], vector<16xi32>,
      %le3A_1093 = arith.cmpi sle, %gather3A_1092, %add3A_987 : vector<16xi32>
      %add3A_1094 = arith.constant 1 : i32
      %add3A_1095 = vector.broadcast %add3A_1094 : i32 to vector<16xi32>
      %add3A_1096 = arith.addi %shift_right_arithmetic3A_1091, %add3A_1095 : vector<16xi32>
      %select_n3A_1097 = arith.select %le3A_1093, %add3A_1096, %select_n3A_1086 : vector<16xi1>, vector<16xi32>
      %select_n3A_1098 = arith.select %le3A_1093, %select_n3A_1087, %shift_right_arithmetic3A_1091 : vector<16xi1>, vector<16xi32>
      %lt3A_1099 = arith.cmpi slt, %add3A_987, %min3A_543 : vector<16xi32>
      %mul3A_1100 = arith.constant 513 : i32
      %mul3A_1101 = arith.muli %select_n3A, %mul3A_1100 : i32
      %add3A_1102 = vector.broadcast %mul3A_1101 : i32 to vector<16xi32>
      %add3A_1103 = arith.addi %add3A_1102, %select_n3A_1097 : vector<16xi32>
      %broadcast_in_dim3A_1104 = vector.broadcast %add3A_547 : i32 to vector<16xi32>
      %select_n3A_1105 = arith.select %lt3A_1099, %add3A_1103, %broadcast_in_dim3A_1104 : vector<16xi1>, vector<16xi32>
      %mul3A_1106 = arith.constant 16 : i32
      %mul3A_1107 = arith.muli %scan3A_979, %mul3A_1106 : i32
      %add3A_1108 = arith.constant 64 : i32
      %add3A_1109 = arith.addi %add3A_1108, %mul3A_1107 : i32
      %swap3A_1110 = arith.index_cast %add3A_1109 : i32 to index
      %swap3A_1111 = tpu.vector_load %arg10[%swap3A_1110] {strides = array<i32>} : memref<1024xi32, #tpu.memory_space<vmem>>, vector<16xi32>,
      tpu.vector_store %arg10[%swap3A_1110], %select_n3A_1105 {strides = array<i32>} : memref<1024xi32, #tpu.memory_space<vmem>>, vector<16xi32>,
      %not3A = arith.constant dense<true> : vector<16xi1>
      %not3A_1112 = arith.xori %lt3A_1099, %not3A : vector<16xi1>
      %convert_element_type3A_1113 = arith.extui %not3A_1112 : vector<16xi1> to vector<16xi32>
      %mul3A_1114 = arith.constant 16 : i32
      %mul3A_1115 = arith.muli %scan3A_979, %mul3A_1114 : i32
      %add3A_1116 = arith.constant 64 : i32
      %add3A_1117 = arith.addi %add3A_1116, %mul3A_1115 : i32
      %swap3A_1118 = arith.index_cast %add3A_1117 : i32 to index
      %swap3A_1119 = tpu.vector_load %arg11[%swap3A_1118] {strides = array<i32>} : memref<1024xi32, #tpu.memory_space<vmem>>, vector<16xi32>,
      tpu.vector_store %arg11[%swap3A_1118], %convert_element_type3A_1113 {strides = array<i32>} : memref<1024xi32, #tpu.memory_space<vmem>>, vector<16xi32>,
      %scan3A_1120 = arith.constant 0 : i32
      scf.yield %scan3A_1120 : i32
    }
    %scan3A_566 = arith.constant 4 : i32
    %dma_start3A_567 = arith.constant 64 : i32
    %dma_start3A_568 = tpu.memref_slice %arg10[%dma_start3A_567] : memref<1024xi32, #tpu.memory_space<vmem>> -> memref<64xi32, #tpu.memory_space<vmem>>
    %dma_start3A_569 = arith.constant 0 : i32
    %dma_start3A_570 = arith.constant 0 : i32
    %dma_start3A_571 = tpu.memref_slice %arg2[%dma_start3A_569, %dma_start3A_570] : memref<8208x256xf32, #tpu.memory_space<hbm>> -> memref<8208x256xf32, #tpu.memory_space<hbm>>
    tpu.enqueue_indirect_dma source(%dma_start3A_571 : memref<8208x256xf32, #tpu.memory_space<hbm>>) target(%arg13 : memref<64x256xf32, #tpu.memory_space<vmem>>) offsets(%dma_start3A_568 : memref<64xi32, #tpu.memory_space<vmem>>) semaphore(%arg15 : memref<!tpu.dma_semaphore, #tpu.memory_space<semaphore_mem>>)
    %dma_wait3A = arith.constant 0 : i32
    %dma_wait3A_572 = tpu.memref_slice %arg10[%dma_wait3A] : memref<1024xi32, #tpu.memory_space<vmem>> -> memref<64xi32, #tpu.memory_space<vmem>>
    %dma_wait3A_573 = arith.constant 0 : i32
    %dma_wait3A_574 = arith.constant 0 : i32
    %dma_wait3A_575 = tpu.memref_slice %arg2[%dma_wait3A_573, %dma_wait3A_574] : memref<8208x256xf32, #tpu.memory_space<hbm>> -> memref<8208x256xf32, #tpu.memory_space<hbm>>
    tpu.wait_indirect_dma semaphore(%arg14 : memref<!tpu.dma_semaphore, #tpu.memory_space<semaphore_mem>>) src(%dma_wait3A_575 : memref<8208x256xf32, #tpu.memory_space<hbm>>) dst(%arg12 : memref<64x256xf32, #tpu.memory_space<vmem>>)
    %add3A_576 = arith.constant 0 : i32
    %add3A_577 = arith.addi %mul3A_549, %add3A_576 : i32
    %dma_start3A_578 = arith.constant 0 : i32
    %dma_start3A_579 = tpu.memref_slice %arg5[%add3A_577, %dma_start3A_578] : memref<32768x256xf32, #tpu.memory_space<hbm>> -> memref<64x256xf32, #tpu.memory_space<hbm>>
    %dma_start3A_580 = arith.constant 0 : i32
    %dma_start3A_581 = tpu.memref_slice %arg5[%add3A_577, %dma_start3A_580] : memref<32768x256xf32, #tpu.memory_space<hbm>> -> memref<64x256xf32, #tpu.memory_space<hbm>>
    tpu.enqueue_dma source(%arg12 : memref<64x256xf32, #tpu.memory_space<vmem>>) target(%dma_start3A_581 : memref<64x256xf32, #tpu.memory_space<hbm>>) target_semaphore(%arg16 : memref<!tpu.dma_semaphore, #tpu.memory_space<semaphore_mem>>)
    %scan3A_582 = arith.constant 0 : i32
    %scan3A_583 = arith.constant 0 : i32
    %scan3A_584 = arith.constant 4 : i32
    %scan3A_585 = arith.addi %scan3A_583, %scan3A_584 : i32
    %scan3A_586 = arith.constant 1 : i32
    %scan3A_587 = scf.for %scan3A_979 = %scan3A_583 to %scan3A_585 step %scan3A_586 iter_args(%scan3A_980 = %scan3A_582) -> (i32)  : i32 {
      %add3A_981 = arith.constant 128 : i32
      %add3A_982 = arith.addi %mul3A_32, %add3A_981 : i32
      %mul3A_983 = arith.constant 16 : i32
      %mul3A_984 = arith.muli %scan3A_979, %mul3A_983 : i32
      %add3A_985 = arith.addi %add3A_982, %mul3A_984 : i32
      %add3A_986 = vector.broadcast %add3A_985 : i32 to vector<16xi32>
      %add3A_987 = arith.addi %add3A_986, %iota3A : vector<16xi32>
      %broadcast_in_dim3A_988 = arith.constant 0 : i32
      %broadcast_in_dim3A_989 = vector.broadcast %broadcast_in_dim3A_988 : i32 to vector<16xi32>
      %broadcast_in_dim3A_990 = arith.constant 512 : i32
      %broadcast_in_dim3A_991 = vector.broadcast %broadcast_in_dim3A_990 : i32 to vector<16xi32>
      %add3A_992 = arith.addi %broadcast_in_dim3A_989, %broadcast_in_dim3A_991 : vector<16xi32>
      %shift_right_arithmetic3A = arith.constant 1 : i32
      %shift_right_arithmetic3A_993 = vector.broadcast %shift_right_arithmetic3A : i32 to vector<16xi32>
      %shift_right_arithmetic3A_994 = arith.shrsi %add3A_992, %shift_right_arithmetic3A_993 : vector<16xi32>
      %gather3A = tpu.vector_load_idx %arg8[%shift_right_arithmetic3A_994] : memref<512xi32, #tpu.memory_space<vmem>>[vector<16xi32>], vector<16xi32>,
      %le3A = arith.cmpi sle, %gather3A, %add3A_987 : vector<16xi32>
      %add3A_995 = arith.constant 1 : i32
      %add3A_996 = vector.broadcast %add3A_995 : i32 to vector<16xi32>
      %add3A_997 = arith.addi %shift_right_arithmetic3A_994, %add3A_996 : vector<16xi32>
      %select_n3A_998 = arith.select %le3A, %add3A_997, %broadcast_in_dim3A_989 : vector<16xi1>, vector<16xi32>
      %select_n3A_999 = arith.select %le3A, %broadcast_in_dim3A_991, %shift_right_arithmetic3A_994 : vector<16xi1>, vector<16xi32>
      %add3A_1000 = arith.addi %select_n3A_998, %select_n3A_999 : vector<16xi32>
      %shift_right_arithmetic3A_1001 = arith.constant 1 : i32
      %shift_right_arithmetic3A_1002 = vector.broadcast %shift_right_arithmetic3A_1001 : i32 to vector<16xi32>
      %shift_right_arithmetic3A_1003 = arith.shrsi %add3A_1000, %shift_right_arithmetic3A_1002 : vector<16xi32>
      %gather3A_1004 = tpu.vector_load_idx %arg8[%shift_right_arithmetic3A_1003] : memref<512xi32, #tpu.memory_space<vmem>>[vector<16xi32>], vector<16xi32>,
      %le3A_1005 = arith.cmpi sle, %gather3A_1004, %add3A_987 : vector<16xi32>
      %add3A_1006 = arith.constant 1 : i32
      %add3A_1007 = vector.broadcast %add3A_1006 : i32 to vector<16xi32>
      %add3A_1008 = arith.addi %shift_right_arithmetic3A_1003, %add3A_1007 : vector<16xi32>
      %select_n3A_1009 = arith.select %le3A_1005, %add3A_1008, %select_n3A_998 : vector<16xi1>, vector<16xi32>
      %select_n3A_1010 = arith.select %le3A_1005, %select_n3A_999, %shift_right_arithmetic3A_1003 : vector<16xi1>, vector<16xi32>
      %add3A_1011 = arith.addi %select_n3A_1009, %select_n3A_1010 : vector<16xi32>
      %shift_right_arithmetic3A_1012 = arith.constant 1 : i32
      %shift_right_arithmetic3A_1013 = vector.broadcast %shift_right_arithmetic3A_1012 : i32 to vector<16xi32>
      %shift_right_arithmetic3A_1014 = arith.shrsi %add3A_1011, %shift_right_arithmetic3A_1013 : vector<16xi32>
      %gather3A_1015 = tpu.vector_load_idx %arg8[%shift_right_arithmetic3A_1014] : memref<512xi32, #tpu.memory_space<vmem>>[vector<16xi32>], vector<16xi32>,
      %le3A_1016 = arith.cmpi sle, %gather3A_1015, %add3A_987 : vector<16xi32>
      %add3A_1017 = arith.constant 1 : i32
      %add3A_1018 = vector.broadcast %add3A_1017 : i32 to vector<16xi32>
      %add3A_1019 = arith.addi %shift_right_arithmetic3A_1014, %add3A_1018 : vector<16xi32>
      %select_n3A_1020 = arith.select %le3A_1016, %add3A_1019, %select_n3A_1009 : vector<16xi1>, vector<16xi32>
      %select_n3A_1021 = arith.select %le3A_1016, %select_n3A_1010, %shift_right_arithmetic3A_1014 : vector<16xi1>, vector<16xi32>
      %add3A_1022 = arith.addi %select_n3A_1020, %select_n3A_1021 : vector<16xi32>
      %shift_right_arithmetic3A_1023 = arith.constant 1 : i32
      %shift_right_arithmetic3A_1024 = vector.broadcast %shift_right_arithmetic3A_1023 : i32 to vector<16xi32>
      %shift_right_arithmetic3A_1025 = arith.shrsi %add3A_1022, %shift_right_arithmetic3A_1024 : vector<16xi32>
      %gather3A_1026 = tpu.vector_load_idx %arg8[%shift_right_arithmetic3A_1025] : memref<512xi32, #tpu.memory_space<vmem>>[vector<16xi32>], vector<16xi32>,
      %le3A_1027 = arith.cmpi sle, %gather3A_1026, %add3A_987 : vector<16xi32>
      %add3A_1028 = arith.constant 1 : i32
      %add3A_1029 = vector.broadcast %add3A_1028 : i32 to vector<16xi32>
      %add3A_1030 = arith.addi %shift_right_arithmetic3A_1025, %add3A_1029 : vector<16xi32>
      %select_n3A_1031 = arith.select %le3A_1027, %add3A_1030, %select_n3A_1020 : vector<16xi1>, vector<16xi32>
      %select_n3A_1032 = arith.select %le3A_1027, %select_n3A_1021, %shift_right_arithmetic3A_1025 : vector<16xi1>, vector<16xi32>
      %add3A_1033 = arith.addi %select_n3A_1031, %select_n3A_1032 : vector<16xi32>
      %shift_right_arithmetic3A_1034 = arith.constant 1 : i32
      %shift_right_arithmetic3A_1035 = vector.broadcast %shift_right_arithmetic3A_1034 : i32 to vector<16xi32>
      %shift_right_arithmetic3A_1036 = arith.shrsi %add3A_1033, %shift_right_arithmetic3A_1035 : vector<16xi32>
      %gather3A_1037 = tpu.vector_load_idx %arg8[%shift_right_arithmetic3A_1036] : memref<512xi32, #tpu.memory_space<vmem>>[vector<16xi32>], vector<16xi32>,
      %le3A_1038 = arith.cmpi sle, %gather3A_1037, %add3A_987 : vector<16xi32>
      %add3A_1039 = arith.constant 1 : i32
      %add3A_1040 = vector.broadcast %add3A_1039 : i32 to vector<16xi32>
      %add3A_1041 = arith.addi %shift_right_arithmetic3A_1036, %add3A_1040 : vector<16xi32>
      %select_n3A_1042 = arith.select %le3A_1038, %add3A_1041, %select_n3A_1031 : vector<16xi1>, vector<16xi32>
      %select_n3A_1043 = arith.select %le3A_1038, %select_n3A_1032, %shift_right_arithmetic3A_1036 : vector<16xi1>, vector<16xi32>
      %add3A_1044 = arith.addi %select_n3A_1042, %select_n3A_1043 : vector<16xi32>
      %shift_right_arithmetic3A_1045 = arith.constant 1 : i32
      %shift_right_arithmetic3A_1046 = vector.broadcast %shift_right_arithmetic3A_1045 : i32 to vector<16xi32>
      %shift_right_arithmetic3A_1047 = arith.shrsi %add3A_1044, %shift_right_arithmetic3A_1046 : vector<16xi32>
      %gather3A_1048 = tpu.vector_load_idx %arg8[%shift_right_arithmetic3A_1047] : memref<512xi32, #tpu.memory_space<vmem>>[vector<16xi32>], vector<16xi32>,
      %le3A_1049 = arith.cmpi sle, %gather3A_1048, %add3A_987 : vector<16xi32>
      %add3A_1050 = arith.constant 1 : i32
      %add3A_1051 = vector.broadcast %add3A_1050 : i32 to vector<16xi32>
      %add3A_1052 = arith.addi %shift_right_arithmetic3A_1047, %add3A_1051 : vector<16xi32>
      %select_n3A_1053 = arith.select %le3A_1049, %add3A_1052, %select_n3A_1042 : vector<16xi1>, vector<16xi32>
      %select_n3A_1054 = arith.select %le3A_1049, %select_n3A_1043, %shift_right_arithmetic3A_1047 : vector<16xi1>, vector<16xi32>
      %add3A_1055 = arith.addi %select_n3A_1053, %select_n3A_1054 : vector<16xi32>
      %shift_right_arithmetic3A_1056 = arith.constant 1 : i32
      %shift_right_arithmetic3A_1057 = vector.broadcast %shift_right_arithmetic3A_1056 : i32 to vector<16xi32>
      %shift_right_arithmetic3A_1058 = arith.shrsi %add3A_1055, %shift_right_arithmetic3A_1057 : vector<16xi32>
      %gather3A_1059 = tpu.vector_load_idx %arg8[%shift_right_arithmetic3A_1058] : memref<512xi32, #tpu.memory_space<vmem>>[vector<16xi32>], vector<16xi32>,
      %le3A_1060 = arith.cmpi sle, %gather3A_1059, %add3A_987 : vector<16xi32>
      %add3A_1061 = arith.constant 1 : i32
      %add3A_1062 = vector.broadcast %add3A_1061 : i32 to vector<16xi32>
      %add3A_1063 = arith.addi %shift_right_arithmetic3A_1058, %add3A_1062 : vector<16xi32>
      %select_n3A_1064 = arith.select %le3A_1060, %add3A_1063, %select_n3A_1053 : vector<16xi1>, vector<16xi32>
      %select_n3A_1065 = arith.select %le3A_1060, %select_n3A_1054, %shift_right_arithmetic3A_1058 : vector<16xi1>, vector<16xi32>
      %add3A_1066 = arith.addi %select_n3A_1064, %select_n3A_1065 : vector<16xi32>
      %shift_right_arithmetic3A_1067 = arith.constant 1 : i32
      %shift_right_arithmetic3A_1068 = vector.broadcast %shift_right_arithmetic3A_1067 : i32 to vector<16xi32>
      %shift_right_arithmetic3A_1069 = arith.shrsi %add3A_1066, %shift_right_arithmetic3A_1068 : vector<16xi32>
      %gather3A_1070 = tpu.vector_load_idx %arg8[%shift_right_arithmetic3A_1069] : memref<512xi32, #tpu.memory_space<vmem>>[vector<16xi32>], vector<16xi32>,
      %le3A_1071 = arith.cmpi sle, %gather3A_1070, %add3A_987 : vector<16xi32>
      %add3A_1072 = arith.constant 1 : i32
      %add3A_1073 = vector.broadcast %add3A_1072 : i32 to vector<16xi32>
      %add3A_1074 = arith.addi %shift_right_arithmetic3A_1069, %add3A_1073 : vector<16xi32>
      %select_n3A_1075 = arith.select %le3A_1071, %add3A_1074, %select_n3A_1064 : vector<16xi1>, vector<16xi32>
      %select_n3A_1076 = arith.select %le3A_1071, %select_n3A_1065, %shift_right_arithmetic3A_1069 : vector<16xi1>, vector<16xi32>
      %add3A_1077 = arith.addi %select_n3A_1075, %select_n3A_1076 : vector<16xi32>
      %shift_right_arithmetic3A_1078 = arith.constant 1 : i32
      %shift_right_arithmetic3A_1079 = vector.broadcast %shift_right_arithmetic3A_1078 : i32 to vector<16xi32>
      %shift_right_arithmetic3A_1080 = arith.shrsi %add3A_1077, %shift_right_arithmetic3A_1079 : vector<16xi32>
      %gather3A_1081 = tpu.vector_load_idx %arg8[%shift_right_arithmetic3A_1080] : memref<512xi32, #tpu.memory_space<vmem>>[vector<16xi32>], vector<16xi32>,
      %le3A_1082 = arith.cmpi sle, %gather3A_1081, %add3A_987 : vector<16xi32>
      %add3A_1083 = arith.constant 1 : i32
      %add3A_1084 = vector.broadcast %add3A_1083 : i32 to vector<16xi32>
      %add3A_1085 = arith.addi %shift_right_arithmetic3A_1080, %add3A_1084 : vector<16xi32>
      %select_n3A_1086 = arith.select %le3A_1082, %add3A_1085, %select_n3A_1075 : vector<16xi1>, vector<16xi32>
      %select_n3A_1087 = arith.select %le3A_1082, %select_n3A_1076, %shift_right_arithmetic3A_1080 : vector<16xi1>, vector<16xi32>
      %add3A_1088 = arith.addi %select_n3A_1086, %select_n3A_1087 : vector<16xi32>
      %shift_right_arithmetic3A_1089 = arith.constant 1 : i32
      %shift_right_arithmetic3A_1090 = vector.broadcast %shift_right_arithmetic3A_1089 : i32 to vector<16xi32>
      %shift_right_arithmetic3A_1091 = arith.shrsi %add3A_1088, %shift_right_arithmetic3A_1090 : vector<16xi32>
      %gather3A_1092 = tpu.vector_load_idx %arg8[%shift_right_arithmetic3A_1091] : memref<512xi32, #tpu.memory_space<vmem>>[vector<16xi32>], vector<16xi32>,
      %le3A_1093 = arith.cmpi sle, %gather3A_1092, %add3A_987 : vector<16xi32>
      %add3A_1094 = arith.constant 1 : i32
      %add3A_1095 = vector.broadcast %add3A_1094 : i32 to vector<16xi32>
      %add3A_1096 = arith.addi %shift_right_arithmetic3A_1091, %add3A_1095 : vector<16xi32>
      %select_n3A_1097 = arith.select %le3A_1093, %add3A_1096, %select_n3A_1086 : vector<16xi1>, vector<16xi32>
      %select_n3A_1098 = arith.select %le3A_1093, %select_n3A_1087, %shift_right_arithmetic3A_1091 : vector<16xi1>, vector<16xi32>
      %lt3A_1099 = arith.cmpi slt, %add3A_987, %min3A_543 : vector<16xi32>
      %mul3A_1100 = arith.constant 513 : i32
      %mul3A_1101 = arith.muli %select_n3A, %mul3A_1100 : i32
      %add3A_1102 = vector.broadcast %mul3A_1101 : i32 to vector<16xi32>
      %add3A_1103 = arith.addi %add3A_1102, %select_n3A_1097 : vector<16xi32>
      %broadcast_in_dim3A_1104 = vector.broadcast %add3A_547 : i32 to vector<16xi32>
      %select_n3A_1105 = arith.select %lt3A_1099, %add3A_1103, %broadcast_in_dim3A_1104 : vector<16xi1>, vector<16xi32>
      %mul3A_1106 = arith.constant 16 : i32
      %mul3A_1107 = arith.muli %scan3A_979, %mul3A_1106 : i32
      %add3A_1108 = arith.constant 128 : i32
      %add3A_1109 = arith.addi %add3A_1108, %mul3A_1107 : i32
      %swap3A_1110 = arith.index_cast %add3A_1109 : i32 to index
      %swap3A_1111 = tpu.vector_load %arg10[%swap3A_1110] {strides = array<i32>} : memref<1024xi32, #tpu.memory_space<vmem>>, vector<16xi32>,
      tpu.vector_store %arg10[%swap3A_1110], %select_n3A_1105 {strides = array<i32>} : memref<1024xi32, #tpu.memory_space<vmem>>, vector<16xi32>,
      %not3A = arith.constant dense<true> : vector<16xi1>
      %not3A_1112 = arith.xori %lt3A_1099, %not3A : vector<16xi1>
      %convert_element_type3A_1113 = arith.extui %not3A_1112 : vector<16xi1> to vector<16xi32>
      %mul3A_1114 = arith.constant 16 : i32
      %mul3A_1115 = arith.muli %scan3A_979, %mul3A_1114 : i32
      %add3A_1116 = arith.constant 128 : i32
      %add3A_1117 = arith.addi %add3A_1116, %mul3A_1115 : i32
      %swap3A_1118 = arith.index_cast %add3A_1117 : i32 to index
      %swap3A_1119 = tpu.vector_load %arg11[%swap3A_1118] {strides = array<i32>} : memref<1024xi32, #tpu.memory_space<vmem>>, vector<16xi32>,
      tpu.vector_store %arg11[%swap3A_1118], %convert_element_type3A_1113 {strides = array<i32>} : memref<1024xi32, #tpu.memory_space<vmem>>, vector<16xi32>,
      %scan3A_1120 = arith.constant 0 : i32
      scf.yield %scan3A_1120 : i32
    }
    %scan3A_588 = arith.constant 4 : i32
    %dma_wait3A_589 = arith.constant 0 : i32
    %dma_wait3A_590 = tpu.memref_slice %arg5[%add3A_577, %dma_wait3A_589] : memref<32768x256xf32, #tpu.memory_space<hbm>> -> memref<64x256xf32, #tpu.memory_space<hbm>>
    %dma_wait3A_591 = arith.constant 0 : i32
    %dma_wait3A_592 = tpu.memref_slice %arg5[%add3A_577, %dma_wait3A_591] : memref<32768x256xf32, #tpu.memory_space<hbm>> -> memref<64x256xf32, #tpu.memory_space<hbm>>
    tpu.wait_dma2 semaphore(%arg16 : memref<!tpu.dma_semaphore, #tpu.memory_space<semaphore_mem>>) src(%arg12 : memref<64x256xf32, #tpu.memory_space<vmem>>) dst(%dma_wait3A_592 : memref<64x256xf32, #tpu.memory_space<hbm>>)
    %dma_start3A_593 = arith.constant 128 : i32
    %dma_start3A_594 = tpu.memref_slice %arg10[%dma_start3A_593] : memref<1024xi32, #tpu.memory_space<vmem>> -> memref<64xi32, #tpu.memory_space<vmem>>
    %dma_start3A_595 = arith.constant 0 : i32
    %dma_start3A_596 = arith.constant 0 : i32
    %dma_start3A_597 = tpu.memref_slice %arg2[%dma_start3A_595, %dma_start3A_596] : memref<8208x256xf32, #tpu.memory_space<hbm>> -> memref<8208x256xf32, #tpu.memory_space<hbm>>
    tpu.enqueue_indirect_dma source(%dma_start3A_597 : memref<8208x256xf32, #tpu.memory_space<hbm>>) target(%arg12 : memref<64x256xf32, #tpu.memory_space<vmem>>) offsets(%dma_start3A_594 : memref<64xi32, #tpu.memory_space<vmem>>) semaphore(%arg14 : memref<!tpu.dma_semaphore, #tpu.memory_space<semaphore_mem>>)
    %dma_wait3A_598 = arith.constant 64 : i32
    %dma_wait3A_599 = tpu.memref_slice %arg10[%dma_wait3A_598] : memref<1024xi32, #tpu.memory_space<vmem>> -> memref<64xi32, #tpu.memory_space<vmem>>
    %dma_wait3A_600 = arith.constant 0 : i32
    %dma_wait3A_601 = arith.constant 0 : i32
    %dma_wait3A_602 = tpu.memref_slice %arg2[%dma_wait3A_600, %dma_wait3A_601] : memref<8208x256xf32, #tpu.memory_space<hbm>> -> memref<8208x256xf32, #tpu.memory_space<hbm>>
    tpu.wait_indirect_dma semaphore(%arg15 : memref<!tpu.dma_semaphore, #tpu.memory_space<semaphore_mem>>) src(%dma_wait3A_602 : memref<8208x256xf32, #tpu.memory_space<hbm>>) dst(%arg13 : memref<64x256xf32, #tpu.memory_space<vmem>>)
    %add3A_603 = arith.constant 64 : i32
    %add3A_604 = arith.addi %mul3A_549, %add3A_603 : i32
    %dma_start3A_605 = arith.constant 0 : i32
    %dma_start3A_606 = tpu.memref_slice %arg5[%add3A_604, %dma_start3A_605] : memref<32768x256xf32, #tpu.memory_space<hbm>> -> memref<64x256xf32, #tpu.memory_space<hbm>>
    %dma_start3A_607 = arith.constant 0 : i32
    %dma_start3A_608 = tpu.memref_slice %arg5[%add3A_604, %dma_start3A_607] : memref<32768x256xf32, #tpu.memory_space<hbm>> -> memref<64x256xf32, #tpu.memory_space<hbm>>
    tpu.enqueue_dma source(%arg13 : memref<64x256xf32, #tpu.memory_space<vmem>>) target(%dma_start3A_608 : memref<64x256xf32, #tpu.memory_space<hbm>>) target_semaphore(%arg17 : memref<!tpu.dma_semaphore, #tpu.memory_space<semaphore_mem>>)
    %scan3A_609 = arith.constant 0 : i32
    %scan3A_610 = arith.constant 0 : i32
    %scan3A_611 = arith.constant 4 : i32
    %scan3A_612 = arith.addi %scan3A_610, %scan3A_611 : i32
    %scan3A_613 = arith.constant 1 : i32
    %scan3A_614 = scf.for %scan3A_979 = %scan3A_610 to %scan3A_612 step %scan3A_613 iter_args(%scan3A_980 = %scan3A_609) -> (i32)  : i32 {
      %add3A_981 = arith.constant 192 : i32
      %add3A_982 = arith.addi %mul3A_32, %add3A_981 : i32
      %mul3A_983 = arith.constant 16 : i32
      %mul3A_984 = arith.muli %scan3A_979, %mul3A_983 : i32
      %add3A_985 = arith.addi %add3A_982, %mul3A_984 : i32
      %add3A_986 = vector.broadcast %add3A_985 : i32 to vector<16xi32>
      %add3A_987 = arith.addi %add3A_986, %iota3A : vector<16xi32>
      %broadcast_in_dim3A_988 = arith.constant 0 : i32
      %broadcast_in_dim3A_989 = vector.broadcast %broadcast_in_dim3A_988 : i32 to vector<16xi32>
      %broadcast_in_dim3A_990 = arith.constant 512 : i32
      %broadcast_in_dim3A_991 = vector.broadcast %broadcast_in_dim3A_990 : i32 to vector<16xi32>
      %add3A_992 = arith.addi %broadcast_in_dim3A_989, %broadcast_in_dim3A_991 : vector<16xi32>
      %shift_right_arithmetic3A = arith.constant 1 : i32
      %shift_right_arithmetic3A_993 = vector.broadcast %shift_right_arithmetic3A : i32 to vector<16xi32>
      %shift_right_arithmetic3A_994 = arith.shrsi %add3A_992, %shift_right_arithmetic3A_993 : vector<16xi32>
      %gather3A = tpu.vector_load_idx %arg8[%shift_right_arithmetic3A_994] : memref<512xi32, #tpu.memory_space<vmem>>[vector<16xi32>], vector<16xi32>,
      %le3A = arith.cmpi sle, %gather3A, %add3A_987 : vector<16xi32>
      %add3A_995 = arith.constant 1 : i32
      %add3A_996 = vector.broadcast %add3A_995 : i32 to vector<16xi32>
      %add3A_997 = arith.addi %shift_right_arithmetic3A_994, %add3A_996 : vector<16xi32>
      %select_n3A_998 = arith.select %le3A, %add3A_997, %broadcast_in_dim3A_989 : vector<16xi1>, vector<16xi32>
      %select_n3A_999 = arith.select %le3A, %broadcast_in_dim3A_991, %shift_right_arithmetic3A_994 : vector<16xi1>, vector<16xi32>
      %add3A_1000 = arith.addi %select_n3A_998, %select_n3A_999 : vector<16xi32>
      %shift_right_arithmetic3A_1001 = arith.constant 1 : i32
      %shift_right_arithmetic3A_1002 = vector.broadcast %shift_right_arithmetic3A_1001 : i32 to vector<16xi32>
      %shift_right_arithmetic3A_1003 = arith.shrsi %add3A_1000, %shift_right_arithmetic3A_1002 : vector<16xi32>
      %gather3A_1004 = tpu.vector_load_idx %arg8[%shift_right_arithmetic3A_1003] : memref<512xi32, #tpu.memory_space<vmem>>[vector<16xi32>], vector<16xi32>,
      %le3A_1005 = arith.cmpi sle, %gather3A_1004, %add3A_987 : vector<16xi32>
      %add3A_1006 = arith.constant 1 : i32
      %add3A_1007 = vector.broadcast %add3A_1006 : i32 to vector<16xi32>
      %add3A_1008 = arith.addi %shift_right_arithmetic3A_1003, %add3A_1007 : vector<16xi32>
      %select_n3A_1009 = arith.select %le3A_1005, %add3A_1008, %select_n3A_998 : vector<16xi1>, vector<16xi32>
      %select_n3A_1010 = arith.select %le3A_1005, %select_n3A_999, %shift_right_arithmetic3A_1003 : vector<16xi1>, vector<16xi32>
      %add3A_1011 = arith.addi %select_n3A_1009, %select_n3A_1010 : vector<16xi32>
      %shift_right_arithmetic3A_1012 = arith.constant 1 : i32
      %shift_right_arithmetic3A_1013 = vector.broadcast %shift_right_arithmetic3A_1012 : i32 to vector<16xi32>
      %shift_right_arithmetic3A_1014 = arith.shrsi %add3A_1011, %shift_right_arithmetic3A_1013 : vector<16xi32>
      %gather3A_1015 = tpu.vector_load_idx %arg8[%shift_right_arithmetic3A_1014] : memref<512xi32, #tpu.memory_space<vmem>>[vector<16xi32>], vector<16xi32>,
      %le3A_1016 = arith.cmpi sle, %gather3A_1015, %add3A_987 : vector<16xi32>
      %add3A_1017 = arith.constant 1 : i32
      %add3A_1018 = vector.broadcast %add3A_1017 : i32 to vector<16xi32>
      %add3A_1019 = arith.addi %shift_right_arithmetic3A_1014, %add3A_1018 : vector<16xi32>
      %select_n3A_1020 = arith.select %le3A_1016, %add3A_1019, %select_n3A_1009 : vector<16xi1>, vector<16xi32>
      %select_n3A_1021 = arith.select %le3A_1016, %select_n3A_1010, %shift_right_arithmetic3A_1014 : vector<16xi1>, vector<16xi32>
      %add3A_1022 = arith.addi %select_n3A_1020, %select_n3A_1021 : vector<16xi32>
      %shift_right_arithmetic3A_1023 = arith.constant 1 : i32
      %shift_right_arithmetic3A_1024 = vector.broadcast %shift_right_arithmetic3A_1023 : i32 to vector<16xi32>
      %shift_right_arithmetic3A_1025 = arith.shrsi %add3A_1022, %shift_right_arithmetic3A_1024 : vector<16xi32>
      %gather3A_1026 = tpu.vector_load_idx %arg8[%shift_right_arithmetic3A_1025] : memref<512xi32, #tpu.memory_space<vmem>>[vector<16xi32>], vector<16xi32>,
      %le3A_1027 = arith.cmpi sle, %gather3A_1026, %add3A_987 : vector<16xi32>
      %add3A_1028 = arith.constant 1 : i32
      %add3A_1029 = vector.broadcast %add3A_1028 : i32 to vector<16xi32>
      %add3A_1030 = arith.addi %shift_right_arithmetic3A_1025, %add3A_1029 : vector<16xi32>
      %select_n3A_1031 = arith.select %le3A_1027, %add3A_1030, %select_n3A_1020 : vector<16xi1>, vector<16xi32>
      %select_n3A_1032 = arith.select %le3A_1027, %select_n3A_1021, %shift_right_arithmetic3A_1025 : vector<16xi1>, vector<16xi32>
      %add3A_1033 = arith.addi %select_n3A_1031, %select_n3A_1032 : vector<16xi32>
      %shift_right_arithmetic3A_1034 = arith.constant 1 : i32
      %shift_right_arithmetic3A_1035 = vector.broadcast %shift_right_arithmetic3A_1034 : i32 to vector<16xi32>
      %shift_right_arithmetic3A_1036 = arith.shrsi %add3A_1033, %shift_right_arithmetic3A_1035 : vector<16xi32>
      %gather3A_1037 = tpu.vector_load_idx %arg8[%shift_right_arithmetic3A_1036] : memref<512xi32, #tpu.memory_space<vmem>>[vector<16xi32>], vector<16xi32>,
      %le3A_1038 = arith.cmpi sle, %gather3A_1037, %add3A_987 : vector<16xi32>
      %add3A_1039 = arith.constant 1 : i32
      %add3A_1040 = vector.broadcast %add3A_1039 : i32 to vector<16xi32>
      %add3A_1041 = arith.addi %shift_right_arithmetic3A_1036, %add3A_1040 : vector<16xi32>
      %select_n3A_1042 = arith.select %le3A_1038, %add3A_1041, %select_n3A_1031 : vector<16xi1>, vector<16xi32>
      %select_n3A_1043 = arith.select %le3A_1038, %select_n3A_1032, %shift_right_arithmetic3A_1036 : vector<16xi1>, vector<16xi32>
      %add3A_1044 = arith.addi %select_n3A_1042, %select_n3A_1043 : vector<16xi32>
      %shift_right_arithmetic3A_1045 = arith.constant 1 : i32
      %shift_right_arithmetic3A_1046 = vector.broadcast %shift_right_arithmetic3A_1045 : i32 to vector<16xi32>
      %shift_right_arithmetic3A_1047 = arith.shrsi %add3A_1044, %shift_right_arithmetic3A_1046 : vector<16xi32>
      %gather3A_1048 = tpu.vector_load_idx %arg8[%shift_right_arithmetic3A_1047] : memref<512xi32, #tpu.memory_space<vmem>>[vector<16xi32>], vector<16xi32>,
      %le3A_1049 = arith.cmpi sle, %gather3A_1048, %add3A_987 : vector<16xi32>
      %add3A_1050 = arith.constant 1 : i32
      %add3A_1051 = vector.broadcast %add3A_1050 : i32 to vector<16xi32>
      %add3A_1052 = arith.addi %shift_right_arithmetic3A_1047, %add3A_1051 : vector<16xi32>
      %select_n3A_1053 = arith.select %le3A_1049, %add3A_1052, %select_n3A_1042 : vector<16xi1>, vector<16xi32>
      %select_n3A_1054 = arith.select %le3A_1049, %select_n3A_1043, %shift_right_arithmetic3A_1047 : vector<16xi1>, vector<16xi32>
      %add3A_1055 = arith.addi %select_n3A_1053, %select_n3A_1054 : vector<16xi32>
      %shift_right_arithmetic3A_1056 = arith.constant 1 : i32
      %shift_right_arithmetic3A_1057 = vector.broadcast %shift_right_arithmetic3A_1056 : i32 to vector<16xi32>
      %shift_right_arithmetic3A_1058 = arith.shrsi %add3A_1055, %shift_right_arithmetic3A_1057 : vector<16xi32>
      %gather3A_1059 = tpu.vector_load_idx %arg8[%shift_right_arithmetic3A_1058] : memref<512xi32, #tpu.memory_space<vmem>>[vector<16xi32>], vector<16xi32>,
      %le3A_1060 = arith.cmpi sle, %gather3A_1059, %add3A_987 : vector<16xi32>
      %add3A_1061 = arith.constant 1 : i32
      %add3A_1062 = vector.broadcast %add3A_1061 : i32 to vector<16xi32>
      %add3A_1063 = arith.addi %shift_right_arithmetic3A_1058, %add3A_1062 : vector<16xi32>
      %select_n3A_1064 = arith.select %le3A_1060, %add3A_1063, %select_n3A_1053 : vector<16xi1>, vector<16xi32>
      %select_n3A_1065 = arith.select %le3A_1060, %select_n3A_1054, %shift_right_arithmetic3A_1058 : vector<16xi1>, vector<16xi32>
      %add3A_1066 = arith.addi %select_n3A_1064, %select_n3A_1065 : vector<16xi32>
      %shift_right_arithmetic3A_1067 = arith.constant 1 : i32
      %shift_right_arithmetic3A_1068 = vector.broadcast %shift_right_arithmetic3A_1067 : i32 to vector<16xi32>
      %shift_right_arithmetic3A_1069 = arith.shrsi %add3A_1066, %shift_right_arithmetic3A_1068 : vector<16xi32>
      %gather3A_1070 = tpu.vector_load_idx %arg8[%shift_right_arithmetic3A_1069] : memref<512xi32, #tpu.memory_space<vmem>>[vector<16xi32>], vector<16xi32>,
      %le3A_1071 = arith.cmpi sle, %gather3A_1070, %add3A_987 : vector<16xi32>
      %add3A_1072 = arith.constant 1 : i32
      %add3A_1073 = vector.broadcast %add3A_1072 : i32 to vector<16xi32>
      %add3A_1074 = arith.addi %shift_right_arithmetic3A_1069, %add3A_1073 : vector<16xi32>
      %select_n3A_1075 = arith.select %le3A_1071, %add3A_1074, %select_n3A_1064 : vector<16xi1>, vector<16xi32>
      %select_n3A_1076 = arith.select %le3A_1071, %select_n3A_1065, %shift_right_arithmetic3A_1069 : vector<16xi1>, vector<16xi32>
      %add3A_1077 = arith.addi %select_n3A_1075, %select_n3A_1076 : vector<16xi32>
      %shift_right_arithmetic3A_1078 = arith.constant 1 : i32
      %shift_right_arithmetic3A_1079 = vector.broadcast %shift_right_arithmetic3A_1078 : i32 to vector<16xi32>
      %shift_right_arithmetic3A_1080 = arith.shrsi %add3A_1077, %shift_right_arithmetic3A_1079 : vector<16xi32>
      %gather3A_1081 = tpu.vector_load_idx %arg8[%shift_right_arithmetic3A_1080] : memref<512xi32, #tpu.memory_space<vmem>>[vector<16xi32>], vector<16xi32>,
      %le3A_1082 = arith.cmpi sle, %gather3A_1081, %add3A_987 : vector<16xi32>
      %add3A_1083 = arith.constant 1 : i32
      %add3A_1084 = vector.broadcast %add3A_1083 : i32 to vector<16xi32>
      %add3A_1085 = arith.addi %shift_right_arithmetic3A_1080, %add3A_1084 : vector<16xi32>
      %select_n3A_1086 = arith.select %le3A_1082, %add3A_1085, %select_n3A_1075 : vector<16xi1>, vector<16xi32>
      %select_n3A_1087 = arith.select %le3A_1082, %select_n3A_1076, %shift_right_arithmetic3A_1080 : vector<16xi1>, vector<16xi32>
      %add3A_1088 = arith.addi %select_n3A_1086, %select_n3A_1087 : vector<16xi32>
      %shift_right_arithmetic3A_1089 = arith.constant 1 : i32
      %shift_right_arithmetic3A_1090 = vector.broadcast %shift_right_arithmetic3A_1089 : i32 to vector<16xi32>
      %shift_right_arithmetic3A_1091 = arith.shrsi %add3A_1088, %shift_right_arithmetic3A_1090 : vector<16xi32>
      %gather3A_1092 = tpu.vector_load_idx %arg8[%shift_right_arithmetic3A_1091] : memref<512xi32, #tpu.memory_space<vmem>>[vector<16xi32>], vector<16xi32>,
      %le3A_1093 = arith.cmpi sle, %gather3A_1092, %add3A_987 : vector<16xi32>
      %add3A_1094 = arith.constant 1 : i32
      %add3A_1095 = vector.broadcast %add3A_1094 : i32 to vector<16xi32>
      %add3A_1096 = arith.addi %shift_right_arithmetic3A_1091, %add3A_1095 : vector<16xi32>
      %select_n3A_1097 = arith.select %le3A_1093, %add3A_1096, %select_n3A_1086 : vector<16xi1>, vector<16xi32>
      %select_n3A_1098 = arith.select %le3A_1093, %select_n3A_1087, %shift_right_arithmetic3A_1091 : vector<16xi1>, vector<16xi32>
      %lt3A_1099 = arith.cmpi slt, %add3A_987, %min3A_543 : vector<16xi32>
      %mul3A_1100 = arith.constant 513 : i32
      %mul3A_1101 = arith.muli %select_n3A, %mul3A_1100 : i32
      %add3A_1102 = vector.broadcast %mul3A_1101 : i32 to vector<16xi32>
      %add3A_1103 = arith.addi %add3A_1102, %select_n3A_1097 : vector<16xi32>
      %broadcast_in_dim3A_1104 = vector.broadcast %add3A_547 : i32 to vector<16xi32>
      %select_n3A_1105 = arith.select %lt3A_1099, %add3A_1103, %broadcast_in_dim3A_1104 : vector<16xi1>, vector<16xi32>
      %mul3A_1106 = arith.constant 16 : i32
      %mul3A_1107 = arith.muli %scan3A_979, %mul3A_1106 : i32
      %add3A_1108 = arith.constant 192 : i32
      %add3A_1109 = arith.addi %add3A_1108, %mul3A_1107 : i32
      %swap3A_1110 = arith.index_cast %add3A_1109 : i32 to index
      %swap3A_1111 = tpu.vector_load %arg10[%swap3A_1110] {strides = array<i32>} : memref<1024xi32, #tpu.memory_space<vmem>>, vector<16xi32>,
      tpu.vector_store %arg10[%swap3A_1110], %select_n3A_1105 {strides = array<i32>} : memref<1024xi32, #tpu.memory_space<vmem>>, vector<16xi32>,
      %not3A = arith.constant dense<true> : vector<16xi1>
      %not3A_1112 = arith.xori %lt3A_1099, %not3A : vector<16xi1>
      %convert_element_type3A_1113 = arith.extui %not3A_1112 : vector<16xi1> to vector<16xi32>
      %mul3A_1114 = arith.constant 16 : i32
      %mul3A_1115 = arith.muli %scan3A_979, %mul3A_1114 : i32
      %add3A_1116 = arith.constant 192 : i32
      %add3A_1117 = arith.addi %add3A_1116, %mul3A_1115 : i32
      %swap3A_1118 = arith.index_cast %add3A_1117 : i32 to index
      %swap3A_1119 = tpu.vector_load %arg11[%swap3A_1118] {strides = array<i32>} : memref<1024xi32, #tpu.memory_space<vmem>>, vector<16xi32>,
      tpu.vector_store %arg11[%swap3A_1118], %convert_element_type3A_1113 {strides = array<i32>} : memref<1024xi32, #tpu.memory_space<vmem>>, vector<16xi32>,
      %scan3A_1120 = arith.constant 0 : i32
      scf.yield %scan3A_1120 : i32
    }
    %scan3A_615 = arith.constant 4 : i32
    %dma_wait3A_616 = arith.constant 0 : i32
    %dma_wait3A_617 = tpu.memref_slice %arg5[%add3A_604, %dma_wait3A_616] : memref<32768x256xf32, #tpu.memory_space<hbm>> -> memref<64x256xf32, #tpu.memory_space<hbm>>
    %dma_wait3A_618 = arith.constant 0 : i32
    %dma_wait3A_619 = tpu.memref_slice %arg5[%add3A_604, %dma_wait3A_618] : memref<32768x256xf32, #tpu.memory_space<hbm>> -> memref<64x256xf32, #tpu.memory_space<hbm>>
    tpu.wait_dma2 semaphore(%arg17 : memref<!tpu.dma_semaphore, #tpu.memory_space<semaphore_mem>>) src(%arg13 : memref<64x256xf32, #tpu.memory_space<vmem>>) dst(%dma_wait3A_619 : memref<64x256xf32, #tpu.memory_space<hbm>>)
    %dma_start3A_620 = arith.constant 192 : i32
    %dma_start3A_621 = tpu.memref_slice %arg10[%dma_start3A_620] : memref<1024xi32, #tpu.memory_space<vmem>> -> memref<64xi32, #tpu.memory_space<vmem>>
    %dma_start3A_622 = arith.constant 0 : i32
    %dma_start3A_623 = arith.constant 0 : i32
    %dma_start3A_624 = tpu.memref_slice %arg2[%dma_start3A_622, %dma_start3A_623] : memref<8208x256xf32, #tpu.memory_space<hbm>> -> memref<8208x256xf32, #tpu.memory_space<hbm>>
    tpu.enqueue_indirect_dma source(%dma_start3A_624 : memref<8208x256xf32, #tpu.memory_space<hbm>>) target(%arg13 : memref<64x256xf32, #tpu.memory_space<vmem>>) offsets(%dma_start3A_621 : memref<64xi32, #tpu.memory_space<vmem>>) semaphore(%arg15 : memref<!tpu.dma_semaphore, #tpu.memory_space<semaphore_mem>>)
    %dma_wait3A_625 = arith.constant 128 : i32
    %dma_wait3A_626 = tpu.memref_slice %arg10[%dma_wait3A_625] : memref<1024xi32, #tpu.memory_space<vmem>> -> memref<64xi32, #tpu.memory_space<vmem>>
    %dma_wait3A_627 = arith.constant 0 : i32
    %dma_wait3A_628 = arith.constant 0 : i32
    %dma_wait3A_629 = tpu.memref_slice %arg2[%dma_wait3A_627, %dma_wait3A_628] : memref<8208x256xf32, #tpu.memory_space<hbm>> -> memref<8208x256xf32, #tpu.memory_space<hbm>>
    tpu.wait_indirect_dma semaphore(%arg14 : memref<!tpu.dma_semaphore, #tpu.memory_space<semaphore_mem>>) src(%dma_wait3A_629 : memref<8208x256xf32, #tpu.memory_space<hbm>>) dst(%arg12 : memref<64x256xf32, #tpu.memory_space<vmem>>)
    %add3A_630 = arith.constant 128 : i32
    %add3A_631 = arith.addi %mul3A_549, %add3A_630 : i32
    %dma_start3A_632 = arith.constant 0 : i32
    %dma_start3A_633 = tpu.memref_slice %arg5[%add3A_631, %dma_start3A_632] : memref<32768x256xf32, #tpu.memory_space<hbm>> -> memref<64x256xf32, #tpu.memory_space<hbm>>
    %dma_start3A_634 = arith.constant 0 : i32
    %dma_start3A_635 = tpu.memref_slice %arg5[%add3A_631, %dma_start3A_634] : memref<32768x256xf32, #tpu.memory_space<hbm>> -> memref<64x256xf32, #tpu.memory_space<hbm>>
    tpu.enqueue_dma source(%arg12 : memref<64x256xf32, #tpu.memory_space<vmem>>) target(%dma_start3A_635 : memref<64x256xf32, #tpu.memory_space<hbm>>) target_semaphore(%arg16 : memref<!tpu.dma_semaphore, #tpu.memory_space<semaphore_mem>>)
    %scan3A_636 = arith.constant 0 : i32
    %scan3A_637 = arith.constant 0 : i32
    %scan3A_638 = arith.constant 4 : i32
    %scan3A_639 = arith.addi %scan3A_637, %scan3A_638 : i32
    %scan3A_640 = arith.constant 1 : i32
    %scan3A_641 = scf.for %scan3A_979 = %scan3A_637 to %scan3A_639 step %scan3A_640 iter_args(%scan3A_980 = %scan3A_636) -> (i32)  : i32 {
      %add3A_981 = arith.constant 256 : i32
      %add3A_982 = arith.addi %mul3A_32, %add3A_981 : i32
      %mul3A_983 = arith.constant 16 : i32
      %mul3A_984 = arith.muli %scan3A_979, %mul3A_983 : i32
      %add3A_985 = arith.addi %add3A_982, %mul3A_984 : i32
      %add3A_986 = vector.broadcast %add3A_985 : i32 to vector<16xi32>
      %add3A_987 = arith.addi %add3A_986, %iota3A : vector<16xi32>
      %broadcast_in_dim3A_988 = arith.constant 0 : i32
      %broadcast_in_dim3A_989 = vector.broadcast %broadcast_in_dim3A_988 : i32 to vector<16xi32>
      %broadcast_in_dim3A_990 = arith.constant 512 : i32
      %broadcast_in_dim3A_991 = vector.broadcast %broadcast_in_dim3A_990 : i32 to vector<16xi32>
      %add3A_992 = arith.addi %broadcast_in_dim3A_989, %broadcast_in_dim3A_991 : vector<16xi32>
      %shift_right_arithmetic3A = arith.constant 1 : i32
      %shift_right_arithmetic3A_993 = vector.broadcast %shift_right_arithmetic3A : i32 to vector<16xi32>
      %shift_right_arithmetic3A_994 = arith.shrsi %add3A_992, %shift_right_arithmetic3A_993 : vector<16xi32>
      %gather3A = tpu.vector_load_idx %arg8[%shift_right_arithmetic3A_994] : memref<512xi32, #tpu.memory_space<vmem>>[vector<16xi32>], vector<16xi32>,
      %le3A = arith.cmpi sle, %gather3A, %add3A_987 : vector<16xi32>
      %add3A_995 = arith.constant 1 : i32
      %add3A_996 = vector.broadcast %add3A_995 : i32 to vector<16xi32>
      %add3A_997 = arith.addi %shift_right_arithmetic3A_994, %add3A_996 : vector<16xi32>
      %select_n3A_998 = arith.select %le3A, %add3A_997, %broadcast_in_dim3A_989 : vector<16xi1>, vector<16xi32>
      %select_n3A_999 = arith.select %le3A, %broadcast_in_dim3A_991, %shift_right_arithmetic3A_994 : vector<16xi1>, vector<16xi32>
      %add3A_1000 = arith.addi %select_n3A_998, %select_n3A_999 : vector<16xi32>
      %shift_right_arithmetic3A_1001 = arith.constant 1 : i32
      %shift_right_arithmetic3A_1002 = vector.broadcast %shift_right_arithmetic3A_1001 : i32 to vector<16xi32>
      %shift_right_arithmetic3A_1003 = arith.shrsi %add3A_1000, %shift_right_arithmetic3A_1002 : vector<16xi32>
      %gather3A_1004 = tpu.vector_load_idx %arg8[%shift_right_arithmetic3A_1003] : memref<512xi32, #tpu.memory_space<vmem>>[vector<16xi32>], vector<16xi32>,
      %le3A_1005 = arith.cmpi sle, %gather3A_1004, %add3A_987 : vector<16xi32>
      %add3A_1006 = arith.constant 1 : i32
      %add3A_1007 = vector.broadcast %add3A_1006 : i32 to vector<16xi32>
      %add3A_1008 = arith.addi %shift_right_arithmetic3A_1003, %add3A_1007 : vector<16xi32>
      %select_n3A_1009 = arith.select %le3A_1005, %add3A_1008, %select_n3A_998 : vector<16xi1>, vector<16xi32>
      %select_n3A_1010 = arith.select %le3A_1005, %select_n3A_999, %shift_right_arithmetic3A_1003 : vector<16xi1>, vector<16xi32>
      %add3A_1011 = arith.addi %select_n3A_1009, %select_n3A_1010 : vector<16xi32>
      %shift_right_arithmetic3A_1012 = arith.constant 1 : i32
      %shift_right_arithmetic3A_1013 = vector.broadcast %shift_right_arithmetic3A_1012 : i32 to vector<16xi32>
      %shift_right_arithmetic3A_1014 = arith.shrsi %add3A_1011, %shift_right_arithmetic3A_1013 : vector<16xi32>
      %gather3A_1015 = tpu.vector_load_idx %arg8[%shift_right_arithmetic3A_1014] : memref<512xi32, #tpu.memory_space<vmem>>[vector<16xi32>], vector<16xi32>,
      %le3A_1016 = arith.cmpi sle, %gather3A_1015, %add3A_987 : vector<16xi32>
      %add3A_1017 = arith.constant 1 : i32
      %add3A_1018 = vector.broadcast %add3A_1017 : i32 to vector<16xi32>
      %add3A_1019 = arith.addi %shift_right_arithmetic3A_1014, %add3A_1018 : vector<16xi32>
      %select_n3A_1020 = arith.select %le3A_1016, %add3A_1019, %select_n3A_1009 : vector<16xi1>, vector<16xi32>
      %select_n3A_1021 = arith.select %le3A_1016, %select_n3A_1010, %shift_right_arithmetic3A_1014 : vector<16xi1>, vector<16xi32>
      %add3A_1022 = arith.addi %select_n3A_1020, %select_n3A_1021 : vector<16xi32>
      %shift_right_arithmetic3A_1023 = arith.constant 1 : i32
      %shift_right_arithmetic3A_1024 = vector.broadcast %shift_right_arithmetic3A_1023 : i32 to vector<16xi32>
      %shift_right_arithmetic3A_1025 = arith.shrsi %add3A_1022, %shift_right_arithmetic3A_1024 : vector<16xi32>
      %gather3A_1026 = tpu.vector_load_idx %arg8[%shift_right_arithmetic3A_1025] : memref<512xi32, #tpu.memory_space<vmem>>[vector<16xi32>], vector<16xi32>,
      %le3A_1027 = arith.cmpi sle, %gather3A_1026, %add3A_987 : vector<16xi32>
      %add3A_1028 = arith.constant 1 : i32
      %add3A_1029 = vector.broadcast %add3A_1028 : i32 to vector<16xi32>
      %add3A_1030 = arith.addi %shift_right_arithmetic3A_1025, %add3A_1029 : vector<16xi32>
      %select_n3A_1031 = arith.select %le3A_1027, %add3A_1030, %select_n3A_1020 : vector<16xi1>, vector<16xi32>
      %select_n3A_1032 = arith.select %le3A_1027, %select_n3A_1021, %shift_right_arithmetic3A_1025 : vector<16xi1>, vector<16xi32>
      %add3A_1033 = arith.addi %select_n3A_1031, %select_n3A_1032 : vector<16xi32>
      %shift_right_arithmetic3A_1034 = arith.constant 1 : i32
      %shift_right_arithmetic3A_1035 = vector.broadcast %shift_right_arithmetic3A_1034 : i32 to vector<16xi32>
      %shift_right_arithmetic3A_1036 = arith.shrsi %add3A_1033, %shift_right_arithmetic3A_1035 : vector<16xi32>
      %gather3A_1037 = tpu.vector_load_idx %arg8[%shift_right_arithmetic3A_1036] : memref<512xi32, #tpu.memory_space<vmem>>[vector<16xi32>], vector<16xi32>,
      %le3A_1038 = arith.cmpi sle, %gather3A_1037, %add3A_987 : vector<16xi32>
      %add3A_1039 = arith.constant 1 : i32
      %add3A_1040 = vector.broadcast %add3A_1039 : i32 to vector<16xi32>
      %add3A_1041 = arith.addi %shift_right_arithmetic3A_1036, %add3A_1040 : vector<16xi32>
      %select_n3A_1042 = arith.select %le3A_1038, %add3A_1041, %select_n3A_1031 : vector<16xi1>, vector<16xi32>
      %select_n3A_1043 = arith.select %le3A_1038, %select_n3A_1032, %shift_right_arithmetic3A_1036 : vector<16xi1>, vector<16xi32>
      %add3A_1044 = arith.addi %select_n3A_1042, %select_n3A_1043 : vector<16xi32>
      %shift_right_arithmetic3A_1045 = arith.constant 1 : i32
      %shift_right_arithmetic3A_1046 = vector.broadcast %shift_right_arithmetic3A_1045 : i32 to vector<16xi32>
      %shift_right_arithmetic3A_1047 = arith.shrsi %add3A_1044, %shift_right_arithmetic3A_1046 : vector<16xi32>
      %gather3A_1048 = tpu.vector_load_idx %arg8[%shift_right_arithmetic3A_1047] : memref<512xi32, #tpu.memory_space<vmem>>[vector<16xi32>], vector<16xi32>,
      %le3A_1049 = arith.cmpi sle, %gather3A_1048, %add3A_987 : vector<16xi32>
      %add3A_1050 = arith.constant 1 : i32
      %add3A_1051 = vector.broadcast %add3A_1050 : i32 to vector<16xi32>
      %add3A_1052 = arith.addi %shift_right_arithmetic3A_1047, %add3A_1051 : vector<16xi32>
      %select_n3A_1053 = arith.select %le3A_1049, %add3A_1052, %select_n3A_1042 : vector<16xi1>, vector<16xi32>
      %select_n3A_1054 = arith.select %le3A_1049, %select_n3A_1043, %shift_right_arithmetic3A_1047 : vector<16xi1>, vector<16xi32>
      %add3A_1055 = arith.addi %select_n3A_1053, %select_n3A_1054 : vector<16xi32>
      %shift_right_arithmetic3A_1056 = arith.constant 1 : i32
      %shift_right_arithmetic3A_1057 = vector.broadcast %shift_right_arithmetic3A_1056 : i32 to vector<16xi32>
      %shift_right_arithmetic3A_1058 = arith.shrsi %add3A_1055, %shift_right_arithmetic3A_1057 : vector<16xi32>
      %gather3A_1059 = tpu.vector_load_idx %arg8[%shift_right_arithmetic3A_1058] : memref<512xi32, #tpu.memory_space<vmem>>[vector<16xi32>], vector<16xi32>,
      %le3A_1060 = arith.cmpi sle, %gather3A_1059, %add3A_987 : vector<16xi32>
      %add3A_1061 = arith.constant 1 : i32
      %add3A_1062 = vector.broadcast %add3A_1061 : i32 to vector<16xi32>
      %add3A_1063 = arith.addi %shift_right_arithmetic3A_1058, %add3A_1062 : vector<16xi32>
      %select_n3A_1064 = arith.select %le3A_1060, %add3A_1063, %select_n3A_1053 : vector<16xi1>, vector<16xi32>
      %select_n3A_1065 = arith.select %le3A_1060, %select_n3A_1054, %shift_right_arithmetic3A_1058 : vector<16xi1>, vector<16xi32>
      %add3A_1066 = arith.addi %select_n3A_1064, %select_n3A_1065 : vector<16xi32>
      %shift_right_arithmetic3A_1067 = arith.constant 1 : i32
      %shift_right_arithmetic3A_1068 = vector.broadcast %shift_right_arithmetic3A_1067 : i32 to vector<16xi32>
      %shift_right_arithmetic3A_1069 = arith.shrsi %add3A_1066, %shift_right_arithmetic3A_1068 : vector<16xi32>
      %gather3A_1070 = tpu.vector_load_idx %arg8[%shift_right_arithmetic3A_1069] : memref<512xi32, #tpu.memory_space<vmem>>[vector<16xi32>], vector<16xi32>,
      %le3A_1071 = arith.cmpi sle, %gather3A_1070, %add3A_987 : vector<16xi32>
      %add3A_1072 = arith.constant 1 : i32
      %add3A_1073 = vector.broadcast %add3A_1072 : i32 to vector<16xi32>
      %add3A_1074 = arith.addi %shift_right_arithmetic3A_1069, %add3A_1073 : vector<16xi32>
      %select_n3A_1075 = arith.select %le3A_1071, %add3A_1074, %select_n3A_1064 : vector<16xi1>, vector<16xi32>
      %select_n3A_1076 = arith.select %le3A_1071, %select_n3A_1065, %shift_right_arithmetic3A_1069 : vector<16xi1>, vector<16xi32>
      %add3A_1077 = arith.addi %select_n3A_1075, %select_n3A_1076 : vector<16xi32>
      %shift_right_arithmetic3A_1078 = arith.constant 1 : i32
      %shift_right_arithmetic3A_1079 = vector.broadcast %shift_right_arithmetic3A_1078 : i32 to vector<16xi32>
      %shift_right_arithmetic3A_1080 = arith.shrsi %add3A_1077, %shift_right_arithmetic3A_1079 : vector<16xi32>
      %gather3A_1081 = tpu.vector_load_idx %arg8[%shift_right_arithmetic3A_1080] : memref<512xi32, #tpu.memory_space<vmem>>[vector<16xi32>], vector<16xi32>,
      %le3A_1082 = arith.cmpi sle, %gather3A_1081, %add3A_987 : vector<16xi32>
      %add3A_1083 = arith.constant 1 : i32
      %add3A_1084 = vector.broadcast %add3A_1083 : i32 to vector<16xi32>
      %add3A_1085 = arith.addi %shift_right_arithmetic3A_1080, %add3A_1084 : vector<16xi32>
      %select_n3A_1086 = arith.select %le3A_1082, %add3A_1085, %select_n3A_1075 : vector<16xi1>, vector<16xi32>
      %select_n3A_1087 = arith.select %le3A_1082, %select_n3A_1076, %shift_right_arithmetic3A_1080 : vector<16xi1>, vector<16xi32>
      %add3A_1088 = arith.addi %select_n3A_1086, %select_n3A_1087 : vector<16xi32>
      %shift_right_arithmetic3A_1089 = arith.constant 1 : i32
      %shift_right_arithmetic3A_1090 = vector.broadcast %shift_right_arithmetic3A_1089 : i32 to vector<16xi32>
      %shift_right_arithmetic3A_1091 = arith.shrsi %add3A_1088, %shift_right_arithmetic3A_1090 : vector<16xi32>
      %gather3A_1092 = tpu.vector_load_idx %arg8[%shift_right_arithmetic3A_1091] : memref<512xi32, #tpu.memory_space<vmem>>[vector<16xi32>], vector<16xi32>,
      %le3A_1093 = arith.cmpi sle, %gather3A_1092, %add3A_987 : vector<16xi32>
      %add3A_1094 = arith.constant 1 : i32
      %add3A_1095 = vector.broadcast %add3A_1094 : i32 to vector<16xi32>
      %add3A_1096 = arith.addi %shift_right_arithmetic3A_1091, %add3A_1095 : vector<16xi32>
      %select_n3A_1097 = arith.select %le3A_1093, %add3A_1096, %select_n3A_1086 : vector<16xi1>, vector<16xi32>
      %select_n3A_1098 = arith.select %le3A_1093, %select_n3A_1087, %shift_right_arithmetic3A_1091 : vector<16xi1>, vector<16xi32>
      %lt3A_1099 = arith.cmpi slt, %add3A_987, %min3A_543 : vector<16xi32>
      %mul3A_1100 = arith.constant 513 : i32
      %mul3A_1101 = arith.muli %select_n3A, %mul3A_1100 : i32
      %add3A_1102 = vector.broadcast %mul3A_1101 : i32 to vector<16xi32>
      %add3A_1103 = arith.addi %add3A_1102, %select_n3A_1097 : vector<16xi32>
      %broadcast_in_dim3A_1104 = vector.broadcast %add3A_547 : i32 to vector<16xi32>
      %select_n3A_1105 = arith.select %lt3A_1099, %add3A_1103, %broadcast_in_dim3A_1104 : vector<16xi1>, vector<16xi32>
      %mul3A_1106 = arith.constant 16 : i32
      %mul3A_1107 = arith.muli %scan3A_979, %mul3A_1106 : i32
      %add3A_1108 = arith.constant 256 : i32
      %add3A_1109 = arith.addi %add3A_1108, %mul3A_1107 : i32
      %swap3A_1110 = arith.index_cast %add3A_1109 : i32 to index
      %swap3A_1111 = tpu.vector_load %arg10[%swap3A_1110] {strides = array<i32>} : memref<1024xi32, #tpu.memory_space<vmem>>, vector<16xi32>,
      tpu.vector_store %arg10[%swap3A_1110], %select_n3A_1105 {strides = array<i32>} : memref<1024xi32, #tpu.memory_space<vmem>>, vector<16xi32>,
      %not3A = arith.constant dense<true> : vector<16xi1>
      %not3A_1112 = arith.xori %lt3A_1099, %not3A : vector<16xi1>
      %convert_element_type3A_1113 = arith.extui %not3A_1112 : vector<16xi1> to vector<16xi32>
      %mul3A_1114 = arith.constant 16 : i32
      %mul3A_1115 = arith.muli %scan3A_979, %mul3A_1114 : i32
      %add3A_1116 = arith.constant 256 : i32
      %add3A_1117 = arith.addi %add3A_1116, %mul3A_1115 : i32
      %swap3A_1118 = arith.index_cast %add3A_1117 : i32 to index
      %swap3A_1119 = tpu.vector_load %arg11[%swap3A_1118] {strides = array<i32>} : memref<1024xi32, #tpu.memory_space<vmem>>, vector<16xi32>,
      tpu.vector_store %arg11[%swap3A_1118], %convert_element_type3A_1113 {strides = array<i32>} : memref<1024xi32, #tpu.memory_space<vmem>>, vector<16xi32>,
      %scan3A_1120 = arith.constant 0 : i32
      scf.yield %scan3A_1120 : i32
    }
    %scan3A_642 = arith.constant 4 : i32
    %dma_wait3A_643 = arith.constant 0 : i32
    %dma_wait3A_644 = tpu.memref_slice %arg5[%add3A_631, %dma_wait3A_643] : memref<32768x256xf32, #tpu.memory_space<hbm>> -> memref<64x256xf32, #tpu.memory_space<hbm>>
    %dma_wait3A_645 = arith.constant 0 : i32
    %dma_wait3A_646 = tpu.memref_slice %arg5[%add3A_631, %dma_wait3A_645] : memref<32768x256xf32, #tpu.memory_space<hbm>> -> memref<64x256xf32, #tpu.memory_space<hbm>>
    tpu.wait_dma2 semaphore(%arg16 : memref<!tpu.dma_semaphore, #tpu.memory_space<semaphore_mem>>) src(%arg12 : memref<64x256xf32, #tpu.memory_space<vmem>>) dst(%dma_wait3A_646 : memref<64x256xf32, #tpu.memory_space<hbm>>)
    %dma_start3A_647 = arith.constant 256 : i32
    %dma_start3A_648 = tpu.memref_slice %arg10[%dma_start3A_647] : memref<1024xi32, #tpu.memory_space<vmem>> -> memref<64xi32, #tpu.memory_space<vmem>>
    %dma_start3A_649 = arith.constant 0 : i32
    %dma_start3A_650 = arith.constant 0 : i32
    %dma_start3A_651 = tpu.memref_slice %arg2[%dma_start3A_649, %dma_start3A_650] : memref<8208x256xf32, #tpu.memory_space<hbm>> -> memref<8208x256xf32, #tpu.memory_space<hbm>>
    tpu.enqueue_indirect_dma source(%dma_start3A_651 : memref<8208x256xf32, #tpu.memory_space<hbm>>) target(%arg12 : memref<64x256xf32, #tpu.memory_space<vmem>>) offsets(%dma_start3A_648 : memref<64xi32, #tpu.memory_space<vmem>>) semaphore(%arg14 : memref<!tpu.dma_semaphore, #tpu.memory_space<semaphore_mem>>)
    %dma_wait3A_652 = arith.constant 192 : i32
    %dma_wait3A_653 = tpu.memref_slice %arg10[%dma_wait3A_652] : memref<1024xi32, #tpu.memory_space<vmem>> -> memref<64xi32, #tpu.memory_space<vmem>>
    %dma_wait3A_654 = arith.constant 0 : i32
    %dma_wait3A_655 = arith.constant 0 : i32
    %dma_wait3A_656 = tpu.memref_slice %arg2[%dma_wait3A_654, %dma_wait3A_655] : memref<8208x256xf32, #tpu.memory_space<hbm>> -> memref<8208x256xf32, #tpu.memory_space<hbm>>
    tpu.wait_indirect_dma semaphore(%arg15 : memref<!tpu.dma_semaphore, #tpu.memory_space<semaphore_mem>>) src(%dma_wait3A_656 : memref<8208x256xf32, #tpu.memory_space<hbm>>) dst(%arg13 : memref<64x256xf32, #tpu.memory_space<vmem>>)
    %add3A_657 = arith.constant 192 : i32
    %add3A_658 = arith.addi %mul3A_549, %add3A_657 : i32
    %dma_start3A_659 = arith.constant 0 : i32
    %dma_start3A_660 = tpu.memref_slice %arg5[%add3A_658, %dma_start3A_659] : memref<32768x256xf32, #tpu.memory_space<hbm>> -> memref<64x256xf32, #tpu.memory_space<hbm>>
    %dma_start3A_661 = arith.constant 0 : i32
    %dma_start3A_662 = tpu.memref_slice %arg5[%add3A_658, %dma_start3A_661] : memref<32768x256xf32, #tpu.memory_space<hbm>> -> memref<64x256xf32, #tpu.memory_space<hbm>>
    tpu.enqueue_dma source(%arg13 : memref<64x256xf32, #tpu.memory_space<vmem>>) target(%dma_start3A_662 : memref<64x256xf32, #tpu.memory_space<hbm>>) target_semaphore(%arg17 : memref<!tpu.dma_semaphore, #tpu.memory_space<semaphore_mem>>)
    %scan3A_663 = arith.constant 0 : i32
    %scan3A_664 = arith.constant 0 : i32
    %scan3A_665 = arith.constant 4 : i32
    %scan3A_666 = arith.addi %scan3A_664, %scan3A_665 : i32
    %scan3A_667 = arith.constant 1 : i32
    %scan3A_668 = scf.for %scan3A_979 = %scan3A_664 to %scan3A_666 step %scan3A_667 iter_args(%scan3A_980 = %scan3A_663) -> (i32)  : i32 {
      %add3A_981 = arith.constant 320 : i32
      %add3A_982 = arith.addi %mul3A_32, %add3A_981 : i32
      %mul3A_983 = arith.constant 16 : i32
      %mul3A_984 = arith.muli %scan3A_979, %mul3A_983 : i32
      %add3A_985 = arith.addi %add3A_982, %mul3A_984 : i32
      %add3A_986 = vector.broadcast %add3A_985 : i32 to vector<16xi32>
      %add3A_987 = arith.addi %add3A_986, %iota3A : vector<16xi32>
      %broadcast_in_dim3A_988 = arith.constant 0 : i32
      %broadcast_in_dim3A_989 = vector.broadcast %broadcast_in_dim3A_988 : i32 to vector<16xi32>
      %broadcast_in_dim3A_990 = arith.constant 512 : i32
      %broadcast_in_dim3A_991 = vector.broadcast %broadcast_in_dim3A_990 : i32 to vector<16xi32>
      %add3A_992 = arith.addi %broadcast_in_dim3A_989, %broadcast_in_dim3A_991 : vector<16xi32>
      %shift_right_arithmetic3A = arith.constant 1 : i32
      %shift_right_arithmetic3A_993 = vector.broadcast %shift_right_arithmetic3A : i32 to vector<16xi32>
      %shift_right_arithmetic3A_994 = arith.shrsi %add3A_992, %shift_right_arithmetic3A_993 : vector<16xi32>
      %gather3A = tpu.vector_load_idx %arg8[%shift_right_arithmetic3A_994] : memref<512xi32, #tpu.memory_space<vmem>>[vector<16xi32>], vector<16xi32>,
      %le3A = arith.cmpi sle, %gather3A, %add3A_987 : vector<16xi32>
      %add3A_995 = arith.constant 1 : i32
      %add3A_996 = vector.broadcast %add3A_995 : i32 to vector<16xi32>
      %add3A_997 = arith.addi %shift_right_arithmetic3A_994, %add3A_996 : vector<16xi32>
      %select_n3A_998 = arith.select %le3A, %add3A_997, %broadcast_in_dim3A_989 : vector<16xi1>, vector<16xi32>
      %select_n3A_999 = arith.select %le3A, %broadcast_in_dim3A_991, %shift_right_arithmetic3A_994 : vector<16xi1>, vector<16xi32>
      %add3A_1000 = arith.addi %select_n3A_998, %select_n3A_999 : vector<16xi32>
      %shift_right_arithmetic3A_1001 = arith.constant 1 : i32
      %shift_right_arithmetic3A_1002 = vector.broadcast %shift_right_arithmetic3A_1001 : i32 to vector<16xi32>
      %shift_right_arithmetic3A_1003 = arith.shrsi %add3A_1000, %shift_right_arithmetic3A_1002 : vector<16xi32>
      %gather3A_1004 = tpu.vector_load_idx %arg8[%shift_right_arithmetic3A_1003] : memref<512xi32, #tpu.memory_space<vmem>>[vector<16xi32>], vector<16xi32>,
      %le3A_1005 = arith.cmpi sle, %gather3A_1004, %add3A_987 : vector<16xi32>
      %add3A_1006 = arith.constant 1 : i32
      %add3A_1007 = vector.broadcast %add3A_1006 : i32 to vector<16xi32>
      %add3A_1008 = arith.addi %shift_right_arithmetic3A_1003, %add3A_1007 : vector<16xi32>
      %select_n3A_1009 = arith.select %le3A_1005, %add3A_1008, %select_n3A_998 : vector<16xi1>, vector<16xi32>
      %select_n3A_1010 = arith.select %le3A_1005, %select_n3A_999, %shift_right_arithmetic3A_1003 : vector<16xi1>, vector<16xi32>
      %add3A_1011 = arith.addi %select_n3A_1009, %select_n3A_1010 : vector<16xi32>
      %shift_right_arithmetic3A_1012 = arith.constant 1 : i32
      %shift_right_arithmetic3A_1013 = vector.broadcast %shift_right_arithmetic3A_1012 : i32 to vector<16xi32>
      %shift_right_arithmetic3A_1014 = arith.shrsi %add3A_1011, %shift_right_arithmetic3A_1013 : vector<16xi32>
      %gather3A_1015 = tpu.vector_load_idx %arg8[%shift_right_arithmetic3A_1014] : memref<512xi32, #tpu.memory_space<vmem>>[vector<16xi32>], vector<16xi32>,
      %le3A_1016 = arith.cmpi sle, %gather3A_1015, %add3A_987 : vector<16xi32>
      %add3A_1017 = arith.constant 1 : i32
      %add3A_1018 = vector.broadcast %add3A_1017 : i32 to vector<16xi32>
      %add3A_1019 = arith.addi %shift_right_arithmetic3A_1014, %add3A_1018 : vector<16xi32>
      %select_n3A_1020 = arith.select %le3A_1016, %add3A_1019, %select_n3A_1009 : vector<16xi1>, vector<16xi32>
      %select_n3A_1021 = arith.select %le3A_1016, %select_n3A_1010, %shift_right_arithmetic3A_1014 : vector<16xi1>, vector<16xi32>
      %add3A_1022 = arith.addi %select_n3A_1020, %select_n3A_1021 : vector<16xi32>
      %shift_right_arithmetic3A_1023 = arith.constant 1 : i32
      %shift_right_arithmetic3A_1024 = vector.broadcast %shift_right_arithmetic3A_1023 : i32 to vector<16xi32>
      %shift_right_arithmetic3A_1025 = arith.shrsi %add3A_1022, %shift_right_arithmetic3A_1024 : vector<16xi32>
      %gather3A_1026 = tpu.vector_load_idx %arg8[%shift_right_arithmetic3A_1025] : memref<512xi32, #tpu.memory_space<vmem>>[vector<16xi32>], vector<16xi32>,
      %le3A_1027 = arith.cmpi sle, %gather3A_1026, %add3A_987 : vector<16xi32>
      %add3A_1028 = arith.constant 1 : i32
      %add3A_1029 = vector.broadcast %add3A_1028 : i32 to vector<16xi32>
      %add3A_1030 = arith.addi %shift_right_arithmetic3A_1025, %add3A_1029 : vector<16xi32>
      %select_n3A_1031 = arith.select %le3A_1027, %add3A_1030, %select_n3A_1020 : vector<16xi1>, vector<16xi32>
      %select_n3A_1032 = arith.select %le3A_1027, %select_n3A_1021, %shift_right_arithmetic3A_1025 : vector<16xi1>, vector<16xi32>
      %add3A_1033 = arith.addi %select_n3A_1031, %select_n3A_1032 : vector<16xi32>
      %shift_right_arithmetic3A_1034 = arith.constant 1 : i32
      %shift_right_arithmetic3A_1035 = vector.broadcast %shift_right_arithmetic3A_1034 : i32 to vector<16xi32>
      %shift_right_arithmetic3A_1036 = arith.shrsi %add3A_1033, %shift_right_arithmetic3A_1035 : vector<16xi32>
      %gather3A_1037 = tpu.vector_load_idx %arg8[%shift_right_arithmetic3A_1036] : memref<512xi32, #tpu.memory_space<vmem>>[vector<16xi32>], vector<16xi32>,
      %le3A_1038 = arith.cmpi sle, %gather3A_1037, %add3A_987 : vector<16xi32>
      %add3A_1039 = arith.constant 1 : i32
      %add3A_1040 = vector.broadcast %add3A_1039 : i32 to vector<16xi32>
      %add3A_1041 = arith.addi %shift_right_arithmetic3A_1036, %add3A_1040 : vector<16xi32>
      %select_n3A_1042 = arith.select %le3A_1038, %add3A_1041, %select_n3A_1031 : vector<16xi1>, vector<16xi32>
      %select_n3A_1043 = arith.select %le3A_1038, %select_n3A_1032, %shift_right_arithmetic3A_1036 : vector<16xi1>, vector<16xi32>
      %add3A_1044 = arith.addi %select_n3A_1042, %select_n3A_1043 : vector<16xi32>
      %shift_right_arithmetic3A_1045 = arith.constant 1 : i32
      %shift_right_arithmetic3A_1046 = vector.broadcast %shift_right_arithmetic3A_1045 : i32 to vector<16xi32>
      %shift_right_arithmetic3A_1047 = arith.shrsi %add3A_1044, %shift_right_arithmetic3A_1046 : vector<16xi32>
      %gather3A_1048 = tpu.vector_load_idx %arg8[%shift_right_arithmetic3A_1047] : memref<512xi32, #tpu.memory_space<vmem>>[vector<16xi32>], vector<16xi32>,
      %le3A_1049 = arith.cmpi sle, %gather3A_1048, %add3A_987 : vector<16xi32>
      %add3A_1050 = arith.constant 1 : i32
      %add3A_1051 = vector.broadcast %add3A_1050 : i32 to vector<16xi32>
      %add3A_1052 = arith.addi %shift_right_arithmetic3A_1047, %add3A_1051 : vector<16xi32>
      %select_n3A_1053 = arith.select %le3A_1049, %add3A_1052, %select_n3A_1042 : vector<16xi1>, vector<16xi32>
      %select_n3A_1054 = arith.select %le3A_1049, %select_n3A_1043, %shift_right_arithmetic3A_1047 : vector<16xi1>, vector<16xi32>
      %add3A_1055 = arith.addi %select_n3A_1053, %select_n3A_1054 : vector<16xi32>
      %shift_right_arithmetic3A_1056 = arith.constant 1 : i32
      %shift_right_arithmetic3A_1057 = vector.broadcast %shift_right_arithmetic3A_1056 : i32 to vector<16xi32>
      %shift_right_arithmetic3A_1058 = arith.shrsi %add3A_1055, %shift_right_arithmetic3A_1057 : vector<16xi32>
      %gather3A_1059 = tpu.vector_load_idx %arg8[%shift_right_arithmetic3A_1058] : memref<512xi32, #tpu.memory_space<vmem>>[vector<16xi32>], vector<16xi32>,
      %le3A_1060 = arith.cmpi sle, %gather3A_1059, %add3A_987 : vector<16xi32>
      %add3A_1061 = arith.constant 1 : i32
      %add3A_1062 = vector.broadcast %add3A_1061 : i32 to vector<16xi32>
      %add3A_1063 = arith.addi %shift_right_arithmetic3A_1058, %add3A_1062 : vector<16xi32>
      %select_n3A_1064 = arith.select %le3A_1060, %add3A_1063, %select_n3A_1053 : vector<16xi1>, vector<16xi32>
      %select_n3A_1065 = arith.select %le3A_1060, %select_n3A_1054, %shift_right_arithmetic3A_1058 : vector<16xi1>, vector<16xi32>
      %add3A_1066 = arith.addi %select_n3A_1064, %select_n3A_1065 : vector<16xi32>
      %shift_right_arithmetic3A_1067 = arith.constant 1 : i32
      %shift_right_arithmetic3A_1068 = vector.broadcast %shift_right_arithmetic3A_1067 : i32 to vector<16xi32>
      %shift_right_arithmetic3A_1069 = arith.shrsi %add3A_1066, %shift_right_arithmetic3A_1068 : vector<16xi32>
      %gather3A_1070 = tpu.vector_load_idx %arg8[%shift_right_arithmetic3A_1069] : memref<512xi32, #tpu.memory_space<vmem>>[vector<16xi32>], vector<16xi32>,
      %le3A_1071 = arith.cmpi sle, %gather3A_1070, %add3A_987 : vector<16xi32>
      %add3A_1072 = arith.constant 1 : i32
      %add3A_1073 = vector.broadcast %add3A_1072 : i32 to vector<16xi32>
      %add3A_1074 = arith.addi %shift_right_arithmetic3A_1069, %add3A_1073 : vector<16xi32>
      %select_n3A_1075 = arith.select %le3A_1071, %add3A_1074, %select_n3A_1064 : vector<16xi1>, vector<16xi32>
      %select_n3A_1076 = arith.select %le3A_1071, %select_n3A_1065, %shift_right_arithmetic3A_1069 : vector<16xi1>, vector<16xi32>
      %add3A_1077 = arith.addi %select_n3A_1075, %select_n3A_1076 : vector<16xi32>
      %shift_right_arithmetic3A_1078 = arith.constant 1 : i32
      %shift_right_arithmetic3A_1079 = vector.broadcast %shift_right_arithmetic3A_1078 : i32 to vector<16xi32>
      %shift_right_arithmetic3A_1080 = arith.shrsi %add3A_1077, %shift_right_arithmetic3A_1079 : vector<16xi32>
      %gather3A_1081 = tpu.vector_load_idx %arg8[%shift_right_arithmetic3A_1080] : memref<512xi32, #tpu.memory_space<vmem>>[vector<16xi32>], vector<16xi32>,
      %le3A_1082 = arith.cmpi sle, %gather3A_1081, %add3A_987 : vector<16xi32>
      %add3A_1083 = arith.constant 1 : i32
      %add3A_1084 = vector.broadcast %add3A_1083 : i32 to vector<16xi32>
      %add3A_1085 = arith.addi %shift_right_arithmetic3A_1080, %add3A_1084 : vector<16xi32>
      %select_n3A_1086 = arith.select %le3A_1082, %add3A_1085, %select_n3A_1075 : vector<16xi1>, vector<16xi32>
      %select_n3A_1087 = arith.select %le3A_1082, %select_n3A_1076, %shift_right_arithmetic3A_1080 : vector<16xi1>, vector<16xi32>
      %add3A_1088 = arith.addi %select_n3A_1086, %select_n3A_1087 : vector<16xi32>
      %shift_right_arithmetic3A_1089 = arith.constant 1 : i32
      %shift_right_arithmetic3A_1090 = vector.broadcast %shift_right_arithmetic3A_1089 : i32 to vector<16xi32>
      %shift_right_arithmetic3A_1091 = arith.shrsi %add3A_1088, %shift_right_arithmetic3A_1090 : vector<16xi32>
      %gather3A_1092 = tpu.vector_load_idx %arg8[%shift_right_arithmetic3A_1091] : memref<512xi32, #tpu.memory_space<vmem>>[vector<16xi32>], vector<16xi32>,
      %le3A_1093 = arith.cmpi sle, %gather3A_1092, %add3A_987 : vector<16xi32>
      %add3A_1094 = arith.constant 1 : i32
      %add3A_1095 = vector.broadcast %add3A_1094 : i32 to vector<16xi32>
      %add3A_1096 = arith.addi %shift_right_arithmetic3A_1091, %add3A_1095 : vector<16xi32>
      %select_n3A_1097 = arith.select %le3A_1093, %add3A_1096, %select_n3A_1086 : vector<16xi1>, vector<16xi32>
      %select_n3A_1098 = arith.select %le3A_1093, %select_n3A_1087, %shift_right_arithmetic3A_1091 : vector<16xi1>, vector<16xi32>
      %lt3A_1099 = arith.cmpi slt, %add3A_987, %min3A_543 : vector<16xi32>
      %mul3A_1100 = arith.constant 513 : i32
      %mul3A_1101 = arith.muli %select_n3A, %mul3A_1100 : i32
      %add3A_1102 = vector.broadcast %mul3A_1101 : i32 to vector<16xi32>
      %add3A_1103 = arith.addi %add3A_1102, %select_n3A_1097 : vector<16xi32>
      %broadcast_in_dim3A_1104 = vector.broadcast %add3A_547 : i32 to vector<16xi32>
      %select_n3A_1105 = arith.select %lt3A_1099, %add3A_1103, %broadcast_in_dim3A_1104 : vector<16xi1>, vector<16xi32>
      %mul3A_1106 = arith.constant 16 : i32
      %mul3A_1107 = arith.muli %scan3A_979, %mul3A_1106 : i32
      %add3A_1108 = arith.constant 320 : i32
      %add3A_1109 = arith.addi %add3A_1108, %mul3A_1107 : i32
      %swap3A_1110 = arith.index_cast %add3A_1109 : i32 to index
      %swap3A_1111 = tpu.vector_load %arg10[%swap3A_1110] {strides = array<i32>} : memref<1024xi32, #tpu.memory_space<vmem>>, vector<16xi32>,
      tpu.vector_store %arg10[%swap3A_1110], %select_n3A_1105 {strides = array<i32>} : memref<1024xi32, #tpu.memory_space<vmem>>, vector<16xi32>,
      %not3A = arith.constant dense<true> : vector<16xi1>
      %not3A_1112 = arith.xori %lt3A_1099, %not3A : vector<16xi1>
      %convert_element_type3A_1113 = arith.extui %not3A_1112 : vector<16xi1> to vector<16xi32>
      %mul3A_1114 = arith.constant 16 : i32
      %mul3A_1115 = arith.muli %scan3A_979, %mul3A_1114 : i32
      %add3A_1116 = arith.constant 320 : i32
      %add3A_1117 = arith.addi %add3A_1116, %mul3A_1115 : i32
      %swap3A_1118 = arith.index_cast %add3A_1117 : i32 to index
      %swap3A_1119 = tpu.vector_load %arg11[%swap3A_1118] {strides = array<i32>} : memref<1024xi32, #tpu.memory_space<vmem>>, vector<16xi32>,
      tpu.vector_store %arg11[%swap3A_1118], %convert_element_type3A_1113 {strides = array<i32>} : memref<1024xi32, #tpu.memory_space<vmem>>, vector<16xi32>,
      %scan3A_1120 = arith.constant 0 : i32
      scf.yield %scan3A_1120 : i32
    }
    %scan3A_669 = arith.constant 4 : i32
    %dma_wait3A_670 = arith.constant 0 : i32
    %dma_wait3A_671 = tpu.memref_slice %arg5[%add3A_658, %dma_wait3A_670] : memref<32768x256xf32, #tpu.memory_space<hbm>> -> memref<64x256xf32, #tpu.memory_space<hbm>>
    %dma_wait3A_672 = arith.constant 0 : i32
    %dma_wait3A_673 = tpu.memref_slice %arg5[%add3A_658, %dma_wait3A_672] : memref<32768x256xf32, #tpu.memory_space<hbm>> -> memref<64x256xf32, #tpu.memory_space<hbm>>
    tpu.wait_dma2 semaphore(%arg17 : memref<!tpu.dma_semaphore, #tpu.memory_space<semaphore_mem>>) src(%arg13 : memref<64x256xf32, #tpu.memory_space<vmem>>) dst(%dma_wait3A_673 : memref<64x256xf32, #tpu.memory_space<hbm>>)
    %dma_start3A_674 = arith.constant 320 : i32
    %dma_start3A_675 = tpu.memref_slice %arg10[%dma_start3A_674] : memref<1024xi32, #tpu.memory_space<vmem>> -> memref<64xi32, #tpu.memory_space<vmem>>
    %dma_start3A_676 = arith.constant 0 : i32
    %dma_start3A_677 = arith.constant 0 : i32
    %dma_start3A_678 = tpu.memref_slice %arg2[%dma_start3A_676, %dma_start3A_677] : memref<8208x256xf32, #tpu.memory_space<hbm>> -> memref<8208x256xf32, #tpu.memory_space<hbm>>
    tpu.enqueue_indirect_dma source(%dma_start3A_678 : memref<8208x256xf32, #tpu.memory_space<hbm>>) target(%arg13 : memref<64x256xf32, #tpu.memory_space<vmem>>) offsets(%dma_start3A_675 : memref<64xi32, #tpu.memory_space<vmem>>) semaphore(%arg15 : memref<!tpu.dma_semaphore, #tpu.memory_space<semaphore_mem>>)
    %dma_wait3A_679 = arith.constant 256 : i32
    %dma_wait3A_680 = tpu.memref_slice %arg10[%dma_wait3A_679] : memref<1024xi32, #tpu.memory_space<vmem>> -> memref<64xi32, #tpu.memory_space<vmem>>
    %dma_wait3A_681 = arith.constant 0 : i32
    %dma_wait3A_682 = arith.constant 0 : i32
    %dma_wait3A_683 = tpu.memref_slice %arg2[%dma_wait3A_681, %dma_wait3A_682] : memref<8208x256xf32, #tpu.memory_space<hbm>> -> memref<8208x256xf32, #tpu.memory_space<hbm>>
    tpu.wait_indirect_dma semaphore(%arg14 : memref<!tpu.dma_semaphore, #tpu.memory_space<semaphore_mem>>) src(%dma_wait3A_683 : memref<8208x256xf32, #tpu.memory_space<hbm>>) dst(%arg12 : memref<64x256xf32, #tpu.memory_space<vmem>>)
    %add3A_684 = arith.constant 256 : i32
    %add3A_685 = arith.addi %mul3A_549, %add3A_684 : i32
    %dma_start3A_686 = arith.constant 0 : i32
    %dma_start3A_687 = tpu.memref_slice %arg5[%add3A_685, %dma_start3A_686] : memref<32768x256xf32, #tpu.memory_space<hbm>> -> memref<64x256xf32, #tpu.memory_space<hbm>>
    %dma_start3A_688 = arith.constant 0 : i32
    %dma_start3A_689 = tpu.memref_slice %arg5[%add3A_685, %dma_start3A_688] : memref<32768x256xf32, #tpu.memory_space<hbm>> -> memref<64x256xf32, #tpu.memory_space<hbm>>
    tpu.enqueue_dma source(%arg12 : memref<64x256xf32, #tpu.memory_space<vmem>>) target(%dma_start3A_689 : memref<64x256xf32, #tpu.memory_space<hbm>>) target_semaphore(%arg16 : memref<!tpu.dma_semaphore, #tpu.memory_space<semaphore_mem>>)
    %scan3A_690 = arith.constant 0 : i32
    %scan3A_691 = arith.constant 0 : i32
    %scan3A_692 = arith.constant 4 : i32
    %scan3A_693 = arith.addi %scan3A_691, %scan3A_692 : i32
    %scan3A_694 = arith.constant 1 : i32
    %scan3A_695 = scf.for %scan3A_979 = %scan3A_691 to %scan3A_693 step %scan3A_694 iter_args(%scan3A_980 = %scan3A_690) -> (i32)  : i32 {
      %add3A_981 = arith.constant 384 : i32
      %add3A_982 = arith.addi %mul3A_32, %add3A_981 : i32
      %mul3A_983 = arith.constant 16 : i32
      %mul3A_984 = arith.muli %scan3A_979, %mul3A_983 : i32
      %add3A_985 = arith.addi %add3A_982, %mul3A_984 : i32
      %add3A_986 = vector.broadcast %add3A_985 : i32 to vector<16xi32>
      %add3A_987 = arith.addi %add3A_986, %iota3A : vector<16xi32>
      %broadcast_in_dim3A_988 = arith.constant 0 : i32
      %broadcast_in_dim3A_989 = vector.broadcast %broadcast_in_dim3A_988 : i32 to vector<16xi32>
      %broadcast_in_dim3A_990 = arith.constant 512 : i32
      %broadcast_in_dim3A_991 = vector.broadcast %broadcast_in_dim3A_990 : i32 to vector<16xi32>
      %add3A_992 = arith.addi %broadcast_in_dim3A_989, %broadcast_in_dim3A_991 : vector<16xi32>
      %shift_right_arithmetic3A = arith.constant 1 : i32
      %shift_right_arithmetic3A_993 = vector.broadcast %shift_right_arithmetic3A : i32 to vector<16xi32>
      %shift_right_arithmetic3A_994 = arith.shrsi %add3A_992, %shift_right_arithmetic3A_993 : vector<16xi32>
      %gather3A = tpu.vector_load_idx %arg8[%shift_right_arithmetic3A_994] : memref<512xi32, #tpu.memory_space<vmem>>[vector<16xi32>], vector<16xi32>,
      %le3A = arith.cmpi sle, %gather3A, %add3A_987 : vector<16xi32>
      %add3A_995 = arith.constant 1 : i32
      %add3A_996 = vector.broadcast %add3A_995 : i32 to vector<16xi32>
      %add3A_997 = arith.addi %shift_right_arithmetic3A_994, %add3A_996 : vector<16xi32>
      %select_n3A_998 = arith.select %le3A, %add3A_997, %broadcast_in_dim3A_989 : vector<16xi1>, vector<16xi32>
      %select_n3A_999 = arith.select %le3A, %broadcast_in_dim3A_991, %shift_right_arithmetic3A_994 : vector<16xi1>, vector<16xi32>
      %add3A_1000 = arith.addi %select_n3A_998, %select_n3A_999 : vector<16xi32>
      %shift_right_arithmetic3A_1001 = arith.constant 1 : i32
      %shift_right_arithmetic3A_1002 = vector.broadcast %shift_right_arithmetic3A_1001 : i32 to vector<16xi32>
      %shift_right_arithmetic3A_1003 = arith.shrsi %add3A_1000, %shift_right_arithmetic3A_1002 : vector<16xi32>
      %gather3A_1004 = tpu.vector_load_idx %arg8[%shift_right_arithmetic3A_1003] : memref<512xi32, #tpu.memory_space<vmem>>[vector<16xi32>], vector<16xi32>,
      %le3A_1005 = arith.cmpi sle, %gather3A_1004, %add3A_987 : vector<16xi32>
      %add3A_1006 = arith.constant 1 : i32
      %add3A_1007 = vector.broadcast %add3A_1006 : i32 to vector<16xi32>
      %add3A_1008 = arith.addi %shift_right_arithmetic3A_1003, %add3A_1007 : vector<16xi32>
      %select_n3A_1009 = arith.select %le3A_1005, %add3A_1008, %select_n3A_998 : vector<16xi1>, vector<16xi32>
      %select_n3A_1010 = arith.select %le3A_1005, %select_n3A_999, %shift_right_arithmetic3A_1003 : vector<16xi1>, vector<16xi32>
      %add3A_1011 = arith.addi %select_n3A_1009, %select_n3A_1010 : vector<16xi32>
      %shift_right_arithmetic3A_1012 = arith.constant 1 : i32
      %shift_right_arithmetic3A_1013 = vector.broadcast %shift_right_arithmetic3A_1012 : i32 to vector<16xi32>
      %shift_right_arithmetic3A_1014 = arith.shrsi %add3A_1011, %shift_right_arithmetic3A_1013 : vector<16xi32>
      %gather3A_1015 = tpu.vector_load_idx %arg8[%shift_right_arithmetic3A_1014] : memref<512xi32, #tpu.memory_space<vmem>>[vector<16xi32>], vector<16xi32>,
      %le3A_1016 = arith.cmpi sle, %gather3A_1015, %add3A_987 : vector<16xi32>
      %add3A_1017 = arith.constant 1 : i32
      %add3A_1018 = vector.broadcast %add3A_1017 : i32 to vector<16xi32>
      %add3A_1019 = arith.addi %shift_right_arithmetic3A_1014, %add3A_1018 : vector<16xi32>
      %select_n3A_1020 = arith.select %le3A_1016, %add3A_1019, %select_n3A_1009 : vector<16xi1>, vector<16xi32>
      %select_n3A_1021 = arith.select %le3A_1016, %select_n3A_1010, %shift_right_arithmetic3A_1014 : vector<16xi1>, vector<16xi32>
      %add3A_1022 = arith.addi %select_n3A_1020, %select_n3A_1021 : vector<16xi32>
      %shift_right_arithmetic3A_1023 = arith.constant 1 : i32
      %shift_right_arithmetic3A_1024 = vector.broadcast %shift_right_arithmetic3A_1023 : i32 to vector<16xi32>
      %shift_right_arithmetic3A_1025 = arith.shrsi %add3A_1022, %shift_right_arithmetic3A_1024 : vector<16xi32>
      %gather3A_1026 = tpu.vector_load_idx %arg8[%shift_right_arithmetic3A_1025] : memref<512xi32, #tpu.memory_space<vmem>>[vector<16xi32>], vector<16xi32>,
      %le3A_1027 = arith.cmpi sle, %gather3A_1026, %add3A_987 : vector<16xi32>
      %add3A_1028 = arith.constant 1 : i32
      %add3A_1029 = vector.broadcast %add3A_1028 : i32 to vector<16xi32>
      %add3A_1030 = arith.addi %shift_right_arithmetic3A_1025, %add3A_1029 : vector<16xi32>
      %select_n3A_1031 = arith.select %le3A_1027, %add3A_1030, %select_n3A_1020 : vector<16xi1>, vector<16xi32>
      %select_n3A_1032 = arith.select %le3A_1027, %select_n3A_1021, %shift_right_arithmetic3A_1025 : vector<16xi1>, vector<16xi32>
      %add3A_1033 = arith.addi %select_n3A_1031, %select_n3A_1032 : vector<16xi32>
      %shift_right_arithmetic3A_1034 = arith.constant 1 : i32
      %shift_right_arithmetic3A_1035 = vector.broadcast %shift_right_arithmetic3A_1034 : i32 to vector<16xi32>
      %shift_right_arithmetic3A_1036 = arith.shrsi %add3A_1033, %shift_right_arithmetic3A_1035 : vector<16xi32>
      %gather3A_1037 = tpu.vector_load_idx %arg8[%shift_right_arithmetic3A_1036] : memref<512xi32, #tpu.memory_space<vmem>>[vector<16xi32>], vector<16xi32>,
      %le3A_1038 = arith.cmpi sle, %gather3A_1037, %add3A_987 : vector<16xi32>
      %add3A_1039 = arith.constant 1 : i32
      %add3A_1040 = vector.broadcast %add3A_1039 : i32 to vector<16xi32>
      %add3A_1041 = arith.addi %shift_right_arithmetic3A_1036, %add3A_1040 : vector<16xi32>
      %select_n3A_1042 = arith.select %le3A_1038, %add3A_1041, %select_n3A_1031 : vector<16xi1>, vector<16xi32>
      %select_n3A_1043 = arith.select %le3A_1038, %select_n3A_1032, %shift_right_arithmetic3A_1036 : vector<16xi1>, vector<16xi32>
      %add3A_1044 = arith.addi %select_n3A_1042, %select_n3A_1043 : vector<16xi32>
      %shift_right_arithmetic3A_1045 = arith.constant 1 : i32
      %shift_right_arithmetic3A_1046 = vector.broadcast %shift_right_arithmetic3A_1045 : i32 to vector<16xi32>
      %shift_right_arithmetic3A_1047 = arith.shrsi %add3A_1044, %shift_right_arithmetic3A_1046 : vector<16xi32>
      %gather3A_1048 = tpu.vector_load_idx %arg8[%shift_right_arithmetic3A_1047] : memref<512xi32, #tpu.memory_space<vmem>>[vector<16xi32>], vector<16xi32>,
      %le3A_1049 = arith.cmpi sle, %gather3A_1048, %add3A_987 : vector<16xi32>
      %add3A_1050 = arith.constant 1 : i32
      %add3A_1051 = vector.broadcast %add3A_1050 : i32 to vector<16xi32>
      %add3A_1052 = arith.addi %shift_right_arithmetic3A_1047, %add3A_1051 : vector<16xi32>
      %select_n3A_1053 = arith.select %le3A_1049, %add3A_1052, %select_n3A_1042 : vector<16xi1>, vector<16xi32>
      %select_n3A_1054 = arith.select %le3A_1049, %select_n3A_1043, %shift_right_arithmetic3A_1047 : vector<16xi1>, vector<16xi32>
      %add3A_1055 = arith.addi %select_n3A_1053, %select_n3A_1054 : vector<16xi32>
      %shift_right_arithmetic3A_1056 = arith.constant 1 : i32
      %shift_right_arithmetic3A_1057 = vector.broadcast %shift_right_arithmetic3A_1056 : i32 to vector<16xi32>
      %shift_right_arithmetic3A_1058 = arith.shrsi %add3A_1055, %shift_right_arithmetic3A_1057 : vector<16xi32>
      %gather3A_1059 = tpu.vector_load_idx %arg8[%shift_right_arithmetic3A_1058] : memref<512xi32, #tpu.memory_space<vmem>>[vector<16xi32>], vector<16xi32>,
      %le3A_1060 = arith.cmpi sle, %gather3A_1059, %add3A_987 : vector<16xi32>
      %add3A_1061 = arith.constant 1 : i32
      %add3A_1062 = vector.broadcast %add3A_1061 : i32 to vector<16xi32>
      %add3A_1063 = arith.addi %shift_right_arithmetic3A_1058, %add3A_1062 : vector<16xi32>
      %select_n3A_1064 = arith.select %le3A_1060, %add3A_1063, %select_n3A_1053 : vector<16xi1>, vector<16xi32>
      %select_n3A_1065 = arith.select %le3A_1060, %select_n3A_1054, %shift_right_arithmetic3A_1058 : vector<16xi1>, vector<16xi32>
      %add3A_1066 = arith.addi %select_n3A_1064, %select_n3A_1065 : vector<16xi32>
      %shift_right_arithmetic3A_1067 = arith.constant 1 : i32
      %shift_right_arithmetic3A_1068 = vector.broadcast %shift_right_arithmetic3A_1067 : i32 to vector<16xi32>
      %shift_right_arithmetic3A_1069 = arith.shrsi %add3A_1066, %shift_right_arithmetic3A_1068 : vector<16xi32>
      %gather3A_1070 = tpu.vector_load_idx %arg8[%shift_right_arithmetic3A_1069] : memref<512xi32, #tpu.memory_space<vmem>>[vector<16xi32>], vector<16xi32>,
      %le3A_1071 = arith.cmpi sle, %gather3A_1070, %add3A_987 : vector<16xi32>
      %add3A_1072 = arith.constant 1 : i32
      %add3A_1073 = vector.broadcast %add3A_1072 : i32 to vector<16xi32>
      %add3A_1074 = arith.addi %shift_right_arithmetic3A_1069, %add3A_1073 : vector<16xi32>
      %select_n3A_1075 = arith.select %le3A_1071, %add3A_1074, %select_n3A_1064 : vector<16xi1>, vector<16xi32>
      %select_n3A_1076 = arith.select %le3A_1071, %select_n3A_1065, %shift_right_arithmetic3A_1069 : vector<16xi1>, vector<16xi32>
      %add3A_1077 = arith.addi %select_n3A_1075, %select_n3A_1076 : vector<16xi32>
      %shift_right_arithmetic3A_1078 = arith.constant 1 : i32
      %shift_right_arithmetic3A_1079 = vector.broadcast %shift_right_arithmetic3A_1078 : i32 to vector<16xi32>
      %shift_right_arithmetic3A_1080 = arith.shrsi %add3A_1077, %shift_right_arithmetic3A_1079 : vector<16xi32>
      %gather3A_1081 = tpu.vector_load_idx %arg8[%shift_right_arithmetic3A_1080] : memref<512xi32, #tpu.memory_space<vmem>>[vector<16xi32>], vector<16xi32>,
      %le3A_1082 = arith.cmpi sle, %gather3A_1081, %add3A_987 : vector<16xi32>
      %add3A_1083 = arith.constant 1 : i32
      %add3A_1084 = vector.broadcast %add3A_1083 : i32 to vector<16xi32>
      %add3A_1085 = arith.addi %shift_right_arithmetic3A_1080, %add3A_1084 : vector<16xi32>
      %select_n3A_1086 = arith.select %le3A_1082, %add3A_1085, %select_n3A_1075 : vector<16xi1>, vector<16xi32>
      %select_n3A_1087 = arith.select %le3A_1082, %select_n3A_1076, %shift_right_arithmetic3A_1080 : vector<16xi1>, vector<16xi32>
      %add3A_1088 = arith.addi %select_n3A_1086, %select_n3A_1087 : vector<16xi32>
      %shift_right_arithmetic3A_1089 = arith.constant 1 : i32
      %shift_right_arithmetic3A_1090 = vector.broadcast %shift_right_arithmetic3A_1089 : i32 to vector<16xi32>
      %shift_right_arithmetic3A_1091 = arith.shrsi %add3A_1088, %shift_right_arithmetic3A_1090 : vector<16xi32>
      %gather3A_1092 = tpu.vector_load_idx %arg8[%shift_right_arithmetic3A_1091] : memref<512xi32, #tpu.memory_space<vmem>>[vector<16xi32>], vector<16xi32>,
      %le3A_1093 = arith.cmpi sle, %gather3A_1092, %add3A_987 : vector<16xi32>
      %add3A_1094 = arith.constant 1 : i32
      %add3A_1095 = vector.broadcast %add3A_1094 : i32 to vector<16xi32>
      %add3A_1096 = arith.addi %shift_right_arithmetic3A_1091, %add3A_1095 : vector<16xi32>
      %select_n3A_1097 = arith.select %le3A_1093, %add3A_1096, %select_n3A_1086 : vector<16xi1>, vector<16xi32>
      %select_n3A_1098 = arith.select %le3A_1093, %select_n3A_1087, %shift_right_arithmetic3A_1091 : vector<16xi1>, vector<16xi32>
      %lt3A_1099 = arith.cmpi slt, %add3A_987, %min3A_543 : vector<16xi32>
      %mul3A_1100 = arith.constant 513 : i32
      %mul3A_1101 = arith.muli %select_n3A, %mul3A_1100 : i32
      %add3A_1102 = vector.broadcast %mul3A_1101 : i32 to vector<16xi32>
      %add3A_1103 = arith.addi %add3A_1102, %select_n3A_1097 : vector<16xi32>
      %broadcast_in_dim3A_1104 = vector.broadcast %add3A_547 : i32 to vector<16xi32>
      %select_n3A_1105 = arith.select %lt3A_1099, %add3A_1103, %broadcast_in_dim3A_1104 : vector<16xi1>, vector<16xi32>
      %mul3A_1106 = arith.constant 16 : i32
      %mul3A_1107 = arith.muli %scan3A_979, %mul3A_1106 : i32
      %add3A_1108 = arith.constant 384 : i32
      %add3A_1109 = arith.addi %add3A_1108, %mul3A_1107 : i32
      %swap3A_1110 = arith.index_cast %add3A_1109 : i32 to index
      %swap3A_1111 = tpu.vector_load %arg10[%swap3A_1110] {strides = array<i32>} : memref<1024xi32, #tpu.memory_space<vmem>>, vector<16xi32>,
      tpu.vector_store %arg10[%swap3A_1110], %select_n3A_1105 {strides = array<i32>} : memref<1024xi32, #tpu.memory_space<vmem>>, vector<16xi32>,
      %not3A = arith.constant dense<true> : vector<16xi1>
      %not3A_1112 = arith.xori %lt3A_1099, %not3A : vector<16xi1>
      %convert_element_type3A_1113 = arith.extui %not3A_1112 : vector<16xi1> to vector<16xi32>
      %mul3A_1114 = arith.constant 16 : i32
      %mul3A_1115 = arith.muli %scan3A_979, %mul3A_1114 : i32
      %add3A_1116 = arith.constant 384 : i32
      %add3A_1117 = arith.addi %add3A_1116, %mul3A_1115 : i32
      %swap3A_1118 = arith.index_cast %add3A_1117 : i32 to index
      %swap3A_1119 = tpu.vector_load %arg11[%swap3A_1118] {strides = array<i32>} : memref<1024xi32, #tpu.memory_space<vmem>>, vector<16xi32>,
      tpu.vector_store %arg11[%swap3A_1118], %convert_element_type3A_1113 {strides = array<i32>} : memref<1024xi32, #tpu.memory_space<vmem>>, vector<16xi32>,
      %scan3A_1120 = arith.constant 0 : i32
      scf.yield %scan3A_1120 : i32
    }
    %scan3A_696 = arith.constant 4 : i32
    %dma_wait3A_697 = arith.constant 0 : i32
    %dma_wait3A_698 = tpu.memref_slice %arg5[%add3A_685, %dma_wait3A_697] : memref<32768x256xf32, #tpu.memory_space<hbm>> -> memref<64x256xf32, #tpu.memory_space<hbm>>
    %dma_wait3A_699 = arith.constant 0 : i32
    %dma_wait3A_700 = tpu.memref_slice %arg5[%add3A_685, %dma_wait3A_699] : memref<32768x256xf32, #tpu.memory_space<hbm>> -> memref<64x256xf32, #tpu.memory_space<hbm>>
    tpu.wait_dma2 semaphore(%arg16 : memref<!tpu.dma_semaphore, #tpu.memory_space<semaphore_mem>>) src(%arg12 : memref<64x256xf32, #tpu.memory_space<vmem>>) dst(%dma_wait3A_700 : memref<64x256xf32, #tpu.memory_space<hbm>>)
    %dma_start3A_701 = arith.constant 384 : i32
    %dma_start3A_702 = tpu.memref_slice %arg10[%dma_start3A_701] : memref<1024xi32, #tpu.memory_space<vmem>> -> memref<64xi32, #tpu.memory_space<vmem>>
    %dma_start3A_703 = arith.constant 0 : i32
    %dma_start3A_704 = arith.constant 0 : i32
    %dma_start3A_705 = tpu.memref_slice %arg2[%dma_start3A_703, %dma_start3A_704] : memref<8208x256xf32, #tpu.memory_space<hbm>> -> memref<8208x256xf32, #tpu.memory_space<hbm>>
    tpu.enqueue_indirect_dma source(%dma_start3A_705 : memref<8208x256xf32, #tpu.memory_space<hbm>>) target(%arg12 : memref<64x256xf32, #tpu.memory_space<vmem>>) offsets(%dma_start3A_702 : memref<64xi32, #tpu.memory_space<vmem>>) semaphore(%arg14 : memref<!tpu.dma_semaphore, #tpu.memory_space<semaphore_mem>>)
    %dma_wait3A_706 = arith.constant 320 : i32
    %dma_wait3A_707 = tpu.memref_slice %arg10[%dma_wait3A_706] : memref<1024xi32, #tpu.memory_space<vmem>> -> memref<64xi32, #tpu.memory_space<vmem>>
    %dma_wait3A_708 = arith.constant 0 : i32
    %dma_wait3A_709 = arith.constant 0 : i32
    %dma_wait3A_710 = tpu.memref_slice %arg2[%dma_wait3A_708, %dma_wait3A_709] : memref<8208x256xf32, #tpu.memory_space<hbm>> -> memref<8208x256xf32, #tpu.memory_space<hbm>>
    tpu.wait_indirect_dma semaphore(%arg15 : memref<!tpu.dma_semaphore, #tpu.memory_space<semaphore_mem>>) src(%dma_wait3A_710 : memref<8208x256xf32, #tpu.memory_space<hbm>>) dst(%arg13 : memref<64x256xf32, #tpu.memory_space<vmem>>)
    %add3A_711 = arith.constant 320 : i32
    %add3A_712 = arith.addi %mul3A_549, %add3A_711 : i32
    %dma_start3A_713 = arith.constant 0 : i32
    %dma_start3A_714 = tpu.memref_slice %arg5[%add3A_712, %dma_start3A_713] : memref<32768x256xf32, #tpu.memory_space<hbm>> -> memref<64x256xf32, #tpu.memory_space<hbm>>
    %dma_start3A_715 = arith.constant 0 : i32
    %dma_start3A_716 = tpu.memref_slice %arg5[%add3A_712, %dma_start3A_715] : memref<32768x256xf32, #tpu.memory_space<hbm>> -> memref<64x256xf32, #tpu.memory_space<hbm>>
    tpu.enqueue_dma source(%arg13 : memref<64x256xf32, #tpu.memory_space<vmem>>) target(%dma_start3A_716 : memref<64x256xf32, #tpu.memory_space<hbm>>) target_semaphore(%arg17 : memref<!tpu.dma_semaphore, #tpu.memory_space<semaphore_mem>>)
    %scan3A_717 = arith.constant 0 : i32
    %scan3A_718 = arith.constant 0 : i32
    %scan3A_719 = arith.constant 4 : i32
    %scan3A_720 = arith.addi %scan3A_718, %scan3A_719 : i32
    %scan3A_721 = arith.constant 1 : i32
    %scan3A_722 = scf.for %scan3A_979 = %scan3A_718 to %scan3A_720 step %scan3A_721 iter_args(%scan3A_980 = %scan3A_717) -> (i32)  : i32 {
      %add3A_981 = arith.constant 448 : i32
      %add3A_982 = arith.addi %mul3A_32, %add3A_981 : i32
      %mul3A_983 = arith.constant 16 : i32
      %mul3A_984 = arith.muli %scan3A_979, %mul3A_983 : i32
      %add3A_985 = arith.addi %add3A_982, %mul3A_984 : i32
      %add3A_986 = vector.broadcast %add3A_985 : i32 to vector<16xi32>
      %add3A_987 = arith.addi %add3A_986, %iota3A : vector<16xi32>
      %broadcast_in_dim3A_988 = arith.constant 0 : i32
      %broadcast_in_dim3A_989 = vector.broadcast %broadcast_in_dim3A_988 : i32 to vector<16xi32>
      %broadcast_in_dim3A_990 = arith.constant 512 : i32
      %broadcast_in_dim3A_991 = vector.broadcast %broadcast_in_dim3A_990 : i32 to vector<16xi32>
      %add3A_992 = arith.addi %broadcast_in_dim3A_989, %broadcast_in_dim3A_991 : vector<16xi32>
      %shift_right_arithmetic3A = arith.constant 1 : i32
      %shift_right_arithmetic3A_993 = vector.broadcast %shift_right_arithmetic3A : i32 to vector<16xi32>
      %shift_right_arithmetic3A_994 = arith.shrsi %add3A_992, %shift_right_arithmetic3A_993 : vector<16xi32>
      %gather3A = tpu.vector_load_idx %arg8[%shift_right_arithmetic3A_994] : memref<512xi32, #tpu.memory_space<vmem>>[vector<16xi32>], vector<16xi32>,
      %le3A = arith.cmpi sle, %gather3A, %add3A_987 : vector<16xi32>
      %add3A_995 = arith.constant 1 : i32
      %add3A_996 = vector.broadcast %add3A_995 : i32 to vector<16xi32>
      %add3A_997 = arith.addi %shift_right_arithmetic3A_994, %add3A_996 : vector<16xi32>
      %select_n3A_998 = arith.select %le3A, %add3A_997, %broadcast_in_dim3A_989 : vector<16xi1>, vector<16xi32>
      %select_n3A_999 = arith.select %le3A, %broadcast_in_dim3A_991, %shift_right_arithmetic3A_994 : vector<16xi1>, vector<16xi32>
      %add3A_1000 = arith.addi %select_n3A_998, %select_n3A_999 : vector<16xi32>
      %shift_right_arithmetic3A_1001 = arith.constant 1 : i32
      %shift_right_arithmetic3A_1002 = vector.broadcast %shift_right_arithmetic3A_1001 : i32 to vector<16xi32>
      %shift_right_arithmetic3A_1003 = arith.shrsi %add3A_1000, %shift_right_arithmetic3A_1002 : vector<16xi32>
      %gather3A_1004 = tpu.vector_load_idx %arg8[%shift_right_arithmetic3A_1003] : memref<512xi32, #tpu.memory_space<vmem>>[vector<16xi32>], vector<16xi32>,
      %le3A_1005 = arith.cmpi sle, %gather3A_1004, %add3A_987 : vector<16xi32>
      %add3A_1006 = arith.constant 1 : i32
      %add3A_1007 = vector.broadcast %add3A_1006 : i32 to vector<16xi32>
      %add3A_1008 = arith.addi %shift_right_arithmetic3A_1003, %add3A_1007 : vector<16xi32>
      %select_n3A_1009 = arith.select %le3A_1005, %add3A_1008, %select_n3A_998 : vector<16xi1>, vector<16xi32>
      %select_n3A_1010 = arith.select %le3A_1005, %select_n3A_999, %shift_right_arithmetic3A_1003 : vector<16xi1>, vector<16xi32>
      %add3A_1011 = arith.addi %select_n3A_1009, %select_n3A_1010 : vector<16xi32>
      %shift_right_arithmetic3A_1012 = arith.constant 1 : i32
      %shift_right_arithmetic3A_1013 = vector.broadcast %shift_right_arithmetic3A_1012 : i32 to vector<16xi32>
      %shift_right_arithmetic3A_1014 = arith.shrsi %add3A_1011, %shift_right_arithmetic3A_1013 : vector<16xi32>
      %gather3A_1015 = tpu.vector_load_idx %arg8[%shift_right_arithmetic3A_1014] : memref<512xi32, #tpu.memory_space<vmem>>[vector<16xi32>], vector<16xi32>,
      %le3A_1016 = arith.cmpi sle, %gather3A_1015, %add3A_987 : vector<16xi32>
      %add3A_1017 = arith.constant 1 : i32
      %add3A_1018 = vector.broadcast %add3A_1017 : i32 to vector<16xi32>
      %add3A_1019 = arith.addi %shift_right_arithmetic3A_1014, %add3A_1018 : vector<16xi32>
      %select_n3A_1020 = arith.select %le3A_1016, %add3A_1019, %select_n3A_1009 : vector<16xi1>, vector<16xi32>
      %select_n3A_1021 = arith.select %le3A_1016, %select_n3A_1010, %shift_right_arithmetic3A_1014 : vector<16xi1>, vector<16xi32>
      %add3A_1022 = arith.addi %select_n3A_1020, %select_n3A_1021 : vector<16xi32>
      %shift_right_arithmetic3A_1023 = arith.constant 1 : i32
      %shift_right_arithmetic3A_1024 = vector.broadcast %shift_right_arithmetic3A_1023 : i32 to vector<16xi32>
      %shift_right_arithmetic3A_1025 = arith.shrsi %add3A_1022, %shift_right_arithmetic3A_1024 : vector<16xi32>
      %gather3A_1026 = tpu.vector_load_idx %arg8[%shift_right_arithmetic3A_1025] : memref<512xi32, #tpu.memory_space<vmem>>[vector<16xi32>], vector<16xi32>,
      %le3A_1027 = arith.cmpi sle, %gather3A_1026, %add3A_987 : vector<16xi32>
      %add3A_1028 = arith.constant 1 : i32
      %add3A_1029 = vector.broadcast %add3A_1028 : i32 to vector<16xi32>
      %add3A_1030 = arith.addi %shift_right_arithmetic3A_1025, %add3A_1029 : vector<16xi32>
      %select_n3A_1031 = arith.select %le3A_1027, %add3A_1030, %select_n3A_1020 : vector<16xi1>, vector<16xi32>
      %select_n3A_1032 = arith.select %le3A_1027, %select_n3A_1021, %shift_right_arithmetic3A_1025 : vector<16xi1>, vector<16xi32>
      %add3A_1033 = arith.addi %select_n3A_1031, %select_n3A_1032 : vector<16xi32>
      %shift_right_arithmetic3A_1034 = arith.constant 1 : i32
      %shift_right_arithmetic3A_1035 = vector.broadcast %shift_right_arithmetic3A_1034 : i32 to vector<16xi32>
      %shift_right_arithmetic3A_1036 = arith.shrsi %add3A_1033, %shift_right_arithmetic3A_1035 : vector<16xi32>
      %gather3A_1037 = tpu.vector_load_idx %arg8[%shift_right_arithmetic3A_1036] : memref<512xi32, #tpu.memory_space<vmem>>[vector<16xi32>], vector<16xi32>,
      %le3A_1038 = arith.cmpi sle, %gather3A_1037, %add3A_987 : vector<16xi32>
      %add3A_1039 = arith.constant 1 : i32
      %add3A_1040 = vector.broadcast %add3A_1039 : i32 to vector<16xi32>
      %add3A_1041 = arith.addi %shift_right_arithmetic3A_1036, %add3A_1040 : vector<16xi32>
      %select_n3A_1042 = arith.select %le3A_1038, %add3A_1041, %select_n3A_1031 : vector<16xi1>, vector<16xi32>
      %select_n3A_1043 = arith.select %le3A_1038, %select_n3A_1032, %shift_right_arithmetic3A_1036 : vector<16xi1>, vector<16xi32>
      %add3A_1044 = arith.addi %select_n3A_1042, %select_n3A_1043 : vector<16xi32>
      %shift_right_arithmetic3A_1045 = arith.constant 1 : i32
      %shift_right_arithmetic3A_1046 = vector.broadcast %shift_right_arithmetic3A_1045 : i32 to vector<16xi32>
      %shift_right_arithmetic3A_1047 = arith.shrsi %add3A_1044, %shift_right_arithmetic3A_1046 : vector<16xi32>
      %gather3A_1048 = tpu.vector_load_idx %arg8[%shift_right_arithmetic3A_1047] : memref<512xi32, #tpu.memory_space<vmem>>[vector<16xi32>], vector<16xi32>,
      %le3A_1049 = arith.cmpi sle, %gather3A_1048, %add3A_987 : vector<16xi32>
      %add3A_1050 = arith.constant 1 : i32
      %add3A_1051 = vector.broadcast %add3A_1050 : i32 to vector<16xi32>
      %add3A_1052 = arith.addi %shift_right_arithmetic3A_1047, %add3A_1051 : vector<16xi32>
      %select_n3A_1053 = arith.select %le3A_1049, %add3A_1052, %select_n3A_1042 : vector<16xi1>, vector<16xi32>
      %select_n3A_1054 = arith.select %le3A_1049, %select_n3A_1043, %shift_right_arithmetic3A_1047 : vector<16xi1>, vector<16xi32>
      %add3A_1055 = arith.addi %select_n3A_1053, %select_n3A_1054 : vector<16xi32>
      %shift_right_arithmetic3A_1056 = arith.constant 1 : i32
      %shift_right_arithmetic3A_1057 = vector.broadcast %shift_right_arithmetic3A_1056 : i32 to vector<16xi32>
      %shift_right_arithmetic3A_1058 = arith.shrsi %add3A_1055, %shift_right_arithmetic3A_1057 : vector<16xi32>
      %gather3A_1059 = tpu.vector_load_idx %arg8[%shift_right_arithmetic3A_1058] : memref<512xi32, #tpu.memory_space<vmem>>[vector<16xi32>], vector<16xi32>,
      %le3A_1060 = arith.cmpi sle, %gather3A_1059, %add3A_987 : vector<16xi32>
      %add3A_1061 = arith.constant 1 : i32
      %add3A_1062 = vector.broadcast %add3A_1061 : i32 to vector<16xi32>
      %add3A_1063 = arith.addi %shift_right_arithmetic3A_1058, %add3A_1062 : vector<16xi32>
      %select_n3A_1064 = arith.select %le3A_1060, %add3A_1063, %select_n3A_1053 : vector<16xi1>, vector<16xi32>
      %select_n3A_1065 = arith.select %le3A_1060, %select_n3A_1054, %shift_right_arithmetic3A_1058 : vector<16xi1>, vector<16xi32>
      %add3A_1066 = arith.addi %select_n3A_1064, %select_n3A_1065 : vector<16xi32>
      %shift_right_arithmetic3A_1067 = arith.constant 1 : i32
      %shift_right_arithmetic3A_1068 = vector.broadcast %shift_right_arithmetic3A_1067 : i32 to vector<16xi32>
      %shift_right_arithmetic3A_1069 = arith.shrsi %add3A_1066, %shift_right_arithmetic3A_1068 : vector<16xi32>
      %gather3A_1070 = tpu.vector_load_idx %arg8[%shift_right_arithmetic3A_1069] : memref<512xi32, #tpu.memory_space<vmem>>[vector<16xi32>], vector<16xi32>,
      %le3A_1071 = arith.cmpi sle, %gather3A_1070, %add3A_987 : vector<16xi32>
      %add3A_1072 = arith.constant 1 : i32
      %add3A_1073 = vector.broadcast %add3A_1072 : i32 to vector<16xi32>
      %add3A_1074 = arith.addi %shift_right_arithmetic3A_1069, %add3A_1073 : vector<16xi32>
      %select_n3A_1075 = arith.select %le3A_1071, %add3A_1074, %select_n3A_1064 : vector<16xi1>, vector<16xi32>
      %select_n3A_1076 = arith.select %le3A_1071, %select_n3A_1065, %shift_right_arithmetic3A_1069 : vector<16xi1>, vector<16xi32>
      %add3A_1077 = arith.addi %select_n3A_1075, %select_n3A_1076 : vector<16xi32>
      %shift_right_arithmetic3A_1078 = arith.constant 1 : i32
      %shift_right_arithmetic3A_1079 = vector.broadcast %shift_right_arithmetic3A_1078 : i32 to vector<16xi32>
      %shift_right_arithmetic3A_1080 = arith.shrsi %add3A_1077, %shift_right_arithmetic3A_1079 : vector<16xi32>
      %gather3A_1081 = tpu.vector_load_idx %arg8[%shift_right_arithmetic3A_1080] : memref<512xi32, #tpu.memory_space<vmem>>[vector<16xi32>], vector<16xi32>,
      %le3A_1082 = arith.cmpi sle, %gather3A_1081, %add3A_987 : vector<16xi32>
      %add3A_1083 = arith.constant 1 : i32
      %add3A_1084 = vector.broadcast %add3A_1083 : i32 to vector<16xi32>
      %add3A_1085 = arith.addi %shift_right_arithmetic3A_1080, %add3A_1084 : vector<16xi32>
      %select_n3A_1086 = arith.select %le3A_1082, %add3A_1085, %select_n3A_1075 : vector<16xi1>, vector<16xi32>
      %select_n3A_1087 = arith.select %le3A_1082, %select_n3A_1076, %shift_right_arithmetic3A_1080 : vector<16xi1>, vector<16xi32>
      %add3A_1088 = arith.addi %select_n3A_1086, %select_n3A_1087 : vector<16xi32>
      %shift_right_arithmetic3A_1089 = arith.constant 1 : i32
      %shift_right_arithmetic3A_1090 = vector.broadcast %shift_right_arithmetic3A_1089 : i32 to vector<16xi32>
      %shift_right_arithmetic3A_1091 = arith.shrsi %add3A_1088, %shift_right_arithmetic3A_1090 : vector<16xi32>
      %gather3A_1092 = tpu.vector_load_idx %arg8[%shift_right_arithmetic3A_1091] : memref<512xi32, #tpu.memory_space<vmem>>[vector<16xi32>], vector<16xi32>,
      %le3A_1093 = arith.cmpi sle, %gather3A_1092, %add3A_987 : vector<16xi32>
      %add3A_1094 = arith.constant 1 : i32
      %add3A_1095 = vector.broadcast %add3A_1094 : i32 to vector<16xi32>
      %add3A_1096 = arith.addi %shift_right_arithmetic3A_1091, %add3A_1095 : vector<16xi32>
      %select_n3A_1097 = arith.select %le3A_1093, %add3A_1096, %select_n3A_1086 : vector<16xi1>, vector<16xi32>
      %select_n3A_1098 = arith.select %le3A_1093, %select_n3A_1087, %shift_right_arithmetic3A_1091 : vector<16xi1>, vector<16xi32>
      %lt3A_1099 = arith.cmpi slt, %add3A_987, %min3A_543 : vector<16xi32>
      %mul3A_1100 = arith.constant 513 : i32
      %mul3A_1101 = arith.muli %select_n3A, %mul3A_1100 : i32
      %add3A_1102 = vector.broadcast %mul3A_1101 : i32 to vector<16xi32>
      %add3A_1103 = arith.addi %add3A_1102, %select_n3A_1097 : vector<16xi32>
      %broadcast_in_dim3A_1104 = vector.broadcast %add3A_547 : i32 to vector<16xi32>
      %select_n3A_1105 = arith.select %lt3A_1099, %add3A_1103, %broadcast_in_dim3A_1104 : vector<16xi1>, vector<16xi32>
      %mul3A_1106 = arith.constant 16 : i32
      %mul3A_1107 = arith.muli %scan3A_979, %mul3A_1106 : i32
      %add3A_1108 = arith.constant 448 : i32
      %add3A_1109 = arith.addi %add3A_1108, %mul3A_1107 : i32
      %swap3A_1110 = arith.index_cast %add3A_1109 : i32 to index
      %swap3A_1111 = tpu.vector_load %arg10[%swap3A_1110] {strides = array<i32>} : memref<1024xi32, #tpu.memory_space<vmem>>, vector<16xi32>,
      tpu.vector_store %arg10[%swap3A_1110], %select_n3A_1105 {strides = array<i32>} : memref<1024xi32, #tpu.memory_space<vmem>>, vector<16xi32>,
      %not3A = arith.constant dense<true> : vector<16xi1>
      %not3A_1112 = arith.xori %lt3A_1099, %not3A : vector<16xi1>
      %convert_element_type3A_1113 = arith.extui %not3A_1112 : vector<16xi1> to vector<16xi32>
      %mul3A_1114 = arith.constant 16 : i32
      %mul3A_1115 = arith.muli %scan3A_979, %mul3A_1114 : i32
      %add3A_1116 = arith.constant 448 : i32
      %add3A_1117 = arith.addi %add3A_1116, %mul3A_1115 : i32
      %swap3A_1118 = arith.index_cast %add3A_1117 : i32 to index
      %swap3A_1119 = tpu.vector_load %arg11[%swap3A_1118] {strides = array<i32>} : memref<1024xi32, #tpu.memory_space<vmem>>, vector<16xi32>,
      tpu.vector_store %arg11[%swap3A_1118], %convert_element_type3A_1113 {strides = array<i32>} : memref<1024xi32, #tpu.memory_space<vmem>>, vector<16xi32>,
      %scan3A_1120 = arith.constant 0 : i32
      scf.yield %scan3A_1120 : i32
    }
    %scan3A_723 = arith.constant 4 : i32
    %dma_wait3A_724 = arith.constant 0 : i32
    %dma_wait3A_725 = tpu.memref_slice %arg5[%add3A_712, %dma_wait3A_724] : memref<32768x256xf32, #tpu.memory_space<hbm>> -> memref<64x256xf32, #tpu.memory_space<hbm>>
    %dma_wait3A_726 = arith.constant 0 : i32
    %dma_wait3A_727 = tpu.memref_slice %arg5[%add3A_712, %dma_wait3A_726] : memref<32768x256xf32, #tpu.memory_space<hbm>> -> memref<64x256xf32, #tpu.memory_space<hbm>>
    tpu.wait_dma2 semaphore(%arg17 : memref<!tpu.dma_semaphore, #tpu.memory_space<semaphore_mem>>) src(%arg13 : memref<64x256xf32, #tpu.memory_space<vmem>>) dst(%dma_wait3A_727 : memref<64x256xf32, #tpu.memory_space<hbm>>)
    %dma_start3A_728 = arith.constant 448 : i32
    %dma_start3A_729 = tpu.memref_slice %arg10[%dma_start3A_728] : memref<1024xi32, #tpu.memory_space<vmem>> -> memref<64xi32, #tpu.memory_space<vmem>>
    %dma_start3A_730 = arith.constant 0 : i32
    %dma_start3A_731 = arith.constant 0 : i32
    %dma_start3A_732 = tpu.memref_slice %arg2[%dma_start3A_730, %dma_start3A_731] : memref<8208x256xf32, #tpu.memory_space<hbm>> -> memref<8208x256xf32, #tpu.memory_space<hbm>>
    tpu.enqueue_indirect_dma source(%dma_start3A_732 : memref<8208x256xf32, #tpu.memory_space<hbm>>) target(%arg13 : memref<64x256xf32, #tpu.memory_space<vmem>>) offsets(%dma_start3A_729 : memref<64xi32, #tpu.memory_space<vmem>>) semaphore(%arg15 : memref<!tpu.dma_semaphore, #tpu.memory_space<semaphore_mem>>)
    %dma_wait3A_733 = arith.constant 384 : i32
    %dma_wait3A_734 = tpu.memref_slice %arg10[%dma_wait3A_733] : memref<1024xi32, #tpu.memory_space<vmem>> -> memref<64xi32, #tpu.memory_space<vmem>>
    %dma_wait3A_735 = arith.constant 0 : i32
    %dma_wait3A_736 = arith.constant 0 : i32
    %dma_wait3A_737 = tpu.memref_slice %arg2[%dma_wait3A_735, %dma_wait3A_736] : memref<8208x256xf32, #tpu.memory_space<hbm>> -> memref<8208x256xf32, #tpu.memory_space<hbm>>
    tpu.wait_indirect_dma semaphore(%arg14 : memref<!tpu.dma_semaphore, #tpu.memory_space<semaphore_mem>>) src(%dma_wait3A_737 : memref<8208x256xf32, #tpu.memory_space<hbm>>) dst(%arg12 : memref<64x256xf32, #tpu.memory_space<vmem>>)
    %add3A_738 = arith.constant 384 : i32
    %add3A_739 = arith.addi %mul3A_549, %add3A_738 : i32
    %dma_start3A_740 = arith.constant 0 : i32
    %dma_start3A_741 = tpu.memref_slice %arg5[%add3A_739, %dma_start3A_740] : memref<32768x256xf32, #tpu.memory_space<hbm>> -> memref<64x256xf32, #tpu.memory_space<hbm>>
    %dma_start3A_742 = arith.constant 0 : i32
    %dma_start3A_743 = tpu.memref_slice %arg5[%add3A_739, %dma_start3A_742] : memref<32768x256xf32, #tpu.memory_space<hbm>> -> memref<64x256xf32, #tpu.memory_space<hbm>>
    tpu.enqueue_dma source(%arg12 : memref<64x256xf32, #tpu.memory_space<vmem>>) target(%dma_start3A_743 : memref<64x256xf32, #tpu.memory_space<hbm>>) target_semaphore(%arg16 : memref<!tpu.dma_semaphore, #tpu.memory_space<semaphore_mem>>)
    %scan3A_744 = arith.constant 0 : i32
    %scan3A_745 = arith.constant 0 : i32
    %scan3A_746 = arith.constant 4 : i32
    %scan3A_747 = arith.addi %scan3A_745, %scan3A_746 : i32
    %scan3A_748 = arith.constant 1 : i32
    %scan3A_749 = scf.for %scan3A_979 = %scan3A_745 to %scan3A_747 step %scan3A_748 iter_args(%scan3A_980 = %scan3A_744) -> (i32)  : i32 {
      %add3A_981 = arith.constant 512 : i32
      %add3A_982 = arith.addi %mul3A_32, %add3A_981 : i32
      %mul3A_983 = arith.constant 16 : i32
      %mul3A_984 = arith.muli %scan3A_979, %mul3A_983 : i32
      %add3A_985 = arith.addi %add3A_982, %mul3A_984 : i32
      %add3A_986 = vector.broadcast %add3A_985 : i32 to vector<16xi32>
      %add3A_987 = arith.addi %add3A_986, %iota3A : vector<16xi32>
      %broadcast_in_dim3A_988 = arith.constant 0 : i32
      %broadcast_in_dim3A_989 = vector.broadcast %broadcast_in_dim3A_988 : i32 to vector<16xi32>
      %broadcast_in_dim3A_990 = arith.constant 512 : i32
      %broadcast_in_dim3A_991 = vector.broadcast %broadcast_in_dim3A_990 : i32 to vector<16xi32>
      %add3A_992 = arith.addi %broadcast_in_dim3A_989, %broadcast_in_dim3A_991 : vector<16xi32>
      %shift_right_arithmetic3A = arith.constant 1 : i32
      %shift_right_arithmetic3A_993 = vector.broadcast %shift_right_arithmetic3A : i32 to vector<16xi32>
      %shift_right_arithmetic3A_994 = arith.shrsi %add3A_992, %shift_right_arithmetic3A_993 : vector<16xi32>
      %gather3A = tpu.vector_load_idx %arg8[%shift_right_arithmetic3A_994] : memref<512xi32, #tpu.memory_space<vmem>>[vector<16xi32>], vector<16xi32>,
      %le3A = arith.cmpi sle, %gather3A, %add3A_987 : vector<16xi32>
      %add3A_995 = arith.constant 1 : i32
      %add3A_996 = vector.broadcast %add3A_995 : i32 to vector<16xi32>
      %add3A_997 = arith.addi %shift_right_arithmetic3A_994, %add3A_996 : vector<16xi32>
      %select_n3A_998 = arith.select %le3A, %add3A_997, %broadcast_in_dim3A_989 : vector<16xi1>, vector<16xi32>
      %select_n3A_999 = arith.select %le3A, %broadcast_in_dim3A_991, %shift_right_arithmetic3A_994 : vector<16xi1>, vector<16xi32>
      %add3A_1000 = arith.addi %select_n3A_998, %select_n3A_999 : vector<16xi32>
      %shift_right_arithmetic3A_1001 = arith.constant 1 : i32
      %shift_right_arithmetic3A_1002 = vector.broadcast %shift_right_arithmetic3A_1001 : i32 to vector<16xi32>
      %shift_right_arithmetic3A_1003 = arith.shrsi %add3A_1000, %shift_right_arithmetic3A_1002 : vector<16xi32>
      %gather3A_1004 = tpu.vector_load_idx %arg8[%shift_right_arithmetic3A_1003] : memref<512xi32, #tpu.memory_space<vmem>>[vector<16xi32>], vector<16xi32>,
      %le3A_1005 = arith.cmpi sle, %gather3A_1004, %add3A_987 : vector<16xi32>
      %add3A_1006 = arith.constant 1 : i32
      %add3A_1007 = vector.broadcast %add3A_1006 : i32 to vector<16xi32>
      %add3A_1008 = arith.addi %shift_right_arithmetic3A_1003, %add3A_1007 : vector<16xi32>
      %select_n3A_1009 = arith.select %le3A_1005, %add3A_1008, %select_n3A_998 : vector<16xi1>, vector<16xi32>
      %select_n3A_1010 = arith.select %le3A_1005, %select_n3A_999, %shift_right_arithmetic3A_1003 : vector<16xi1>, vector<16xi32>
      %add3A_1011 = arith.addi %select_n3A_1009, %select_n3A_1010 : vector<16xi32>
      %shift_right_arithmetic3A_1012 = arith.constant 1 : i32
      %shift_right_arithmetic3A_1013 = vector.broadcast %shift_right_arithmetic3A_1012 : i32 to vector<16xi32>
      %shift_right_arithmetic3A_1014 = arith.shrsi %add3A_1011, %shift_right_arithmetic3A_1013 : vector<16xi32>
      %gather3A_1015 = tpu.vector_load_idx %arg8[%shift_right_arithmetic3A_1014] : memref<512xi32, #tpu.memory_space<vmem>>[vector<16xi32>], vector<16xi32>,
      %le3A_1016 = arith.cmpi sle, %gather3A_1015, %add3A_987 : vector<16xi32>
      %add3A_1017 = arith.constant 1 : i32
      %add3A_1018 = vector.broadcast %add3A_1017 : i32 to vector<16xi32>
      %add3A_1019 = arith.addi %shift_right_arithmetic3A_1014, %add3A_1018 : vector<16xi32>
      %select_n3A_1020 = arith.select %le3A_1016, %add3A_1019, %select_n3A_1009 : vector<16xi1>, vector<16xi32>
      %select_n3A_1021 = arith.select %le3A_1016, %select_n3A_1010, %shift_right_arithmetic3A_1014 : vector<16xi1>, vector<16xi32>
      %add3A_1022 = arith.addi %select_n3A_1020, %select_n3A_1021 : vector<16xi32>
      %shift_right_arithmetic3A_1023 = arith.constant 1 : i32
      %shift_right_arithmetic3A_1024 = vector.broadcast %shift_right_arithmetic3A_1023 : i32 to vector<16xi32>
      %shift_right_arithmetic3A_1025 = arith.shrsi %add3A_1022, %shift_right_arithmetic3A_1024 : vector<16xi32>
      %gather3A_1026 = tpu.vector_load_idx %arg8[%shift_right_arithmetic3A_1025] : memref<512xi32, #tpu.memory_space<vmem>>[vector<16xi32>], vector<16xi32>,
      %le3A_1027 = arith.cmpi sle, %gather3A_1026, %add3A_987 : vector<16xi32>
      %add3A_1028 = arith.constant 1 : i32
      %add3A_1029 = vector.broadcast %add3A_1028 : i32 to vector<16xi32>
      %add3A_1030 = arith.addi %shift_right_arithmetic3A_1025, %add3A_1029 : vector<16xi32>
      %select_n3A_1031 = arith.select %le3A_1027, %add3A_1030, %select_n3A_1020 : vector<16xi1>, vector<16xi32>
      %select_n3A_1032 = arith.select %le3A_1027, %select_n3A_1021, %shift_right_arithmetic3A_1025 : vector<16xi1>, vector<16xi32>
      %add3A_1033 = arith.addi %select_n3A_1031, %select_n3A_1032 : vector<16xi32>
      %shift_right_arithmetic3A_1034 = arith.constant 1 : i32
      %shift_right_arithmetic3A_1035 = vector.broadcast %shift_right_arithmetic3A_1034 : i32 to vector<16xi32>
      %shift_right_arithmetic3A_1036 = arith.shrsi %add3A_1033, %shift_right_arithmetic3A_1035 : vector<16xi32>
      %gather3A_1037 = tpu.vector_load_idx %arg8[%shift_right_arithmetic3A_1036] : memref<512xi32, #tpu.memory_space<vmem>>[vector<16xi32>], vector<16xi32>,
      %le3A_1038 = arith.cmpi sle, %gather3A_1037, %add3A_987 : vector<16xi32>
      %add3A_1039 = arith.constant 1 : i32
      %add3A_1040 = vector.broadcast %add3A_1039 : i32 to vector<16xi32>
      %add3A_1041 = arith.addi %shift_right_arithmetic3A_1036, %add3A_1040 : vector<16xi32>
      %select_n3A_1042 = arith.select %le3A_1038, %add3A_1041, %select_n3A_1031 : vector<16xi1>, vector<16xi32>
      %select_n3A_1043 = arith.select %le3A_1038, %select_n3A_1032, %shift_right_arithmetic3A_1036 : vector<16xi1>, vector<16xi32>
      %add3A_1044 = arith.addi %select_n3A_1042, %select_n3A_1043 : vector<16xi32>
      %shift_right_arithmetic3A_1045 = arith.constant 1 : i32
      %shift_right_arithmetic3A_1046 = vector.broadcast %shift_right_arithmetic3A_1045 : i32 to vector<16xi32>
      %shift_right_arithmetic3A_1047 = arith.shrsi %add3A_1044, %shift_right_arithmetic3A_1046 : vector<16xi32>
      %gather3A_1048 = tpu.vector_load_idx %arg8[%shift_right_arithmetic3A_1047] : memref<512xi32, #tpu.memory_space<vmem>>[vector<16xi32>], vector<16xi32>,
      %le3A_1049 = arith.cmpi sle, %gather3A_1048, %add3A_987 : vector<16xi32>
      %add3A_1050 = arith.constant 1 : i32
      %add3A_1051 = vector.broadcast %add3A_1050 : i32 to vector<16xi32>
      %add3A_1052 = arith.addi %shift_right_arithmetic3A_1047, %add3A_1051 : vector<16xi32>
      %select_n3A_1053 = arith.select %le3A_1049, %add3A_1052, %select_n3A_1042 : vector<16xi1>, vector<16xi32>
      %select_n3A_1054 = arith.select %le3A_1049, %select_n3A_1043, %shift_right_arithmetic3A_1047 : vector<16xi1>, vector<16xi32>
      %add3A_1055 = arith.addi %select_n3A_1053, %select_n3A_1054 : vector<16xi32>
      %shift_right_arithmetic3A_1056 = arith.constant 1 : i32
      %shift_right_arithmetic3A_1057 = vector.broadcast %shift_right_arithmetic3A_1056 : i32 to vector<16xi32>
      %shift_right_arithmetic3A_1058 = arith.shrsi %add3A_1055, %shift_right_arithmetic3A_1057 : vector<16xi32>
      %gather3A_1059 = tpu.vector_load_idx %arg8[%shift_right_arithmetic3A_1058] : memref<512xi32, #tpu.memory_space<vmem>>[vector<16xi32>], vector<16xi32>,
      %le3A_1060 = arith.cmpi sle, %gather3A_1059, %add3A_987 : vector<16xi32>
      %add3A_1061 = arith.constant 1 : i32
      %add3A_1062 = vector.broadcast %add3A_1061 : i32 to vector<16xi32>
      %add3A_1063 = arith.addi %shift_right_arithmetic3A_1058, %add3A_1062 : vector<16xi32>
      %select_n3A_1064 = arith.select %le3A_1060, %add3A_1063, %select_n3A_1053 : vector<16xi1>, vector<16xi32>
      %select_n3A_1065 = arith.select %le3A_1060, %select_n3A_1054, %shift_right_arithmetic3A_1058 : vector<16xi1>, vector<16xi32>
      %add3A_1066 = arith.addi %select_n3A_1064, %select_n3A_1065 : vector<16xi32>
      %shift_right_arithmetic3A_1067 = arith.constant 1 : i32
      %shift_right_arithmetic3A_1068 = vector.broadcast %shift_right_arithmetic3A_1067 : i32 to vector<16xi32>
      %shift_right_arithmetic3A_1069 = arith.shrsi %add3A_1066, %shift_right_arithmetic3A_1068 : vector<16xi32>
      %gather3A_1070 = tpu.vector_load_idx %arg8[%shift_right_arithmetic3A_1069] : memref<512xi32, #tpu.memory_space<vmem>>[vector<16xi32>], vector<16xi32>,
      %le3A_1071 = arith.cmpi sle, %gather3A_1070, %add3A_987 : vector<16xi32>
      %add3A_1072 = arith.constant 1 : i32
      %add3A_1073 = vector.broadcast %add3A_1072 : i32 to vector<16xi32>
      %add3A_1074 = arith.addi %shift_right_arithmetic3A_1069, %add3A_1073 : vector<16xi32>
      %select_n3A_1075 = arith.select %le3A_1071, %add3A_1074, %select_n3A_1064 : vector<16xi1>, vector<16xi32>
      %select_n3A_1076 = arith.select %le3A_1071, %select_n3A_1065, %shift_right_arithmetic3A_1069 : vector<16xi1>, vector<16xi32>
      %add3A_1077 = arith.addi %select_n3A_1075, %select_n3A_1076 : vector<16xi32>
      %shift_right_arithmetic3A_1078 = arith.constant 1 : i32
      %shift_right_arithmetic3A_1079 = vector.broadcast %shift_right_arithmetic3A_1078 : i32 to vector<16xi32>
      %shift_right_arithmetic3A_1080 = arith.shrsi %add3A_1077, %shift_right_arithmetic3A_1079 : vector<16xi32>
      %gather3A_1081 = tpu.vector_load_idx %arg8[%shift_right_arithmetic3A_1080] : memref<512xi32, #tpu.memory_space<vmem>>[vector<16xi32>], vector<16xi32>,
      %le3A_1082 = arith.cmpi sle, %gather3A_1081, %add3A_987 : vector<16xi32>
      %add3A_1083 = arith.constant 1 : i32
      %add3A_1084 = vector.broadcast %add3A_1083 : i32 to vector<16xi32>
      %add3A_1085 = arith.addi %shift_right_arithmetic3A_1080, %add3A_1084 : vector<16xi32>
      %select_n3A_1086 = arith.select %le3A_1082, %add3A_1085, %select_n3A_1075 : vector<16xi1>, vector<16xi32>
      %select_n3A_1087 = arith.select %le3A_1082, %select_n3A_1076, %shift_right_arithmetic3A_1080 : vector<16xi1>, vector<16xi32>
      %add3A_1088 = arith.addi %select_n3A_1086, %select_n3A_1087 : vector<16xi32>
      %shift_right_arithmetic3A_1089 = arith.constant 1 : i32
      %shift_right_arithmetic3A_1090 = vector.broadcast %shift_right_arithmetic3A_1089 : i32 to vector<16xi32>
      %shift_right_arithmetic3A_1091 = arith.shrsi %add3A_1088, %shift_right_arithmetic3A_1090 : vector<16xi32>
      %gather3A_1092 = tpu.vector_load_idx %arg8[%shift_right_arithmetic3A_1091] : memref<512xi32, #tpu.memory_space<vmem>>[vector<16xi32>], vector<16xi32>,
      %le3A_1093 = arith.cmpi sle, %gather3A_1092, %add3A_987 : vector<16xi32>
      %add3A_1094 = arith.constant 1 : i32
      %add3A_1095 = vector.broadcast %add3A_1094 : i32 to vector<16xi32>
      %add3A_1096 = arith.addi %shift_right_arithmetic3A_1091, %add3A_1095 : vector<16xi32>
      %select_n3A_1097 = arith.select %le3A_1093, %add3A_1096, %select_n3A_1086 : vector<16xi1>, vector<16xi32>
      %select_n3A_1098 = arith.select %le3A_1093, %select_n3A_1087, %shift_right_arithmetic3A_1091 : vector<16xi1>, vector<16xi32>
      %lt3A_1099 = arith.cmpi slt, %add3A_987, %min3A_543 : vector<16xi32>
      %mul3A_1100 = arith.constant 513 : i32
      %mul3A_1101 = arith.muli %select_n3A, %mul3A_1100 : i32
      %add3A_1102 = vector.broadcast %mul3A_1101 : i32 to vector<16xi32>
      %add3A_1103 = arith.addi %add3A_1102, %select_n3A_1097 : vector<16xi32>
      %broadcast_in_dim3A_1104 = vector.broadcast %add3A_547 : i32 to vector<16xi32>
      %select_n3A_1105 = arith.select %lt3A_1099, %add3A_1103, %broadcast_in_dim3A_1104 : vector<16xi1>, vector<16xi32>
      %mul3A_1106 = arith.constant 16 : i32
      %mul3A_1107 = arith.muli %scan3A_979, %mul3A_1106 : i32
      %add3A_1108 = arith.constant 512 : i32
      %add3A_1109 = arith.addi %add3A_1108, %mul3A_1107 : i32
      %swap3A_1110 = arith.index_cast %add3A_1109 : i32 to index
      %swap3A_1111 = tpu.vector_load %arg10[%swap3A_1110] {strides = array<i32>} : memref<1024xi32, #tpu.memory_space<vmem>>, vector<16xi32>,
      tpu.vector_store %arg10[%swap3A_1110], %select_n3A_1105 {strides = array<i32>} : memref<1024xi32, #tpu.memory_space<vmem>>, vector<16xi32>,
      %not3A = arith.constant dense<true> : vector<16xi1>
      %not3A_1112 = arith.xori %lt3A_1099, %not3A : vector<16xi1>
      %convert_element_type3A_1113 = arith.extui %not3A_1112 : vector<16xi1> to vector<16xi32>
      %mul3A_1114 = arith.constant 16 : i32
      %mul3A_1115 = arith.muli %scan3A_979, %mul3A_1114 : i32
      %add3A_1116 = arith.constant 512 : i32
      %add3A_1117 = arith.addi %add3A_1116, %mul3A_1115 : i32
      %swap3A_1118 = arith.index_cast %add3A_1117 : i32 to index
      %swap3A_1119 = tpu.vector_load %arg11[%swap3A_1118] {strides = array<i32>} : memref<1024xi32, #tpu.memory_space<vmem>>, vector<16xi32>,
      tpu.vector_store %arg11[%swap3A_1118], %convert_element_type3A_1113 {strides = array<i32>} : memref<1024xi32, #tpu.memory_space<vmem>>, vector<16xi32>,
      %scan3A_1120 = arith.constant 0 : i32
      scf.yield %scan3A_1120 : i32
    }
    %scan3A_750 = arith.constant 4 : i32
    %dma_wait3A_751 = arith.constant 0 : i32
    %dma_wait3A_752 = tpu.memref_slice %arg5[%add3A_739, %dma_wait3A_751] : memref<32768x256xf32, #tpu.memory_space<hbm>> -> memref<64x256xf32, #tpu.memory_space<hbm>>
    %dma_wait3A_753 = arith.constant 0 : i32
    %dma_wait3A_754 = tpu.memref_slice %arg5[%add3A_739, %dma_wait3A_753] : memref<32768x256xf32, #tpu.memory_space<hbm>> -> memref<64x256xf32, #tpu.memory_space<hbm>>
    tpu.wait_dma2 semaphore(%arg16 : memref<!tpu.dma_semaphore, #tpu.memory_space<semaphore_mem>>) src(%arg12 : memref<64x256xf32, #tpu.memory_space<vmem>>) dst(%dma_wait3A_754 : memref<64x256xf32, #tpu.memory_space<hbm>>)
    %dma_start3A_755 = arith.constant 512 : i32
    %dma_start3A_756 = tpu.memref_slice %arg10[%dma_start3A_755] : memref<1024xi32, #tpu.memory_space<vmem>> -> memref<64xi32, #tpu.memory_space<vmem>>
    %dma_start3A_757 = arith.constant 0 : i32
    %dma_start3A_758 = arith.constant 0 : i32
    %dma_start3A_759 = tpu.memref_slice %arg2[%dma_start3A_757, %dma_start3A_758] : memref<8208x256xf32, #tpu.memory_space<hbm>> -> memref<8208x256xf32, #tpu.memory_space<hbm>>
    tpu.enqueue_indirect_dma source(%dma_start3A_759 : memref<8208x256xf32, #tpu.memory_space<hbm>>) target(%arg12 : memref<64x256xf32, #tpu.memory_space<vmem>>) offsets(%dma_start3A_756 : memref<64xi32, #tpu.memory_space<vmem>>) semaphore(%arg14 : memref<!tpu.dma_semaphore, #tpu.memory_space<semaphore_mem>>)
    %dma_wait3A_760 = arith.constant 448 : i32
    %dma_wait3A_761 = tpu.memref_slice %arg10[%dma_wait3A_760] : memref<1024xi32, #tpu.memory_space<vmem>> -> memref<64xi32, #tpu.memory_space<vmem>>
    %dma_wait3A_762 = arith.constant 0 : i32
    %dma_wait3A_763 = arith.constant 0 : i32
    %dma_wait3A_764 = tpu.memref_slice %arg2[%dma_wait3A_762, %dma_wait3A_763] : memref<8208x256xf32, #tpu.memory_space<hbm>> -> memref<8208x256xf32, #tpu.memory_space<hbm>>
    tpu.wait_indirect_dma semaphore(%arg15 : memref<!tpu.dma_semaphore, #tpu.memory_space<semaphore_mem>>) src(%dma_wait3A_764 : memref<8208x256xf32, #tpu.memory_space<hbm>>) dst(%arg13 : memref<64x256xf32, #tpu.memory_space<vmem>>)
    %add3A_765 = arith.constant 448 : i32
    %add3A_766 = arith.addi %mul3A_549, %add3A_765 : i32
    %dma_start3A_767 = arith.constant 0 : i32
    %dma_start3A_768 = tpu.memref_slice %arg5[%add3A_766, %dma_start3A_767] : memref<32768x256xf32, #tpu.memory_space<hbm>> -> memref<64x256xf32, #tpu.memory_space<hbm>>
    %dma_start3A_769 = arith.constant 0 : i32
    %dma_start3A_770 = tpu.memref_slice %arg5[%add3A_766, %dma_start3A_769] : memref<32768x256xf32, #tpu.memory_space<hbm>> -> memref<64x256xf32, #tpu.memory_space<hbm>>
    tpu.enqueue_dma source(%arg13 : memref<64x256xf32, #tpu.memory_space<vmem>>) target(%dma_start3A_770 : memref<64x256xf32, #tpu.memory_space<hbm>>) target_semaphore(%arg17 : memref<!tpu.dma_semaphore, #tpu.memory_space<semaphore_mem>>)
    %scan3A_771 = arith.constant 0 : i32
    %scan3A_772 = arith.constant 0 : i32
    %scan3A_773 = arith.constant 4 : i32
    %scan3A_774 = arith.addi %scan3A_772, %scan3A_773 : i32
    %scan3A_775 = arith.constant 1 : i32
    %scan3A_776 = scf.for %scan3A_979 = %scan3A_772 to %scan3A_774 step %scan3A_775 iter_args(%scan3A_980 = %scan3A_771) -> (i32)  : i32 {
      %add3A_981 = arith.constant 576 : i32
      %add3A_982 = arith.addi %mul3A_32, %add3A_981 : i32
      %mul3A_983 = arith.constant 16 : i32
      %mul3A_984 = arith.muli %scan3A_979, %mul3A_983 : i32
      %add3A_985 = arith.addi %add3A_982, %mul3A_984 : i32
      %add3A_986 = vector.broadcast %add3A_985 : i32 to vector<16xi32>
      %add3A_987 = arith.addi %add3A_986, %iota3A : vector<16xi32>
      %broadcast_in_dim3A_988 = arith.constant 0 : i32
      %broadcast_in_dim3A_989 = vector.broadcast %broadcast_in_dim3A_988 : i32 to vector<16xi32>
      %broadcast_in_dim3A_990 = arith.constant 512 : i32
      %broadcast_in_dim3A_991 = vector.broadcast %broadcast_in_dim3A_990 : i32 to vector<16xi32>
      %add3A_992 = arith.addi %broadcast_in_dim3A_989, %broadcast_in_dim3A_991 : vector<16xi32>
      %shift_right_arithmetic3A = arith.constant 1 : i32
      %shift_right_arithmetic3A_993 = vector.broadcast %shift_right_arithmetic3A : i32 to vector<16xi32>
      %shift_right_arithmetic3A_994 = arith.shrsi %add3A_992, %shift_right_arithmetic3A_993 : vector<16xi32>
      %gather3A = tpu.vector_load_idx %arg8[%shift_right_arithmetic3A_994] : memref<512xi32, #tpu.memory_space<vmem>>[vector<16xi32>], vector<16xi32>,
      %le3A = arith.cmpi sle, %gather3A, %add3A_987 : vector<16xi32>
      %add3A_995 = arith.constant 1 : i32
      %add3A_996 = vector.broadcast %add3A_995 : i32 to vector<16xi32>
      %add3A_997 = arith.addi %shift_right_arithmetic3A_994, %add3A_996 : vector<16xi32>
      %select_n3A_998 = arith.select %le3A, %add3A_997, %broadcast_in_dim3A_989 : vector<16xi1>, vector<16xi32>
      %select_n3A_999 = arith.select %le3A, %broadcast_in_dim3A_991, %shift_right_arithmetic3A_994 : vector<16xi1>, vector<16xi32>
      %add3A_1000 = arith.addi %select_n3A_998, %select_n3A_999 : vector<16xi32>
      %shift_right_arithmetic3A_1001 = arith.constant 1 : i32
      %shift_right_arithmetic3A_1002 = vector.broadcast %shift_right_arithmetic3A_1001 : i32 to vector<16xi32>
      %shift_right_arithmetic3A_1003 = arith.shrsi %add3A_1000, %shift_right_arithmetic3A_1002 : vector<16xi32>
      %gather3A_1004 = tpu.vector_load_idx %arg8[%shift_right_arithmetic3A_1003] : memref<512xi32, #tpu.memory_space<vmem>>[vector<16xi32>], vector<16xi32>,
      %le3A_1005 = arith.cmpi sle, %gather3A_1004, %add3A_987 : vector<16xi32>
      %add3A_1006 = arith.constant 1 : i32
      %add3A_1007 = vector.broadcast %add3A_1006 : i32 to vector<16xi32>
      %add3A_1008 = arith.addi %shift_right_arithmetic3A_1003, %add3A_1007 : vector<16xi32>
      %select_n3A_1009 = arith.select %le3A_1005, %add3A_1008, %select_n3A_998 : vector<16xi1>, vector<16xi32>
      %select_n3A_1010 = arith.select %le3A_1005, %select_n3A_999, %shift_right_arithmetic3A_1003 : vector<16xi1>, vector<16xi32>
      %add3A_1011 = arith.addi %select_n3A_1009, %select_n3A_1010 : vector<16xi32>
      %shift_right_arithmetic3A_1012 = arith.constant 1 : i32
      %shift_right_arithmetic3A_1013 = vector.broadcast %shift_right_arithmetic3A_1012 : i32 to vector<16xi32>
      %shift_right_arithmetic3A_1014 = arith.shrsi %add3A_1011, %shift_right_arithmetic3A_1013 : vector<16xi32>
      %gather3A_1015 = tpu.vector_load_idx %arg8[%shift_right_arithmetic3A_1014] : memref<512xi32, #tpu.memory_space<vmem>>[vector<16xi32>], vector<16xi32>,
      %le3A_1016 = arith.cmpi sle, %gather3A_1015, %add3A_987 : vector<16xi32>
      %add3A_1017 = arith.constant 1 : i32
      %add3A_1018 = vector.broadcast %add3A_1017 : i32 to vector<16xi32>
      %add3A_1019 = arith.addi %shift_right_arithmetic3A_1014, %add3A_1018 : vector<16xi32>
      %select_n3A_1020 = arith.select %le3A_1016, %add3A_1019, %select_n3A_1009 : vector<16xi1>, vector<16xi32>
      %select_n3A_1021 = arith.select %le3A_1016, %select_n3A_1010, %shift_right_arithmetic3A_1014 : vector<16xi1>, vector<16xi32>
      %add3A_1022 = arith.addi %select_n3A_1020, %select_n3A_1021 : vector<16xi32>
      %shift_right_arithmetic3A_1023 = arith.constant 1 : i32
      %shift_right_arithmetic3A_1024 = vector.broadcast %shift_right_arithmetic3A_1023 : i32 to vector<16xi32>
      %shift_right_arithmetic3A_1025 = arith.shrsi %add3A_1022, %shift_right_arithmetic3A_1024 : vector<16xi32>
      %gather3A_1026 = tpu.vector_load_idx %arg8[%shift_right_arithmetic3A_1025] : memref<512xi32, #tpu.memory_space<vmem>>[vector<16xi32>], vector<16xi32>,
      %le3A_1027 = arith.cmpi sle, %gather3A_1026, %add3A_987 : vector<16xi32>
      %add3A_1028 = arith.constant 1 : i32
      %add3A_1029 = vector.broadcast %add3A_1028 : i32 to vector<16xi32>
      %add3A_1030 = arith.addi %shift_right_arithmetic3A_1025, %add3A_1029 : vector<16xi32>
      %select_n3A_1031 = arith.select %le3A_1027, %add3A_1030, %select_n3A_1020 : vector<16xi1>, vector<16xi32>
      %select_n3A_1032 = arith.select %le3A_1027, %select_n3A_1021, %shift_right_arithmetic3A_1025 : vector<16xi1>, vector<16xi32>
      %add3A_1033 = arith.addi %select_n3A_1031, %select_n3A_1032 : vector<16xi32>
      %shift_right_arithmetic3A_1034 = arith.constant 1 : i32
      %shift_right_arithmetic3A_1035 = vector.broadcast %shift_right_arithmetic3A_1034 : i32 to vector<16xi32>
      %shift_right_arithmetic3A_1036 = arith.shrsi %add3A_1033, %shift_right_arithmetic3A_1035 : vector<16xi32>
      %gather3A_1037 = tpu.vector_load_idx %arg8[%shift_right_arithmetic3A_1036] : memref<512xi32, #tpu.memory_space<vmem>>[vector<16xi32>], vector<16xi32>,
      %le3A_1038 = arith.cmpi sle, %gather3A_1037, %add3A_987 : vector<16xi32>
      %add3A_1039 = arith.constant 1 : i32
      %add3A_1040 = vector.broadcast %add3A_1039 : i32 to vector<16xi32>
      %add3A_1041 = arith.addi %shift_right_arithmetic3A_1036, %add3A_1040 : vector<16xi32>
      %select_n3A_1042 = arith.select %le3A_1038, %add3A_1041, %select_n3A_1031 : vector<16xi1>, vector<16xi32>
      %select_n3A_1043 = arith.select %le3A_1038, %select_n3A_1032, %shift_right_arithmetic3A_1036 : vector<16xi1>, vector<16xi32>
      %add3A_1044 = arith.addi %select_n3A_1042, %select_n3A_1043 : vector<16xi32>
      %shift_right_arithmetic3A_1045 = arith.constant 1 : i32
      %shift_right_arithmetic3A_1046 = vector.broadcast %shift_right_arithmetic3A_1045 : i32 to vector<16xi32>
      %shift_right_arithmetic3A_1047 = arith.shrsi %add3A_1044, %shift_right_arithmetic3A_1046 : vector<16xi32>
      %gather3A_1048 = tpu.vector_load_idx %arg8[%shift_right_arithmetic3A_1047] : memref<512xi32, #tpu.memory_space<vmem>>[vector<16xi32>], vector<16xi32>,
      %le3A_1049 = arith.cmpi sle, %gather3A_1048, %add3A_987 : vector<16xi32>
      %add3A_1050 = arith.constant 1 : i32
      %add3A_1051 = vector.broadcast %add3A_1050 : i32 to vector<16xi32>
      %add3A_1052 = arith.addi %shift_right_arithmetic3A_1047, %add3A_1051 : vector<16xi32>
      %select_n3A_1053 = arith.select %le3A_1049, %add3A_1052, %select_n3A_1042 : vector<16xi1>, vector<16xi32>
      %select_n3A_1054 = arith.select %le3A_1049, %select_n3A_1043, %shift_right_arithmetic3A_1047 : vector<16xi1>, vector<16xi32>
      %add3A_1055 = arith.addi %select_n3A_1053, %select_n3A_1054 : vector<16xi32>
      %shift_right_arithmetic3A_1056 = arith.constant 1 : i32
      %shift_right_arithmetic3A_1057 = vector.broadcast %shift_right_arithmetic3A_1056 : i32 to vector<16xi32>
      %shift_right_arithmetic3A_1058 = arith.shrsi %add3A_1055, %shift_right_arithmetic3A_1057 : vector<16xi32>
      %gather3A_1059 = tpu.vector_load_idx %arg8[%shift_right_arithmetic3A_1058] : memref<512xi32, #tpu.memory_space<vmem>>[vector<16xi32>], vector<16xi32>,
      %le3A_1060 = arith.cmpi sle, %gather3A_1059, %add3A_987 : vector<16xi32>
      %add3A_1061 = arith.constant 1 : i32
      %add3A_1062 = vector.broadcast %add3A_1061 : i32 to vector<16xi32>
      %add3A_1063 = arith.addi %shift_right_arithmetic3A_1058, %add3A_1062 : vector<16xi32>
      %select_n3A_1064 = arith.select %le3A_1060, %add3A_1063, %select_n3A_1053 : vector<16xi1>, vector<16xi32>
      %select_n3A_1065 = arith.select %le3A_1060, %select_n3A_1054, %shift_right_arithmetic3A_1058 : vector<16xi1>, vector<16xi32>
      %add3A_1066 = arith.addi %select_n3A_1064, %select_n3A_1065 : vector<16xi32>
      %shift_right_arithmetic3A_1067 = arith.constant 1 : i32
      %shift_right_arithmetic3A_1068 = vector.broadcast %shift_right_arithmetic3A_1067 : i32 to vector<16xi32>
      %shift_right_arithmetic3A_1069 = arith.shrsi %add3A_1066, %shift_right_arithmetic3A_1068 : vector<16xi32>
      %gather3A_1070 = tpu.vector_load_idx %arg8[%shift_right_arithmetic3A_1069] : memref<512xi32, #tpu.memory_space<vmem>>[vector<16xi32>], vector<16xi32>,
      %le3A_1071 = arith.cmpi sle, %gather3A_1070, %add3A_987 : vector<16xi32>
      %add3A_1072 = arith.constant 1 : i32
      %add3A_1073 = vector.broadcast %add3A_1072 : i32 to vector<16xi32>
      %add3A_1074 = arith.addi %shift_right_arithmetic3A_1069, %add3A_1073 : vector<16xi32>
      %select_n3A_1075 = arith.select %le3A_1071, %add3A_1074, %select_n3A_1064 : vector<16xi1>, vector<16xi32>
      %select_n3A_1076 = arith.select %le3A_1071, %select_n3A_1065, %shift_right_arithmetic3A_1069 : vector<16xi1>, vector<16xi32>
      %add3A_1077 = arith.addi %select_n3A_1075, %select_n3A_1076 : vector<16xi32>
      %shift_right_arithmetic3A_1078 = arith.constant 1 : i32
      %shift_right_arithmetic3A_1079 = vector.broadcast %shift_right_arithmetic3A_1078 : i32 to vector<16xi32>
      %shift_right_arithmetic3A_1080 = arith.shrsi %add3A_1077, %shift_right_arithmetic3A_1079 : vector<16xi32>
      %gather3A_1081 = tpu.vector_load_idx %arg8[%shift_right_arithmetic3A_1080] : memref<512xi32, #tpu.memory_space<vmem>>[vector<16xi32>], vector<16xi32>,
      %le3A_1082 = arith.cmpi sle, %gather3A_1081, %add3A_987 : vector<16xi32>
      %add3A_1083 = arith.constant 1 : i32
      %add3A_1084 = vector.broadcast %add3A_1083 : i32 to vector<16xi32>
      %add3A_1085 = arith.addi %shift_right_arithmetic3A_1080, %add3A_1084 : vector<16xi32>
      %select_n3A_1086 = arith.select %le3A_1082, %add3A_1085, %select_n3A_1075 : vector<16xi1>, vector<16xi32>
      %select_n3A_1087 = arith.select %le3A_1082, %select_n3A_1076, %shift_right_arithmetic3A_1080 : vector<16xi1>, vector<16xi32>
      %add3A_1088 = arith.addi %select_n3A_1086, %select_n3A_1087 : vector<16xi32>
      %shift_right_arithmetic3A_1089 = arith.constant 1 : i32
      %shift_right_arithmetic3A_1090 = vector.broadcast %shift_right_arithmetic3A_1089 : i32 to vector<16xi32>
      %shift_right_arithmetic3A_1091 = arith.shrsi %add3A_1088, %shift_right_arithmetic3A_1090 : vector<16xi32>
      %gather3A_1092 = tpu.vector_load_idx %arg8[%shift_right_arithmetic3A_1091] : memref<512xi32, #tpu.memory_space<vmem>>[vector<16xi32>], vector<16xi32>,
      %le3A_1093 = arith.cmpi sle, %gather3A_1092, %add3A_987 : vector<16xi32>
      %add3A_1094 = arith.constant 1 : i32
      %add3A_1095 = vector.broadcast %add3A_1094 : i32 to vector<16xi32>
      %add3A_1096 = arith.addi %shift_right_arithmetic3A_1091, %add3A_1095 : vector<16xi32>
      %select_n3A_1097 = arith.select %le3A_1093, %add3A_1096, %select_n3A_1086 : vector<16xi1>, vector<16xi32>
      %select_n3A_1098 = arith.select %le3A_1093, %select_n3A_1087, %shift_right_arithmetic3A_1091 : vector<16xi1>, vector<16xi32>
      %lt3A_1099 = arith.cmpi slt, %add3A_987, %min3A_543 : vector<16xi32>
      %mul3A_1100 = arith.constant 513 : i32
      %mul3A_1101 = arith.muli %select_n3A, %mul3A_1100 : i32
      %add3A_1102 = vector.broadcast %mul3A_1101 : i32 to vector<16xi32>
      %add3A_1103 = arith.addi %add3A_1102, %select_n3A_1097 : vector<16xi32>
      %broadcast_in_dim3A_1104 = vector.broadcast %add3A_547 : i32 to vector<16xi32>
      %select_n3A_1105 = arith.select %lt3A_1099, %add3A_1103, %broadcast_in_dim3A_1104 : vector<16xi1>, vector<16xi32>
      %mul3A_1106 = arith.constant 16 : i32
      %mul3A_1107 = arith.muli %scan3A_979, %mul3A_1106 : i32
      %add3A_1108 = arith.constant 576 : i32
      %add3A_1109 = arith.addi %add3A_1108, %mul3A_1107 : i32
      %swap3A_1110 = arith.index_cast %add3A_1109 : i32 to index
      %swap3A_1111 = tpu.vector_load %arg10[%swap3A_1110] {strides = array<i32>} : memref<1024xi32, #tpu.memory_space<vmem>>, vector<16xi32>,
      tpu.vector_store %arg10[%swap3A_1110], %select_n3A_1105 {strides = array<i32>} : memref<1024xi32, #tpu.memory_space<vmem>>, vector<16xi32>,
      %not3A = arith.constant dense<true> : vector<16xi1>
      %not3A_1112 = arith.xori %lt3A_1099, %not3A : vector<16xi1>
      %convert_element_type3A_1113 = arith.extui %not3A_1112 : vector<16xi1> to vector<16xi32>
      %mul3A_1114 = arith.constant 16 : i32
      %mul3A_1115 = arith.muli %scan3A_979, %mul3A_1114 : i32
      %add3A_1116 = arith.constant 576 : i32
      %add3A_1117 = arith.addi %add3A_1116, %mul3A_1115 : i32
      %swap3A_1118 = arith.index_cast %add3A_1117 : i32 to index
      %swap3A_1119 = tpu.vector_load %arg11[%swap3A_1118] {strides = array<i32>} : memref<1024xi32, #tpu.memory_space<vmem>>, vector<16xi32>,
      tpu.vector_store %arg11[%swap3A_1118], %convert_element_type3A_1113 {strides = array<i32>} : memref<1024xi32, #tpu.memory_space<vmem>>, vector<16xi32>,
      %scan3A_1120 = arith.constant 0 : i32
      scf.yield %scan3A_1120 : i32
    }
    %scan3A_777 = arith.constant 4 : i32
    %dma_wait3A_778 = arith.constant 0 : i32
    %dma_wait3A_779 = tpu.memref_slice %arg5[%add3A_766, %dma_wait3A_778] : memref<32768x256xf32, #tpu.memory_space<hbm>> -> memref<64x256xf32, #tpu.memory_space<hbm>>
    %dma_wait3A_780 = arith.constant 0 : i32
    %dma_wait3A_781 = tpu.memref_slice %arg5[%add3A_766, %dma_wait3A_780] : memref<32768x256xf32, #tpu.memory_space<hbm>> -> memref<64x256xf32, #tpu.memory_space<hbm>>
    tpu.wait_dma2 semaphore(%arg17 : memref<!tpu.dma_semaphore, #tpu.memory_space<semaphore_mem>>) src(%arg13 : memref<64x256xf32, #tpu.memory_space<vmem>>) dst(%dma_wait3A_781 : memref<64x256xf32, #tpu.memory_space<hbm>>)
    %dma_start3A_782 = arith.constant 576 : i32
    %dma_start3A_783 = tpu.memref_slice %arg10[%dma_start3A_782] : memref<1024xi32, #tpu.memory_space<vmem>> -> memref<64xi32, #tpu.memory_space<vmem>>
    %dma_start3A_784 = arith.constant 0 : i32
    %dma_start3A_785 = arith.constant 0 : i32
    %dma_start3A_786 = tpu.memref_slice %arg2[%dma_start3A_784, %dma_start3A_785] : memref<8208x256xf32, #tpu.memory_space<hbm>> -> memref<8208x256xf32, #tpu.memory_space<hbm>>
    tpu.enqueue_indirect_dma source(%dma_start3A_786 : memref<8208x256xf32, #tpu.memory_space<hbm>>) target(%arg13 : memref<64x256xf32, #tpu.memory_space<vmem>>) offsets(%dma_start3A_783 : memref<64xi32, #tpu.memory_space<vmem>>) semaphore(%arg15 : memref<!tpu.dma_semaphore, #tpu.memory_space<semaphore_mem>>)
    %dma_wait3A_787 = arith.constant 512 : i32
    %dma_wait3A_788 = tpu.memref_slice %arg10[%dma_wait3A_787] : memref<1024xi32, #tpu.memory_space<vmem>> -> memref<64xi32, #tpu.memory_space<vmem>>
    %dma_wait3A_789 = arith.constant 0 : i32
    %dma_wait3A_790 = arith.constant 0 : i32
    %dma_wait3A_791 = tpu.memref_slice %arg2[%dma_wait3A_789, %dma_wait3A_790] : memref<8208x256xf32, #tpu.memory_space<hbm>> -> memref<8208x256xf32, #tpu.memory_space<hbm>>
    tpu.wait_indirect_dma semaphore(%arg14 : memref<!tpu.dma_semaphore, #tpu.memory_space<semaphore_mem>>) src(%dma_wait3A_791 : memref<8208x256xf32, #tpu.memory_space<hbm>>) dst(%arg12 : memref<64x256xf32, #tpu.memory_space<vmem>>)
    %add3A_792 = arith.constant 512 : i32
    %add3A_793 = arith.addi %mul3A_549, %add3A_792 : i32
    %dma_start3A_794 = arith.constant 0 : i32
    %dma_start3A_795 = tpu.memref_slice %arg5[%add3A_793, %dma_start3A_794] : memref<32768x256xf32, #tpu.memory_space<hbm>> -> memref<64x256xf32, #tpu.memory_space<hbm>>
    %dma_start3A_796 = arith.constant 0 : i32
    %dma_start3A_797 = tpu.memref_slice %arg5[%add3A_793, %dma_start3A_796] : memref<32768x256xf32, #tpu.memory_space<hbm>> -> memref<64x256xf32, #tpu.memory_space<hbm>>
    tpu.enqueue_dma source(%arg12 : memref<64x256xf32, #tpu.memory_space<vmem>>) target(%dma_start3A_797 : memref<64x256xf32, #tpu.memory_space<hbm>>) target_semaphore(%arg16 : memref<!tpu.dma_semaphore, #tpu.memory_space<semaphore_mem>>)
    %scan3A_798 = arith.constant 0 : i32
    %scan3A_799 = arith.constant 0 : i32
    %scan3A_800 = arith.constant 4 : i32
    %scan3A_801 = arith.addi %scan3A_799, %scan3A_800 : i32
    %scan3A_802 = arith.constant 1 : i32
    %scan3A_803 = scf.for %scan3A_979 = %scan3A_799 to %scan3A_801 step %scan3A_802 iter_args(%scan3A_980 = %scan3A_798) -> (i32)  : i32 {
      %add3A_981 = arith.constant 640 : i32
      %add3A_982 = arith.addi %mul3A_32, %add3A_981 : i32
      %mul3A_983 = arith.constant 16 : i32
      %mul3A_984 = arith.muli %scan3A_979, %mul3A_983 : i32
      %add3A_985 = arith.addi %add3A_982, %mul3A_984 : i32
      %add3A_986 = vector.broadcast %add3A_985 : i32 to vector<16xi32>
      %add3A_987 = arith.addi %add3A_986, %iota3A : vector<16xi32>
      %broadcast_in_dim3A_988 = arith.constant 0 : i32
      %broadcast_in_dim3A_989 = vector.broadcast %broadcast_in_dim3A_988 : i32 to vector<16xi32>
      %broadcast_in_dim3A_990 = arith.constant 512 : i32
      %broadcast_in_dim3A_991 = vector.broadcast %broadcast_in_dim3A_990 : i32 to vector<16xi32>
      %add3A_992 = arith.addi %broadcast_in_dim3A_989, %broadcast_in_dim3A_991 : vector<16xi32>
      %shift_right_arithmetic3A = arith.constant 1 : i32
      %shift_right_arithmetic3A_993 = vector.broadcast %shift_right_arithmetic3A : i32 to vector<16xi32>
      %shift_right_arithmetic3A_994 = arith.shrsi %add3A_992, %shift_right_arithmetic3A_993 : vector<16xi32>
      %gather3A = tpu.vector_load_idx %arg8[%shift_right_arithmetic3A_994] : memref<512xi32, #tpu.memory_space<vmem>>[vector<16xi32>], vector<16xi32>,
      %le3A = arith.cmpi sle, %gather3A, %add3A_987 : vector<16xi32>
      %add3A_995 = arith.constant 1 : i32
      %add3A_996 = vector.broadcast %add3A_995 : i32 to vector<16xi32>
      %add3A_997 = arith.addi %shift_right_arithmetic3A_994, %add3A_996 : vector<16xi32>
      %select_n3A_998 = arith.select %le3A, %add3A_997, %broadcast_in_dim3A_989 : vector<16xi1>, vector<16xi32>
      %select_n3A_999 = arith.select %le3A, %broadcast_in_dim3A_991, %shift_right_arithmetic3A_994 : vector<16xi1>, vector<16xi32>
      %add3A_1000 = arith.addi %select_n3A_998, %select_n3A_999 : vector<16xi32>
      %shift_right_arithmetic3A_1001 = arith.constant 1 : i32
      %shift_right_arithmetic3A_1002 = vector.broadcast %shift_right_arithmetic3A_1001 : i32 to vector<16xi32>
      %shift_right_arithmetic3A_1003 = arith.shrsi %add3A_1000, %shift_right_arithmetic3A_1002 : vector<16xi32>
      %gather3A_1004 = tpu.vector_load_idx %arg8[%shift_right_arithmetic3A_1003] : memref<512xi32, #tpu.memory_space<vmem>>[vector<16xi32>], vector<16xi32>,
      %le3A_1005 = arith.cmpi sle, %gather3A_1004, %add3A_987 : vector<16xi32>
      %add3A_1006 = arith.constant 1 : i32
      %add3A_1007 = vector.broadcast %add3A_1006 : i32 to vector<16xi32>
      %add3A_1008 = arith.addi %shift_right_arithmetic3A_1003, %add3A_1007 : vector<16xi32>
      %select_n3A_1009 = arith.select %le3A_1005, %add3A_1008, %select_n3A_998 : vector<16xi1>, vector<16xi32>
      %select_n3A_1010 = arith.select %le3A_1005, %select_n3A_999, %shift_right_arithmetic3A_1003 : vector<16xi1>, vector<16xi32>
      %add3A_1011 = arith.addi %select_n3A_1009, %select_n3A_1010 : vector<16xi32>
      %shift_right_arithmetic3A_1012 = arith.constant 1 : i32
      %shift_right_arithmetic3A_1013 = vector.broadcast %shift_right_arithmetic3A_1012 : i32 to vector<16xi32>
      %shift_right_arithmetic3A_1014 = arith.shrsi %add3A_1011, %shift_right_arithmetic3A_1013 : vector<16xi32>
      %gather3A_1015 = tpu.vector_load_idx %arg8[%shift_right_arithmetic3A_1014] : memref<512xi32, #tpu.memory_space<vmem>>[vector<16xi32>], vector<16xi32>,
      %le3A_1016 = arith.cmpi sle, %gather3A_1015, %add3A_987 : vector<16xi32>
      %add3A_1017 = arith.constant 1 : i32
      %add3A_1018 = vector.broadcast %add3A_1017 : i32 to vector<16xi32>
      %add3A_1019 = arith.addi %shift_right_arithmetic3A_1014, %add3A_1018 : vector<16xi32>
      %select_n3A_1020 = arith.select %le3A_1016, %add3A_1019, %select_n3A_1009 : vector<16xi1>, vector<16xi32>
      %select_n3A_1021 = arith.select %le3A_1016, %select_n3A_1010, %shift_right_arithmetic3A_1014 : vector<16xi1>, vector<16xi32>
      %add3A_1022 = arith.addi %select_n3A_1020, %select_n3A_1021 : vector<16xi32>
      %shift_right_arithmetic3A_1023 = arith.constant 1 : i32
      %shift_right_arithmetic3A_1024 = vector.broadcast %shift_right_arithmetic3A_1023 : i32 to vector<16xi32>
      %shift_right_arithmetic3A_1025 = arith.shrsi %add3A_1022, %shift_right_arithmetic3A_1024 : vector<16xi32>
      %gather3A_1026 = tpu.vector_load_idx %arg8[%shift_right_arithmetic3A_1025] : memref<512xi32, #tpu.memory_space<vmem>>[vector<16xi32>], vector<16xi32>,
      %le3A_1027 = arith.cmpi sle, %gather3A_1026, %add3A_987 : vector<16xi32>
      %add3A_1028 = arith.constant 1 : i32
      %add3A_1029 = vector.broadcast %add3A_1028 : i32 to vector<16xi32>
      %add3A_1030 = arith.addi %shift_right_arithmetic3A_1025, %add3A_1029 : vector<16xi32>
      %select_n3A_1031 = arith.select %le3A_1027, %add3A_1030, %select_n3A_1020 : vector<16xi1>, vector<16xi32>
      %select_n3A_1032 = arith.select %le3A_1027, %select_n3A_1021, %shift_right_arithmetic3A_1025 : vector<16xi1>, vector<16xi32>
      %add3A_1033 = arith.addi %select_n3A_1031, %select_n3A_1032 : vector<16xi32>
      %shift_right_arithmetic3A_1034 = arith.constant 1 : i32
      %shift_right_arithmetic3A_1035 = vector.broadcast %shift_right_arithmetic3A_1034 : i32 to vector<16xi32>
      %shift_right_arithmetic3A_1036 = arith.shrsi %add3A_1033, %shift_right_arithmetic3A_1035 : vector<16xi32>
      %gather3A_1037 = tpu.vector_load_idx %arg8[%shift_right_arithmetic3A_1036] : memref<512xi32, #tpu.memory_space<vmem>>[vector<16xi32>], vector<16xi32>,
      %le3A_1038 = arith.cmpi sle, %gather3A_1037, %add3A_987 : vector<16xi32>
      %add3A_1039 = arith.constant 1 : i32
      %add3A_1040 = vector.broadcast %add3A_1039 : i32 to vector<16xi32>
      %add3A_1041 = arith.addi %shift_right_arithmetic3A_1036, %add3A_1040 : vector<16xi32>
      %select_n3A_1042 = arith.select %le3A_1038, %add3A_1041, %select_n3A_1031 : vector<16xi1>, vector<16xi32>
      %select_n3A_1043 = arith.select %le3A_1038, %select_n3A_1032, %shift_right_arithmetic3A_1036 : vector<16xi1>, vector<16xi32>
      %add3A_1044 = arith.addi %select_n3A_1042, %select_n3A_1043 : vector<16xi32>
      %shift_right_arithmetic3A_1045 = arith.constant 1 : i32
      %shift_right_arithmetic3A_1046 = vector.broadcast %shift_right_arithmetic3A_1045 : i32 to vector<16xi32>
      %shift_right_arithmetic3A_1047 = arith.shrsi %add3A_1044, %shift_right_arithmetic3A_1046 : vector<16xi32>
      %gather3A_1048 = tpu.vector_load_idx %arg8[%shift_right_arithmetic3A_1047] : memref<512xi32, #tpu.memory_space<vmem>>[vector<16xi32>], vector<16xi32>,
      %le3A_1049 = arith.cmpi sle, %gather3A_1048, %add3A_987 : vector<16xi32>
      %add3A_1050 = arith.constant 1 : i32
      %add3A_1051 = vector.broadcast %add3A_1050 : i32 to vector<16xi32>
      %add3A_1052 = arith.addi %shift_right_arithmetic3A_1047, %add3A_1051 : vector<16xi32>
      %select_n3A_1053 = arith.select %le3A_1049, %add3A_1052, %select_n3A_1042 : vector<16xi1>, vector<16xi32>
      %select_n3A_1054 = arith.select %le3A_1049, %select_n3A_1043, %shift_right_arithmetic3A_1047 : vector<16xi1>, vector<16xi32>
      %add3A_1055 = arith.addi %select_n3A_1053, %select_n3A_1054 : vector<16xi32>
      %shift_right_arithmetic3A_1056 = arith.constant 1 : i32
      %shift_right_arithmetic3A_1057 = vector.broadcast %shift_right_arithmetic3A_1056 : i32 to vector<16xi32>
      %shift_right_arithmetic3A_1058 = arith.shrsi %add3A_1055, %shift_right_arithmetic3A_1057 : vector<16xi32>
      %gather3A_1059 = tpu.vector_load_idx %arg8[%shift_right_arithmetic3A_1058] : memref<512xi32, #tpu.memory_space<vmem>>[vector<16xi32>], vector<16xi32>,
      %le3A_1060 = arith.cmpi sle, %gather3A_1059, %add3A_987 : vector<16xi32>
      %add3A_1061 = arith.constant 1 : i32
      %add3A_1062 = vector.broadcast %add3A_1061 : i32 to vector<16xi32>
      %add3A_1063 = arith.addi %shift_right_arithmetic3A_1058, %add3A_1062 : vector<16xi32>
      %select_n3A_1064 = arith.select %le3A_1060, %add3A_1063, %select_n3A_1053 : vector<16xi1>, vector<16xi32>
      %select_n3A_1065 = arith.select %le3A_1060, %select_n3A_1054, %shift_right_arithmetic3A_1058 : vector<16xi1>, vector<16xi32>
      %add3A_1066 = arith.addi %select_n3A_1064, %select_n3A_1065 : vector<16xi32>
      %shift_right_arithmetic3A_1067 = arith.constant 1 : i32
      %shift_right_arithmetic3A_1068 = vector.broadcast %shift_right_arithmetic3A_1067 : i32 to vector<16xi32>
      %shift_right_arithmetic3A_1069 = arith.shrsi %add3A_1066, %shift_right_arithmetic3A_1068 : vector<16xi32>
      %gather3A_1070 = tpu.vector_load_idx %arg8[%shift_right_arithmetic3A_1069] : memref<512xi32, #tpu.memory_space<vmem>>[vector<16xi32>], vector<16xi32>,
      %le3A_1071 = arith.cmpi sle, %gather3A_1070, %add3A_987 : vector<16xi32>
      %add3A_1072 = arith.constant 1 : i32
      %add3A_1073 = vector.broadcast %add3A_1072 : i32 to vector<16xi32>
      %add3A_1074 = arith.addi %shift_right_arithmetic3A_1069, %add3A_1073 : vector<16xi32>
      %select_n3A_1075 = arith.select %le3A_1071, %add3A_1074, %select_n3A_1064 : vector<16xi1>, vector<16xi32>
      %select_n3A_1076 = arith.select %le3A_1071, %select_n3A_1065, %shift_right_arithmetic3A_1069 : vector<16xi1>, vector<16xi32>
      %add3A_1077 = arith.addi %select_n3A_1075, %select_n3A_1076 : vector<16xi32>
      %shift_right_arithmetic3A_1078 = arith.constant 1 : i32
      %shift_right_arithmetic3A_1079 = vector.broadcast %shift_right_arithmetic3A_1078 : i32 to vector<16xi32>
      %shift_right_arithmetic3A_1080 = arith.shrsi %add3A_1077, %shift_right_arithmetic3A_1079 : vector<16xi32>
      %gather3A_1081 = tpu.vector_load_idx %arg8[%shift_right_arithmetic3A_1080] : memref<512xi32, #tpu.memory_space<vmem>>[vector<16xi32>], vector<16xi32>,
      %le3A_1082 = arith.cmpi sle, %gather3A_1081, %add3A_987 : vector<16xi32>
      %add3A_1083 = arith.constant 1 : i32
      %add3A_1084 = vector.broadcast %add3A_1083 : i32 to vector<16xi32>
      %add3A_1085 = arith.addi %shift_right_arithmetic3A_1080, %add3A_1084 : vector<16xi32>
      %select_n3A_1086 = arith.select %le3A_1082, %add3A_1085, %select_n3A_1075 : vector<16xi1>, vector<16xi32>
      %select_n3A_1087 = arith.select %le3A_1082, %select_n3A_1076, %shift_right_arithmetic3A_1080 : vector<16xi1>, vector<16xi32>
      %add3A_1088 = arith.addi %select_n3A_1086, %select_n3A_1087 : vector<16xi32>
      %shift_right_arithmetic3A_1089 = arith.constant 1 : i32
      %shift_right_arithmetic3A_1090 = vector.broadcast %shift_right_arithmetic3A_1089 : i32 to vector<16xi32>
      %shift_right_arithmetic3A_1091 = arith.shrsi %add3A_1088, %shift_right_arithmetic3A_1090 : vector<16xi32>
      %gather3A_1092 = tpu.vector_load_idx %arg8[%shift_right_arithmetic3A_1091] : memref<512xi32, #tpu.memory_space<vmem>>[vector<16xi32>], vector<16xi32>,
      %le3A_1093 = arith.cmpi sle, %gather3A_1092, %add3A_987 : vector<16xi32>
      %add3A_1094 = arith.constant 1 : i32
      %add3A_1095 = vector.broadcast %add3A_1094 : i32 to vector<16xi32>
      %add3A_1096 = arith.addi %shift_right_arithmetic3A_1091, %add3A_1095 : vector<16xi32>
      %select_n3A_1097 = arith.select %le3A_1093, %add3A_1096, %select_n3A_1086 : vector<16xi1>, vector<16xi32>
      %select_n3A_1098 = arith.select %le3A_1093, %select_n3A_1087, %shift_right_arithmetic3A_1091 : vector<16xi1>, vector<16xi32>
      %lt3A_1099 = arith.cmpi slt, %add3A_987, %min3A_543 : vector<16xi32>
      %mul3A_1100 = arith.constant 513 : i32
      %mul3A_1101 = arith.muli %select_n3A, %mul3A_1100 : i32
      %add3A_1102 = vector.broadcast %mul3A_1101 : i32 to vector<16xi32>
      %add3A_1103 = arith.addi %add3A_1102, %select_n3A_1097 : vector<16xi32>
      %broadcast_in_dim3A_1104 = vector.broadcast %add3A_547 : i32 to vector<16xi32>
      %select_n3A_1105 = arith.select %lt3A_1099, %add3A_1103, %broadcast_in_dim3A_1104 : vector<16xi1>, vector<16xi32>
      %mul3A_1106 = arith.constant 16 : i32
      %mul3A_1107 = arith.muli %scan3A_979, %mul3A_1106 : i32
      %add3A_1108 = arith.constant 640 : i32
      %add3A_1109 = arith.addi %add3A_1108, %mul3A_1107 : i32
      %swap3A_1110 = arith.index_cast %add3A_1109 : i32 to index
      %swap3A_1111 = tpu.vector_load %arg10[%swap3A_1110] {strides = array<i32>} : memref<1024xi32, #tpu.memory_space<vmem>>, vector<16xi32>,
      tpu.vector_store %arg10[%swap3A_1110], %select_n3A_1105 {strides = array<i32>} : memref<1024xi32, #tpu.memory_space<vmem>>, vector<16xi32>,
      %not3A = arith.constant dense<true> : vector<16xi1>
      %not3A_1112 = arith.xori %lt3A_1099, %not3A : vector<16xi1>
      %convert_element_type3A_1113 = arith.extui %not3A_1112 : vector<16xi1> to vector<16xi32>
      %mul3A_1114 = arith.constant 16 : i32
      %mul3A_1115 = arith.muli %scan3A_979, %mul3A_1114 : i32
      %add3A_1116 = arith.constant 640 : i32
      %add3A_1117 = arith.addi %add3A_1116, %mul3A_1115 : i32
      %swap3A_1118 = arith.index_cast %add3A_1117 : i32 to index
      %swap3A_1119 = tpu.vector_load %arg11[%swap3A_1118] {strides = array<i32>} : memref<1024xi32, #tpu.memory_space<vmem>>, vector<16xi32>,
      tpu.vector_store %arg11[%swap3A_1118], %convert_element_type3A_1113 {strides = array<i32>} : memref<1024xi32, #tpu.memory_space<vmem>>, vector<16xi32>,
      %scan3A_1120 = arith.constant 0 : i32
      scf.yield %scan3A_1120 : i32
    }
    %scan3A_804 = arith.constant 4 : i32
    %dma_wait3A_805 = arith.constant 0 : i32
    %dma_wait3A_806 = tpu.memref_slice %arg5[%add3A_793, %dma_wait3A_805] : memref<32768x256xf32, #tpu.memory_space<hbm>> -> memref<64x256xf32, #tpu.memory_space<hbm>>
    %dma_wait3A_807 = arith.constant 0 : i32
    %dma_wait3A_808 = tpu.memref_slice %arg5[%add3A_793, %dma_wait3A_807] : memref<32768x256xf32, #tpu.memory_space<hbm>> -> memref<64x256xf32, #tpu.memory_space<hbm>>
    tpu.wait_dma2 semaphore(%arg16 : memref<!tpu.dma_semaphore, #tpu.memory_space<semaphore_mem>>) src(%arg12 : memref<64x256xf32, #tpu.memory_space<vmem>>) dst(%dma_wait3A_808 : memref<64x256xf32, #tpu.memory_space<hbm>>)
    %dma_start3A_809 = arith.constant 640 : i32
    %dma_start3A_810 = tpu.memref_slice %arg10[%dma_start3A_809] : memref<1024xi32, #tpu.memory_space<vmem>> -> memref<64xi32, #tpu.memory_space<vmem>>
    %dma_start3A_811 = arith.constant 0 : i32
    %dma_start3A_812 = arith.constant 0 : i32
    %dma_start3A_813 = tpu.memref_slice %arg2[%dma_start3A_811, %dma_start3A_812] : memref<8208x256xf32, #tpu.memory_space<hbm>> -> memref<8208x256xf32, #tpu.memory_space<hbm>>
    tpu.enqueue_indirect_dma source(%dma_start3A_813 : memref<8208x256xf32, #tpu.memory_space<hbm>>) target(%arg12 : memref<64x256xf32, #tpu.memory_space<vmem>>) offsets(%dma_start3A_810 : memref<64xi32, #tpu.memory_space<vmem>>) semaphore(%arg14 : memref<!tpu.dma_semaphore, #tpu.memory_space<semaphore_mem>>)
    %dma_wait3A_814 = arith.constant 576 : i32
    %dma_wait3A_815 = tpu.memref_slice %arg10[%dma_wait3A_814] : memref<1024xi32, #tpu.memory_space<vmem>> -> memref<64xi32, #tpu.memory_space<vmem>>
    %dma_wait3A_816 = arith.constant 0 : i32
    %dma_wait3A_817 = arith.constant 0 : i32
    %dma_wait3A_818 = tpu.memref_slice %arg2[%dma_wait3A_816, %dma_wait3A_817] : memref<8208x256xf32, #tpu.memory_space<hbm>> -> memref<8208x256xf32, #tpu.memory_space<hbm>>
    tpu.wait_indirect_dma semaphore(%arg15 : memref<!tpu.dma_semaphore, #tpu.memory_space<semaphore_mem>>) src(%dma_wait3A_818 : memref<8208x256xf32, #tpu.memory_space<hbm>>) dst(%arg13 : memref<64x256xf32, #tpu.memory_space<vmem>>)
    %add3A_819 = arith.constant 576 : i32
    %add3A_820 = arith.addi %mul3A_549, %add3A_819 : i32
    %dma_start3A_821 = arith.constant 0 : i32
    %dma_start3A_822 = tpu.memref_slice %arg5[%add3A_820, %dma_start3A_821] : memref<32768x256xf32, #tpu.memory_space<hbm>> -> memref<64x256xf32, #tpu.memory_space<hbm>>
    %dma_start3A_823 = arith.constant 0 : i32
    %dma_start3A_824 = tpu.memref_slice %arg5[%add3A_820, %dma_start3A_823] : memref<32768x256xf32, #tpu.memory_space<hbm>> -> memref<64x256xf32, #tpu.memory_space<hbm>>
    tpu.enqueue_dma source(%arg13 : memref<64x256xf32, #tpu.memory_space<vmem>>) target(%dma_start3A_824 : memref<64x256xf32, #tpu.memory_space<hbm>>) target_semaphore(%arg17 : memref<!tpu.dma_semaphore, #tpu.memory_space<semaphore_mem>>)
    %scan3A_825 = arith.constant 0 : i32
    %scan3A_826 = arith.constant 0 : i32
    %scan3A_827 = arith.constant 4 : i32
    %scan3A_828 = arith.addi %scan3A_826, %scan3A_827 : i32
    %scan3A_829 = arith.constant 1 : i32
    %scan3A_830 = scf.for %scan3A_979 = %scan3A_826 to %scan3A_828 step %scan3A_829 iter_args(%scan3A_980 = %scan3A_825) -> (i32)  : i32 {
      %add3A_981 = arith.constant 704 : i32
      %add3A_982 = arith.addi %mul3A_32, %add3A_981 : i32
      %mul3A_983 = arith.constant 16 : i32
      %mul3A_984 = arith.muli %scan3A_979, %mul3A_983 : i32
      %add3A_985 = arith.addi %add3A_982, %mul3A_984 : i32
      %add3A_986 = vector.broadcast %add3A_985 : i32 to vector<16xi32>
      %add3A_987 = arith.addi %add3A_986, %iota3A : vector<16xi32>
      %broadcast_in_dim3A_988 = arith.constant 0 : i32
      %broadcast_in_dim3A_989 = vector.broadcast %broadcast_in_dim3A_988 : i32 to vector<16xi32>
      %broadcast_in_dim3A_990 = arith.constant 512 : i32
      %broadcast_in_dim3A_991 = vector.broadcast %broadcast_in_dim3A_990 : i32 to vector<16xi32>
      %add3A_992 = arith.addi %broadcast_in_dim3A_989, %broadcast_in_dim3A_991 : vector<16xi32>
      %shift_right_arithmetic3A = arith.constant 1 : i32
      %shift_right_arithmetic3A_993 = vector.broadcast %shift_right_arithmetic3A : i32 to vector<16xi32>
      %shift_right_arithmetic3A_994 = arith.shrsi %add3A_992, %shift_right_arithmetic3A_993 : vector<16xi32>
      %gather3A = tpu.vector_load_idx %arg8[%shift_right_arithmetic3A_994] : memref<512xi32, #tpu.memory_space<vmem>>[vector<16xi32>], vector<16xi32>,
      %le3A = arith.cmpi sle, %gather3A, %add3A_987 : vector<16xi32>
      %add3A_995 = arith.constant 1 : i32
      %add3A_996 = vector.broadcast %add3A_995 : i32 to vector<16xi32>
      %add3A_997 = arith.addi %shift_right_arithmetic3A_994, %add3A_996 : vector<16xi32>
      %select_n3A_998 = arith.select %le3A, %add3A_997, %broadcast_in_dim3A_989 : vector<16xi1>, vector<16xi32>
      %select_n3A_999 = arith.select %le3A, %broadcast_in_dim3A_991, %shift_right_arithmetic3A_994 : vector<16xi1>, vector<16xi32>
      %add3A_1000 = arith.addi %select_n3A_998, %select_n3A_999 : vector<16xi32>
      %shift_right_arithmetic3A_1001 = arith.constant 1 : i32
      %shift_right_arithmetic3A_1002 = vector.broadcast %shift_right_arithmetic3A_1001 : i32 to vector<16xi32>
      %shift_right_arithmetic3A_1003 = arith.shrsi %add3A_1000, %shift_right_arithmetic3A_1002 : vector<16xi32>
      %gather3A_1004 = tpu.vector_load_idx %arg8[%shift_right_arithmetic3A_1003] : memref<512xi32, #tpu.memory_space<vmem>>[vector<16xi32>], vector<16xi32>,
      %le3A_1005 = arith.cmpi sle, %gather3A_1004, %add3A_987 : vector<16xi32>
      %add3A_1006 = arith.constant 1 : i32
      %add3A_1007 = vector.broadcast %add3A_1006 : i32 to vector<16xi32>
      %add3A_1008 = arith.addi %shift_right_arithmetic3A_1003, %add3A_1007 : vector<16xi32>
      %select_n3A_1009 = arith.select %le3A_1005, %add3A_1008, %select_n3A_998 : vector<16xi1>, vector<16xi32>
      %select_n3A_1010 = arith.select %le3A_1005, %select_n3A_999, %shift_right_arithmetic3A_1003 : vector<16xi1>, vector<16xi32>
      %add3A_1011 = arith.addi %select_n3A_1009, %select_n3A_1010 : vector<16xi32>
      %shift_right_arithmetic3A_1012 = arith.constant 1 : i32
      %shift_right_arithmetic3A_1013 = vector.broadcast %shift_right_arithmetic3A_1012 : i32 to vector<16xi32>
      %shift_right_arithmetic3A_1014 = arith.shrsi %add3A_1011, %shift_right_arithmetic3A_1013 : vector<16xi32>
      %gather3A_1015 = tpu.vector_load_idx %arg8[%shift_right_arithmetic3A_1014] : memref<512xi32, #tpu.memory_space<vmem>>[vector<16xi32>], vector<16xi32>,
      %le3A_1016 = arith.cmpi sle, %gather3A_1015, %add3A_987 : vector<16xi32>
      %add3A_1017 = arith.constant 1 : i32
      %add3A_1018 = vector.broadcast %add3A_1017 : i32 to vector<16xi32>
      %add3A_1019 = arith.addi %shift_right_arithmetic3A_1014, %add3A_1018 : vector<16xi32>
      %select_n3A_1020 = arith.select %le3A_1016, %add3A_1019, %select_n3A_1009 : vector<16xi1>, vector<16xi32>
      %select_n3A_1021 = arith.select %le3A_1016, %select_n3A_1010, %shift_right_arithmetic3A_1014 : vector<16xi1>, vector<16xi32>
      %add3A_1022 = arith.addi %select_n3A_1020, %select_n3A_1021 : vector<16xi32>
      %shift_right_arithmetic3A_1023 = arith.constant 1 : i32
      %shift_right_arithmetic3A_1024 = vector.broadcast %shift_right_arithmetic3A_1023 : i32 to vector<16xi32>
      %shift_right_arithmetic3A_1025 = arith.shrsi %add3A_1022, %shift_right_arithmetic3A_1024 : vector<16xi32>
      %gather3A_1026 = tpu.vector_load_idx %arg8[%shift_right_arithmetic3A_1025] : memref<512xi32, #tpu.memory_space<vmem>>[vector<16xi32>], vector<16xi32>,
      %le3A_1027 = arith.cmpi sle, %gather3A_1026, %add3A_987 : vector<16xi32>
      %add3A_1028 = arith.constant 1 : i32
      %add3A_1029 = vector.broadcast %add3A_1028 : i32 to vector<16xi32>
      %add3A_1030 = arith.addi %shift_right_arithmetic3A_1025, %add3A_1029 : vector<16xi32>
      %select_n3A_1031 = arith.select %le3A_1027, %add3A_1030, %select_n3A_1020 : vector<16xi1>, vector<16xi32>
      %select_n3A_1032 = arith.select %le3A_1027, %select_n3A_1021, %shift_right_arithmetic3A_1025 : vector<16xi1>, vector<16xi32>
      %add3A_1033 = arith.addi %select_n3A_1031, %select_n3A_1032 : vector<16xi32>
      %shift_right_arithmetic3A_1034 = arith.constant 1 : i32
      %shift_right_arithmetic3A_1035 = vector.broadcast %shift_right_arithmetic3A_1034 : i32 to vector<16xi32>
      %shift_right_arithmetic3A_1036 = arith.shrsi %add3A_1033, %shift_right_arithmetic3A_1035 : vector<16xi32>
      %gather3A_1037 = tpu.vector_load_idx %arg8[%shift_right_arithmetic3A_1036] : memref<512xi32, #tpu.memory_space<vmem>>[vector<16xi32>], vector<16xi32>,
      %le3A_1038 = arith.cmpi sle, %gather3A_1037, %add3A_987 : vector<16xi32>
      %add3A_1039 = arith.constant 1 : i32
      %add3A_1040 = vector.broadcast %add3A_1039 : i32 to vector<16xi32>
      %add3A_1041 = arith.addi %shift_right_arithmetic3A_1036, %add3A_1040 : vector<16xi32>
      %select_n3A_1042 = arith.select %le3A_1038, %add3A_1041, %select_n3A_1031 : vector<16xi1>, vector<16xi32>
      %select_n3A_1043 = arith.select %le3A_1038, %select_n3A_1032, %shift_right_arithmetic3A_1036 : vector<16xi1>, vector<16xi32>
      %add3A_1044 = arith.addi %select_n3A_1042, %select_n3A_1043 : vector<16xi32>
      %shift_right_arithmetic3A_1045 = arith.constant 1 : i32
      %shift_right_arithmetic3A_1046 = vector.broadcast %shift_right_arithmetic3A_1045 : i32 to vector<16xi32>
      %shift_right_arithmetic3A_1047 = arith.shrsi %add3A_1044, %shift_right_arithmetic3A_1046 : vector<16xi32>
      %gather3A_1048 = tpu.vector_load_idx %arg8[%shift_right_arithmetic3A_1047] : memref<512xi32, #tpu.memory_space<vmem>>[vector<16xi32>], vector<16xi32>,
      %le3A_1049 = arith.cmpi sle, %gather3A_1048, %add3A_987 : vector<16xi32>
      %add3A_1050 = arith.constant 1 : i32
      %add3A_1051 = vector.broadcast %add3A_1050 : i32 to vector<16xi32>
      %add3A_1052 = arith.addi %shift_right_arithmetic3A_1047, %add3A_1051 : vector<16xi32>
      %select_n3A_1053 = arith.select %le3A_1049, %add3A_1052, %select_n3A_1042 : vector<16xi1>, vector<16xi32>
      %select_n3A_1054 = arith.select %le3A_1049, %select_n3A_1043, %shift_right_arithmetic3A_1047 : vector<16xi1>, vector<16xi32>
      %add3A_1055 = arith.addi %select_n3A_1053, %select_n3A_1054 : vector<16xi32>
      %shift_right_arithmetic3A_1056 = arith.constant 1 : i32
      %shift_right_arithmetic3A_1057 = vector.broadcast %shift_right_arithmetic3A_1056 : i32 to vector<16xi32>
      %shift_right_arithmetic3A_1058 = arith.shrsi %add3A_1055, %shift_right_arithmetic3A_1057 : vector<16xi32>
      %gather3A_1059 = tpu.vector_load_idx %arg8[%shift_right_arithmetic3A_1058] : memref<512xi32, #tpu.memory_space<vmem>>[vector<16xi32>], vector<16xi32>,
      %le3A_1060 = arith.cmpi sle, %gather3A_1059, %add3A_987 : vector<16xi32>
      %add3A_1061 = arith.constant 1 : i32
      %add3A_1062 = vector.broadcast %add3A_1061 : i32 to vector<16xi32>
      %add3A_1063 = arith.addi %shift_right_arithmetic3A_1058, %add3A_1062 : vector<16xi32>
      %select_n3A_1064 = arith.select %le3A_1060, %add3A_1063, %select_n3A_1053 : vector<16xi1>, vector<16xi32>
      %select_n3A_1065 = arith.select %le3A_1060, %select_n3A_1054, %shift_right_arithmetic3A_1058 : vector<16xi1>, vector<16xi32>
      %add3A_1066 = arith.addi %select_n3A_1064, %select_n3A_1065 : vector<16xi32>
      %shift_right_arithmetic3A_1067 = arith.constant 1 : i32
      %shift_right_arithmetic3A_1068 = vector.broadcast %shift_right_arithmetic3A_1067 : i32 to vector<16xi32>
      %shift_right_arithmetic3A_1069 = arith.shrsi %add3A_1066, %shift_right_arithmetic3A_1068 : vector<16xi32>
      %gather3A_1070 = tpu.vector_load_idx %arg8[%shift_right_arithmetic3A_1069] : memref<512xi32, #tpu.memory_space<vmem>>[vector<16xi32>], vector<16xi32>,
      %le3A_1071 = arith.cmpi sle, %gather3A_1070, %add3A_987 : vector<16xi32>
      %add3A_1072 = arith.constant 1 : i32
      %add3A_1073 = vector.broadcast %add3A_1072 : i32 to vector<16xi32>
      %add3A_1074 = arith.addi %shift_right_arithmetic3A_1069, %add3A_1073 : vector<16xi32>
      %select_n3A_1075 = arith.select %le3A_1071, %add3A_1074, %select_n3A_1064 : vector<16xi1>, vector<16xi32>
      %select_n3A_1076 = arith.select %le3A_1071, %select_n3A_1065, %shift_right_arithmetic3A_1069 : vector<16xi1>, vector<16xi32>
      %add3A_1077 = arith.addi %select_n3A_1075, %select_n3A_1076 : vector<16xi32>
      %shift_right_arithmetic3A_1078 = arith.constant 1 : i32
      %shift_right_arithmetic3A_1079 = vector.broadcast %shift_right_arithmetic3A_1078 : i32 to vector<16xi32>
      %shift_right_arithmetic3A_1080 = arith.shrsi %add3A_1077, %shift_right_arithmetic3A_1079 : vector<16xi32>
      %gather3A_1081 = tpu.vector_load_idx %arg8[%shift_right_arithmetic3A_1080] : memref<512xi32, #tpu.memory_space<vmem>>[vector<16xi32>], vector<16xi32>,
      %le3A_1082 = arith.cmpi sle, %gather3A_1081, %add3A_987 : vector<16xi32>
      %add3A_1083 = arith.constant 1 : i32
      %add3A_1084 = vector.broadcast %add3A_1083 : i32 to vector<16xi32>
      %add3A_1085 = arith.addi %shift_right_arithmetic3A_1080, %add3A_1084 : vector<16xi32>
      %select_n3A_1086 = arith.select %le3A_1082, %add3A_1085, %select_n3A_1075 : vector<16xi1>, vector<16xi32>
      %select_n3A_1087 = arith.select %le3A_1082, %select_n3A_1076, %shift_right_arithmetic3A_1080 : vector<16xi1>, vector<16xi32>
      %add3A_1088 = arith.addi %select_n3A_1086, %select_n3A_1087 : vector<16xi32>
      %shift_right_arithmetic3A_1089 = arith.constant 1 : i32
      %shift_right_arithmetic3A_1090 = vector.broadcast %shift_right_arithmetic3A_1089 : i32 to vector<16xi32>
      %shift_right_arithmetic3A_1091 = arith.shrsi %add3A_1088, %shift_right_arithmetic3A_1090 : vector<16xi32>
      %gather3A_1092 = tpu.vector_load_idx %arg8[%shift_right_arithmetic3A_1091] : memref<512xi32, #tpu.memory_space<vmem>>[vector<16xi32>], vector<16xi32>,
      %le3A_1093 = arith.cmpi sle, %gather3A_1092, %add3A_987 : vector<16xi32>
      %add3A_1094 = arith.constant 1 : i32
      %add3A_1095 = vector.broadcast %add3A_1094 : i32 to vector<16xi32>
      %add3A_1096 = arith.addi %shift_right_arithmetic3A_1091, %add3A_1095 : vector<16xi32>
      %select_n3A_1097 = arith.select %le3A_1093, %add3A_1096, %select_n3A_1086 : vector<16xi1>, vector<16xi32>
      %select_n3A_1098 = arith.select %le3A_1093, %select_n3A_1087, %shift_right_arithmetic3A_1091 : vector<16xi1>, vector<16xi32>
      %lt3A_1099 = arith.cmpi slt, %add3A_987, %min3A_543 : vector<16xi32>
      %mul3A_1100 = arith.constant 513 : i32
      %mul3A_1101 = arith.muli %select_n3A, %mul3A_1100 : i32
      %add3A_1102 = vector.broadcast %mul3A_1101 : i32 to vector<16xi32>
      %add3A_1103 = arith.addi %add3A_1102, %select_n3A_1097 : vector<16xi32>
      %broadcast_in_dim3A_1104 = vector.broadcast %add3A_547 : i32 to vector<16xi32>
      %select_n3A_1105 = arith.select %lt3A_1099, %add3A_1103, %broadcast_in_dim3A_1104 : vector<16xi1>, vector<16xi32>
      %mul3A_1106 = arith.constant 16 : i32
      %mul3A_1107 = arith.muli %scan3A_979, %mul3A_1106 : i32
      %add3A_1108 = arith.constant 704 : i32
      %add3A_1109 = arith.addi %add3A_1108, %mul3A_1107 : i32
      %swap3A_1110 = arith.index_cast %add3A_1109 : i32 to index
      %swap3A_1111 = tpu.vector_load %arg10[%swap3A_1110] {strides = array<i32>} : memref<1024xi32, #tpu.memory_space<vmem>>, vector<16xi32>,
      tpu.vector_store %arg10[%swap3A_1110], %select_n3A_1105 {strides = array<i32>} : memref<1024xi32, #tpu.memory_space<vmem>>, vector<16xi32>,
      %not3A = arith.constant dense<true> : vector<16xi1>
      %not3A_1112 = arith.xori %lt3A_1099, %not3A : vector<16xi1>
      %convert_element_type3A_1113 = arith.extui %not3A_1112 : vector<16xi1> to vector<16xi32>
      %mul3A_1114 = arith.constant 16 : i32
      %mul3A_1115 = arith.muli %scan3A_979, %mul3A_1114 : i32
      %add3A_1116 = arith.constant 704 : i32
      %add3A_1117 = arith.addi %add3A_1116, %mul3A_1115 : i32
      %swap3A_1118 = arith.index_cast %add3A_1117 : i32 to index
      %swap3A_1119 = tpu.vector_load %arg11[%swap3A_1118] {strides = array<i32>} : memref<1024xi32, #tpu.memory_space<vmem>>, vector<16xi32>,
      tpu.vector_store %arg11[%swap3A_1118], %convert_element_type3A_1113 {strides = array<i32>} : memref<1024xi32, #tpu.memory_space<vmem>>, vector<16xi32>,
      %scan3A_1120 = arith.constant 0 : i32
      scf.yield %scan3A_1120 : i32
    }
    %scan3A_831 = arith.constant 4 : i32
    %dma_wait3A_832 = arith.constant 0 : i32
    %dma_wait3A_833 = tpu.memref_slice %arg5[%add3A_820, %dma_wait3A_832] : memref<32768x256xf32, #tpu.memory_space<hbm>> -> memref<64x256xf32, #tpu.memory_space<hbm>>
    %dma_wait3A_834 = arith.constant 0 : i32
    %dma_wait3A_835 = tpu.memref_slice %arg5[%add3A_820, %dma_wait3A_834] : memref<32768x256xf32, #tpu.memory_space<hbm>> -> memref<64x256xf32, #tpu.memory_space<hbm>>
    tpu.wait_dma2 semaphore(%arg17 : memref<!tpu.dma_semaphore, #tpu.memory_space<semaphore_mem>>) src(%arg13 : memref<64x256xf32, #tpu.memory_space<vmem>>) dst(%dma_wait3A_835 : memref<64x256xf32, #tpu.memory_space<hbm>>)
    %dma_start3A_836 = arith.constant 704 : i32
    %dma_start3A_837 = tpu.memref_slice %arg10[%dma_start3A_836] : memref<1024xi32, #tpu.memory_space<vmem>> -> memref<64xi32, #tpu.memory_space<vmem>>
    %dma_start3A_838 = arith.constant 0 : i32
    %dma_start3A_839 = arith.constant 0 : i32
    %dma_start3A_840 = tpu.memref_slice %arg2[%dma_start3A_838, %dma_start3A_839] : memref<8208x256xf32, #tpu.memory_space<hbm>> -> memref<8208x256xf32, #tpu.memory_space<hbm>>
    tpu.enqueue_indirect_dma source(%dma_start3A_840 : memref<8208x256xf32, #tpu.memory_space<hbm>>) target(%arg13 : memref<64x256xf32, #tpu.memory_space<vmem>>) offsets(%dma_start3A_837 : memref<64xi32, #tpu.memory_space<vmem>>) semaphore(%arg15 : memref<!tpu.dma_semaphore, #tpu.memory_space<semaphore_mem>>)
    %dma_wait3A_841 = arith.constant 640 : i32
    %dma_wait3A_842 = tpu.memref_slice %arg10[%dma_wait3A_841] : memref<1024xi32, #tpu.memory_space<vmem>> -> memref<64xi32, #tpu.memory_space<vmem>>
    %dma_wait3A_843 = arith.constant 0 : i32
    %dma_wait3A_844 = arith.constant 0 : i32
    %dma_wait3A_845 = tpu.memref_slice %arg2[%dma_wait3A_843, %dma_wait3A_844] : memref<8208x256xf32, #tpu.memory_space<hbm>> -> memref<8208x256xf32, #tpu.memory_space<hbm>>
    tpu.wait_indirect_dma semaphore(%arg14 : memref<!tpu.dma_semaphore, #tpu.memory_space<semaphore_mem>>) src(%dma_wait3A_845 : memref<8208x256xf32, #tpu.memory_space<hbm>>) dst(%arg12 : memref<64x256xf32, #tpu.memory_space<vmem>>)
    %add3A_846 = arith.constant 640 : i32
    %add3A_847 = arith.addi %mul3A_549, %add3A_846 : i32
    %dma_start3A_848 = arith.constant 0 : i32
    %dma_start3A_849 = tpu.memref_slice %arg5[%add3A_847, %dma_start3A_848] : memref<32768x256xf32, #tpu.memory_space<hbm>> -> memref<64x256xf32, #tpu.memory_space<hbm>>
    %dma_start3A_850 = arith.constant 0 : i32
    %dma_start3A_851 = tpu.memref_slice %arg5[%add3A_847, %dma_start3A_850] : memref<32768x256xf32, #tpu.memory_space<hbm>> -> memref<64x256xf32, #tpu.memory_space<hbm>>
    tpu.enqueue_dma source(%arg12 : memref<64x256xf32, #tpu.memory_space<vmem>>) target(%dma_start3A_851 : memref<64x256xf32, #tpu.memory_space<hbm>>) target_semaphore(%arg16 : memref<!tpu.dma_semaphore, #tpu.memory_space<semaphore_mem>>)
    %scan3A_852 = arith.constant 0 : i32
    %scan3A_853 = arith.constant 0 : i32
    %scan3A_854 = arith.constant 4 : i32
    %scan3A_855 = arith.addi %scan3A_853, %scan3A_854 : i32
    %scan3A_856 = arith.constant 1 : i32
    %scan3A_857 = scf.for %scan3A_979 = %scan3A_853 to %scan3A_855 step %scan3A_856 iter_args(%scan3A_980 = %scan3A_852) -> (i32)  : i32 {
      %add3A_981 = arith.constant 768 : i32
      %add3A_982 = arith.addi %mul3A_32, %add3A_981 : i32
      %mul3A_983 = arith.constant 16 : i32
      %mul3A_984 = arith.muli %scan3A_979, %mul3A_983 : i32
      %add3A_985 = arith.addi %add3A_982, %mul3A_984 : i32
      %add3A_986 = vector.broadcast %add3A_985 : i32 to vector<16xi32>
      %add3A_987 = arith.addi %add3A_986, %iota3A : vector<16xi32>
      %broadcast_in_dim3A_988 = arith.constant 0 : i32
      %broadcast_in_dim3A_989 = vector.broadcast %broadcast_in_dim3A_988 : i32 to vector<16xi32>
      %broadcast_in_dim3A_990 = arith.constant 512 : i32
      %broadcast_in_dim3A_991 = vector.broadcast %broadcast_in_dim3A_990 : i32 to vector<16xi32>
      %add3A_992 = arith.addi %broadcast_in_dim3A_989, %broadcast_in_dim3A_991 : vector<16xi32>
      %shift_right_arithmetic3A = arith.constant 1 : i32
      %shift_right_arithmetic3A_993 = vector.broadcast %shift_right_arithmetic3A : i32 to vector<16xi32>
      %shift_right_arithmetic3A_994 = arith.shrsi %add3A_992, %shift_right_arithmetic3A_993 : vector<16xi32>
      %gather3A = tpu.vector_load_idx %arg8[%shift_right_arithmetic3A_994] : memref<512xi32, #tpu.memory_space<vmem>>[vector<16xi32>], vector<16xi32>,
      %le3A = arith.cmpi sle, %gather3A, %add3A_987 : vector<16xi32>
      %add3A_995 = arith.constant 1 : i32
      %add3A_996 = vector.broadcast %add3A_995 : i32 to vector<16xi32>
      %add3A_997 = arith.addi %shift_right_arithmetic3A_994, %add3A_996 : vector<16xi32>
      %select_n3A_998 = arith.select %le3A, %add3A_997, %broadcast_in_dim3A_989 : vector<16xi1>, vector<16xi32>
      %select_n3A_999 = arith.select %le3A, %broadcast_in_dim3A_991, %shift_right_arithmetic3A_994 : vector<16xi1>, vector<16xi32>
      %add3A_1000 = arith.addi %select_n3A_998, %select_n3A_999 : vector<16xi32>
      %shift_right_arithmetic3A_1001 = arith.constant 1 : i32
      %shift_right_arithmetic3A_1002 = vector.broadcast %shift_right_arithmetic3A_1001 : i32 to vector<16xi32>
      %shift_right_arithmetic3A_1003 = arith.shrsi %add3A_1000, %shift_right_arithmetic3A_1002 : vector<16xi32>
      %gather3A_1004 = tpu.vector_load_idx %arg8[%shift_right_arithmetic3A_1003] : memref<512xi32, #tpu.memory_space<vmem>>[vector<16xi32>], vector<16xi32>,
      %le3A_1005 = arith.cmpi sle, %gather3A_1004, %add3A_987 : vector<16xi32>
      %add3A_1006 = arith.constant 1 : i32
      %add3A_1007 = vector.broadcast %add3A_1006 : i32 to vector<16xi32>
      %add3A_1008 = arith.addi %shift_right_arithmetic3A_1003, %add3A_1007 : vector<16xi32>
      %select_n3A_1009 = arith.select %le3A_1005, %add3A_1008, %select_n3A_998 : vector<16xi1>, vector<16xi32>
      %select_n3A_1010 = arith.select %le3A_1005, %select_n3A_999, %shift_right_arithmetic3A_1003 : vector<16xi1>, vector<16xi32>
      %add3A_1011 = arith.addi %select_n3A_1009, %select_n3A_1010 : vector<16xi32>
      %shift_right_arithmetic3A_1012 = arith.constant 1 : i32
      %shift_right_arithmetic3A_1013 = vector.broadcast %shift_right_arithmetic3A_1012 : i32 to vector<16xi32>
      %shift_right_arithmetic3A_1014 = arith.shrsi %add3A_1011, %shift_right_arithmetic3A_1013 : vector<16xi32>
      %gather3A_1015 = tpu.vector_load_idx %arg8[%shift_right_arithmetic3A_1014] : memref<512xi32, #tpu.memory_space<vmem>>[vector<16xi32>], vector<16xi32>,
      %le3A_1016 = arith.cmpi sle, %gather3A_1015, %add3A_987 : vector<16xi32>
      %add3A_1017 = arith.constant 1 : i32
      %add3A_1018 = vector.broadcast %add3A_1017 : i32 to vector<16xi32>
      %add3A_1019 = arith.addi %shift_right_arithmetic3A_1014, %add3A_1018 : vector<16xi32>
      %select_n3A_1020 = arith.select %le3A_1016, %add3A_1019, %select_n3A_1009 : vector<16xi1>, vector<16xi32>
      %select_n3A_1021 = arith.select %le3A_1016, %select_n3A_1010, %shift_right_arithmetic3A_1014 : vector<16xi1>, vector<16xi32>
      %add3A_1022 = arith.addi %select_n3A_1020, %select_n3A_1021 : vector<16xi32>
      %shift_right_arithmetic3A_1023 = arith.constant 1 : i32
      %shift_right_arithmetic3A_1024 = vector.broadcast %shift_right_arithmetic3A_1023 : i32 to vector<16xi32>
      %shift_right_arithmetic3A_1025 = arith.shrsi %add3A_1022, %shift_right_arithmetic3A_1024 : vector<16xi32>
      %gather3A_1026 = tpu.vector_load_idx %arg8[%shift_right_arithmetic3A_1025] : memref<512xi32, #tpu.memory_space<vmem>>[vector<16xi32>], vector<16xi32>,
      %le3A_1027 = arith.cmpi sle, %gather3A_1026, %add3A_987 : vector<16xi32>
      %add3A_1028 = arith.constant 1 : i32
      %add3A_1029 = vector.broadcast %add3A_1028 : i32 to vector<16xi32>
      %add3A_1030 = arith.addi %shift_right_arithmetic3A_1025, %add3A_1029 : vector<16xi32>
      %select_n3A_1031 = arith.select %le3A_1027, %add3A_1030, %select_n3A_1020 : vector<16xi1>, vector<16xi32>
      %select_n3A_1032 = arith.select %le3A_1027, %select_n3A_1021, %shift_right_arithmetic3A_1025 : vector<16xi1>, vector<16xi32>
      %add3A_1033 = arith.addi %select_n3A_1031, %select_n3A_1032 : vector<16xi32>
      %shift_right_arithmetic3A_1034 = arith.constant 1 : i32
      %shift_right_arithmetic3A_1035 = vector.broadcast %shift_right_arithmetic3A_1034 : i32 to vector<16xi32>
      %shift_right_arithmetic3A_1036 = arith.shrsi %add3A_1033, %shift_right_arithmetic3A_1035 : vector<16xi32>
      %gather3A_1037 = tpu.vector_load_idx %arg8[%shift_right_arithmetic3A_1036] : memref<512xi32, #tpu.memory_space<vmem>>[vector<16xi32>], vector<16xi32>,
      %le3A_1038 = arith.cmpi sle, %gather3A_1037, %add3A_987 : vector<16xi32>
      %add3A_1039 = arith.constant 1 : i32
      %add3A_1040 = vector.broadcast %add3A_1039 : i32 to vector<16xi32>
      %add3A_1041 = arith.addi %shift_right_arithmetic3A_1036, %add3A_1040 : vector<16xi32>
      %select_n3A_1042 = arith.select %le3A_1038, %add3A_1041, %select_n3A_1031 : vector<16xi1>, vector<16xi32>
      %select_n3A_1043 = arith.select %le3A_1038, %select_n3A_1032, %shift_right_arithmetic3A_1036 : vector<16xi1>, vector<16xi32>
      %add3A_1044 = arith.addi %select_n3A_1042, %select_n3A_1043 : vector<16xi32>
      %shift_right_arithmetic3A_1045 = arith.constant 1 : i32
      %shift_right_arithmetic3A_1046 = vector.broadcast %shift_right_arithmetic3A_1045 : i32 to vector<16xi32>
      %shift_right_arithmetic3A_1047 = arith.shrsi %add3A_1044, %shift_right_arithmetic3A_1046 : vector<16xi32>
      %gather3A_1048 = tpu.vector_load_idx %arg8[%shift_right_arithmetic3A_1047] : memref<512xi32, #tpu.memory_space<vmem>>[vector<16xi32>], vector<16xi32>,
      %le3A_1049 = arith.cmpi sle, %gather3A_1048, %add3A_987 : vector<16xi32>
      %add3A_1050 = arith.constant 1 : i32
      %add3A_1051 = vector.broadcast %add3A_1050 : i32 to vector<16xi32>
      %add3A_1052 = arith.addi %shift_right_arithmetic3A_1047, %add3A_1051 : vector<16xi32>
      %select_n3A_1053 = arith.select %le3A_1049, %add3A_1052, %select_n3A_1042 : vector<16xi1>, vector<16xi32>
      %select_n3A_1054 = arith.select %le3A_1049, %select_n3A_1043, %shift_right_arithmetic3A_1047 : vector<16xi1>, vector<16xi32>
      %add3A_1055 = arith.addi %select_n3A_1053, %select_n3A_1054 : vector<16xi32>
      %shift_right_arithmetic3A_1056 = arith.constant 1 : i32
      %shift_right_arithmetic3A_1057 = vector.broadcast %shift_right_arithmetic3A_1056 : i32 to vector<16xi32>
      %shift_right_arithmetic3A_1058 = arith.shrsi %add3A_1055, %shift_right_arithmetic3A_1057 : vector<16xi32>
      %gather3A_1059 = tpu.vector_load_idx %arg8[%shift_right_arithmetic3A_1058] : memref<512xi32, #tpu.memory_space<vmem>>[vector<16xi32>], vector<16xi32>,
      %le3A_1060 = arith.cmpi sle, %gather3A_1059, %add3A_987 : vector<16xi32>
      %add3A_1061 = arith.constant 1 : i32
      %add3A_1062 = vector.broadcast %add3A_1061 : i32 to vector<16xi32>
      %add3A_1063 = arith.addi %shift_right_arithmetic3A_1058, %add3A_1062 : vector<16xi32>
      %select_n3A_1064 = arith.select %le3A_1060, %add3A_1063, %select_n3A_1053 : vector<16xi1>, vector<16xi32>
      %select_n3A_1065 = arith.select %le3A_1060, %select_n3A_1054, %shift_right_arithmetic3A_1058 : vector<16xi1>, vector<16xi32>
      %add3A_1066 = arith.addi %select_n3A_1064, %select_n3A_1065 : vector<16xi32>
      %shift_right_arithmetic3A_1067 = arith.constant 1 : i32
      %shift_right_arithmetic3A_1068 = vector.broadcast %shift_right_arithmetic3A_1067 : i32 to vector<16xi32>
      %shift_right_arithmetic3A_1069 = arith.shrsi %add3A_1066, %shift_right_arithmetic3A_1068 : vector<16xi32>
      %gather3A_1070 = tpu.vector_load_idx %arg8[%shift_right_arithmetic3A_1069] : memref<512xi32, #tpu.memory_space<vmem>>[vector<16xi32>], vector<16xi32>,
      %le3A_1071 = arith.cmpi sle, %gather3A_1070, %add3A_987 : vector<16xi32>
      %add3A_1072 = arith.constant 1 : i32
      %add3A_1073 = vector.broadcast %add3A_1072 : i32 to vector<16xi32>
      %add3A_1074 = arith.addi %shift_right_arithmetic3A_1069, %add3A_1073 : vector<16xi32>
      %select_n3A_1075 = arith.select %le3A_1071, %add3A_1074, %select_n3A_1064 : vector<16xi1>, vector<16xi32>
      %select_n3A_1076 = arith.select %le3A_1071, %select_n3A_1065, %shift_right_arithmetic3A_1069 : vector<16xi1>, vector<16xi32>
      %add3A_1077 = arith.addi %select_n3A_1075, %select_n3A_1076 : vector<16xi32>
      %shift_right_arithmetic3A_1078 = arith.constant 1 : i32
      %shift_right_arithmetic3A_1079 = vector.broadcast %shift_right_arithmetic3A_1078 : i32 to vector<16xi32>
      %shift_right_arithmetic3A_1080 = arith.shrsi %add3A_1077, %shift_right_arithmetic3A_1079 : vector<16xi32>
      %gather3A_1081 = tpu.vector_load_idx %arg8[%shift_right_arithmetic3A_1080] : memref<512xi32, #tpu.memory_space<vmem>>[vector<16xi32>], vector<16xi32>,
      %le3A_1082 = arith.cmpi sle, %gather3A_1081, %add3A_987 : vector<16xi32>
      %add3A_1083 = arith.constant 1 : i32
      %add3A_1084 = vector.broadcast %add3A_1083 : i32 to vector<16xi32>
      %add3A_1085 = arith.addi %shift_right_arithmetic3A_1080, %add3A_1084 : vector<16xi32>
      %select_n3A_1086 = arith.select %le3A_1082, %add3A_1085, %select_n3A_1075 : vector<16xi1>, vector<16xi32>
      %select_n3A_1087 = arith.select %le3A_1082, %select_n3A_1076, %shift_right_arithmetic3A_1080 : vector<16xi1>, vector<16xi32>
      %add3A_1088 = arith.addi %select_n3A_1086, %select_n3A_1087 : vector<16xi32>
      %shift_right_arithmetic3A_1089 = arith.constant 1 : i32
      %shift_right_arithmetic3A_1090 = vector.broadcast %shift_right_arithmetic3A_1089 : i32 to vector<16xi32>
      %shift_right_arithmetic3A_1091 = arith.shrsi %add3A_1088, %shift_right_arithmetic3A_1090 : vector<16xi32>
      %gather3A_1092 = tpu.vector_load_idx %arg8[%shift_right_arithmetic3A_1091] : memref<512xi32, #tpu.memory_space<vmem>>[vector<16xi32>], vector<16xi32>,
      %le3A_1093 = arith.cmpi sle, %gather3A_1092, %add3A_987 : vector<16xi32>
      %add3A_1094 = arith.constant 1 : i32
      %add3A_1095 = vector.broadcast %add3A_1094 : i32 to vector<16xi32>
      %add3A_1096 = arith.addi %shift_right_arithmetic3A_1091, %add3A_1095 : vector<16xi32>
      %select_n3A_1097 = arith.select %le3A_1093, %add3A_1096, %select_n3A_1086 : vector<16xi1>, vector<16xi32>
      %select_n3A_1098 = arith.select %le3A_1093, %select_n3A_1087, %shift_right_arithmetic3A_1091 : vector<16xi1>, vector<16xi32>
      %lt3A_1099 = arith.cmpi slt, %add3A_987, %min3A_543 : vector<16xi32>
      %mul3A_1100 = arith.constant 513 : i32
      %mul3A_1101 = arith.muli %select_n3A, %mul3A_1100 : i32
      %add3A_1102 = vector.broadcast %mul3A_1101 : i32 to vector<16xi32>
      %add3A_1103 = arith.addi %add3A_1102, %select_n3A_1097 : vector<16xi32>
      %broadcast_in_dim3A_1104 = vector.broadcast %add3A_547 : i32 to vector<16xi32>
      %select_n3A_1105 = arith.select %lt3A_1099, %add3A_1103, %broadcast_in_dim3A_1104 : vector<16xi1>, vector<16xi32>
      %mul3A_1106 = arith.constant 16 : i32
      %mul3A_1107 = arith.muli %scan3A_979, %mul3A_1106 : i32
      %add3A_1108 = arith.constant 768 : i32
      %add3A_1109 = arith.addi %add3A_1108, %mul3A_1107 : i32
      %swap3A_1110 = arith.index_cast %add3A_1109 : i32 to index
      %swap3A_1111 = tpu.vector_load %arg10[%swap3A_1110] {strides = array<i32>} : memref<1024xi32, #tpu.memory_space<vmem>>, vector<16xi32>,
      tpu.vector_store %arg10[%swap3A_1110], %select_n3A_1105 {strides = array<i32>} : memref<1024xi32, #tpu.memory_space<vmem>>, vector<16xi32>,
      %not3A = arith.constant dense<true> : vector<16xi1>
      %not3A_1112 = arith.xori %lt3A_1099, %not3A : vector<16xi1>
      %convert_element_type3A_1113 = arith.extui %not3A_1112 : vector<16xi1> to vector<16xi32>
      %mul3A_1114 = arith.constant 16 : i32
      %mul3A_1115 = arith.muli %scan3A_979, %mul3A_1114 : i32
      %add3A_1116 = arith.constant 768 : i32
      %add3A_1117 = arith.addi %add3A_1116, %mul3A_1115 : i32
      %swap3A_1118 = arith.index_cast %add3A_1117 : i32 to index
      %swap3A_1119 = tpu.vector_load %arg11[%swap3A_1118] {strides = array<i32>} : memref<1024xi32, #tpu.memory_space<vmem>>, vector<16xi32>,
      tpu.vector_store %arg11[%swap3A_1118], %convert_element_type3A_1113 {strides = array<i32>} : memref<1024xi32, #tpu.memory_space<vmem>>, vector<16xi32>,
      %scan3A_1120 = arith.constant 0 : i32
      scf.yield %scan3A_1120 : i32
    }
    %scan3A_858 = arith.constant 4 : i32
    %dma_wait3A_859 = arith.constant 0 : i32
    %dma_wait3A_860 = tpu.memref_slice %arg5[%add3A_847, %dma_wait3A_859] : memref<32768x256xf32, #tpu.memory_space<hbm>> -> memref<64x256xf32, #tpu.memory_space<hbm>>
    %dma_wait3A_861 = arith.constant 0 : i32
    %dma_wait3A_862 = tpu.memref_slice %arg5[%add3A_847, %dma_wait3A_861] : memref<32768x256xf32, #tpu.memory_space<hbm>> -> memref<64x256xf32, #tpu.memory_space<hbm>>
    tpu.wait_dma2 semaphore(%arg16 : memref<!tpu.dma_semaphore, #tpu.memory_space<semaphore_mem>>) src(%arg12 : memref<64x256xf32, #tpu.memory_space<vmem>>) dst(%dma_wait3A_862 : memref<64x256xf32, #tpu.memory_space<hbm>>)
    %dma_start3A_863 = arith.constant 768 : i32
    %dma_start3A_864 = tpu.memref_slice %arg10[%dma_start3A_863] : memref<1024xi32, #tpu.memory_space<vmem>> -> memref<64xi32, #tpu.memory_space<vmem>>
    %dma_start3A_865 = arith.constant 0 : i32
    %dma_start3A_866 = arith.constant 0 : i32
    %dma_start3A_867 = tpu.memref_slice %arg2[%dma_start3A_865, %dma_start3A_866] : memref<8208x256xf32, #tpu.memory_space<hbm>> -> memref<8208x256xf32, #tpu.memory_space<hbm>>
    tpu.enqueue_indirect_dma source(%dma_start3A_867 : memref<8208x256xf32, #tpu.memory_space<hbm>>) target(%arg12 : memref<64x256xf32, #tpu.memory_space<vmem>>) offsets(%dma_start3A_864 : memref<64xi32, #tpu.memory_space<vmem>>) semaphore(%arg14 : memref<!tpu.dma_semaphore, #tpu.memory_space<semaphore_mem>>)
    %dma_wait3A_868 = arith.constant 704 : i32
    %dma_wait3A_869 = tpu.memref_slice %arg10[%dma_wait3A_868] : memref<1024xi32, #tpu.memory_space<vmem>> -> memref<64xi32, #tpu.memory_space<vmem>>
    %dma_wait3A_870 = arith.constant 0 : i32
    %dma_wait3A_871 = arith.constant 0 : i32
    %dma_wait3A_872 = tpu.memref_slice %arg2[%dma_wait3A_870, %dma_wait3A_871] : memref<8208x256xf32, #tpu.memory_space<hbm>> -> memref<8208x256xf32, #tpu.memory_space<hbm>>
    tpu.wait_indirect_dma semaphore(%arg15 : memref<!tpu.dma_semaphore, #tpu.memory_space<semaphore_mem>>) src(%dma_wait3A_872 : memref<8208x256xf32, #tpu.memory_space<hbm>>) dst(%arg13 : memref<64x256xf32, #tpu.memory_space<vmem>>)
    %add3A_873 = arith.constant 704 : i32
    %add3A_874 = arith.addi %mul3A_549, %add3A_873 : i32
    %dma_start3A_875 = arith.constant 0 : i32
    %dma_start3A_876 = tpu.memref_slice %arg5[%add3A_874, %dma_start3A_875] : memref<32768x256xf32, #tpu.memory_space<hbm>> -> memref<64x256xf32, #tpu.memory_space<hbm>>
    %dma_start3A_877 = arith.constant 0 : i32
    %dma_start3A_878 = tpu.memref_slice %arg5[%add3A_874, %dma_start3A_877] : memref<32768x256xf32, #tpu.memory_space<hbm>> -> memref<64x256xf32, #tpu.memory_space<hbm>>
    tpu.enqueue_dma source(%arg13 : memref<64x256xf32, #tpu.memory_space<vmem>>) target(%dma_start3A_878 : memref<64x256xf32, #tpu.memory_space<hbm>>) target_semaphore(%arg17 : memref<!tpu.dma_semaphore, #tpu.memory_space<semaphore_mem>>)
    %scan3A_879 = arith.constant 0 : i32
    %scan3A_880 = arith.constant 0 : i32
    %scan3A_881 = arith.constant 4 : i32
    %scan3A_882 = arith.addi %scan3A_880, %scan3A_881 : i32
    %scan3A_883 = arith.constant 1 : i32
    %scan3A_884 = scf.for %scan3A_979 = %scan3A_880 to %scan3A_882 step %scan3A_883 iter_args(%scan3A_980 = %scan3A_879) -> (i32)  : i32 {
      %add3A_981 = arith.constant 832 : i32
      %add3A_982 = arith.addi %mul3A_32, %add3A_981 : i32
      %mul3A_983 = arith.constant 16 : i32
      %mul3A_984 = arith.muli %scan3A_979, %mul3A_983 : i32
      %add3A_985 = arith.addi %add3A_982, %mul3A_984 : i32
      %add3A_986 = vector.broadcast %add3A_985 : i32 to vector<16xi32>
      %add3A_987 = arith.addi %add3A_986, %iota3A : vector<16xi32>
      %broadcast_in_dim3A_988 = arith.constant 0 : i32
      %broadcast_in_dim3A_989 = vector.broadcast %broadcast_in_dim3A_988 : i32 to vector<16xi32>
      %broadcast_in_dim3A_990 = arith.constant 512 : i32
      %broadcast_in_dim3A_991 = vector.broadcast %broadcast_in_dim3A_990 : i32 to vector<16xi32>
      %add3A_992 = arith.addi %broadcast_in_dim3A_989, %broadcast_in_dim3A_991 : vector<16xi32>
      %shift_right_arithmetic3A = arith.constant 1 : i32
      %shift_right_arithmetic3A_993 = vector.broadcast %shift_right_arithmetic3A : i32 to vector<16xi32>
      %shift_right_arithmetic3A_994 = arith.shrsi %add3A_992, %shift_right_arithmetic3A_993 : vector<16xi32>
      %gather3A = tpu.vector_load_idx %arg8[%shift_right_arithmetic3A_994] : memref<512xi32, #tpu.memory_space<vmem>>[vector<16xi32>], vector<16xi32>,
      %le3A = arith.cmpi sle, %gather3A, %add3A_987 : vector<16xi32>
      %add3A_995 = arith.constant 1 : i32
      %add3A_996 = vector.broadcast %add3A_995 : i32 to vector<16xi32>
      %add3A_997 = arith.addi %shift_right_arithmetic3A_994, %add3A_996 : vector<16xi32>
      %select_n3A_998 = arith.select %le3A, %add3A_997, %broadcast_in_dim3A_989 : vector<16xi1>, vector<16xi32>
      %select_n3A_999 = arith.select %le3A, %broadcast_in_dim3A_991, %shift_right_arithmetic3A_994 : vector<16xi1>, vector<16xi32>
      %add3A_1000 = arith.addi %select_n3A_998, %select_n3A_999 : vector<16xi32>
      %shift_right_arithmetic3A_1001 = arith.constant 1 : i32
      %shift_right_arithmetic3A_1002 = vector.broadcast %shift_right_arithmetic3A_1001 : i32 to vector<16xi32>
      %shift_right_arithmetic3A_1003 = arith.shrsi %add3A_1000, %shift_right_arithmetic3A_1002 : vector<16xi32>
      %gather3A_1004 = tpu.vector_load_idx %arg8[%shift_right_arithmetic3A_1003] : memref<512xi32, #tpu.memory_space<vmem>>[vector<16xi32>], vector<16xi32>,
      %le3A_1005 = arith.cmpi sle, %gather3A_1004, %add3A_987 : vector<16xi32>
      %add3A_1006 = arith.constant 1 : i32
      %add3A_1007 = vector.broadcast %add3A_1006 : i32 to vector<16xi32>
      %add3A_1008 = arith.addi %shift_right_arithmetic3A_1003, %add3A_1007 : vector<16xi32>
      %select_n3A_1009 = arith.select %le3A_1005, %add3A_1008, %select_n3A_998 : vector<16xi1>, vector<16xi32>
      %select_n3A_1010 = arith.select %le3A_1005, %select_n3A_999, %shift_right_arithmetic3A_1003 : vector<16xi1>, vector<16xi32>
      %add3A_1011 = arith.addi %select_n3A_1009, %select_n3A_1010 : vector<16xi32>
      %shift_right_arithmetic3A_1012 = arith.constant 1 : i32
      %shift_right_arithmetic3A_1013 = vector.broadcast %shift_right_arithmetic3A_1012 : i32 to vector<16xi32>
      %shift_right_arithmetic3A_1014 = arith.shrsi %add3A_1011, %shift_right_arithmetic3A_1013 : vector<16xi32>
      %gather3A_1015 = tpu.vector_load_idx %arg8[%shift_right_arithmetic3A_1014] : memref<512xi32, #tpu.memory_space<vmem>>[vector<16xi32>], vector<16xi32>,
      %le3A_1016 = arith.cmpi sle, %gather3A_1015, %add3A_987 : vector<16xi32>
      %add3A_1017 = arith.constant 1 : i32
      %add3A_1018 = vector.broadcast %add3A_1017 : i32 to vector<16xi32>
      %add3A_1019 = arith.addi %shift_right_arithmetic3A_1014, %add3A_1018 : vector<16xi32>
      %select_n3A_1020 = arith.select %le3A_1016, %add3A_1019, %select_n3A_1009 : vector<16xi1>, vector<16xi32>
      %select_n3A_1021 = arith.select %le3A_1016, %select_n3A_1010, %shift_right_arithmetic3A_1014 : vector<16xi1>, vector<16xi32>
      %add3A_1022 = arith.addi %select_n3A_1020, %select_n3A_1021 : vector<16xi32>
      %shift_right_arithmetic3A_1023 = arith.constant 1 : i32
      %shift_right_arithmetic3A_1024 = vector.broadcast %shift_right_arithmetic3A_1023 : i32 to vector<16xi32>
      %shift_right_arithmetic3A_1025 = arith.shrsi %add3A_1022, %shift_right_arithmetic3A_1024 : vector<16xi32>
      %gather3A_1026 = tpu.vector_load_idx %arg8[%shift_right_arithmetic3A_1025] : memref<512xi32, #tpu.memory_space<vmem>>[vector<16xi32>], vector<16xi32>,
      %le3A_1027 = arith.cmpi sle, %gather3A_1026, %add3A_987 : vector<16xi32>
      %add3A_1028 = arith.constant 1 : i32
      %add3A_1029 = vector.broadcast %add3A_1028 : i32 to vector<16xi32>
      %add3A_1030 = arith.addi %shift_right_arithmetic3A_1025, %add3A_1029 : vector<16xi32>
      %select_n3A_1031 = arith.select %le3A_1027, %add3A_1030, %select_n3A_1020 : vector<16xi1>, vector<16xi32>
      %select_n3A_1032 = arith.select %le3A_1027, %select_n3A_1021, %shift_right_arithmetic3A_1025 : vector<16xi1>, vector<16xi32>
      %add3A_1033 = arith.addi %select_n3A_1031, %select_n3A_1032 : vector<16xi32>
      %shift_right_arithmetic3A_1034 = arith.constant 1 : i32
      %shift_right_arithmetic3A_1035 = vector.broadcast %shift_right_arithmetic3A_1034 : i32 to vector<16xi32>
      %shift_right_arithmetic3A_1036 = arith.shrsi %add3A_1033, %shift_right_arithmetic3A_1035 : vector<16xi32>
      %gather3A_1037 = tpu.vector_load_idx %arg8[%shift_right_arithmetic3A_1036] : memref<512xi32, #tpu.memory_space<vmem>>[vector<16xi32>], vector<16xi32>,
      %le3A_1038 = arith.cmpi sle, %gather3A_1037, %add3A_987 : vector<16xi32>
      %add3A_1039 = arith.constant 1 : i32
      %add3A_1040 = vector.broadcast %add3A_1039 : i32 to vector<16xi32>
      %add3A_1041 = arith.addi %shift_right_arithmetic3A_1036, %add3A_1040 : vector<16xi32>
      %select_n3A_1042 = arith.select %le3A_1038, %add3A_1041, %select_n3A_1031 : vector<16xi1>, vector<16xi32>
      %select_n3A_1043 = arith.select %le3A_1038, %select_n3A_1032, %shift_right_arithmetic3A_1036 : vector<16xi1>, vector<16xi32>
      %add3A_1044 = arith.addi %select_n3A_1042, %select_n3A_1043 : vector<16xi32>
      %shift_right_arithmetic3A_1045 = arith.constant 1 : i32
      %shift_right_arithmetic3A_1046 = vector.broadcast %shift_right_arithmetic3A_1045 : i32 to vector<16xi32>
      %shift_right_arithmetic3A_1047 = arith.shrsi %add3A_1044, %shift_right_arithmetic3A_1046 : vector<16xi32>
      %gather3A_1048 = tpu.vector_load_idx %arg8[%shift_right_arithmetic3A_1047] : memref<512xi32, #tpu.memory_space<vmem>>[vector<16xi32>], vector<16xi32>,
      %le3A_1049 = arith.cmpi sle, %gather3A_1048, %add3A_987 : vector<16xi32>
      %add3A_1050 = arith.constant 1 : i32
      %add3A_1051 = vector.broadcast %add3A_1050 : i32 to vector<16xi32>
      %add3A_1052 = arith.addi %shift_right_arithmetic3A_1047, %add3A_1051 : vector<16xi32>
      %select_n3A_1053 = arith.select %le3A_1049, %add3A_1052, %select_n3A_1042 : vector<16xi1>, vector<16xi32>
      %select_n3A_1054 = arith.select %le3A_1049, %select_n3A_1043, %shift_right_arithmetic3A_1047 : vector<16xi1>, vector<16xi32>
      %add3A_1055 = arith.addi %select_n3A_1053, %select_n3A_1054 : vector<16xi32>
      %shift_right_arithmetic3A_1056 = arith.constant 1 : i32
      %shift_right_arithmetic3A_1057 = vector.broadcast %shift_right_arithmetic3A_1056 : i32 to vector<16xi32>
      %shift_right_arithmetic3A_1058 = arith.shrsi %add3A_1055, %shift_right_arithmetic3A_1057 : vector<16xi32>
      %gather3A_1059 = tpu.vector_load_idx %arg8[%shift_right_arithmetic3A_1058] : memref<512xi32, #tpu.memory_space<vmem>>[vector<16xi32>], vector<16xi32>,
      %le3A_1060 = arith.cmpi sle, %gather3A_1059, %add3A_987 : vector<16xi32>
      %add3A_1061 = arith.constant 1 : i32
      %add3A_1062 = vector.broadcast %add3A_1061 : i32 to vector<16xi32>
      %add3A_1063 = arith.addi %shift_right_arithmetic3A_1058, %add3A_1062 : vector<16xi32>
      %select_n3A_1064 = arith.select %le3A_1060, %add3A_1063, %select_n3A_1053 : vector<16xi1>, vector<16xi32>
      %select_n3A_1065 = arith.select %le3A_1060, %select_n3A_1054, %shift_right_arithmetic3A_1058 : vector<16xi1>, vector<16xi32>
      %add3A_1066 = arith.addi %select_n3A_1064, %select_n3A_1065 : vector<16xi32>
      %shift_right_arithmetic3A_1067 = arith.constant 1 : i32
      %shift_right_arithmetic3A_1068 = vector.broadcast %shift_right_arithmetic3A_1067 : i32 to vector<16xi32>
      %shift_right_arithmetic3A_1069 = arith.shrsi %add3A_1066, %shift_right_arithmetic3A_1068 : vector<16xi32>
      %gather3A_1070 = tpu.vector_load_idx %arg8[%shift_right_arithmetic3A_1069] : memref<512xi32, #tpu.memory_space<vmem>>[vector<16xi32>], vector<16xi32>,
      %le3A_1071 = arith.cmpi sle, %gather3A_1070, %add3A_987 : vector<16xi32>
      %add3A_1072 = arith.constant 1 : i32
      %add3A_1073 = vector.broadcast %add3A_1072 : i32 to vector<16xi32>
      %add3A_1074 = arith.addi %shift_right_arithmetic3A_1069, %add3A_1073 : vector<16xi32>
      %select_n3A_1075 = arith.select %le3A_1071, %add3A_1074, %select_n3A_1064 : vector<16xi1>, vector<16xi32>
      %select_n3A_1076 = arith.select %le3A_1071, %select_n3A_1065, %shift_right_arithmetic3A_1069 : vector<16xi1>, vector<16xi32>
      %add3A_1077 = arith.addi %select_n3A_1075, %select_n3A_1076 : vector<16xi32>
      %shift_right_arithmetic3A_1078 = arith.constant 1 : i32
      %shift_right_arithmetic3A_1079 = vector.broadcast %shift_right_arithmetic3A_1078 : i32 to vector<16xi32>
      %shift_right_arithmetic3A_1080 = arith.shrsi %add3A_1077, %shift_right_arithmetic3A_1079 : vector<16xi32>
      %gather3A_1081 = tpu.vector_load_idx %arg8[%shift_right_arithmetic3A_1080] : memref<512xi32, #tpu.memory_space<vmem>>[vector<16xi32>], vector<16xi32>,
      %le3A_1082 = arith.cmpi sle, %gather3A_1081, %add3A_987 : vector<16xi32>
      %add3A_1083 = arith.constant 1 : i32
      %add3A_1084 = vector.broadcast %add3A_1083 : i32 to vector<16xi32>
      %add3A_1085 = arith.addi %shift_right_arithmetic3A_1080, %add3A_1084 : vector<16xi32>
      %select_n3A_1086 = arith.select %le3A_1082, %add3A_1085, %select_n3A_1075 : vector<16xi1>, vector<16xi32>
      %select_n3A_1087 = arith.select %le3A_1082, %select_n3A_1076, %shift_right_arithmetic3A_1080 : vector<16xi1>, vector<16xi32>
      %add3A_1088 = arith.addi %select_n3A_1086, %select_n3A_1087 : vector<16xi32>
      %shift_right_arithmetic3A_1089 = arith.constant 1 : i32
      %shift_right_arithmetic3A_1090 = vector.broadcast %shift_right_arithmetic3A_1089 : i32 to vector<16xi32>
      %shift_right_arithmetic3A_1091 = arith.shrsi %add3A_1088, %shift_right_arithmetic3A_1090 : vector<16xi32>
      %gather3A_1092 = tpu.vector_load_idx %arg8[%shift_right_arithmetic3A_1091] : memref<512xi32, #tpu.memory_space<vmem>>[vector<16xi32>], vector<16xi32>,
      %le3A_1093 = arith.cmpi sle, %gather3A_1092, %add3A_987 : vector<16xi32>
      %add3A_1094 = arith.constant 1 : i32
      %add3A_1095 = vector.broadcast %add3A_1094 : i32 to vector<16xi32>
      %add3A_1096 = arith.addi %shift_right_arithmetic3A_1091, %add3A_1095 : vector<16xi32>
      %select_n3A_1097 = arith.select %le3A_1093, %add3A_1096, %select_n3A_1086 : vector<16xi1>, vector<16xi32>
      %select_n3A_1098 = arith.select %le3A_1093, %select_n3A_1087, %shift_right_arithmetic3A_1091 : vector<16xi1>, vector<16xi32>
      %lt3A_1099 = arith.cmpi slt, %add3A_987, %min3A_543 : vector<16xi32>
      %mul3A_1100 = arith.constant 513 : i32
      %mul3A_1101 = arith.muli %select_n3A, %mul3A_1100 : i32
      %add3A_1102 = vector.broadcast %mul3A_1101 : i32 to vector<16xi32>
      %add3A_1103 = arith.addi %add3A_1102, %select_n3A_1097 : vector<16xi32>
      %broadcast_in_dim3A_1104 = vector.broadcast %add3A_547 : i32 to vector<16xi32>
      %select_n3A_1105 = arith.select %lt3A_1099, %add3A_1103, %broadcast_in_dim3A_1104 : vector<16xi1>, vector<16xi32>
      %mul3A_1106 = arith.constant 16 : i32
      %mul3A_1107 = arith.muli %scan3A_979, %mul3A_1106 : i32
      %add3A_1108 = arith.constant 832 : i32
      %add3A_1109 = arith.addi %add3A_1108, %mul3A_1107 : i32
      %swap3A_1110 = arith.index_cast %add3A_1109 : i32 to index
      %swap3A_1111 = tpu.vector_load %arg10[%swap3A_1110] {strides = array<i32>} : memref<1024xi32, #tpu.memory_space<vmem>>, vector<16xi32>,
      tpu.vector_store %arg10[%swap3A_1110], %select_n3A_1105 {strides = array<i32>} : memref<1024xi32, #tpu.memory_space<vmem>>, vector<16xi32>,
      %not3A = arith.constant dense<true> : vector<16xi1>
      %not3A_1112 = arith.xori %lt3A_1099, %not3A : vector<16xi1>
      %convert_element_type3A_1113 = arith.extui %not3A_1112 : vector<16xi1> to vector<16xi32>
      %mul3A_1114 = arith.constant 16 : i32
      %mul3A_1115 = arith.muli %scan3A_979, %mul3A_1114 : i32
      %add3A_1116 = arith.constant 832 : i32
      %add3A_1117 = arith.addi %add3A_1116, %mul3A_1115 : i32
      %swap3A_1118 = arith.index_cast %add3A_1117 : i32 to index
      %swap3A_1119 = tpu.vector_load %arg11[%swap3A_1118] {strides = array<i32>} : memref<1024xi32, #tpu.memory_space<vmem>>, vector<16xi32>,
      tpu.vector_store %arg11[%swap3A_1118], %convert_element_type3A_1113 {strides = array<i32>} : memref<1024xi32, #tpu.memory_space<vmem>>, vector<16xi32>,
      %scan3A_1120 = arith.constant 0 : i32
      scf.yield %scan3A_1120 : i32
    }
    %scan3A_885 = arith.constant 4 : i32
    %dma_wait3A_886 = arith.constant 0 : i32
    %dma_wait3A_887 = tpu.memref_slice %arg5[%add3A_874, %dma_wait3A_886] : memref<32768x256xf32, #tpu.memory_space<hbm>> -> memref<64x256xf32, #tpu.memory_space<hbm>>
    %dma_wait3A_888 = arith.constant 0 : i32
    %dma_wait3A_889 = tpu.memref_slice %arg5[%add3A_874, %dma_wait3A_888] : memref<32768x256xf32, #tpu.memory_space<hbm>> -> memref<64x256xf32, #tpu.memory_space<hbm>>
    tpu.wait_dma2 semaphore(%arg17 : memref<!tpu.dma_semaphore, #tpu.memory_space<semaphore_mem>>) src(%arg13 : memref<64x256xf32, #tpu.memory_space<vmem>>) dst(%dma_wait3A_889 : memref<64x256xf32, #tpu.memory_space<hbm>>)
    %dma_start3A_890 = arith.constant 832 : i32
    %dma_start3A_891 = tpu.memref_slice %arg10[%dma_start3A_890] : memref<1024xi32, #tpu.memory_space<vmem>> -> memref<64xi32, #tpu.memory_space<vmem>>
    %dma_start3A_892 = arith.constant 0 : i32
    %dma_start3A_893 = arith.constant 0 : i32
    %dma_start3A_894 = tpu.memref_slice %arg2[%dma_start3A_892, %dma_start3A_893] : memref<8208x256xf32, #tpu.memory_space<hbm>> -> memref<8208x256xf32, #tpu.memory_space<hbm>>
    tpu.enqueue_indirect_dma source(%dma_start3A_894 : memref<8208x256xf32, #tpu.memory_space<hbm>>) target(%arg13 : memref<64x256xf32, #tpu.memory_space<vmem>>) offsets(%dma_start3A_891 : memref<64xi32, #tpu.memory_space<vmem>>) semaphore(%arg15 : memref<!tpu.dma_semaphore, #tpu.memory_space<semaphore_mem>>)
    %dma_wait3A_895 = arith.constant 768 : i32
    %dma_wait3A_896 = tpu.memref_slice %arg10[%dma_wait3A_895] : memref<1024xi32, #tpu.memory_space<vmem>> -> memref<64xi32, #tpu.memory_space<vmem>>
    %dma_wait3A_897 = arith.constant 0 : i32
    %dma_wait3A_898 = arith.constant 0 : i32
    %dma_wait3A_899 = tpu.memref_slice %arg2[%dma_wait3A_897, %dma_wait3A_898] : memref<8208x256xf32, #tpu.memory_space<hbm>> -> memref<8208x256xf32, #tpu.memory_space<hbm>>
    tpu.wait_indirect_dma semaphore(%arg14 : memref<!tpu.dma_semaphore, #tpu.memory_space<semaphore_mem>>) src(%dma_wait3A_899 : memref<8208x256xf32, #tpu.memory_space<hbm>>) dst(%arg12 : memref<64x256xf32, #tpu.memory_space<vmem>>)
    %add3A_900 = arith.constant 768 : i32
    %add3A_901 = arith.addi %mul3A_549, %add3A_900 : i32
    %dma_start3A_902 = arith.constant 0 : i32
    %dma_start3A_903 = tpu.memref_slice %arg5[%add3A_901, %dma_start3A_902] : memref<32768x256xf32, #tpu.memory_space<hbm>> -> memref<64x256xf32, #tpu.memory_space<hbm>>
    %dma_start3A_904 = arith.constant 0 : i32
    %dma_start3A_905 = tpu.memref_slice %arg5[%add3A_901, %dma_start3A_904] : memref<32768x256xf32, #tpu.memory_space<hbm>> -> memref<64x256xf32, #tpu.memory_space<hbm>>
    tpu.enqueue_dma source(%arg12 : memref<64x256xf32, #tpu.memory_space<vmem>>) target(%dma_start3A_905 : memref<64x256xf32, #tpu.memory_space<hbm>>) target_semaphore(%arg16 : memref<!tpu.dma_semaphore, #tpu.memory_space<semaphore_mem>>)
    %scan3A_906 = arith.constant 0 : i32
    %scan3A_907 = arith.constant 0 : i32
    %scan3A_908 = arith.constant 4 : i32
    %scan3A_909 = arith.addi %scan3A_907, %scan3A_908 : i32
    %scan3A_910 = arith.constant 1 : i32
    %scan3A_911 = scf.for %scan3A_979 = %scan3A_907 to %scan3A_909 step %scan3A_910 iter_args(%scan3A_980 = %scan3A_906) -> (i32)  : i32 {
      %add3A_981 = arith.constant 896 : i32
      %add3A_982 = arith.addi %mul3A_32, %add3A_981 : i32
      %mul3A_983 = arith.constant 16 : i32
      %mul3A_984 = arith.muli %scan3A_979, %mul3A_983 : i32
      %add3A_985 = arith.addi %add3A_982, %mul3A_984 : i32
      %add3A_986 = vector.broadcast %add3A_985 : i32 to vector<16xi32>
      %add3A_987 = arith.addi %add3A_986, %iota3A : vector<16xi32>
      %broadcast_in_dim3A_988 = arith.constant 0 : i32
      %broadcast_in_dim3A_989 = vector.broadcast %broadcast_in_dim3A_988 : i32 to vector<16xi32>
      %broadcast_in_dim3A_990 = arith.constant 512 : i32
      %broadcast_in_dim3A_991 = vector.broadcast %broadcast_in_dim3A_990 : i32 to vector<16xi32>
      %add3A_992 = arith.addi %broadcast_in_dim3A_989, %broadcast_in_dim3A_991 : vector<16xi32>
      %shift_right_arithmetic3A = arith.constant 1 : i32
      %shift_right_arithmetic3A_993 = vector.broadcast %shift_right_arithmetic3A : i32 to vector<16xi32>
      %shift_right_arithmetic3A_994 = arith.shrsi %add3A_992, %shift_right_arithmetic3A_993 : vector<16xi32>
      %gather3A = tpu.vector_load_idx %arg8[%shift_right_arithmetic3A_994] : memref<512xi32, #tpu.memory_space<vmem>>[vector<16xi32>], vector<16xi32>,
      %le3A = arith.cmpi sle, %gather3A, %add3A_987 : vector<16xi32>
      %add3A_995 = arith.constant 1 : i32
      %add3A_996 = vector.broadcast %add3A_995 : i32 to vector<16xi32>
      %add3A_997 = arith.addi %shift_right_arithmetic3A_994, %add3A_996 : vector<16xi32>
      %select_n3A_998 = arith.select %le3A, %add3A_997, %broadcast_in_dim3A_989 : vector<16xi1>, vector<16xi32>
      %select_n3A_999 = arith.select %le3A, %broadcast_in_dim3A_991, %shift_right_arithmetic3A_994 : vector<16xi1>, vector<16xi32>
      %add3A_1000 = arith.addi %select_n3A_998, %select_n3A_999 : vector<16xi32>
      %shift_right_arithmetic3A_1001 = arith.constant 1 : i32
      %shift_right_arithmetic3A_1002 = vector.broadcast %shift_right_arithmetic3A_1001 : i32 to vector<16xi32>
      %shift_right_arithmetic3A_1003 = arith.shrsi %add3A_1000, %shift_right_arithmetic3A_1002 : vector<16xi32>
      %gather3A_1004 = tpu.vector_load_idx %arg8[%shift_right_arithmetic3A_1003] : memref<512xi32, #tpu.memory_space<vmem>>[vector<16xi32>], vector<16xi32>,
      %le3A_1005 = arith.cmpi sle, %gather3A_1004, %add3A_987 : vector<16xi32>
      %add3A_1006 = arith.constant 1 : i32
      %add3A_1007 = vector.broadcast %add3A_1006 : i32 to vector<16xi32>
      %add3A_1008 = arith.addi %shift_right_arithmetic3A_1003, %add3A_1007 : vector<16xi32>
      %select_n3A_1009 = arith.select %le3A_1005, %add3A_1008, %select_n3A_998 : vector<16xi1>, vector<16xi32>
      %select_n3A_1010 = arith.select %le3A_1005, %select_n3A_999, %shift_right_arithmetic3A_1003 : vector<16xi1>, vector<16xi32>
      %add3A_1011 = arith.addi %select_n3A_1009, %select_n3A_1010 : vector<16xi32>
      %shift_right_arithmetic3A_1012 = arith.constant 1 : i32
      %shift_right_arithmetic3A_1013 = vector.broadcast %shift_right_arithmetic3A_1012 : i32 to vector<16xi32>
      %shift_right_arithmetic3A_1014 = arith.shrsi %add3A_1011, %shift_right_arithmetic3A_1013 : vector<16xi32>
      %gather3A_1015 = tpu.vector_load_idx %arg8[%shift_right_arithmetic3A_1014] : memref<512xi32, #tpu.memory_space<vmem>>[vector<16xi32>], vector<16xi32>,
      %le3A_1016 = arith.cmpi sle, %gather3A_1015, %add3A_987 : vector<16xi32>
      %add3A_1017 = arith.constant 1 : i32
      %add3A_1018 = vector.broadcast %add3A_1017 : i32 to vector<16xi32>
      %add3A_1019 = arith.addi %shift_right_arithmetic3A_1014, %add3A_1018 : vector<16xi32>
      %select_n3A_1020 = arith.select %le3A_1016, %add3A_1019, %select_n3A_1009 : vector<16xi1>, vector<16xi32>
      %select_n3A_1021 = arith.select %le3A_1016, %select_n3A_1010, %shift_right_arithmetic3A_1014 : vector<16xi1>, vector<16xi32>
      %add3A_1022 = arith.addi %select_n3A_1020, %select_n3A_1021 : vector<16xi32>
      %shift_right_arithmetic3A_1023 = arith.constant 1 : i32
      %shift_right_arithmetic3A_1024 = vector.broadcast %shift_right_arithmetic3A_1023 : i32 to vector<16xi32>
      %shift_right_arithmetic3A_1025 = arith.shrsi %add3A_1022, %shift_right_arithmetic3A_1024 : vector<16xi32>
      %gather3A_1026 = tpu.vector_load_idx %arg8[%shift_right_arithmetic3A_1025] : memref<512xi32, #tpu.memory_space<vmem>>[vector<16xi32>], vector<16xi32>,
      %le3A_1027 = arith.cmpi sle, %gather3A_1026, %add3A_987 : vector<16xi32>
      %add3A_1028 = arith.constant 1 : i32
      %add3A_1029 = vector.broadcast %add3A_1028 : i32 to vector<16xi32>
      %add3A_1030 = arith.addi %shift_right_arithmetic3A_1025, %add3A_1029 : vector<16xi32>
      %select_n3A_1031 = arith.select %le3A_1027, %add3A_1030, %select_n3A_1020 : vector<16xi1>, vector<16xi32>
      %select_n3A_1032 = arith.select %le3A_1027, %select_n3A_1021, %shift_right_arithmetic3A_1025 : vector<16xi1>, vector<16xi32>
      %add3A_1033 = arith.addi %select_n3A_1031, %select_n3A_1032 : vector<16xi32>
      %shift_right_arithmetic3A_1034 = arith.constant 1 : i32
      %shift_right_arithmetic3A_1035 = vector.broadcast %shift_right_arithmetic3A_1034 : i32 to vector<16xi32>
      %shift_right_arithmetic3A_1036 = arith.shrsi %add3A_1033, %shift_right_arithmetic3A_1035 : vector<16xi32>
      %gather3A_1037 = tpu.vector_load_idx %arg8[%shift_right_arithmetic3A_1036] : memref<512xi32, #tpu.memory_space<vmem>>[vector<16xi32>], vector<16xi32>,
      %le3A_1038 = arith.cmpi sle, %gather3A_1037, %add3A_987 : vector<16xi32>
      %add3A_1039 = arith.constant 1 : i32
      %add3A_1040 = vector.broadcast %add3A_1039 : i32 to vector<16xi32>
      %add3A_1041 = arith.addi %shift_right_arithmetic3A_1036, %add3A_1040 : vector<16xi32>
      %select_n3A_1042 = arith.select %le3A_1038, %add3A_1041, %select_n3A_1031 : vector<16xi1>, vector<16xi32>
      %select_n3A_1043 = arith.select %le3A_1038, %select_n3A_1032, %shift_right_arithmetic3A_1036 : vector<16xi1>, vector<16xi32>
      %add3A_1044 = arith.addi %select_n3A_1042, %select_n3A_1043 : vector<16xi32>
      %shift_right_arithmetic3A_1045 = arith.constant 1 : i32
      %shift_right_arithmetic3A_1046 = vector.broadcast %shift_right_arithmetic3A_1045 : i32 to vector<16xi32>
      %shift_right_arithmetic3A_1047 = arith.shrsi %add3A_1044, %shift_right_arithmetic3A_1046 : vector<16xi32>
      %gather3A_1048 = tpu.vector_load_idx %arg8[%shift_right_arithmetic3A_1047] : memref<512xi32, #tpu.memory_space<vmem>>[vector<16xi32>], vector<16xi32>,
      %le3A_1049 = arith.cmpi sle, %gather3A_1048, %add3A_987 : vector<16xi32>
      %add3A_1050 = arith.constant 1 : i32
      %add3A_1051 = vector.broadcast %add3A_1050 : i32 to vector<16xi32>
      %add3A_1052 = arith.addi %shift_right_arithmetic3A_1047, %add3A_1051 : vector<16xi32>
      %select_n3A_1053 = arith.select %le3A_1049, %add3A_1052, %select_n3A_1042 : vector<16xi1>, vector<16xi32>
      %select_n3A_1054 = arith.select %le3A_1049, %select_n3A_1043, %shift_right_arithmetic3A_1047 : vector<16xi1>, vector<16xi32>
      %add3A_1055 = arith.addi %select_n3A_1053, %select_n3A_1054 : vector<16xi32>
      %shift_right_arithmetic3A_1056 = arith.constant 1 : i32
      %shift_right_arithmetic3A_1057 = vector.broadcast %shift_right_arithmetic3A_1056 : i32 to vector<16xi32>
      %shift_right_arithmetic3A_1058 = arith.shrsi %add3A_1055, %shift_right_arithmetic3A_1057 : vector<16xi32>
      %gather3A_1059 = tpu.vector_load_idx %arg8[%shift_right_arithmetic3A_1058] : memref<512xi32, #tpu.memory_space<vmem>>[vector<16xi32>], vector<16xi32>,
      %le3A_1060 = arith.cmpi sle, %gather3A_1059, %add3A_987 : vector<16xi32>
      %add3A_1061 = arith.constant 1 : i32
      %add3A_1062 = vector.broadcast %add3A_1061 : i32 to vector<16xi32>
      %add3A_1063 = arith.addi %shift_right_arithmetic3A_1058, %add3A_1062 : vector<16xi32>
      %select_n3A_1064 = arith.select %le3A_1060, %add3A_1063, %select_n3A_1053 : vector<16xi1>, vector<16xi32>
      %select_n3A_1065 = arith.select %le3A_1060, %select_n3A_1054, %shift_right_arithmetic3A_1058 : vector<16xi1>, vector<16xi32>
      %add3A_1066 = arith.addi %select_n3A_1064, %select_n3A_1065 : vector<16xi32>
      %shift_right_arithmetic3A_1067 = arith.constant 1 : i32
      %shift_right_arithmetic3A_1068 = vector.broadcast %shift_right_arithmetic3A_1067 : i32 to vector<16xi32>
      %shift_right_arithmetic3A_1069 = arith.shrsi %add3A_1066, %shift_right_arithmetic3A_1068 : vector<16xi32>
      %gather3A_1070 = tpu.vector_load_idx %arg8[%shift_right_arithmetic3A_1069] : memref<512xi32, #tpu.memory_space<vmem>>[vector<16xi32>], vector<16xi32>,
      %le3A_1071 = arith.cmpi sle, %gather3A_1070, %add3A_987 : vector<16xi32>
      %add3A_1072 = arith.constant 1 : i32
      %add3A_1073 = vector.broadcast %add3A_1072 : i32 to vector<16xi32>
      %add3A_1074 = arith.addi %shift_right_arithmetic3A_1069, %add3A_1073 : vector<16xi32>
      %select_n3A_1075 = arith.select %le3A_1071, %add3A_1074, %select_n3A_1064 : vector<16xi1>, vector<16xi32>
      %select_n3A_1076 = arith.select %le3A_1071, %select_n3A_1065, %shift_right_arithmetic3A_1069 : vector<16xi1>, vector<16xi32>
      %add3A_1077 = arith.addi %select_n3A_1075, %select_n3A_1076 : vector<16xi32>
      %shift_right_arithmetic3A_1078 = arith.constant 1 : i32
      %shift_right_arithmetic3A_1079 = vector.broadcast %shift_right_arithmetic3A_1078 : i32 to vector<16xi32>
      %shift_right_arithmetic3A_1080 = arith.shrsi %add3A_1077, %shift_right_arithmetic3A_1079 : vector<16xi32>
      %gather3A_1081 = tpu.vector_load_idx %arg8[%shift_right_arithmetic3A_1080] : memref<512xi32, #tpu.memory_space<vmem>>[vector<16xi32>], vector<16xi32>,
      %le3A_1082 = arith.cmpi sle, %gather3A_1081, %add3A_987 : vector<16xi32>
      %add3A_1083 = arith.constant 1 : i32
      %add3A_1084 = vector.broadcast %add3A_1083 : i32 to vector<16xi32>
      %add3A_1085 = arith.addi %shift_right_arithmetic3A_1080, %add3A_1084 : vector<16xi32>
      %select_n3A_1086 = arith.select %le3A_1082, %add3A_1085, %select_n3A_1075 : vector<16xi1>, vector<16xi32>
      %select_n3A_1087 = arith.select %le3A_1082, %select_n3A_1076, %shift_right_arithmetic3A_1080 : vector<16xi1>, vector<16xi32>
      %add3A_1088 = arith.addi %select_n3A_1086, %select_n3A_1087 : vector<16xi32>
      %shift_right_arithmetic3A_1089 = arith.constant 1 : i32
      %shift_right_arithmetic3A_1090 = vector.broadcast %shift_right_arithmetic3A_1089 : i32 to vector<16xi32>
      %shift_right_arithmetic3A_1091 = arith.shrsi %add3A_1088, %shift_right_arithmetic3A_1090 : vector<16xi32>
      %gather3A_1092 = tpu.vector_load_idx %arg8[%shift_right_arithmetic3A_1091] : memref<512xi32, #tpu.memory_space<vmem>>[vector<16xi32>], vector<16xi32>,
      %le3A_1093 = arith.cmpi sle, %gather3A_1092, %add3A_987 : vector<16xi32>
      %add3A_1094 = arith.constant 1 : i32
      %add3A_1095 = vector.broadcast %add3A_1094 : i32 to vector<16xi32>
      %add3A_1096 = arith.addi %shift_right_arithmetic3A_1091, %add3A_1095 : vector<16xi32>
      %select_n3A_1097 = arith.select %le3A_1093, %add3A_1096, %select_n3A_1086 : vector<16xi1>, vector<16xi32>
      %select_n3A_1098 = arith.select %le3A_1093, %select_n3A_1087, %shift_right_arithmetic3A_1091 : vector<16xi1>, vector<16xi32>
      %lt3A_1099 = arith.cmpi slt, %add3A_987, %min3A_543 : vector<16xi32>
      %mul3A_1100 = arith.constant 513 : i32
      %mul3A_1101 = arith.muli %select_n3A, %mul3A_1100 : i32
      %add3A_1102 = vector.broadcast %mul3A_1101 : i32 to vector<16xi32>
      %add3A_1103 = arith.addi %add3A_1102, %select_n3A_1097 : vector<16xi32>
      %broadcast_in_dim3A_1104 = vector.broadcast %add3A_547 : i32 to vector<16xi32>
      %select_n3A_1105 = arith.select %lt3A_1099, %add3A_1103, %broadcast_in_dim3A_1104 : vector<16xi1>, vector<16xi32>
      %mul3A_1106 = arith.constant 16 : i32
      %mul3A_1107 = arith.muli %scan3A_979, %mul3A_1106 : i32
      %add3A_1108 = arith.constant 896 : i32
      %add3A_1109 = arith.addi %add3A_1108, %mul3A_1107 : i32
      %swap3A_1110 = arith.index_cast %add3A_1109 : i32 to index
      %swap3A_1111 = tpu.vector_load %arg10[%swap3A_1110] {strides = array<i32>} : memref<1024xi32, #tpu.memory_space<vmem>>, vector<16xi32>,
      tpu.vector_store %arg10[%swap3A_1110], %select_n3A_1105 {strides = array<i32>} : memref<1024xi32, #tpu.memory_space<vmem>>, vector<16xi32>,
      %not3A = arith.constant dense<true> : vector<16xi1>
      %not3A_1112 = arith.xori %lt3A_1099, %not3A : vector<16xi1>
      %convert_element_type3A_1113 = arith.extui %not3A_1112 : vector<16xi1> to vector<16xi32>
      %mul3A_1114 = arith.constant 16 : i32
      %mul3A_1115 = arith.muli %scan3A_979, %mul3A_1114 : i32
      %add3A_1116 = arith.constant 896 : i32
      %add3A_1117 = arith.addi %add3A_1116, %mul3A_1115 : i32
      %swap3A_1118 = arith.index_cast %add3A_1117 : i32 to index
      %swap3A_1119 = tpu.vector_load %arg11[%swap3A_1118] {strides = array<i32>} : memref<1024xi32, #tpu.memory_space<vmem>>, vector<16xi32>,
      tpu.vector_store %arg11[%swap3A_1118], %convert_element_type3A_1113 {strides = array<i32>} : memref<1024xi32, #tpu.memory_space<vmem>>, vector<16xi32>,
      %scan3A_1120 = arith.constant 0 : i32
      scf.yield %scan3A_1120 : i32
    }
    %scan3A_912 = arith.constant 4 : i32
    %dma_wait3A_913 = arith.constant 0 : i32
    %dma_wait3A_914 = tpu.memref_slice %arg5[%add3A_901, %dma_wait3A_913] : memref<32768x256xf32, #tpu.memory_space<hbm>> -> memref<64x256xf32, #tpu.memory_space<hbm>>
    %dma_wait3A_915 = arith.constant 0 : i32
    %dma_wait3A_916 = tpu.memref_slice %arg5[%add3A_901, %dma_wait3A_915] : memref<32768x256xf32, #tpu.memory_space<hbm>> -> memref<64x256xf32, #tpu.memory_space<hbm>>
    tpu.wait_dma2 semaphore(%arg16 : memref<!tpu.dma_semaphore, #tpu.memory_space<semaphore_mem>>) src(%arg12 : memref<64x256xf32, #tpu.memory_space<vmem>>) dst(%dma_wait3A_916 : memref<64x256xf32, #tpu.memory_space<hbm>>)
    %dma_start3A_917 = arith.constant 896 : i32
    %dma_start3A_918 = tpu.memref_slice %arg10[%dma_start3A_917] : memref<1024xi32, #tpu.memory_space<vmem>> -> memref<64xi32, #tpu.memory_space<vmem>>
    %dma_start3A_919 = arith.constant 0 : i32
    %dma_start3A_920 = arith.constant 0 : i32
    %dma_start3A_921 = tpu.memref_slice %arg2[%dma_start3A_919, %dma_start3A_920] : memref<8208x256xf32, #tpu.memory_space<hbm>> -> memref<8208x256xf32, #tpu.memory_space<hbm>>
    tpu.enqueue_indirect_dma source(%dma_start3A_921 : memref<8208x256xf32, #tpu.memory_space<hbm>>) target(%arg12 : memref<64x256xf32, #tpu.memory_space<vmem>>) offsets(%dma_start3A_918 : memref<64xi32, #tpu.memory_space<vmem>>) semaphore(%arg14 : memref<!tpu.dma_semaphore, #tpu.memory_space<semaphore_mem>>)
    %dma_wait3A_922 = arith.constant 832 : i32
    %dma_wait3A_923 = tpu.memref_slice %arg10[%dma_wait3A_922] : memref<1024xi32, #tpu.memory_space<vmem>> -> memref<64xi32, #tpu.memory_space<vmem>>
    %dma_wait3A_924 = arith.constant 0 : i32
    %dma_wait3A_925 = arith.constant 0 : i32
    %dma_wait3A_926 = tpu.memref_slice %arg2[%dma_wait3A_924, %dma_wait3A_925] : memref<8208x256xf32, #tpu.memory_space<hbm>> -> memref<8208x256xf32, #tpu.memory_space<hbm>>
    tpu.wait_indirect_dma semaphore(%arg15 : memref<!tpu.dma_semaphore, #tpu.memory_space<semaphore_mem>>) src(%dma_wait3A_926 : memref<8208x256xf32, #tpu.memory_space<hbm>>) dst(%arg13 : memref<64x256xf32, #tpu.memory_space<vmem>>)
    %add3A_927 = arith.constant 832 : i32
    %add3A_928 = arith.addi %mul3A_549, %add3A_927 : i32
    %dma_start3A_929 = arith.constant 0 : i32
    %dma_start3A_930 = tpu.memref_slice %arg5[%add3A_928, %dma_start3A_929] : memref<32768x256xf32, #tpu.memory_space<hbm>> -> memref<64x256xf32, #tpu.memory_space<hbm>>
    %dma_start3A_931 = arith.constant 0 : i32
    %dma_start3A_932 = tpu.memref_slice %arg5[%add3A_928, %dma_start3A_931] : memref<32768x256xf32, #tpu.memory_space<hbm>> -> memref<64x256xf32, #tpu.memory_space<hbm>>
    tpu.enqueue_dma source(%arg13 : memref<64x256xf32, #tpu.memory_space<vmem>>) target(%dma_start3A_932 : memref<64x256xf32, #tpu.memory_space<hbm>>) target_semaphore(%arg17 : memref<!tpu.dma_semaphore, #tpu.memory_space<semaphore_mem>>)
    %scan3A_933 = arith.constant 0 : i32
    %scan3A_934 = arith.constant 0 : i32
    %scan3A_935 = arith.constant 4 : i32
    %scan3A_936 = arith.addi %scan3A_934, %scan3A_935 : i32
    %scan3A_937 = arith.constant 1 : i32
    %scan3A_938 = scf.for %scan3A_979 = %scan3A_934 to %scan3A_936 step %scan3A_937 iter_args(%scan3A_980 = %scan3A_933) -> (i32)  : i32 {
      %add3A_981 = arith.constant 960 : i32
      %add3A_982 = arith.addi %mul3A_32, %add3A_981 : i32
      %mul3A_983 = arith.constant 16 : i32
      %mul3A_984 = arith.muli %scan3A_979, %mul3A_983 : i32
      %add3A_985 = arith.addi %add3A_982, %mul3A_984 : i32
      %add3A_986 = vector.broadcast %add3A_985 : i32 to vector<16xi32>
      %add3A_987 = arith.addi %add3A_986, %iota3A : vector<16xi32>
      %broadcast_in_dim3A_988 = arith.constant 0 : i32
      %broadcast_in_dim3A_989 = vector.broadcast %broadcast_in_dim3A_988 : i32 to vector<16xi32>
      %broadcast_in_dim3A_990 = arith.constant 512 : i32
      %broadcast_in_dim3A_991 = vector.broadcast %broadcast_in_dim3A_990 : i32 to vector<16xi32>
      %add3A_992 = arith.addi %broadcast_in_dim3A_989, %broadcast_in_dim3A_991 : vector<16xi32>
      %shift_right_arithmetic3A = arith.constant 1 : i32
      %shift_right_arithmetic3A_993 = vector.broadcast %shift_right_arithmetic3A : i32 to vector<16xi32>
      %shift_right_arithmetic3A_994 = arith.shrsi %add3A_992, %shift_right_arithmetic3A_993 : vector<16xi32>
      %gather3A = tpu.vector_load_idx %arg8[%shift_right_arithmetic3A_994] : memref<512xi32, #tpu.memory_space<vmem>>[vector<16xi32>], vector<16xi32>,
      %le3A = arith.cmpi sle, %gather3A, %add3A_987 : vector<16xi32>
      %add3A_995 = arith.constant 1 : i32
      %add3A_996 = vector.broadcast %add3A_995 : i32 to vector<16xi32>
      %add3A_997 = arith.addi %shift_right_arithmetic3A_994, %add3A_996 : vector<16xi32>
      %select_n3A_998 = arith.select %le3A, %add3A_997, %broadcast_in_dim3A_989 : vector<16xi1>, vector<16xi32>
      %select_n3A_999 = arith.select %le3A, %broadcast_in_dim3A_991, %shift_right_arithmetic3A_994 : vector<16xi1>, vector<16xi32>
      %add3A_1000 = arith.addi %select_n3A_998, %select_n3A_999 : vector<16xi32>
      %shift_right_arithmetic3A_1001 = arith.constant 1 : i32
      %shift_right_arithmetic3A_1002 = vector.broadcast %shift_right_arithmetic3A_1001 : i32 to vector<16xi32>
      %shift_right_arithmetic3A_1003 = arith.shrsi %add3A_1000, %shift_right_arithmetic3A_1002 : vector<16xi32>
      %gather3A_1004 = tpu.vector_load_idx %arg8[%shift_right_arithmetic3A_1003] : memref<512xi32, #tpu.memory_space<vmem>>[vector<16xi32>], vector<16xi32>,
      %le3A_1005 = arith.cmpi sle, %gather3A_1004, %add3A_987 : vector<16xi32>
      %add3A_1006 = arith.constant 1 : i32
      %add3A_1007 = vector.broadcast %add3A_1006 : i32 to vector<16xi32>
      %add3A_1008 = arith.addi %shift_right_arithmetic3A_1003, %add3A_1007 : vector<16xi32>
      %select_n3A_1009 = arith.select %le3A_1005, %add3A_1008, %select_n3A_998 : vector<16xi1>, vector<16xi32>
      %select_n3A_1010 = arith.select %le3A_1005, %select_n3A_999, %shift_right_arithmetic3A_1003 : vector<16xi1>, vector<16xi32>
      %add3A_1011 = arith.addi %select_n3A_1009, %select_n3A_1010 : vector<16xi32>
      %shift_right_arithmetic3A_1012 = arith.constant 1 : i32
      %shift_right_arithmetic3A_1013 = vector.broadcast %shift_right_arithmetic3A_1012 : i32 to vector<16xi32>
      %shift_right_arithmetic3A_1014 = arith.shrsi %add3A_1011, %shift_right_arithmetic3A_1013 : vector<16xi32>
      %gather3A_1015 = tpu.vector_load_idx %arg8[%shift_right_arithmetic3A_1014] : memref<512xi32, #tpu.memory_space<vmem>>[vector<16xi32>], vector<16xi32>,
      %le3A_1016 = arith.cmpi sle, %gather3A_1015, %add3A_987 : vector<16xi32>
      %add3A_1017 = arith.constant 1 : i32
      %add3A_1018 = vector.broadcast %add3A_1017 : i32 to vector<16xi32>
      %add3A_1019 = arith.addi %shift_right_arithmetic3A_1014, %add3A_1018 : vector<16xi32>
      %select_n3A_1020 = arith.select %le3A_1016, %add3A_1019, %select_n3A_1009 : vector<16xi1>, vector<16xi32>
      %select_n3A_1021 = arith.select %le3A_1016, %select_n3A_1010, %shift_right_arithmetic3A_1014 : vector<16xi1>, vector<16xi32>
      %add3A_1022 = arith.addi %select_n3A_1020, %select_n3A_1021 : vector<16xi32>
      %shift_right_arithmetic3A_1023 = arith.constant 1 : i32
      %shift_right_arithmetic3A_1024 = vector.broadcast %shift_right_arithmetic3A_1023 : i32 to vector<16xi32>
      %shift_right_arithmetic3A_1025 = arith.shrsi %add3A_1022, %shift_right_arithmetic3A_1024 : vector<16xi32>
      %gather3A_1026 = tpu.vector_load_idx %arg8[%shift_right_arithmetic3A_1025] : memref<512xi32, #tpu.memory_space<vmem>>[vector<16xi32>], vector<16xi32>,
      %le3A_1027 = arith.cmpi sle, %gather3A_1026, %add3A_987 : vector<16xi32>
      %add3A_1028 = arith.constant 1 : i32
      %add3A_1029 = vector.broadcast %add3A_1028 : i32 to vector<16xi32>
      %add3A_1030 = arith.addi %shift_right_arithmetic3A_1025, %add3A_1029 : vector<16xi32>
      %select_n3A_1031 = arith.select %le3A_1027, %add3A_1030, %select_n3A_1020 : vector<16xi1>, vector<16xi32>
      %select_n3A_1032 = arith.select %le3A_1027, %select_n3A_1021, %shift_right_arithmetic3A_1025 : vector<16xi1>, vector<16xi32>
      %add3A_1033 = arith.addi %select_n3A_1031, %select_n3A_1032 : vector<16xi32>
      %shift_right_arithmetic3A_1034 = arith.constant 1 : i32
      %shift_right_arithmetic3A_1035 = vector.broadcast %shift_right_arithmetic3A_1034 : i32 to vector<16xi32>
      %shift_right_arithmetic3A_1036 = arith.shrsi %add3A_1033, %shift_right_arithmetic3A_1035 : vector<16xi32>
      %gather3A_1037 = tpu.vector_load_idx %arg8[%shift_right_arithmetic3A_1036] : memref<512xi32, #tpu.memory_space<vmem>>[vector<16xi32>], vector<16xi32>,
      %le3A_1038 = arith.cmpi sle, %gather3A_1037, %add3A_987 : vector<16xi32>
      %add3A_1039 = arith.constant 1 : i32
      %add3A_1040 = vector.broadcast %add3A_1039 : i32 to vector<16xi32>
      %add3A_1041 = arith.addi %shift_right_arithmetic3A_1036, %add3A_1040 : vector<16xi32>
      %select_n3A_1042 = arith.select %le3A_1038, %add3A_1041, %select_n3A_1031 : vector<16xi1>, vector<16xi32>
      %select_n3A_1043 = arith.select %le3A_1038, %select_n3A_1032, %shift_right_arithmetic3A_1036 : vector<16xi1>, vector<16xi32>
      %add3A_1044 = arith.addi %select_n3A_1042, %select_n3A_1043 : vector<16xi32>
      %shift_right_arithmetic3A_1045 = arith.constant 1 : i32
      %shift_right_arithmetic3A_1046 = vector.broadcast %shift_right_arithmetic3A_1045 : i32 to vector<16xi32>
      %shift_right_arithmetic3A_1047 = arith.shrsi %add3A_1044, %shift_right_arithmetic3A_1046 : vector<16xi32>
      %gather3A_1048 = tpu.vector_load_idx %arg8[%shift_right_arithmetic3A_1047] : memref<512xi32, #tpu.memory_space<vmem>>[vector<16xi32>], vector<16xi32>,
      %le3A_1049 = arith.cmpi sle, %gather3A_1048, %add3A_987 : vector<16xi32>
      %add3A_1050 = arith.constant 1 : i32
      %add3A_1051 = vector.broadcast %add3A_1050 : i32 to vector<16xi32>
      %add3A_1052 = arith.addi %shift_right_arithmetic3A_1047, %add3A_1051 : vector<16xi32>
      %select_n3A_1053 = arith.select %le3A_1049, %add3A_1052, %select_n3A_1042 : vector<16xi1>, vector<16xi32>
      %select_n3A_1054 = arith.select %le3A_1049, %select_n3A_1043, %shift_right_arithmetic3A_1047 : vector<16xi1>, vector<16xi32>
      %add3A_1055 = arith.addi %select_n3A_1053, %select_n3A_1054 : vector<16xi32>
      %shift_right_arithmetic3A_1056 = arith.constant 1 : i32
      %shift_right_arithmetic3A_1057 = vector.broadcast %shift_right_arithmetic3A_1056 : i32 to vector<16xi32>
      %shift_right_arithmetic3A_1058 = arith.shrsi %add3A_1055, %shift_right_arithmetic3A_1057 : vector<16xi32>
      %gather3A_1059 = tpu.vector_load_idx %arg8[%shift_right_arithmetic3A_1058] : memref<512xi32, #tpu.memory_space<vmem>>[vector<16xi32>], vector<16xi32>,
      %le3A_1060 = arith.cmpi sle, %gather3A_1059, %add3A_987 : vector<16xi32>
      %add3A_1061 = arith.constant 1 : i32
      %add3A_1062 = vector.broadcast %add3A_1061 : i32 to vector<16xi32>
      %add3A_1063 = arith.addi %shift_right_arithmetic3A_1058, %add3A_1062 : vector<16xi32>
      %select_n3A_1064 = arith.select %le3A_1060, %add3A_1063, %select_n3A_1053 : vector<16xi1>, vector<16xi32>
      %select_n3A_1065 = arith.select %le3A_1060, %select_n3A_1054, %shift_right_arithmetic3A_1058 : vector<16xi1>, vector<16xi32>
      %add3A_1066 = arith.addi %select_n3A_1064, %select_n3A_1065 : vector<16xi32>
      %shift_right_arithmetic3A_1067 = arith.constant 1 : i32
      %shift_right_arithmetic3A_1068 = vector.broadcast %shift_right_arithmetic3A_1067 : i32 to vector<16xi32>
      %shift_right_arithmetic3A_1069 = arith.shrsi %add3A_1066, %shift_right_arithmetic3A_1068 : vector<16xi32>
      %gather3A_1070 = tpu.vector_load_idx %arg8[%shift_right_arithmetic3A_1069] : memref<512xi32, #tpu.memory_space<vmem>>[vector<16xi32>], vector<16xi32>,
      %le3A_1071 = arith.cmpi sle, %gather3A_1070, %add3A_987 : vector<16xi32>
      %add3A_1072 = arith.constant 1 : i32
      %add3A_1073 = vector.broadcast %add3A_1072 : i32 to vector<16xi32>
      %add3A_1074 = arith.addi %shift_right_arithmetic3A_1069, %add3A_1073 : vector<16xi32>
      %select_n3A_1075 = arith.select %le3A_1071, %add3A_1074, %select_n3A_1064 : vector<16xi1>, vector<16xi32>
      %select_n3A_1076 = arith.select %le3A_1071, %select_n3A_1065, %shift_right_arithmetic3A_1069 : vector<16xi1>, vector<16xi32>
      %add3A_1077 = arith.addi %select_n3A_1075, %select_n3A_1076 : vector<16xi32>
      %shift_right_arithmetic3A_1078 = arith.constant 1 : i32
      %shift_right_arithmetic3A_1079 = vector.broadcast %shift_right_arithmetic3A_1078 : i32 to vector<16xi32>
      %shift_right_arithmetic3A_1080 = arith.shrsi %add3A_1077, %shift_right_arithmetic3A_1079 : vector<16xi32>
      %gather3A_1081 = tpu.vector_load_idx %arg8[%shift_right_arithmetic3A_1080] : memref<512xi32, #tpu.memory_space<vmem>>[vector<16xi32>], vector<16xi32>,
      %le3A_1082 = arith.cmpi sle, %gather3A_1081, %add3A_987 : vector<16xi32>
      %add3A_1083 = arith.constant 1 : i32
      %add3A_1084 = vector.broadcast %add3A_1083 : i32 to vector<16xi32>
      %add3A_1085 = arith.addi %shift_right_arithmetic3A_1080, %add3A_1084 : vector<16xi32>
      %select_n3A_1086 = arith.select %le3A_1082, %add3A_1085, %select_n3A_1075 : vector<16xi1>, vector<16xi32>
      %select_n3A_1087 = arith.select %le3A_1082, %select_n3A_1076, %shift_right_arithmetic3A_1080 : vector<16xi1>, vector<16xi32>
      %add3A_1088 = arith.addi %select_n3A_1086, %select_n3A_1087 : vector<16xi32>
      %shift_right_arithmetic3A_1089 = arith.constant 1 : i32
      %shift_right_arithmetic3A_1090 = vector.broadcast %shift_right_arithmetic3A_1089 : i32 to vector<16xi32>
      %shift_right_arithmetic3A_1091 = arith.shrsi %add3A_1088, %shift_right_arithmetic3A_1090 : vector<16xi32>
      %gather3A_1092 = tpu.vector_load_idx %arg8[%shift_right_arithmetic3A_1091] : memref<512xi32, #tpu.memory_space<vmem>>[vector<16xi32>], vector<16xi32>,
      %le3A_1093 = arith.cmpi sle, %gather3A_1092, %add3A_987 : vector<16xi32>
      %add3A_1094 = arith.constant 1 : i32
      %add3A_1095 = vector.broadcast %add3A_1094 : i32 to vector<16xi32>
      %add3A_1096 = arith.addi %shift_right_arithmetic3A_1091, %add3A_1095 : vector<16xi32>
      %select_n3A_1097 = arith.select %le3A_1093, %add3A_1096, %select_n3A_1086 : vector<16xi1>, vector<16xi32>
      %select_n3A_1098 = arith.select %le3A_1093, %select_n3A_1087, %shift_right_arithmetic3A_1091 : vector<16xi1>, vector<16xi32>
      %lt3A_1099 = arith.cmpi slt, %add3A_987, %min3A_543 : vector<16xi32>
      %mul3A_1100 = arith.constant 513 : i32
      %mul3A_1101 = arith.muli %select_n3A, %mul3A_1100 : i32
      %add3A_1102 = vector.broadcast %mul3A_1101 : i32 to vector<16xi32>
      %add3A_1103 = arith.addi %add3A_1102, %select_n3A_1097 : vector<16xi32>
      %broadcast_in_dim3A_1104 = vector.broadcast %add3A_547 : i32 to vector<16xi32>
      %select_n3A_1105 = arith.select %lt3A_1099, %add3A_1103, %broadcast_in_dim3A_1104 : vector<16xi1>, vector<16xi32>
      %mul3A_1106 = arith.constant 16 : i32
      %mul3A_1107 = arith.muli %scan3A_979, %mul3A_1106 : i32
      %add3A_1108 = arith.constant 960 : i32
      %add3A_1109 = arith.addi %add3A_1108, %mul3A_1107 : i32
      %swap3A_1110 = arith.index_cast %add3A_1109 : i32 to index
      %swap3A_1111 = tpu.vector_load %arg10[%swap3A_1110] {strides = array<i32>} : memref<1024xi32, #tpu.memory_space<vmem>>, vector<16xi32>,
      tpu.vector_store %arg10[%swap3A_1110], %select_n3A_1105 {strides = array<i32>} : memref<1024xi32, #tpu.memory_space<vmem>>, vector<16xi32>,
      %not3A = arith.constant dense<true> : vector<16xi1>
      %not3A_1112 = arith.xori %lt3A_1099, %not3A : vector<16xi1>
      %convert_element_type3A_1113 = arith.extui %not3A_1112 : vector<16xi1> to vector<16xi32>
      %mul3A_1114 = arith.constant 16 : i32
      %mul3A_1115 = arith.muli %scan3A_979, %mul3A_1114 : i32
      %add3A_1116 = arith.constant 960 : i32
      %add3A_1117 = arith.addi %add3A_1116, %mul3A_1115 : i32
      %swap3A_1118 = arith.index_cast %add3A_1117 : i32 to index
      %swap3A_1119 = tpu.vector_load %arg11[%swap3A_1118] {strides = array<i32>} : memref<1024xi32, #tpu.memory_space<vmem>>, vector<16xi32>,
      tpu.vector_store %arg11[%swap3A_1118], %convert_element_type3A_1113 {strides = array<i32>} : memref<1024xi32, #tpu.memory_space<vmem>>, vector<16xi32>,
      %scan3A_1120 = arith.constant 0 : i32
      scf.yield %scan3A_1120 : i32
    }
    %scan3A_939 = arith.constant 4 : i32
    %dma_wait3A_940 = arith.constant 0 : i32
    %dma_wait3A_941 = tpu.memref_slice %arg5[%add3A_928, %dma_wait3A_940] : memref<32768x256xf32, #tpu.memory_space<hbm>> -> memref<64x256xf32, #tpu.memory_space<hbm>>
    %dma_wait3A_942 = arith.constant 0 : i32
    %dma_wait3A_943 = tpu.memref_slice %arg5[%add3A_928, %dma_wait3A_942] : memref<32768x256xf32, #tpu.memory_space<hbm>> -> memref<64x256xf32, #tpu.memory_space<hbm>>
    tpu.wait_dma2 semaphore(%arg17 : memref<!tpu.dma_semaphore, #tpu.memory_space<semaphore_mem>>) src(%arg13 : memref<64x256xf32, #tpu.memory_space<vmem>>) dst(%dma_wait3A_943 : memref<64x256xf32, #tpu.memory_space<hbm>>)
    %dma_start3A_944 = arith.constant 960 : i32
    %dma_start3A_945 = tpu.memref_slice %arg10[%dma_start3A_944] : memref<1024xi32, #tpu.memory_space<vmem>> -> memref<64xi32, #tpu.memory_space<vmem>>
    %dma_start3A_946 = arith.constant 0 : i32
    %dma_start3A_947 = arith.constant 0 : i32
    %dma_start3A_948 = tpu.memref_slice %arg2[%dma_start3A_946, %dma_start3A_947] : memref<8208x256xf32, #tpu.memory_space<hbm>> -> memref<8208x256xf32, #tpu.memory_space<hbm>>
    tpu.enqueue_indirect_dma source(%dma_start3A_948 : memref<8208x256xf32, #tpu.memory_space<hbm>>) target(%arg13 : memref<64x256xf32, #tpu.memory_space<vmem>>) offsets(%dma_start3A_945 : memref<64xi32, #tpu.memory_space<vmem>>) semaphore(%arg15 : memref<!tpu.dma_semaphore, #tpu.memory_space<semaphore_mem>>)
    %dma_wait3A_949 = arith.constant 896 : i32
    %dma_wait3A_950 = tpu.memref_slice %arg10[%dma_wait3A_949] : memref<1024xi32, #tpu.memory_space<vmem>> -> memref<64xi32, #tpu.memory_space<vmem>>
    %dma_wait3A_951 = arith.constant 0 : i32
    %dma_wait3A_952 = arith.constant 0 : i32
    %dma_wait3A_953 = tpu.memref_slice %arg2[%dma_wait3A_951, %dma_wait3A_952] : memref<8208x256xf32, #tpu.memory_space<hbm>> -> memref<8208x256xf32, #tpu.memory_space<hbm>>
    tpu.wait_indirect_dma semaphore(%arg14 : memref<!tpu.dma_semaphore, #tpu.memory_space<semaphore_mem>>) src(%dma_wait3A_953 : memref<8208x256xf32, #tpu.memory_space<hbm>>) dst(%arg12 : memref<64x256xf32, #tpu.memory_space<vmem>>)
    %add3A_954 = arith.constant 896 : i32
    %add3A_955 = arith.addi %mul3A_549, %add3A_954 : i32
    %dma_start3A_956 = arith.constant 0 : i32
    %dma_start3A_957 = tpu.memref_slice %arg5[%add3A_955, %dma_start3A_956] : memref<32768x256xf32, #tpu.memory_space<hbm>> -> memref<64x256xf32, #tpu.memory_space<hbm>>
    %dma_start3A_958 = arith.constant 0 : i32
    %dma_start3A_959 = tpu.memref_slice %arg5[%add3A_955, %dma_start3A_958] : memref<32768x256xf32, #tpu.memory_space<hbm>> -> memref<64x256xf32, #tpu.memory_space<hbm>>
    tpu.enqueue_dma source(%arg12 : memref<64x256xf32, #tpu.memory_space<vmem>>) target(%dma_start3A_959 : memref<64x256xf32, #tpu.memory_space<hbm>>) target_semaphore(%arg16 : memref<!tpu.dma_semaphore, #tpu.memory_space<semaphore_mem>>)
    %dma_wait3A_960 = arith.constant 960 : i32
    %dma_wait3A_961 = tpu.memref_slice %arg10[%dma_wait3A_960] : memref<1024xi32, #tpu.memory_space<vmem>> -> memref<64xi32, #tpu.memory_space<vmem>>
    %dma_wait3A_962 = arith.constant 0 : i32
    %dma_wait3A_963 = arith.constant 0 : i32
    %dma_wait3A_964 = tpu.memref_slice %arg2[%dma_wait3A_962, %dma_wait3A_963] : memref<8208x256xf32, #tpu.memory_space<hbm>> -> memref<8208x256xf32, #tpu.memory_space<hbm>>
    tpu.wait_indirect_dma semaphore(%arg15 : memref<!tpu.dma_semaphore, #tpu.memory_space<semaphore_mem>>) src(%dma_wait3A_964 : memref<8208x256xf32, #tpu.memory_space<hbm>>) dst(%arg13 : memref<64x256xf32, #tpu.memory_space<vmem>>)
    %add3A_965 = arith.constant 960 : i32
    %add3A_966 = arith.addi %mul3A_549, %add3A_965 : i32
    %dma_start3A_967 = arith.constant 0 : i32
    %dma_start3A_968 = tpu.memref_slice %arg5[%add3A_966, %dma_start3A_967] : memref<32768x256xf32, #tpu.memory_space<hbm>> -> memref<64x256xf32, #tpu.memory_space<hbm>>
    %dma_start3A_969 = arith.constant 0 : i32
    %dma_start3A_970 = tpu.memref_slice %arg5[%add3A_966, %dma_start3A_969] : memref<32768x256xf32, #tpu.memory_space<hbm>> -> memref<64x256xf32, #tpu.memory_space<hbm>>
    tpu.enqueue_dma source(%arg13 : memref<64x256xf32, #tpu.memory_space<vmem>>) target(%dma_start3A_970 : memref<64x256xf32, #tpu.memory_space<hbm>>) target_semaphore(%arg17 : memref<!tpu.dma_semaphore, #tpu.memory_space<semaphore_mem>>)
    %dma_wait3A_971 = arith.constant 0 : i32
    %dma_wait3A_972 = tpu.memref_slice %arg5[%add3A_955, %dma_wait3A_971] : memref<32768x256xf32, #tpu.memory_space<hbm>> -> memref<64x256xf32, #tpu.memory_space<hbm>>
    %dma_wait3A_973 = arith.constant 0 : i32
    %dma_wait3A_974 = tpu.memref_slice %arg5[%add3A_955, %dma_wait3A_973] : memref<32768x256xf32, #tpu.memory_space<hbm>> -> memref<64x256xf32, #tpu.memory_space<hbm>>
    tpu.wait_dma2 semaphore(%arg16 : memref<!tpu.dma_semaphore, #tpu.memory_space<semaphore_mem>>) src(%arg12 : memref<64x256xf32, #tpu.memory_space<vmem>>) dst(%dma_wait3A_974 : memref<64x256xf32, #tpu.memory_space<hbm>>)
    %dma_wait3A_975 = arith.constant 0 : i32
    %dma_wait3A_976 = tpu.memref_slice %arg5[%add3A_966, %dma_wait3A_975] : memref<32768x256xf32, #tpu.memory_space<hbm>> -> memref<64x256xf32, #tpu.memory_space<hbm>>
    %dma_wait3A_977 = arith.constant 0 : i32
    %dma_wait3A_978 = tpu.memref_slice %arg5[%add3A_966, %dma_wait3A_977] : memref<32768x256xf32, #tpu.memory_space<hbm>> -> memref<64x256xf32, #tpu.memory_space<hbm>>
    tpu.wait_dma2 semaphore(%arg17 : memref<!tpu.dma_semaphore, #tpu.memory_space<semaphore_mem>>) src(%arg13 : memref<64x256xf32, #tpu.memory_space<vmem>>) dst(%dma_wait3A_978 : memref<64x256xf32, #tpu.memory_space<hbm>>)
    "tpu.region"() ({
      %run_scoped3A = tpu.sem_alloc : memref<!tpu.dma_semaphore, #tpu.memory_space<semaphore_mem>>
      %dma_start3A_979 = tpu.memref_slice %arg6[%mul3A_549] : memref<32768xi32, #tpu.memory_space<hbm>> -> memref<1024xi32, #tpu.memory_space<hbm>>
      %dma_start3A_980 = tpu.memref_slice %arg6[%mul3A_549] : memref<32768xi32, #tpu.memory_space<hbm>> -> memref<1024xi32, #tpu.memory_space<hbm>>
      tpu.enqueue_dma source(%arg11 : memref<1024xi32, #tpu.memory_space<vmem>>) target(%dma_start3A_980 : memref<1024xi32, #tpu.memory_space<hbm>>) target_semaphore(%run_scoped3A : memref<!tpu.dma_semaphore, #tpu.memory_space<semaphore_mem>>)
      %dma_wait3A_981 = tpu.memref_slice %arg6[%mul3A_549] : memref<32768xi32, #tpu.memory_space<hbm>> -> memref<1024xi32, #tpu.memory_space<hbm>>
      %dma_wait3A_982 = tpu.memref_slice %arg6[%mul3A_549] : memref<32768xi32, #tpu.memory_space<hbm>> -> memref<1024xi32, #tpu.memory_space<hbm>>
      tpu.wait_dma2 semaphore(%run_scoped3A : memref<!tpu.dma_semaphore, #tpu.memory_space<semaphore_mem>>) src(%arg11 : memref<1024xi32, #tpu.memory_space<vmem>>) dst(%dma_wait3A_982 : memref<1024xi32, #tpu.memory_space<hbm>>)
      tpu.yield
    }) : () -> ()
    return
  }
}

</mosaic_0001>

<sc_bundles>
// kernel: kernel.3.cloned.1.call-start
scs
__scs_entry_jumppad:
0x0: {  	(pc) =	sbr.rel $0x88, $3  }
0x1: {  	(tag) =	ssettag $0x0;
	lr =	simm.s32 $0x1  }
0x2: {  	[smem:$0x3F9E] =	sst lr;
	_ =	strace $0xD0000000  }
0x3: {  	_ = 	snop  }
0x4: {  	_ = 	snop  }
0x5: {  	_ = 	snop  }
0x6: {  	_ = 	snop  }
0x7: {  	_ = 	snop  }
__scs_overlays_trampoline_lowered:
0x8: {  	[smem:$0x3FAD] =	sst s0  }
0x9: {  	[smem:$0x3FAE] =	sst s1  }
0xa: {  	[smem:$0x3FAF] =	sst s2  }
0xb: {  	[smem:$0x3FB0] =	sst s3  }
0xc: {  	[smem:$0x3FB1] =	sst s4  }
0xd: {  	[smem:$0x3FB2] =	sst s5  }
0xe: {  	[smem:$0x3FB3] =	sst s6  }
0xf: {  	[smem:$0x3FB4] =	sst s7  }
0x10: {  	[smem:$0x3FB5] =	sst s8  }
0x11: {  	[smem:$0x3FB6] =	sst s9;
	s0 =	simm.s32 @!p0 $0x0  }
0x12: {  	s1 =	sld [smem:$0x3F9C];
	s0 =	simm.s32 @p0 $0x1  }
0x13: {  	[smem:$0x3FB7] =	sst s0;
	s0 =	simm.s32 @!p1 $0x0  }
0x14: {  	s2 =	sld [smem:$0x3F9B];
	s0 =	simm.s32 @p1 $0x1  }
0x15: {  	[smem:$0x3FB8] =	sst s0;
	s0 =	simm.s32 @!p2 $0x0  }
0x16: {  	s3 =	sld [smem:$0x3FDB];
	s0 =	simm.s32 @p2 $0x1  }
0x17: {  	s4 =	simm.s32 $0x1BF5;
	[smem:$0x3FBA] =	sst s0  }
0x18: {  	s0 =	sld [smem:$0x3F9D];
	_ =	swait.ge [sflag:s4], $0x0  }
0x19: {  	s7 =	sld [smem:$0x3F9E]  }
0x1a: {  	s8 =	sadd.s32 $0xFFFFE003, lr  }
0x1b: {  	s9 =	sadd.s32 $0xFFFFFEF7, lr;
	s5 =	simm.s32 $0xFFFFFFFF;
	p2 =	slt.u32 s8, $0xFFFFF086  }
0x1c: {  	p1 =	slt.u32 s9, $0xF7A;
	s5 =	simm.s32 @!p2 $0x0  }
0x1d: {  	s5 =	simm.s32 @p1 $0x1;
	p0 =	seq.s32 s7, s2  }
0x1e: {  	s7 =	smul.u32 @!p0 $0xF7A, s2;
	p2 =	seq.s32 @!p0 s5, $0x0  }
0x1f: {  	s9 =	smul.u32 $0xF7A, s1;
	s8 =	simm.s32 @!p0 $0x1BF5;
	p2 =	por !p2, p0  }
0x20: {  	[sflag:s8] =	ssyncset.s32 @!p0 $0xFFFFF086;
	s6 =	sadd.s32 @!p0 s3, s7;
	s7 =	simm.s32 @!p0 $0x108  }
0x21: {  	s3 =	sadd.s32 s3, s9;
	s6 =	sadd.s32 @!p0 $0x88, s6;
	s7 =	simm.s32 @p2 $0x1082  }
0x22: {  	[simem:s7], [sflag:s8] =	dma.local @!p0 [hbm:s6], $0xF7A  }
0x23: {  	s9 =	sor.u32 $0xD0000000, s2;
	s6 =	simm.s32 $0x108;
	_ =	swait.ge @!p0 [sflag:s8], $0x0  }
0x24: {  	s3 =	sadd.s32 $0x88, s3;
	s6 =	simm.s32 @!p1 $0x1082;
	[sflag:s4] =	ssyncset.s32 $0xFFFFF086  }
0x25: {  	[simem:s6], [sflag:s4] =	dma.local [hbm:s3], $0xF7A  }
0x26: {  	[smem:$0x3F9E] =	sst s1;
	(tag) =	ssettag s2;
	_ =	strace s9  }
0x27: {  	s1 =	sld [smem:$0x3FAE]  }
0x28: {  	s2 =	sld [smem:$0x3FAF]  }
0x29: {  	s4 =	sld [smem:$0x3FB1]  }
0x2a: {  	p0 =	seq.s32 s5, $0x0;
	s5 =	sld [smem:$0x3FB2]  }
0x2b: {  	s6 =	sld [smem:$0x3FB3]  }
0x2c: {  	s7 =	sld [smem:$0x3FB4]  }
0x2d: {  	s3 =	simm.s32 $0x108;
	s8 =	sld [smem:$0x3FB5]  }
0x2e: {  	s3 =	simm.s32 @!p0 $0x1082;
	s9 =	sld [smem:$0x3FB6]  }
0x2f: {  	lr =	sadd.s32 s0, s3;
	s0 =	sld [smem:$0x3FAD]  }
0x30: {  	s3 =	sld [smem:$0x3FB0]  }
0x31: {  	[smem:$0x3FB9] =	sst s10  }
0x32: {  	s10 =	sld [smem:$0x3FB7];
	_ =	sdelay $0x3  }
0x33: {  	p0 =	seq.s32 s10, $0x1;
	s10 =	sld [smem:$0x3FB9];
	_ =	sdelay $0x3  }
0x34: {  	[smem:$0x3FB9] =	sst s10  }
0x35: {  	s10 =	sld [smem:$0x3FB8];
	_ =	sdelay $0x3  }
0x36: {  	p1 =	seq.s32 s10, $0x1;
	s10 =	sld [smem:$0x3FB9];
	_ =	sdelay $0x3  }
0x37: {  	[smem:$0x3FB9] =	sst s10  }
0x38: {  	s10 =	sld [smem:$0x3FBA]  }
0x39: {  	_ = 	snop;
	(pc) =	sbr.ind lr, $3  }
0x3a: {  	_ = 	snop  }
0x3b: {  	_ = 	snop  }
0x3c: {  	p2 =	seq.s32 s10, $0x1;
	s10 =	sld [smem:$0x3FB9]  }
0x3d: {  	_ =	shalt  }
0x3e: {  	_ =	shalt  }
0x3f: {  	_ =	shalt  }
0x40: {  	_ =	shalt  }
0x41: {  	_ =	shalt  }
0x42: {  	_ =	shalt  }
0x43: {  	_ =	shalt  }
0x44: {  	_ =	shalt  }
0x45: {  	_ =	shalt  }
0x46: {  	_ =	shalt  }
0x47: {  	_ =	shalt  }
0x48: {  	_ =	shalt  }
0x49: {  	_ =	shalt  }
0x4a: {  	_ =	shalt  }
0x4b: {  	_ =	shalt  }
0x4c: {  	_ =	shalt  }
0x4d: {  	_ =	shalt  }
0x4e: {  	_ =	shalt  }
0x4f: {  	_ =	shalt  }
0x50: {  	_ =	shalt  }
0x51: {  	_ =	shalt  }
0x52: {  	_ =	shalt  }
0x53: {  	_ =	shalt  }
0x54: {  	_ =	shalt  }
0x55: {  	_ =	shalt  }
0x56: {  	_ =	shalt  }
0x57: {  	_ =	shalt  }
0x58: {  	_ =	shalt  }
0x59: {  	_ =	shalt  }
0x5a: {  	_ =	shalt  }
0x5b: {  	_ =	shalt  }
0x5c: {  	_ =	shalt  }
0x5d: {  	_ =	shalt  }
0x5e: {  	_ =	shalt  }
0x5f: {  	_ =	shalt  }
0x60: {  	_ =	shalt  }
0x61: {  	_ =	shalt  }
0x62: {  	_ =	shalt  }
0x63: {  	_ =	shalt  }
0x64: {  	_ =	shalt  }
0x65: {  	_ =	shalt  }
0x66: {  	_ =	shalt  }
0x67: {  	_ =	shalt  }
0x68: {  	_ =	shalt  }
0x69: {  	_ =	shalt  }
0x6a: {  	_ =	shalt  }
0x6b: {  	_ =	shalt  }
0x6c: {  	_ =	shalt  }
0x6d: {  	_ =	shalt  }
0x6e: {  	_ =	shalt  }
0x6f: {  	_ =	shalt  }
0x70: {  	_ =	shalt  }
0x71: {  	_ =	shalt  }
0x72: {  	_ =	shalt  }
0x73: {  	_ =	shalt  }
0x74: {  	_ =	shalt  }
0x75: {  	_ =	shalt  }
0x76: {  	_ =	shalt  }
0x77: {  	_ =	shalt  }
0x78: {  	_ =	shalt  }
0x79: {  	_ =	shalt  }
0x7a: {  	_ =	shalt  }
0x7b: {  	_ =	shalt  }
0x7c: {  	_ =	shalt  }
0x7d: {  	_ =	shalt  }
0x7e: {  	_ =	shalt  }
0x7f: {  	_ =	shalt  }
0x80: {  	_ =	shalt  }
0x81: {  	_ =	shalt  }
0x82: {  	_ =	shalt  }
0x83: {  	_ =	shalt  }
0x84: {  	_ =	shalt  }
0x85: {  	_ =	shalt  }
0x86: {  	_ =	shalt  }
0x87: {  	_ =	shalt  }
.Lfunc_end0:
.L_simem_size_0:
called_computation_lowered:
.L_overlay_start_0:
0x88: {  	s2 =	sld [smem:$0x3FD9]  }
0x89: {  	s3 =	sld [smem:$0x3FFE];
	_ =	sdelay $0x1  }
0x8a: {  	s1 =	srdreg.scid  }
0x8b: {  	s0 =	sand.u32 $0x1, s1  }
0x8c: {  	s14 =	sshll.u32 s0, $0xA;
	s2 =	sadd.s32 s3, s2  }
0x8d: {  	s2 =	sadd.s32 s2, s14  }
0x8e: {  	[smem:$0x3FC5] =	sst s2  }
0x8f: {  	_ = 	snop  }
0x90: {  	s2 =	sld [smem:$0x3FD0];
	_ =	sdelay $0x2  }
0x91: {  	s15 =	simm.s32 $0xA;
	s4 =	simm.s32 $0x10  }
0x92: {  	[smem:s4], [sflag:s15] =	dma.local [hbm:s2], $0x1  }
0x93: {  	_ =	swait.eq [sflag:s15], $0x1  }
0x94: {  	[sflag:s15] =	ssyncset.done $0x0  }
0x95: {  	s16 =	sld [smem:$0x10];
	[sflag:s15] =	ssyncadd.s32 $0xFFFFFFFF  }
0x96: {  	s17 =	sld [smem:$0x11];
	(tm) =	ssettm $0x1  }
0x97: {  	s18 =	sld [smem:$0x3FFB];
	_ =	sdelay $0x3  }
0x98: {  	_ =	strace s18  }
0x99: {  	s4 =	sld [smem:$0x3FFC];
	_ =	sdelay $0x3  }
0x9a: {  	_ =	strace s4  }
0x9b: {  	s4 =	sld [smem:$0x3FFD];
	_ =	sdelay $0x3  }
0x9c: {  	_ =	strace s4  }
0x9d: {  	_ =	strace $0x8FFFFFFF  }
0x9e: {  	s19 =	sld [smem:$0x3FDB];
	_ =	sdelay $0x1  }
0x9f: {  	s5 =	simm.s32 $_scs_section_size  }
0xa0: {  	s6 =	simm.s32 $_size__tile_overlayer_lowered;
	s7 =	simm.s32 $_tile_overlayer_lowered  }
0xa1: {  	s22 =	simm.s32 $0x1BFF;
	s21 =	sshll.u32 s7, $0x1;
	s4 =	sadd.s32 s5, s19  }
0xa2: {  	s8 =	simm.s32 $0x0;
	s20 =	sshll.u32 s6, $0x1;
	s6 =	sadd.s32 s21, s4  }
0xa3: {  	[timem:s8], [sflag:s22] =	dma.local [hbm:s6], s20  }
0xa4: {  	_ =	swait.ge [sflag:s22], s20  }
0xa5: {  	s5 =	ssub.s32 $0x0, s20;
	[sflag:s22] =	ssyncset.done $0x0  }
0xa6: {  	[sflag:s22] =	ssyncadd.s32 s5;
	_ =	sdelay $0x1  }
0xa7: {  	s23 =	simm.s32 $0x1B8B  }
0xa8: {  	_ =	swait.ge [sflag:s23], $0x1  }
0xa9: {  	[sflag:s23] =	ssyncset.done $0x0  }
0xaa: {  	s25 =	simm.s32 $0x1B8E;
	s24 =	sld [smem:$0x3FFE];
	[sflag:s23] =	ssyncadd.s32 $0xFFFFFFFF  }
0xab: {  	s26 =	simm.s32 $execute0_lowered;
	[smem:$0x3FD2] =	sst s25  }
0xac: {  	s6 =	sshll.u32 s26, $0x1;
	_ =	strace $0x80000046;
	[dreg:$0x1] =	wrdreg $0xFFFFFFFF  }
0xad: {  	s28 =	simm.s32 $_size_execute0_lowered;
	s4 =	sadd.s32 s4, s6;
	[dreg:$0x0] =	wrdreg $0x0  }
0xae: {  	s6 =	sshll.u32 s28, $0x1;
	[dreg:$0x2] =	wrdreg s4  }
0xaf: {  	[dreg:$0x3] =	wrdreg s6  }
0xb0: {  	[dreg:$0x4] =	wrdreg $0xC0  }
0xb1: {  	_ =	task [dreg:s8], $0x5FFFF  }
0xb2: {  	[dreg:$0x1] =	wrdreg $0xFFFFFFFF  }
0xb3: {  	[dreg:$0x0] =	wrdreg $0x60  }
0xb4: {  	[dreg:$0x2] =	wrdreg s24  }
0xb5: {  	[dreg:$0x3] =	wrdreg s17  }
0xb6: {  	[dreg:$0x4] =	wrdreg s16  }
0xb7: {  	[dreg:$0x5] =	wrdreg $0x9  }
0xb8: {  	_ =	task.clear_ibuf [dreg:s8], $0x6FFFF;
	_ =	strace $0x90000046  }
0xb9: {  	s29 =	simm.s32 $0x9;
	_ =	strace $0x80000048  }
0xba: {  	_ =	swait.ge [sflag:s29], $0x1  }
0xbb: {  	[sflag:s29] =	ssyncadd.s32 $0xFFFFFFFF  }
0xbc: {  	_ =	strace $0x90000048  }
0xbd: {  	_ =	sfence  }
0xbe: {  	s30 =	sld [smem:$0x0];
	_ =	sdelay $0x2  }
0xbf: {  	s31 =	sshll.u32 s1, $0xD;
	s1 =	sshrl.u32 s1, $0x2  }
0xc0: {  	s3 =	sand.u32 $0x4000, s31;
	s1 =	sadd.s32 s1, s30  }
0xc1: {  	s0 =	sor.u32 s3, s0;
	s1 =	sshll.u32 s1, $0x11  }
0xc2: {  	s0 =	sor.u32 s1, s0  }
0xc3: {  	s0 =	sadd.s32 $0x8F2B, s0  }
0xc4: {  	[sflag:s0] =	ssyncadd.remote.s32 $0x1  }
0xc5: {  	_ =	sfence.sel $0xFFFF  }
0xc6: {  	[dreg:$0x0] =	wrdreg $0xFFFFFFFF;
	(pc) =	sbr.abs _section_cstart, $3  }
0xc7: {  	[dreg:$0x1] =	wrdreg $0xFFFFFFFF  }
0xc8: {  	_ =	task.clear_ibuf [dreg:s8], $0x2FFFF;
	_ =	strace $0x9FFFFFFF  }
0xc9: {  	(tm) =	ssettm $0x7FFFFFFF  }
tec
execute0_lowered:
.L_overlay_start_1:
0x0: {  	(tag) =	ssettag $0x1  }
0x1: {  	s0 =	rddreg [dreg:$0x0]  }
0x2: {  	s1 =	rddreg [dreg:$0x1]  }
0x3: {  	s2 =	srdreg.scid;
	s9 =	stileid.u32  }
0x4: {  	s4 =	rddreg [dreg:$0x2];
	s6 =	simm.s32 $0x1;
	s5 =	sand.u32 $0x1, s2  }
0x5: {  	s3 =	sshll.u32 s9, $0x1;
	s2 =	simm.s32 $0x0;
	s8 =	sadd.s32 $0x40A00, s0  }
0x6: {  	s7 =	sor.u32 s5, s3;
	[smem:$0x7FF] =	sst s2;
	p1 =	seq.s32 s5, $0x1  }
0x7: {  	s3 =	sadd.s32 $0x800, s0;
	s12 =	ssub.s32 $0x2, s5;
	s5 =	sshll.u32 s5, $0xA  }
0x8: {  	p0 =	seq.s32 s7, $0x0;
	_ =	strace $0x80000047;
	s11 =	sshll.u32 s7, $0x7  }
0x9: {  	[dreg:$0x4] =	wrdreg s8;
	p0 =	por !p0, !p1;
	s0 =	sadd.s32 s11, s0  }
0xa: {  	s13 =	sshrl.u32 s12, $0x1;
	p0 =	por !p0, !p0;
	s0 =	sadd.s32 $0x40C00, s0  }
0xb: {  	s7 =	sshll.u32 s7, $0xF;
	s6 =	simm.s32 @!p0 $0x0;
	[dreg:$0x13] =	wrdreg s0  }
0xc: {  	s6 =	ssub.s32 s9, s6;
	s9 =	ssub.s32 s12, s13;
	s13 =	sor.u32 $0x40, s5  }
0xd: {  	s10 =	sshll.u32 s6, $0x9;
	s11 =	sshll.u32 s6, $0x7;
	s9 =	smax.u32 s9, $0x1  }
0xe: {  	[dreg:$0x17] =	wrdreg s13;
	s14 =	sand.u32 $0xFFFFF000, s10;
	s15 =	sand.u32 $0x380, s11  }
0xf: {  	[dreg:$0x14] =	wrdreg s9;
	s8 =	sor.u32 s15, s14;
	s14 =	sor.u32 $0x80, s5  }
0x10: {  	s15 =	sor.u32 $0xC0, s5;
	s8 =	sshrl.u32 s8, $0x3;
	[dreg:$0x18] =	wrdreg s14  }
0x11: {  	[dreg:$0x19] =	wrdreg s15;
	s1 =	sadd.s32 s1, s8;
	s8 =	sadd.s32 s4, s7  }
0x12: {  	[dreg:$0x5] =	wrdreg s1;
	s4 =	sadd.s32 $0x800, s8  }
0x13: {  	s16 =	sadd.s32 $0x1000, s8;
	[dreg:$0x6] =	wrdreg s4  }
0x14: {  	s17 =	sadd.s32 $0x1800, s8;
	[dreg:$0x7] =	wrdreg s16  }
0x15: {  	s18 =	sadd.s32 $0x2000, s8;
	[dreg:$0x8] =	wrdreg s17  }
0x16: {  	s19 =	sadd.s32 $0x2800, s8;
	[dreg:$0x9] =	wrdreg s18  }
0x17: {  	s20 =	sadd.s32 $0x3000, s8;
	[dreg:$0xa] =	wrdreg s19  }
0x18: {  	s21 =	sadd.s32 $0x3800, s8;
	[dreg:$0xb] =	wrdreg s20  }
0x19: {  	s22 =	sadd.s32 $0x4000, s8;
	[dreg:$0xc] =	wrdreg s21  }
0x1a: {  	s23 =	sadd.s32 $0x4800, s8;
	[dreg:$0xd] =	wrdreg s22  }
0x1b: {  	s24 =	sadd.s32 $0x5000, s8;
	[dreg:$0xe] =	wrdreg s23  }
0x1c: {  	s25 =	sadd.s32 $0x5800, s8;
	[dreg:$0xf] =	wrdreg s24  }
0x1d: {  	s28 =	simm.s32 $0x5C80;
	s26 =	sadd.s32 $0x6000, s8;
	[dreg:$0x10] =	wrdreg s25  }
0x1e: {  	s29 =	simm.s32 $0x6480;
	s7 =	sadd.s32 $0x6800, s8;
	[dreg:$0x11] =	wrdreg s26  }
0x1f: {  	s30 =	simm.s32 $0x6C80;
	s11 =	sadd.s32 $0x7000, s8;
	[dreg:$0x12] =	wrdreg s7  }
0x20: {  	s31 =	simm.s32 $0x7480;
	s12 =	sadd.s32 $0x7800, s8;
	[dreg:$0x15] =	wrdreg s11  }
0x21: {  	s0 =	simm.s32 $0x8480;
	[dreg:$0x16] =	wrdreg s12;
	s16 =	sor.u32 $0x100, s5  }
0x22: {  	s10 =	smul.u32 $0x201, s6;
	s17 =	sor.u32 $0x140, s5;
	[dreg:$0x1a] =	wrdreg s16  }
0x23: {  	s6 =	simm.s32 $0x1;
	s18 =	sor.u32 $0x180, s5;
	[dreg:$0x1b] =	wrdreg s17  }
0x24: {  	s9 =	simm.s32 $0x4;
	s19 =	sor.u32 $0x1C0, s5;
	[dreg:$0x1c] =	wrdreg s18  }
0x25: {  	s14 =	sor.u32 $0x3C0, s5;
	s20 =	sor.u32 $0x200, s5;
	[dreg:$0x1d] =	wrdreg s19  }
0x26: {  	s15 =	simm.s32 $0x5;
	s21 =	sor.u32 $0x240, s5;
	[dreg:$0x1e] =	wrdreg s20  }
0x27: {  	s1 =	sadd.s32 $0x200, s10;
	s22 =	sor.u32 $0x280, s5;
	[dreg:$0x1f] =	wrdreg s21  }
0x28: {  	v0 =	vmov s10;
	s10 =	simm.s32 $0x0;
	s23 =	sor.u32 $0x2C0, s5;
	[smem:$0x7F9] =	sst s22  }
0x29: {  	s24 =	sor.u32 $0x300, s5;
	s25 =	sor.u32 $0x340, s5;
	[smem:$0x7FA] =	sst s23  }
0x2a: {  	s26 =	sor.u32 $0x380, s5;
	v1 =	vmov s1;
	s1 =	simm.s32 $0x7C80;
	[smem:$0x7FB] =	sst s24  }
0x2b: {  	v3 =	vimm.s32 $0x100;
	s4 =	simm.s32 $0x3;
	s7 =	simm.s32 $0x2;
	[smem:$0x7FC] =	sst s25  }
0x2c: {  	[smem:$0x7FD] =	sst s26;
	s16 =	simm.s32 $0x200;
	s17 =	simm.s32 $0xC80  }
0x2d: {  	s18 =	simm.s32 $0x1480;
	s19 =	simm.s32 $0x1C80;
	s20 =	simm.s32 $0x2480  }
0x2e: {  	v2 =	vlaneseq.u32;
	v4 =	vimm.s32 $0x101;
	s21 =	simm.s32 $0x2C80;
	s22 =	simm.s32 $0x3480;
	s23 =	simm.s32 $0x3C80  }
0x2f: {  	v5 =	vimm.s32 $0x200;
	v6 =	vimm.s32 $0x180;
	v7 =	vimm.s32 $0x0;
	s24 =	simm.s32 $0x4480;
	s25 =	simm.s32 $0x4C80;
	s26 =	simm.s32 $0x5480  }
.LBB2_1:
0x30: {  	s11 =	rddreg [dreg:$0x4];
	s12 =	simm.s32 $0x400  }
0x31: {  	[tilespmem:s12], [sflag:$0x5] =	stream.linear.gather [hbm4b:s11+s2], $0x80, $0x38;
	[tilespmem:$0x8C80] =	vst v63  }
0x32: {  	_ =	swait.ge [sflag:s15], $0x80  }
0x33: {  	[sflag:s15] =	ssyncset.done $0x0  }
0x34: {  	s13 =	simm.s32 $0x80;
	s11 =	rddreg [dreg:$0x5];
	[sflag:s15] =	ssyncadd.s32 $0xFFFFFF80  }
0x35: {  	[tilespmem:s2], [sflag:$0x5] =	stream.strided.gather [hbm4b:s11+s13], $0x200, s12, s13, $0x38;
	[tilespmem:$0x8C80] =	vst v63  }
0x36: {  	_ =	swait.ge [sflag:s15], $0x200  }
0x37: {  	[sflag:s15] =	ssyncset.done $0x0  }
0x38: {  	[sflag:s15] =	ssyncadd.s32 $0xFFFFFE00  }
0x39: {  	v8 =	vld [tilespmem:$0x0]  }
0x3a: {  	v9 =	vld [tilespmem:$0x10]  }
0x3b: {  	v10 =	vld [tilespmem:$0x20];
	_ =	sdelay $0x1  }
0x3c: {  	v11 =	vld [tilespmem:$0x30]  }
0x3d: {  	v12 =	vld [tilespmem:$0x40];
	v8 =	vtrunc.f32 v8  }
0x3e: {  	v9 =	vtrunc.f32 v9;
	v8 =	vcvt.f32.s32 v8  }
0x3f: {  	v10 =	vtrunc.f32 v10;
	v9 =	vcvt.f32.s32 v9  }
0x40: {  	(xrf0) =	vadd.scan.msk.s32 $0xffff, v8;
	v8 =	vcvt.f32.s32 v10  }
0x41: {  	v10 =	vld [tilespmem:$0x50];
	(xrf0) =	vadd.scan.msk.s32 $0xffff, v9  }
0x42: {  	(xrf0) =	vadd.scan.msk.s32 $0xffff, v8;
	v8 =	vtrunc.f32 v11;
	v11 =	vtrunc.f32 v12  }
0x43: {  	v11 =	vcvt.f32.s32 v11  }
0x44: {  	v9 =	vld [tilespmem:$0x60];
	v8 =	vcvt.f32.s32 v8;
	_ =	sdelay $0x1  }
0x45: {  	(xrf0) =	vadd.scan.msk.s32 $0xffff, v8;
	v8 =	vtrunc.f32 v10;
	v10, _, _ =	vpop (xrf0)  }
0x46: {  	(xrf0) =	vadd.scan.msk.s32 $0xffff, v11;
	(v2sf) =	vpush v10, $0xF;
	v11, _, _ =	vpop (xrf0)  }
0x47: {  	v8 =	vcvt.f32.s32 v8;
	(v2sf) =	vpush v11, $0xF  }
0x48: {  	v9 =	vtrunc.f32 v9;
	v33, _, _ =	vpop (xrf0)  }
0x49: {  	(xrf0) =	vadd.scan.msk.s32 $0xffff, v8;
	v8 =	vcvt.f32.s32 v9;
	v9 =	vld [tilespmem:$0x70];
	(v2sf) =	vpush v33, $0xF;
	_ =	sdelay $0x3  }
0x4a: {  	v17 =	vld [tilespmem:$0x80]  }
0x4b: {  	v34 =	vld [tilespmem:$0x90];
	(xrf0) =	vadd.scan.msk.s32 $0xffff, v8;
	v8 =	vtrunc.f32 v9  }
0x4c: {  	v19 =	vld [tilespmem:$0xA0];
	v8 =	vcvt.f32.s32 v8  }
0x4d: {  	v42 =	vld [tilespmem:$0xF0];
	v13, _, _ =	vpop (xrf0)  }
0x4e: {  	v45 =	vld [tilespmem:$0x110];
	v14, _, _ =	vpop (xrf0);
	(xrf0) =	vadd.scan.msk.s32 $0xffff, v8  }
0x4f: {  	v8 =	vld [tilespmem:$0x400]  }
0x50: {  	v36 =	vld [tilespmem:$0xB0];
	(v2sf) =	vpush v13, $0xF  }
0x51: {  	v47 =	vld [tilespmem:$0x120];
	v35 =	vtrunc.f32 v17;
	v16 =	vbroadcast v10, $0xF  }
0x52: {  	v38 =	vld [tilespmem:$0xC0];
	v39 =	vtrunc.f32 v19;
	v50 =	vtrunc.f32 v42;
	(v2sf) =	vpush v14, $0xF;
	v9, _, _ =	vpop (xrf0);
	s12 =	spop (v2sf)  }
0x53: {  	v51 =	vld [tilespmem:$0x140];
	v53 =	vtrunc.f32 v45;
	v11 =	vadd.s32 v16, v11;
	(v2sf) =	vpush v9, $0xF;
	v15, _, _ =	vpop (xrf0);
	s13 =	spop (v2sf)  }
0x54: {  	v52 =	vld [tilespmem:$0x150];
	(v2sf) =	vpush v15, $0xF;
	vm0 =	vlt.s32 v10, v8;
	vm1 =	vlt.s32 v11, v8;
	v18, _, _ =	vpop (xrf0);
	s11 =	sadd.s32 s12, s13  }
0x55: {  	v54 =	vld [tilespmem:$0x160];
	v10 =	vsel vm0, v10, v8;
	(v2sf) =	vpush v18, $0xF;
	s13 =	spop (v2sf);
	v12 =	vadd.s32 s11, v33  }
0x56: {  	v56 =	vld [tilespmem:$0x170];
	v55 =	vtrunc.f32 v47;
	v11 =	vsel vm1, v11, v8;
	[tilespmem:$0x200] =	vst v10;
	s11 =	sadd.s32 s11, s13;
	vm9 =	vlt.s32 v12, v8  }
0x57: {  	v40 =	vld [tilespmem:$0xD0];
	v37 =	vcvt.f32.s32 v35;
	[tilespmem:$0x210] =	vst v11;
	v10 =	vadd.s32 s11, v13;
	v11 =	vsel vm9, v12, v8  }
0x58: {  	v59 =	vld [tilespmem:$0x190];
	v58 =	vtrunc.f32 v51;
	vm10 =	vlt.s32 v10, v8;
	[tilespmem:$0x220] =	vst v11;
	v11 =	vtrunc.f32 v34  }
0x59: {  	v61 =	vld [tilespmem:$0x1A0];
	v60 =	vtrunc.f32 v52;
	(xrf0) =	vadd.scan.msk.s32 $0xffff, v37;
	v10 =	vsel vm10, v10, v8;
	v11 =	vcvt.f32.s32 v11  }
0x5a: {  	v41 =	vld [tilespmem:$0xE0];
	v62 =	vtrunc.f32 v54;
	[tilespmem:$0x230] =	vst v10;
	v10 =	vcvt.f32.s32 v39  }
0x5b: {  	v57 =	vld [tilespmem:$0x180];
	v31 =	vtrunc.f32 v56;
	(xrf0) =	vadd.scan.msk.s32 $0xffff, v11;
	v11 =	vtrunc.f32 v36  }
0x5c: {  	v43 =	vld [tilespmem:$0x100];
	(xrf0) =	vadd.scan.msk.s32 $0xffff, v10;
	v10 =	vcvt.f32.s32 v11;
	v11 =	vtrunc.f32 v38  }
0x5d: {  	v49 =	vld [tilespmem:$0x130];
	v35 =	vtrunc.f32 v59;
	v11 =	vcvt.f32.s32 v11  }
0x5e: {  	v37 =	vtrunc.f32 v61;
	(xrf0) =	vadd.scan.msk.s32 $0xffff, v10;
	v10 =	vtrunc.f32 v40  }
0x5f: {  	v48, _, _ =	vpop (xrf0);
	s13 =	spop (v2sf);
	(xrf0) =	vadd.scan.msk.s32 $0xffff, v11;
	v10 =	vcvt.f32.s32 v10;
	v11 =	vtrunc.f32 v41  }
0x60: {  	v63 =	vld [tilespmem:$0x1B0];
	(v2sf) =	vpush v48, $0xF;
	v33 =	vtrunc.f32 v57;
	s11 =	sadd.s32 s11, s13;
	v11 =	vcvt.f32.s32 v11  }
0x61: {  	v13 =	vtrunc.f32 v43;
	s13 =	spop (v2sf);
	v14 =	vadd.s32 s11, v14;
	(xrf0) =	vadd.scan.msk.s32 $0xffff, v10;
	v10 =	vcvt.f32.s32 v50  }
0x62: {  	v12 =	vtrunc.f32 v49;
	s11 =	sadd.s32 s11, s13;
	vm11 =	vlt.s32 v14, v8;
	s13 =	spop (v2sf);
	v20, _, _ =	vpop (xrf0);
	(xrf0) =	vadd.scan.msk.s32 $0xffff, v11;
	v11 =	vcvt.f32.s32 v13  }
0x63: {  	v9 =	vadd.s32 s11, v9;
	s11 =	sadd.s32 s11, s13;
	s13 =	spop (v2sf);
	(v2sf) =	vpush v20, $0xF;
	v21, _, _ =	vpop (xrf0);
	(xrf0) =	vadd.scan.msk.s32 $0xffff, v10;
	v10 =	vcvt.f32.s32 v53  }
0x64: {  	v34 =	vld [tilespmem:$0x1D0];
	v15 =	vadd.s32 s11, v15;
	s11 =	sadd.s32 s11, s13;
	s13 =	spop (v2sf);
	(v2sf) =	vpush v21, $0xF;
	v22, _, _ =	vpop (xrf0);
	(xrf0) =	vadd.scan.msk.s32 $0xffff, v11;
	v11 =	vcvt.f32.s32 v55  }
0x65: {  	v39 =	vtrunc.f32 v63;
	v14 =	vsel vm11, v14, v8;
	v23, _, _ =	vpop (xrf0);
	(xrf0) =	vadd.scan.msk.s32 $0xffff, v10;
	v10 =	vcvt.f32.s32 v12  }
0x66: {  	vm12 =	vlt.s32 v9, v8;
	(v2sf) =	vpush v22, $0xF;
	(xrf0) =	vadd.scan.msk.s32 $0xffff, v11;
	v11 =	vcvt.f32.s32 v58  }
0x67: {  	v44 =	vsel vm12, v9, v8;
	(v2sf) =	vpush v23, $0xF;
	v24, _, _ =	vpop (xrf0);
	(xrf0) =	vadd.scan.msk.s32 $0xffff, v10;
	v10 =	vcvt.f32.s32 v60  }
0x68: {  	v32 =	vld [tilespmem:$0x1C0];
	vm13 =	vlt.s32 v15, v8;
	[tilespmem:$0x250] =	vst v44;
	v25, _, _ =	vpop (xrf0);
	(xrf0) =	vadd.scan.msk.s32 $0xffff, v11;
	v11 =	vcvt.f32.s32 v62  }
0x69: {  	v43 =	vtrunc.f32 v34;
	(v2sf) =	vpush v24, $0xF;
	v26, _, _ =	vpop (xrf0);
	(xrf0) =	vadd.scan.msk.s32 $0xffff, v10;
	v10 =	vcvt.f32.s32 v31  }
0x6a: {  	v36 =	vld [tilespmem:$0x1E0];
	v9 =	vsel vm13, v15, v8;
	(v2sf) =	vpush v25, $0xF;
	v27, _, _ =	vpop (xrf0);
	(xrf0) =	vadd.scan.msk.s32 $0xffff, v11;
	v11 =	vcvt.f32.s32 v33  }
0x6b: {  	v38 =	vld [tilespmem:$0x1F0];
	v46 =	vadd.s32 s11, v18;
	(v2sf) =	vpush v26, $0xF;
	v28, _, _ =	vpop (xrf0);
	(xrf0) =	vadd.scan.msk.s32 $0xffff, v10;
	v10 =	vcvt.f32.s32 v35  }
0x6c: {  	vm14 =	vlt.s32 v46, v8;
	(v2sf) =	vpush v27, $0xF;
	v29, _, _ =	vpop (xrf0);
	(xrf0) =	vadd.scan.msk.s32 $0xffff, v11;
	v11 =	vcvt.f32.s32 v37  }
0x6d: {  	v41 =	vtrunc.f32 v32;
	(v2sf) =	vpush v28, $0xF;
	v40, _, _ =	vpop (xrf0);
	(xrf0) =	vadd.scan.msk.s32 $0xffff, v10;
	v10 =	vcvt.f32.s32 v39  }
0x6e: {  	v15 =	vsel vm14, v46, v8;
	(v2sf) =	vpush v29, $0xF;
	v42, _, _ =	vpop (xrf0);
	(xrf0) =	vadd.scan.msk.s32 $0xffff, v11;
	v11 =	vcvt.f32.s32 v41  }
0x6f: {  	v45 =	vtrunc.f32 v36;
	s11 =	sadd.s32 s11, s13;
	(v2sf) =	vpush v40, $0xF;
	v44, _, _ =	vpop (xrf0);
	(xrf0) =	vadd.scan.msk.s32 $0xffff, v10;
	v10 =	vcvt.f32.s32 v43  }
0x70: {  	v47 =	vtrunc.f32 v38;
	s13 =	spop (v2sf);
	v18 =	vadd.s32 s11, v48;
	(v2sf) =	vpush v42, $0xF;
	(xrf0) =	vadd.scan.msk.s32 $0xffff, v11  }
0x71: {  	s11 =	sadd.s32 s11, s13;
	(v2sf) =	vpush v44, $0xF;
	v46, _, _ =	vpop (xrf0);
	v11 =	vcvt.f32.s32 v45;
	(xrf0) =	vadd.scan.msk.s32 $0xffff, v10;
	v10 =	vcvt.f32.s32 v47  }
0x72: {  	[tilespmem:$0x240] =	vst v14;
	vm15 =	vlt.s32 v18, v8;
	v48 =	vadd.s32 s11, v20;
	s13 =	spop (v2sf);
	(v2sf) =	vpush v46, $0xF;
	v49, _, _ =	vpop (xrf0)  }
0x73: {  	v50 =	vsel vm15, v18, v8;
	vm4 =	vlt.s32 v48, v8;
	s11 =	sadd.s32 s11, s13;
	s13 =	spop (v2sf);
	(v2sf) =	vpush v49, $0xF;
	v51, _, _ =	vpop (xrf0);
	(xrf0) =	vadd.scan.msk.s32 $0xffff, v11  }
0x74: {  	v11 =	vsel vm4, v48, v8;
	v52 =	vadd.s32 s11, v21;
	s11 =	sadd.s32 s11, s13;
	(v2sf) =	vpush v51, $0xF;
	v53, _, _ =	vpop (xrf0);
	(xrf0) =	vadd.scan.msk.s32 $0xffff, v10  }
0x75: {  	[tilespmem:$0x260] =	vst v9;
	vm5 =	vlt.s32 v52, v8;
	v9 =	vadd.s32 s11, v22;
	s13 =	spop (v2sf);
	(v2sf) =	vpush v53, $0xF;
	v10, _, _ =	vpop (xrf0)  }
0x76: {  	[tilespmem:$0x270] =	vst v15;
	v14 =	vsel vm5, v52, v8;
	vm6 =	vlt.s32 v9, v8;
	s11 =	sadd.s32 s11, s13;
	s13 =	spop (v2sf);
	v54, _, _ =	vpop (xrf0);
	(v2sf) =	vpush v10, $0xF  }
0x77: {  	[tilespmem:$0x280] =	vst v50;
	v9 =	vsel vm6, v9, v8;
	v56 =	vadd.s32 s11, v23;
	s11 =	sadd.s32 s11, s13;
	v55, _, _ =	vpop (xrf0);
	(v2sf) =	vpush v54, $0xF  }
0x78: {  	[tilespmem:$0x290] =	vst v11;
	vm7 =	vlt.s32 v56, v8;
	v11 =	vadd.s32 s11, v24;
	s13 =	spop (v2sf);
	v57, _, _ =	vpop (xrf0);
	(v2sf) =	vpush v55, $0xF  }
0x79: {  	[tilespmem:$0x2A0] =	vst v14;
	v12 =	vsel vm7, v56, v8;
	vm8 =	vlt.s32 v11, v8;
	s11 =	sadd.s32 s11, s13;
	s13 =	spop (v2sf);
	v58, _, _ =	vpop (xrf0);
	(v2sf) =	vpush v57, $0xF  }
0x7a: {  	[tilespmem:$0x2B0] =	vst v9;
	v9 =	vsel vm8, v11, v8;
	v11 =	vadd.s32 s11, v25;
	s11 =	sadd.s32 s11, s13;
	s13 =	spop (v2sf);
	(v2sf) =	vpush v58, $0xF;
	v59, _, _ =	vpop (xrf0)  }
0x7b: {  	[tilespmem:$0x2C0] =	vst v12;
	vm9 =	vlt.s32 v11, v8;
	v60 =	vadd.s32 s11, v26;
	s11 =	sadd.s32 s11, s13;
	s13 =	spop (v2sf);
	(v2sf) =	vpush v59, $0xF  }
0x7c: {  	[tilespmem:$0x2D0] =	vst v9;
	v9 =	vadd.s32 s11, v27;
	s11 =	sadd.s32 s11, s13;
	s13 =	spop (v2sf);
	v11 =	vsel vm9, v11, v8;
	vm10 =	vlt.s32 v60, v8  }
0x7d: {  	[tilespmem:$0x2E0] =	vst v11;
	v11 =	vadd.s32 s11, v28;
	s11 =	sadd.s32 s11, s13;
	s13 =	spop (v2sf);
	v12 =	vsel vm10, v60, v8;
	vm11 =	vlt.s32 v9, v8  }
0x7e: {  	[tilespmem:$0x2F0] =	vst v12;
	v61 =	vadd.s32 s11, v29;
	s11 =	sadd.s32 s11, s13;
	s13 =	spop (v2sf);
	v9 =	vsel vm11, v9, v8;
	vm12 =	vlt.s32 v11, v8  }
0x7f: {  	[tilespmem:$0x300] =	vst v9;
	v9 =	vadd.s32 s11, v40;
	s11 =	sadd.s32 s11, s13;
	s13 =	spop (v2sf);
	v11 =	vsel vm12, v11, v8;
	vm13 =	vlt.s32 v61, v8  }
0x80: {  	[tilespmem:$0x310] =	vst v11;
	v11 =	vadd.s32 s11, v42;
	s11 =	sadd.s32 s11, s13;
	s13 =	spop (v2sf);
	v12 =	vsel vm13, v61, v8;
	vm14 =	vlt.s32 v9, v8  }
0x81: {  	[tilespmem:$0x320] =	vst v12;
	v62 =	vadd.s32 s11, v44;
	s11 =	sadd.s32 s11, s13;
	s13 =	spop (v2sf);
	v9 =	vsel vm14, v9, v8;
	vm15 =	vlt.s32 v11, v8  }
0x82: {  	[tilespmem:$0x330] =	vst v9;
	v9 =	vadd.s32 s11, v46;
	s11 =	sadd.s32 s11, s13;
	s13 =	spop (v2sf);
	v11 =	vsel vm15, v11, v8;
	vm4 =	vlt.s32 v62, v8  }
0x83: {  	[tilespmem:$0x340] =	vst v11;
	v11 =	vadd.s32 s11, v49;
	s11 =	sadd.s32 s11, s13;
	s13 =	spop (v2sf);
	v12 =	vsel vm4, v62, v8;
	vm5 =	vlt.s32 v9, v8  }
0x84: {  	[tilespmem:$0x350] =	vst v12;
	v63 =	vadd.s32 s11, v51;
	s11 =	sadd.s32 s11, s13;
	s13 =	spop (v2sf);
	v9 =	vsel vm5, v9, v8;
	vm6 =	vlt.s32 v11, v8  }
0x85: {  	[tilespmem:$0x360] =	vst v9;
	v9 =	vadd.s32 s11, v53;
	s11 =	sadd.s32 s11, s13;
	v11 =	vsel vm6, v11, v8;
	vm7 =	vlt.s32 v63, v8;
	s13 =	spop (v2sf)  }
0x86: {  	[tilespmem:$0x370] =	vst v11;
	v10 =	vadd.s32 s11, v10;
	v11 =	vsel vm7, v63, v8;
	vm8 =	vlt.s32 v9, v8;
	s11 =	sadd.s32 s11, s13;
	s13 =	spop (v2sf)  }
0x87: {  	[tilespmem:$0x380] =	vst v11;
	v9 =	vsel vm8, v9, v8;
	vm9 =	vlt.s32 v10, v8;
	v11 =	vadd.s32 s11, v54;
	s11 =	sadd.s32 s11, s13;
	s13 =	spop (v2sf)  }
0x88: {  	[tilespmem:$0x390] =	vst v9;
	v10 =	vsel vm9, v10, v8;
	v9 =	vadd.s32 s11, v55;
	s11 =	sadd.s32 s11, s13;
	s13 =	spop (v2sf);
	vm10 =	vlt.s32 v11, v8  }
0x89: {  	[tilespmem:$0x3A0] =	vst v10;
	v10 =	vadd.s32 s11, v57;
	s11 =	sadd.s32 s11, s13;
	s13 =	spop (v2sf);
	v11 =	vsel vm10, v11, v8;
	vm11 =	vlt.s32 v9, v8  }
0x8a: {  	[tilespmem:$0x3B0] =	vst v11;
	v9 =	vsel vm11, v9, v8;
	vm12 =	vlt.s32 v10, v8;
	v11 =	vadd.s32 s11, v58;
	s11 =	sadd.s32 s11, s13;
	s13 =	spop (v2sf)  }
0x8b: {  	[tilespmem:$0x3C0] =	vst v9;
	v9 =	vsel vm12, v10, v8;
	vm13 =	vlt.s32 v11, v8;
	v10 =	vadd.s32 s11, v59;
	s11 =	sadd.s32 s11, s13  }
0x8c: {  	[tilespmem:$0x3D0] =	vst v9;
	v9 =	vsel vm13, v11, v8;
	vm14 =	vlt.s32 v10, v8;
	v11 =	vmov s11  }
0x8d: {  	[tilespmem:$0x3E0] =	vst v9;
	v9 =	vsel vm14, v10, v8;
	vm15 =	vlt.s32 v11, v8  }
0x8e: {  	s12 =	simm.s32 $0x0;
	[tilespmem:$0x3F0] =	vst v9;
	v8 =	vsel vm15, s11, v8;
	s11 =	smov.u32 s5  }
.LBB2_2:
0x8f: {  	v9 =	vld.idx.msk [tilespmem:v3+s16+$0x0], $0xffff;
	_ =	sdelay $0x3  }
0x90: {  	v10 =	vor.u32 s11, v2  }
0x91: {  	vm0 =	vgt.s32 v9, v10  }
0x92: {  	v9 =	vsel vm0, $0x80, v6;
	_ =	sdelay $0x4  }
0x93: {  	v11 =	vld.idx.msk [tilespmem:v9+s16+$0x0], $0xffff;
	_ =	sdelay $0x4  }
0x94: {  	v12 =	vsel vm0, $0x100, v5;
	vm1 =	vgt.s32 v11, v10  }
0x95: {  	v13 =	vor.u32 $0x1, v9;
	v11 =	vsel vm0, $0x0, v4;
	v9 =	vsel vm1, v9, v12  }
0x96: {  	v11 =	vsel vm1, v11, v13;
	v12 =	vadd.s32 $0xFFFFFFFF, v9  }
0x97: {  	v13 =	vxor.u32 v12, v11  }
0x98: {  	v12 =	vor.u32 v12, v11;
	v13 =	vshrl.u32 v13, $0x1  }
0x99: {  	v12 =	vsub.s32 v12, v13;
	_ =	sdelay $0x4  }
0x9a: {  	v13 =	vld.idx.msk [tilespmem:v12+s16+$0x0], $0xffff;
	_ =	sdelay $0x4  }
0x9b: {  	v51 =	vor.u32 $0x1, v12;
	vm7 =	vgt.s32 v13, v10  }
0x9c: {  	v11 =	vsel vm7, v11, v51;
	v9 =	vsel vm7, v12, v9  }
0x9d: {  	v12 =	vxor.u32 v9, v11  }
0x9e: {  	v13 =	vand.u32 v9, v11;
	v12 =	vshrl.u32 v12, $0x1  }
0x9f: {  	v12 =	vadd.s32 v12, v13;
	_ =	sdelay $0x4  }
0xa0: {  	v13 =	vld.idx.msk [tilespmem:v12+s16+$0x0], $0xffff;
	_ =	sdelay $0x4  }
0xa1: {  	v52 =	vadd.s32 $0x1, v12;
	vm8 =	vgt.s32 v13, v10  }
0xa2: {  	v11 =	vsel vm8, v11, v52;
	v9 =	vsel vm8, v12, v9  }
0xa3: {  	v12 =	vadd.s32 v9, v11  }
0xa4: {  	v12 =	vshrl.u32 v12, $0x1;
	_ =	sdelay $0x4  }
0xa5: {  	v53 =	vld.idx.msk [tilespmem:v12+s16+$0x0], $0xffff;
	_ =	sdelay $0x4  }
0xa6: {  	v54 =	vadd.s32 $0x1, v12;
	vm9 =	vgt.s32 v53, v10  }
0xa7: {  	v11 =	vsel vm9, v11, v54;
	v9 =	vsel vm9, v12, v9  }
0xa8: {  	v12 =	vadd.s32 v9, v11  }
0xa9: {  	v12 =	vshrl.u32 v12, $0x1;
	_ =	sdelay $0x4  }
0xaa: {  	v55 =	vld.idx.msk [tilespmem:v12+s16+$0x0], $0xffff;
	_ =	sdelay $0x4  }
0xab: {  	v56 =	vadd.s32 $0x1, v12;
	vm10 =	vgt.s32 v55, v10  }
0xac: {  	v11 =	vsel vm10, v11, v56;
	v9 =	vsel vm10, v12, v9  }
0xad: {  	v12 =	vadd.s32 v9, v11  }
0xae: {  	v12 =	vshrl.u32 v12, $0x1;
	_ =	sdelay $0x4  }
0xaf: {  	v57 =	vld.idx.msk [tilespmem:v12+s16+$0x0], $0xffff;
	_ =	sdelay $0x4  }
0xb0: {  	v58 =	vadd.s32 $0x1, v12;
	vm11 =	vgt.s32 v57, v10  }
0xb1: {  	v11 =	vsel vm11, v11, v58;
	v9 =	vsel vm11, v12, v9  }
0xb2: {  	v12 =	vadd.s32 v9, v11  }
0xb3: {  	v12 =	vshrl.u32 v12, $0x1;
	_ =	sdelay $0x4  }
0xb4: {  	v59 =	vld.idx.msk [tilespmem:v12+s16+$0x0], $0xffff;
	_ =	sdelay $0x4  }
0xb5: {  	v60 =	vadd.s32 $0x1, v12;
	vm12 =	vgt.s32 v59, v10  }
0xb6: {  	v11 =	vsel vm12, v11, v60;
	v9 =	vsel vm12, v12, v9  }
0xb7: {  	v12 =	vadd.s32 v9, v11  }
0xb8: {  	v12 =	vshrl.u32 v12, $0x1;
	_ =	sdelay $0x4  }
0xb9: {  	v61 =	vld.idx.msk [tilespmem:v12+s16+$0x0], $0xffff;
	_ =	sdelay $0x4  }
0xba: {  	v62 =	vadd.s32 $0x1, v12;
	vm13 =	vgt.s32 v61, v10  }
0xbb: {  	v11 =	vsel vm13, v11, v62;
	v9 =	vsel vm13, v12, v9  }
0xbc: {  	v9 =	vadd.s32 v9, v11  }
0xbd: {  	v9 =	vshrl.u32 v9, $0x1;
	_ =	sdelay $0x4  }
0xbe: {  	v63 =	vld.idx.msk [tilespmem:v9+s16+$0x0], $0xffff;
	_ =	sdelay $0x4  }
0xbf: {  	p0 =	sne.s32 s12, $0xC0;
	v9 =	vadd.s32 $0x1, v9;
	vm14 =	vgt.s32 v63, v10  }
.Ltmp0:
0xc0: {  	v9 =	vsel vm14, v11, v9;
	(pc) =	sbr.rel @p0 .LBB2_2-.Ltmp0, $4  }
0xc1: {  	vm15 =	vge.s32 v10, v8;
	v9 =	vadd.s32 v0, v9  }
0xc2: {  	s13 =	sshra.s32 s12, $0x2;
	v9 =	vsel vm15, v1, v9  }
0xc3: {  	[tilespmem:s13+$0x480] =	vst v9;
	v9 =	vsel vm15, $0x1, v7  }
0xc4: {  	s11 =	sadd.s32 $0x10, s11;
	s12 =	sadd.s32 $0x40, s12;
	[tilespmem:s13+$0x880] =	vst v9  }
0xc5: {  	v9 =	vld [tilespmem:$0x480];
	_ =	sdelay $0x4  }
0xc6: {  	v10 =	vshll.u32 v9, $0x1  }
0xc7: {  	v9 =	vand.u32 $0x7, v9;
	v10 =	vand.u32 $0xFFFFFFF0, v10  }
0xc8: {  	v12 =	vor.u32 v9, v10;
	v9 =	vand.u32 $0x7, v2;
	v10 =	vshrl.u32 v2, $0x3  }
0xc9: {  	v13 =	vperm.xlane v12, v9;
	v10 =	vmul.u32 $0x8, v10  }
0xca: {  	v11 =	vor.u32 $0x8, v2  }
0xcb: {  	v12 =	vperm.xlane v12, v11;
	v13 =	vadd.s32 v10, v13;
	_ =	sdelay $0x1  }
0xcc: {  	v12 =	vadd.s32 v10, v12;
	_ =	sdelay $0x1  }
0xcd: {  	vm0 =	vmmov $0xffff;
	s11 =	simm.s32 $0x0  }
0xce: {  	[tilespmem:s17], [sflag:$0x1] =	stream.indirect_vreg.gather [hbm4b:s3+s11], $0x80, v13, vm0, $0xb8;
	[tilespmem:$0x8C80] =	vst v63  }
0xcf: {  	_ = 	snop  }
0xd0: {  	[tilespmem:s18], [sflag:$0x1] =	stream.indirect_vreg.gather [hbm4b:s3+s11], $0x80, v12, vm0, $0xb8;
	[tilespmem:$0x8C80] =	vst v63  }
0xd1: {  	v12 =	vld [tilespmem:$0x490];
	_ =	sdelay $0x4  }
0xd2: {  	v61 =	vshll.u32 v12, $0x1  }
0xd3: {  	v12 =	vand.u32 $0x7, v12;
	v13 =	vand.u32 $0xFFFFFFF0, v61  }
0xd4: {  	v12 =	vor.u32 v12, v13  }
0xd5: {  	v13 =	vperm.xlane v12, v9;
	_ =	sdelay $0x1  }
0xd6: {  	v12 =	vperm.xlane v12, v11;
	v13 =	vadd.s32 v10, v13;
	_ =	sdelay $0x1  }
0xd7: {  	v12 =	vadd.s32 v10, v12;
	_ =	sdelay $0x2  }
0xd8: {  	[tilespmem:s19], [sflag:$0x1] =	stream.indirect_vreg.gather [hbm4b:s3+s11], $0x80, v13, vm0, $0xb8;
	[tilespmem:$0x8C80] =	vst v63  }
0xd9: {  	_ = 	snop  }
0xda: {  	[tilespmem:s20], [sflag:$0x1] =	stream.indirect_vreg.gather [hbm4b:s3+s11], $0x80, v12, vm0, $0xb8;
	[tilespmem:$0x8C80] =	vst v63  }
0xdb: {  	v12 =	vld [tilespmem:$0x4A0];
	_ =	sdelay $0x4  }
0xdc: {  	v62 =	vshll.u32 v12, $0x1  }
0xdd: {  	v12 =	vand.u32 $0x7, v12;
	v13 =	vand.u32 $0xFFFFFFF0, v62  }
0xde: {  	v12 =	vor.u32 v12, v13  }
0xdf: {  	v13 =	vperm.xlane v12, v9;
	_ =	sdelay $0x1  }
0xe0: {  	v12 =	vperm.xlane v12, v11;
	v13 =	vadd.s32 v10, v13;
	_ =	sdelay $0x1  }
0xe1: {  	v12 =	vadd.s32 v10, v12;
	_ =	sdelay $0x2  }
0xe2: {  	[tilespmem:s21], [sflag:$0x1] =	stream.indirect_vreg.gather [hbm4b:s3+s11], $0x80, v13, vm0, $0xb8;
	[tilespmem:$0x8C80] =	vst v63  }
0xe3: {  	_ = 	snop  }
0xe4: {  	[tilespmem:s22], [sflag:$0x1] =	stream.indirect_vreg.gather [hbm4b:s3+s11], $0x80, v12, vm0, $0xb8;
	[tilespmem:$0x8C80] =	vst v63  }
0xe5: {  	v12 =	vld [tilespmem:$0x4B0];
	_ =	sdelay $0x4  }
0xe6: {  	v63 =	vshll.u32 v12, $0x1  }
0xe7: {  	v12 =	vand.u32 $0x7, v12;
	v13 =	vand.u32 $0xFFFFFFF0, v63  }
0xe8: {  	v12 =	vor.u32 v12, v13  }
0xe9: {  	v13 =	vperm.xlane v12, v9;
	_ =	sdelay $0x1  }
0xea: {  	v12 =	vperm.xlane v12, v11;
	v13 =	vadd.s32 v10, v13;
	_ =	sdelay $0x1  }
0xeb: {  	v12 =	vadd.s32 v10, v12;
	_ =	sdelay $0x2  }
0xec: {  	[tilespmem:s23], [sflag:$0x1] =	stream.indirect_vreg.gather [hbm4b:s3+s11], $0x80, v13, vm0, $0xb8;
	[tilespmem:$0x8C80] =	vst v63  }
0xed: {  	s12 =	rddreg [dreg:$0x17]  }
0xee: {  	[tilespmem:s24], [sflag:$0x1] =	stream.indirect_vreg.gather [hbm4b:s3+s11], $0x80, v12, vm0, $0xb8;
	[tilespmem:$0x8C80] =	vst v63  }
.LBB2_4:
0xef: {  	v12 =	vld.idx.msk [tilespmem:v3+s16+$0x0], $0xffff;
	_ =	sdelay $0x3  }
0xf0: {  	v13 =	vor.u32 s12, v2  }
0xf1: {  	vm1 =	vgt.s32 v12, v13  }
0xf2: {  	v12 =	vsel vm1, $0x80, v6;
	_ =	sdelay $0x4  }
0xf3: {  	v14 =	vld.idx.msk [tilespmem:v12+s16+$0x0], $0xffff;
	_ =	sdelay $0x4  }
0xf4: {  	v15 =	vsel vm1, $0x100, v5;
	vm2 =	vgt.s32 v14, v13  }
0xf5: {  	v49 =	vsel vm1, $0x0, v4;
	v16 =	vor.u32 $0x1, v12;
	v12 =	vsel vm2, v12, v15  }
0xf6: {  	v14 =	vsel vm2, v49, v16;
	v15 =	vadd.s32 $0xFFFFFFFF, v12  }
0xf7: {  	v16 =	vxor.u32 v15, v14  }
0xf8: {  	v15 =	vor.u32 v15, v14;
	v16 =	vshrl.u32 v16, $0x1  }
0xf9: {  	v15 =	vsub.s32 v15, v16;
	_ =	sdelay $0x4  }
0xfa: {  	v16 =	vld.idx.msk [tilespmem:v15+s16+$0x0], $0xffff;
	_ =	sdelay $0x4  }
0xfb: {  	v50 =	vor.u32 $0x1, v15;
	vm1 =	vgt.s32 v16, v13  }
0xfc: {  	v14 =	vsel vm1, v14, v50;
	v12 =	vsel vm1, v15, v12  }
0xfd: {  	v15 =	vxor.u32 v12, v14  }
0xfe: {  	v16 =	vand.u32 v12, v14;
	v15 =	vshrl.u32 v15, $0x1  }
0xff: {  	v15 =	vadd.s32 v15, v16;
	_ =	sdelay $0x4  }
0x100: {  	v16 =	vld.idx.msk [tilespmem:v15+s16+$0x0], $0xffff;
	_ =	sdelay $0x4  }
0x101: {  	v51 =	vadd.s32 $0x1, v15;
	vm1 =	vgt.s32 v16, v13  }
0x102: {  	v14 =	vsel vm1, v14, v51;
	v12 =	vsel vm1, v15, v12  }
0x103: {  	v15 =	vadd.s32 v12, v14  }
0x104: {  	v15 =	vshrl.u32 v15, $0x1;
	_ =	sdelay $0x4  }
0x105: {  	v52 =	vld.idx.msk [tilespmem:v15+s16+$0x0], $0xffff;
	_ =	sdelay $0x4  }
0x106: {  	v53 =	vadd.s32 $0x1, v15;
	vm1 =	vgt.s32 v52, v13  }
0x107: {  	v14 =	vsel vm1, v14, v53;
	v12 =	vsel vm1, v15, v12  }
0x108: {  	v15 =	vadd.s32 v12, v14  }
0x109: {  	v15 =	vshrl.u32 v15, $0x1;
	_ =	sdelay $0x4  }
0x10a: {  	v54 =	vld.idx.msk [tilespmem:v15+s16+$0x0], $0xffff;
	_ =	sdelay $0x4  }
0x10b: {  	v55 =	vadd.s32 $0x1, v15;
	vm1 =	vgt.s32 v54, v13  }
0x10c: {  	v14 =	vsel vm1, v14, v55;
	v12 =	vsel vm1, v15, v12  }
0x10d: {  	v15 =	vadd.s32 v12, v14  }
0x10e: {  	v15 =	vshrl.u32 v15, $0x1;
	_ =	sdelay $0x4  }
0x10f: {  	v56 =	vld.idx.msk [tilespmem:v15+s16+$0x0], $0xffff;
	_ =	sdelay $0x4  }
0x110: {  	v57 =	vadd.s32 $0x1, v15;
	vm1 =	vgt.s32 v56, v13  }
0x111: {  	v14 =	vsel vm1, v14, v57;
	v12 =	vsel vm1, v15, v12  }
0x112: {  	v15 =	vadd.s32 v12, v14  }
0x113: {  	v15 =	vshrl.u32 v15, $0x1;
	_ =	sdelay $0x4  }
0x114: {  	v58 =	vld.idx.msk [tilespmem:v15+s16+$0x0], $0xffff;
	_ =	sdelay $0x4  }
0x115: {  	v59 =	vadd.s32 $0x1, v15;
	vm1 =	vgt.s32 v58, v13  }
0x116: {  	v14 =	vsel vm1, v14, v59;
	v12 =	vsel vm1, v15, v12  }
0x117: {  	v15 =	vadd.s32 v12, v14  }
0x118: {  	v15 =	vshrl.u32 v15, $0x1;
	_ =	sdelay $0x4  }
0x119: {  	v60 =	vld.idx.msk [tilespmem:v15+s16+$0x0], $0xffff;
	_ =	sdelay $0x4  }
0x11a: {  	v61 =	vadd.s32 $0x1, v15;
	vm1 =	vgt.s32 v60, v13  }
0x11b: {  	v14 =	vsel vm1, v14, v61;
	v12 =	vsel vm1, v15, v12  }
0x11c: {  	v12 =	vadd.s32 v12, v14  }
0x11d: {  	v12 =	vshrl.u32 v12, $0x1;
	_ =	sdelay $0x4  }
0x11e: {  	v62 =	vld.idx.msk [tilespmem:v12+s16+$0x0], $0xffff;
	_ =	sdelay $0x3  }
0x11f: {  	p0 =	sne.s32 s11, $0xC0  }
.Ltmp1:
0x120: {  	v12 =	vadd.s32 $0x1, v12;
	vm1 =	vgt.s32 v62, v13;
	(pc) =	sbr.rel @p0 .LBB2_4-.Ltmp1, $4  }
0x121: {  	v12 =	vsel vm1, v14, v12;
	vm1 =	vge.s32 v13, v8  }
0x122: {  	s13 =	sshra.s32 s11, $0x2;
	v12 =	vadd.s32 v0, v12;
	v63 =	vsel vm1, $0x1, v7  }
0x123: {  	v12 =	vsel vm1, v1, v12;
	[tilespmem:s13+$0x8C0] =	vst v63  }
0x124: {  	s12 =	sadd.s32 $0x10, s12;
	s11 =	sadd.s32 $0x40, s11;
	[tilespmem:s13+$0x4C0] =	vst v12  }
0x125: {  	v12 =	vld [tilespmem:$0x4C0];
	_ =	sdelay $0x4  }
0x126: {  	v13 =	vshll.u32 v12, $0x1  }
0x127: {  	v12 =	vand.u32 $0x7, v12;
	v13 =	vand.u32 $0xFFFFFFF0, v13  }
0x128: {  	v12 =	vor.u32 v12, v13  }
0x129: {  	v13 =	vperm.xlane v12, v9;
	_ =	sdelay $0x1  }
0x12a: {  	v12 =	vperm.xlane v12, v11;
	v13 =	vadd.s32 v10, v13;
	_ =	sdelay $0x1  }
0x12b: {  	v12 =	vadd.s32 v10, v12;
	_ =	sdelay $0x1  }
0x12c: {  	s11 =	simm.s32 $0x0  }
0x12d: {  	[tilespmem:s25], [sflag:$0x2] =	stream.indirect_vreg.gather [hbm4b:s3+s11], $0x80, v13, vm0, $0xb8;
	[tilespmem:$0x8C80] =	vst v63  }
0x12e: {  	_ = 	snop  }
0x12f: {  	[tilespmem:s26], [sflag:$0x2] =	stream.indirect_vreg.gather [hbm4b:s3+s11], $0x80, v12, vm0, $0xb8;
	[tilespmem:$0x8C80] =	vst v63  }
0x130: {  	v12 =	vld [tilespmem:$0x4D0];
	_ =	sdelay $0x4  }
0x131: {  	v61 =	vshll.u32 v12, $0x1  }
0x132: {  	v12 =	vand.u32 $0x7, v12;
	v13 =	vand.u32 $0xFFFFFFF0, v61  }
0x133: {  	v12 =	vor.u32 v12, v13  }
0x134: {  	v13 =	vperm.xlane v12, v9;
	_ =	sdelay $0x1  }
0x135: {  	v12 =	vperm.xlane v12, v11;
	v13 =	vadd.s32 v10, v13;
	_ =	sdelay $0x1  }
0x136: {  	v12 =	vadd.s32 v10, v12;
	_ =	sdelay $0x2  }
0x137: {  	[tilespmem:s28], [sflag:$0x2] =	stream.indirect_vreg.gather [hbm4b:s3+s11], $0x80, v13, vm0, $0xb8;
	[tilespmem:$0x8C80] =	vst v63  }
0x138: {  	_ = 	snop  }
0x139: {  	[tilespmem:s29], [sflag:$0x2] =	stream.indirect_vreg.gather [hbm4b:s3+s11], $0x80, v12, vm0, $0xb8;
	[tilespmem:$0x8C80] =	vst v63  }
0x13a: {  	v12 =	vld [tilespmem:$0x4E0];
	_ =	sdelay $0x4  }
0x13b: {  	v62 =	vshll.u32 v12, $0x1  }
0x13c: {  	v12 =	vand.u32 $0x7, v12;
	v13 =	vand.u32 $0xFFFFFFF0, v62  }
0x13d: {  	v12 =	vor.u32 v12, v13  }
0x13e: {  	v13 =	vperm.xlane v12, v9;
	_ =	sdelay $0x1  }
0x13f: {  	v12 =	vperm.xlane v12, v11;
	v13 =	vadd.s32 v10, v13;
	_ =	sdelay $0x1  }
0x140: {  	v12 =	vadd.s32 v10, v12;
	_ =	sdelay $0x2  }
0x141: {  	[tilespmem:s30], [sflag:$0x2] =	stream.indirect_vreg.gather [hbm4b:s3+s11], $0x80, v13, vm0, $0xb8;
	[tilespmem:$0x8C80] =	vst v63  }
0x142: {  	_ = 	snop  }
0x143: {  	[tilespmem:s31], [sflag:$0x2] =	stream.indirect_vreg.gather [hbm4b:s3+s11], $0x80, v12, vm0, $0xb8;
	[tilespmem:$0x8C80] =	vst v63  }
0x144: {  	v12 =	vld [tilespmem:$0x4F0];
	_ =	sdelay $0x4  }
0x145: {  	v63 =	vshll.u32 v12, $0x1  }
0x146: {  	v12 =	vand.u32 $0x7, v12;
	v13 =	vand.u32 $0xFFFFFFF0, v63  }
0x147: {  	v12 =	vor.u32 v12, v13  }
0x148: {  	v13 =	vperm.xlane v12, v9;
	_ =	sdelay $0x1  }
0x149: {  	v12 =	vperm.xlane v12, v11;
	v13 =	vadd.s32 v10, v13;
	_ =	sdelay $0x1  }
0x14a: {  	v12 =	vadd.s32 v10, v12;
	_ =	sdelay $0x2  }
0x14b: {  	[tilespmem:s1], [sflag:$0x2] =	stream.indirect_vreg.gather [hbm4b:s3+s11], $0x80, v13, vm0, $0xb8;
	[tilespmem:$0x8C80] =	vst v63  }
0x14c: {  	_ = 	snop  }
0x14d: {  	[tilespmem:s0], [sflag:$0x2] =	stream.indirect_vreg.gather [hbm4b:s3+s11], $0x80, v12, vm0, $0xb8;
	[tilespmem:$0x8C80] =	vst v63  }
0x14e: {  	_ =	swait.ge [sflag:s6], $0x4000  }
0x14f: {  	[sflag:s6] =	ssyncset.done $0x0  }
0x150: {  	s12 =	rddreg [dreg:$0x18];
	[sflag:s6] =	ssyncadd.s32 $0xFFFFC000  }
0x151: {  	[hbm4b:s8+s11] =	stream.linear.scatter [tilespmem:s17], [sflag:$0x3], $0x4000, $0x38;
	[tilespmem:$0x8C80] =	vst v63  }
.LBB2_6:
0x152: {  	v12 =	vld.idx.msk [tilespmem:v3+s16+$0x0], $0xffff;
	_ =	sdelay $0x3  }
0x153: {  	v13 =	vor.u32 s12, v2  }
0x154: {  	vm1 =	vgt.s32 v12, v13  }
0x155: {  	v12 =	vsel vm1, $0x80, v6;
	_ =	sdelay $0x4  }
0x156: {  	v14 =	vld.idx.msk [tilespmem:v12+s16+$0x0], $0xffff;
	_ =	sdelay $0x4  }
0x157: {  	v15 =	vsel vm1, $0x100, v5;
	vm2 =	vgt.s32 v14, v13  }
0x158: {  	v49 =	vsel vm1, $0x0, v4;
	v16 =	vor.u32 $0x1, v12;
	v12 =	vsel vm2, v12, v15  }
0x159: {  	v14 =	vsel vm2, v49, v16;
	v15 =	vadd.s32 $0xFFFFFFFF, v12  }
0x15a: {  	v16 =	vxor.u32 v15, v14  }
0x15b: {  	v15 =	vor.u32 v15, v14;
	v16 =	vshrl.u32 v16, $0x1  }
0x15c: {  	v15 =	vsub.s32 v15, v16;
	_ =	sdelay $0x4  }
0x15d: {  	v16 =	vld.idx.msk [tilespmem:v15+s16+$0x0], $0xffff;
	_ =	sdelay $0x4  }
0x15e: {  	v50 =	vor.u32 $0x1, v15;
	vm1 =	vgt.s32 v16, v13  }
0x15f: {  	v14 =	vsel vm1, v14, v50;
	v12 =	vsel vm1, v15, v12  }
0x160: {  	v15 =	vxor.u32 v12, v14  }
0x161: {  	v16 =	vand.u32 v12, v14;
	v15 =	vshrl.u32 v15, $0x1  }
0x162: {  	v15 =	vadd.s32 v15, v16;
	_ =	sdelay $0x4  }
0x163: {  	v16 =	vld.idx.msk [tilespmem:v15+s16+$0x0], $0xffff;
	_ =	sdelay $0x4  }
0x164: {  	v51 =	vadd.s32 $0x1, v15;
	vm1 =	vgt.s32 v16, v13  }
0x165: {  	v14 =	vsel vm1, v14, v51;
	v12 =	vsel vm1, v15, v12  }
0x166: {  	v15 =	vadd.s32 v12, v14  }
0x167: {  	v15 =	vshrl.u32 v15, $0x1;
	_ =	sdelay $0x4  }
0x168: {  	v52 =	vld.idx.msk [tilespmem:v15+s16+$0x0], $0xffff;
	_ =	sdelay $0x4  }
0x169: {  	v53 =	vadd.s32 $0x1, v15;
	vm1 =	vgt.s32 v52, v13  }
0x16a: {  	v14 =	vsel vm1, v14, v53;
	v12 =	vsel vm1, v15, v12  }
0x16b: {  	v15 =	vadd.s32 v12, v14  }
0x16c: {  	v15 =	vshrl.u32 v15, $0x1;
	_ =	sdelay $0x4  }
0x16d: {  	v54 =	vld.idx.msk [tilespmem:v15+s16+$0x0], $0xffff;
	_ =	sdelay $0x4  }
0x16e: {  	v55 =	vadd.s32 $0x1, v15;
	vm1 =	vgt.s32 v54, v13  }
0x16f: {  	v14 =	vsel vm1, v14, v55;
	v12 =	vsel vm1, v15, v12  }
0x170: {  	v15 =	vadd.s32 v12, v14  }
0x171: {  	v15 =	vshrl.u32 v15, $0x1;
	_ =	sdelay $0x4  }
0x172: {  	v56 =	vld.idx.msk [tilespmem:v15+s16+$0x0], $0xffff;
	_ =	sdelay $0x4  }
0x173: {  	v57 =	vadd.s32 $0x1, v15;
	vm1 =	vgt.s32 v56, v13  }
0x174: {  	v14 =	vsel vm1, v14, v57;
	v12 =	vsel vm1, v15, v12  }
0x175: {  	v15 =	vadd.s32 v12, v14  }
0x176: {  	v15 =	vshrl.u32 v15, $0x1;
	_ =	sdelay $0x4  }
0x177: {  	v58 =	vld.idx.msk [tilespmem:v15+s16+$0x0], $0xffff;
	_ =	sdelay $0x4  }
0x178: {  	v59 =	vadd.s32 $0x1, v15;
	vm1 =	vgt.s32 v58, v13  }
0x179: {  	v14 =	vsel vm1, v14, v59;
	v12 =	vsel vm1, v15, v12  }
0x17a: {  	v15 =	vadd.s32 v12, v14  }
0x17b: {  	v15 =	vshrl.u32 v15, $0x1;
	_ =	sdelay $0x4  }
0x17c: {  	v60 =	vld.idx.msk [tilespmem:v15+s16+$0x0], $0xffff;
	_ =	sdelay $0x4  }
0x17d: {  	v61 =	vadd.s32 $0x1, v15;
	vm1 =	vgt.s32 v60, v13  }
0x17e: {  	v14 =	vsel vm1, v14, v61;
	v12 =	vsel vm1, v15, v12  }
0x17f: {  	v12 =	vadd.s32 v12, v14  }
0x180: {  	v12 =	vshrl.u32 v12, $0x1;
	_ =	sdelay $0x4  }
0x181: {  	v62 =	vld.idx.msk [tilespmem:v12+s16+$0x0], $0xffff;
	_ =	sdelay $0x3  }
0x182: {  	p0 =	sne.s32 s11, $0xC0  }
.Ltmp2:
0x183: {  	v12 =	vadd.s32 $0x1, v12;
	vm1 =	vgt.s32 v62, v13;
	(pc) =	sbr.rel @p0 .LBB2_6-.Ltmp2, $4  }
0x184: {  	v12 =	vsel vm1, v14, v12;
	vm1 =	vge.s32 v13, v8  }
0x185: {  	s13 =	sshra.s32 s11, $0x2;
	v12 =	vadd.s32 v0, v12;
	v63 =	vsel vm1, $0x1, v7  }
0x186: {  	v12 =	vsel vm1, v1, v12;
	[tilespmem:s13+$0x900] =	vst v63  }
0x187: {  	s12 =	sadd.s32 $0x10, s12;
	s11 =	sadd.s32 $0x40, s11;
	[tilespmem:s13+$0x500] =	vst v12  }
0x188: {  	_ =	swait.ge [sflag:s4], $0x4000  }
0x189: {  	[sflag:s4] =	ssyncset.done $0x0  }
0x18a: {  	[sflag:s4] =	ssyncadd.s32 $0xFFFFC000  }
0x18b: {  	v12 =	vld [tilespmem:$0x500];
	_ =	sdelay $0x4  }
0x18c: {  	v13 =	vshll.u32 v12, $0x1  }
0x18d: {  	v12 =	vand.u32 $0x7, v12;
	v13 =	vand.u32 $0xFFFFFFF0, v13  }
0x18e: {  	v12 =	vor.u32 v12, v13  }
0x18f: {  	v13 =	vperm.xlane v12, v9;
	_ =	sdelay $0x1  }
0x190: {  	v12 =	vperm.xlane v12, v11;
	v13 =	vadd.s32 v10, v13;
	_ =	sdelay $0x1  }
0x191: {  	v12 =	vadd.s32 v10, v12;
	_ =	sdelay $0x1  }
0x192: {  	s11 =	simm.s32 $0x0  }
0x193: {  	[tilespmem:s17], [sflag:$0x1] =	stream.indirect_vreg.gather [hbm4b:s3+s11], $0x80, v13, vm0, $0xb8;
	[tilespmem:$0x8C80] =	vst v63  }
0x194: {  	_ = 	snop  }
0x195: {  	[tilespmem:s18], [sflag:$0x1] =	stream.indirect_vreg.gather [hbm4b:s3+s11], $0x80, v12, vm0, $0xb8;
	[tilespmem:$0x8C80] =	vst v63  }
0x196: {  	v12 =	vld [tilespmem:$0x510];
	_ =	sdelay $0x4  }
0x197: {  	v61 =	vshll.u32 v12, $0x1  }
0x198: {  	v12 =	vand.u32 $0x7, v12;
	v13 =	vand.u32 $0xFFFFFFF0, v61  }
0x199: {  	v12 =	vor.u32 v12, v13  }
0x19a: {  	v13 =	vperm.xlane v12, v9;
	_ =	sdelay $0x1  }
0x19b: {  	v12 =	vperm.xlane v12, v11;
	v13 =	vadd.s32 v10, v13;
	_ =	sdelay $0x1  }
0x19c: {  	v12 =	vadd.s32 v10, v12;
	_ =	sdelay $0x2  }
0x19d: {  	[tilespmem:s19], [sflag:$0x1] =	stream.indirect_vreg.gather [hbm4b:s3+s11], $0x80, v13, vm0, $0xb8;
	[tilespmem:$0x8C80] =	vst v63  }
0x19e: {  	_ = 	snop  }
0x19f: {  	[tilespmem:s20], [sflag:$0x1] =	stream.indirect_vreg.gather [hbm4b:s3+s11], $0x80, v12, vm0, $0xb8;
	[tilespmem:$0x8C80] =	vst v63  }
0x1a0: {  	v12 =	vld [tilespmem:$0x520];
	_ =	sdelay $0x4  }
0x1a1: {  	v62 =	vshll.u32 v12, $0x1  }
0x1a2: {  	v12 =	vand.u32 $0x7, v12;
	v13 =	vand.u32 $0xFFFFFFF0, v62  }
0x1a3: {  	v12 =	vor.u32 v12, v13  }
0x1a4: {  	v13 =	vperm.xlane v12, v9;
	_ =	sdelay $0x1  }
0x1a5: {  	v12 =	vperm.xlane v12, v11;
	v13 =	vadd.s32 v10, v13;
	_ =	sdelay $0x1  }
0x1a6: {  	v12 =	vadd.s32 v10, v12;
	_ =	sdelay $0x2  }
0x1a7: {  	[tilespmem:s21], [sflag:$0x1] =	stream.indirect_vreg.gather [hbm4b:s3+s11], $0x80, v13, vm0, $0xb8;
	[tilespmem:$0x8C80] =	vst v63  }
0x1a8: {  	_ = 	snop  }
0x1a9: {  	[tilespmem:s22], [sflag:$0x1] =	stream.indirect_vreg.gather [hbm4b:s3+s11], $0x80, v12, vm0, $0xb8;
	[tilespmem:$0x8C80] =	vst v63  }
0x1aa: {  	v12 =	vld [tilespmem:$0x530];
	_ =	sdelay $0x4  }
0x1ab: {  	v63 =	vshll.u32 v12, $0x1  }
0x1ac: {  	v12 =	vand.u32 $0x7, v12;
	v13 =	vand.u32 $0xFFFFFFF0, v63  }
0x1ad: {  	v12 =	vor.u32 v12, v13  }
0x1ae: {  	v13 =	vperm.xlane v12, v9;
	_ =	sdelay $0x1  }
0x1af: {  	v12 =	vperm.xlane v12, v11;
	v13 =	vadd.s32 v10, v13;
	_ =	sdelay $0x1  }
0x1b0: {  	v12 =	vadd.s32 v10, v12;
	_ =	sdelay $0x2  }
0x1b1: {  	[tilespmem:s23], [sflag:$0x1] =	stream.indirect_vreg.gather [hbm4b:s3+s11], $0x80, v13, vm0, $0xb8;
	[tilespmem:$0x8C80] =	vst v63  }
0x1b2: {  	_ = 	snop  }
0x1b3: {  	[tilespmem:s24], [sflag:$0x1] =	stream.indirect_vreg.gather [hbm4b:s3+s11], $0x80, v12, vm0, $0xb8;
	[tilespmem:$0x8C80] =	vst v63  }
0x1b4: {  	_ =	swait.ge [sflag:s7], $0x4000  }
0x1b5: {  	[sflag:s7] =	ssyncset.done $0x0  }
0x1b6: {  	s12 =	rddreg [dreg:$0x6];
	[sflag:s7] =	ssyncadd.s32 $0xFFFFC000  }
0x1b7: {  	[hbm4b:s12+s11] =	stream.linear.scatter [tilespmem:s25], [sflag:$0x4], $0x4000, $0x38;
	[tilespmem:$0x8C80] =	vst v63  }
0x1b8: {  	s12 =	rddreg [dreg:$0x19]  }
.LBB2_8:
0x1b9: {  	v12 =	vld.idx.msk [tilespmem:v3+s16+$0x0], $0xffff;
	_ =	sdelay $0x3  }
0x1ba: {  	v13 =	vor.u32 s12, v2  }
0x1bb: {  	vm1 =	vgt.s32 v12, v13  }
0x1bc: {  	v12 =	vsel vm1, $0x80, v6;
	_ =	sdelay $0x4  }
0x1bd: {  	v14 =	vld.idx.msk [tilespmem:v12+s16+$0x0], $0xffff;
	_ =	sdelay $0x4  }
0x1be: {  	v15 =	vsel vm1, $0x100, v5;
	vm2 =	vgt.s32 v14, v13  }
0x1bf: {  	v49 =	vsel vm1, $0x0, v4;
	v16 =	vor.u32 $0x1, v12;
	v12 =	vsel vm2, v12, v15  }
0x1c0: {  	v14 =	vsel vm2, v49, v16;
	v15 =	vadd.s32 $0xFFFFFFFF, v12  }
0x1c1: {  	v16 =	vxor.u32 v15, v14  }
0x1c2: {  	v15 =	vor.u32 v15, v14;
	v16 =	vshrl.u32 v16, $0x1  }
0x1c3: {  	v15 =	vsub.s32 v15, v16;
	_ =	sdelay $0x4  }
0x1c4: {  	v16 =	vld.idx.msk [tilespmem:v15+s16+$0x0], $0xffff;
	_ =	sdelay $0x4  }
0x1c5: {  	v50 =	vor.u32 $0x1, v15;
	vm1 =	vgt.s32 v16, v13  }
0x1c6: {  	v14 =	vsel vm1, v14, v50;
	v12 =	vsel vm1, v15, v12  }
0x1c7: {  	v15 =	vxor.u32 v12, v14  }
0x1c8: {  	v16 =	vand.u32 v12, v14;
	v15 =	vshrl.u32 v15, $0x1  }
0x1c9: {  	v15 =	vadd.s32 v15, v16;
	_ =	sdelay $0x4  }
0x1ca: {  	v16 =	vld.idx.msk [tilespmem:v15+s16+$0x0], $0xffff;
	_ =	sdelay $0x4  }
0x1cb: {  	v51 =	vadd.s32 $0x1, v15;
	vm1 =	vgt.s32 v16, v13  }
0x1cc: {  	v14 =	vsel vm1, v14, v51;
	v12 =	vsel vm1, v15, v12  }
0x1cd: {  	v15 =	vadd.s32 v12, v14  }
0x1ce: {  	v15 =	vshrl.u32 v15, $0x1;
	_ =	sdelay $0x4  }
0x1cf: {  	v52 =	vld.idx.msk [tilespmem:v15+s16+$0x0], $0xffff;
	_ =	sdelay $0x4  }
0x1d0: {  	v53 =	vadd.s32 $0x1, v15;
	vm1 =	vgt.s32 v52, v13  }
0x1d1: {  	v14 =	vsel vm1, v14, v53;
	v12 =	vsel vm1, v15, v12  }
0x1d2: {  	v15 =	vadd.s32 v12, v14  }
0x1d3: {  	v15 =	vshrl.u32 v15, $0x1;
	_ =	sdelay $0x4  }
0x1d4: {  	v54 =	vld.idx.msk [tilespmem:v15+s16+$0x0], $0xffff;
	_ =	sdelay $0x4  }
0x1d5: {  	v55 =	vadd.s32 $0x1, v15;
	vm1 =	vgt.s32 v54, v13  }
0x1d6: {  	v14 =	vsel vm1, v14, v55;
	v12 =	vsel vm1, v15, v12  }
0x1d7: {  	v15 =	vadd.s32 v12, v14  }
0x1d8: {  	v15 =	vshrl.u32 v15, $0x1;
	_ =	sdelay $0x4  }
0x1d9: {  	v56 =	vld.idx.msk [tilespmem:v15+s16+$0x0], $0xffff;
	_ =	sdelay $0x4  }
0x1da: {  	v57 =	vadd.s32 $0x1, v15;
	vm1 =	vgt.s32 v56, v13  }
0x1db: {  	v14 =	vsel vm1, v14, v57;
	v12 =	vsel vm1, v15, v12  }
0x1dc: {  	v15 =	vadd.s32 v12, v14  }
0x1dd: {  	v15 =	vshrl.u32 v15, $0x1;
	_ =	sdelay $0x4  }
0x1de: {  	v58 =	vld.idx.msk [tilespmem:v15+s16+$0x0], $0xffff;
	_ =	sdelay $0x4  }
0x1df: {  	v59 =	vadd.s32 $0x1, v15;
	vm1 =	vgt.s32 v58, v13  }
0x1e0: {  	v14 =	vsel vm1, v14, v59;
	v12 =	vsel vm1, v15, v12  }
0x1e1: {  	v15 =	vadd.s32 v12, v14  }
0x1e2: {  	v15 =	vshrl.u32 v15, $0x1;
	_ =	sdelay $0x4  }
0x1e3: {  	v60 =	vld.idx.msk [tilespmem:v15+s16+$0x0], $0xffff;
	_ =	sdelay $0x4  }
0x1e4: {  	v61 =	vadd.s32 $0x1, v15;
	vm1 =	vgt.s32 v60, v13  }
0x1e5: {  	v14 =	vsel vm1, v14, v61;
	v12 =	vsel vm1, v15, v12  }
0x1e6: {  	v12 =	vadd.s32 v12, v14  }
0x1e7: {  	v12 =	vshrl.u32 v12, $0x1;
	_ =	sdelay $0x4  }
0x1e8: {  	v62 =	vld.idx.msk [tilespmem:v12+s16+$0x0], $0xffff;
	_ =	sdelay $0x3  }
0x1e9: {  	p0 =	sne.s32 s11, $0xC0  }
.Ltmp3:
0x1ea: {  	v12 =	vadd.s32 $0x1, v12;
	vm1 =	vgt.s32 v62, v13;
	(pc) =	sbr.rel @p0 .LBB2_8-.Ltmp3, $4  }
0x1eb: {  	v12 =	vsel vm1, v14, v12;
	vm1 =	vge.s32 v13, v8  }
0x1ec: {  	s13 =	sshra.s32 s11, $0x2;
	v12 =	vadd.s32 v0, v12;
	v63 =	vsel vm1, $0x1, v7  }
0x1ed: {  	v12 =	vsel vm1, v1, v12;
	[tilespmem:s13+$0x940] =	vst v63  }
0x1ee: {  	s12 =	sadd.s32 $0x10, s12;
	s11 =	sadd.s32 $0x40, s11;
	[tilespmem:s13+$0x540] =	vst v12  }
0x1ef: {  	_ =	swait.ge [sflag:s9], $0x4000  }
0x1f0: {  	[sflag:s9] =	ssyncset.done $0x0  }
0x1f1: {  	[sflag:s9] =	ssyncadd.s32 $0xFFFFC000  }
0x1f2: {  	v12 =	vld [tilespmem:$0x540];
	_ =	sdelay $0x4  }
0x1f3: {  	v13 =	vshll.u32 v12, $0x1  }
0x1f4: {  	v12 =	vand.u32 $0x7, v12;
	v13 =	vand.u32 $0xFFFFFFF0, v13  }
0x1f5: {  	v12 =	vor.u32 v12, v13  }
0x1f6: {  	v13 =	vperm.xlane v12, v9;
	_ =	sdelay $0x1  }
0x1f7: {  	v12 =	vperm.xlane v12, v11;
	v13 =	vadd.s32 v10, v13;
	_ =	sdelay $0x1  }
0x1f8: {  	v12 =	vadd.s32 v10, v12;
	_ =	sdelay $0x1  }
0x1f9: {  	s11 =	simm.s32 $0x0  }
0x1fa: {  	[tilespmem:s25], [sflag:$0x2] =	stream.indirect_vreg.gather [hbm4b:s3+s11], $0x80, v13, vm0, $0xb8;
	[tilespmem:$0x8C80] =	vst v63  }
0x1fb: {  	_ = 	snop  }
0x1fc: {  	[tilespmem:s26], [sflag:$0x2] =	stream.indirect_vreg.gather [hbm4b:s3+s11], $0x80, v12, vm0, $0xb8;
	[tilespmem:$0x8C80] =	vst v63  }
0x1fd: {  	v12 =	vld [tilespmem:$0x550];
	_ =	sdelay $0x4  }
0x1fe: {  	v61 =	vshll.u32 v12, $0x1  }
0x1ff: {  	v12 =	vand.u32 $0x7, v12;
	v13 =	vand.u32 $0xFFFFFFF0, v61  }
0x200: {  	v12 =	vor.u32 v12, v13  }
0x201: {  	v13 =	vperm.xlane v12, v9;
	_ =	sdelay $0x1  }
0x202: {  	v12 =	vperm.xlane v12, v11;
	v13 =	vadd.s32 v10, v13;
	_ =	sdelay $0x1  }
0x203: {  	v12 =	vadd.s32 v10, v12;
	_ =	sdelay $0x2  }
0x204: {  	[tilespmem:s28], [sflag:$0x2] =	stream.indirect_vreg.gather [hbm4b:s3+s11], $0x80, v13, vm0, $0xb8;
	[tilespmem:$0x8C80] =	vst v63  }
0x205: {  	_ = 	snop  }
0x206: {  	[tilespmem:s29], [sflag:$0x2] =	stream.indirect_vreg.gather [hbm4b:s3+s11], $0x80, v12, vm0, $0xb8;
	[tilespmem:$0x8C80] =	vst v63  }
0x207: {  	v12 =	vld [tilespmem:$0x560];
	_ =	sdelay $0x4  }
0x208: {  	v62 =	vshll.u32 v12, $0x1  }
0x209: {  	v12 =	vand.u32 $0x7, v12;
	v13 =	vand.u32 $0xFFFFFFF0, v62  }
0x20a: {  	v12 =	vor.u32 v12, v13  }
0x20b: {  	v13 =	vperm.xlane v12, v9;
	_ =	sdelay $0x1  }
0x20c: {  	v12 =	vperm.xlane v12, v11;
	v13 =	vadd.s32 v10, v13;
	_ =	sdelay $0x1  }
0x20d: {  	v12 =	vadd.s32 v10, v12;
	_ =	sdelay $0x2  }
0x20e: {  	[tilespmem:s30], [sflag:$0x2] =	stream.indirect_vreg.gather [hbm4b:s3+s11], $0x80, v13, vm0, $0xb8;
	[tilespmem:$0x8C80] =	vst v63  }
0x20f: {  	_ = 	snop  }
0x210: {  	[tilespmem:s31], [sflag:$0x2] =	stream.indirect_vreg.gather [hbm4b:s3+s11], $0x80, v12, vm0, $0xb8;
	[tilespmem:$0x8C80] =	vst v63  }
0x211: {  	v12 =	vld [tilespmem:$0x570];
	_ =	sdelay $0x4  }
0x212: {  	v63 =	vshll.u32 v12, $0x1  }
0x213: {  	v12 =	vand.u32 $0x7, v12;
	v13 =	vand.u32 $0xFFFFFFF0, v63  }
0x214: {  	v12 =	vor.u32 v12, v13  }
0x215: {  	v13 =	vperm.xlane v12, v9;
	_ =	sdelay $0x1  }
0x216: {  	v12 =	vperm.xlane v12, v11;
	v13 =	vadd.s32 v10, v13;
	_ =	sdelay $0x1  }
0x217: {  	v12 =	vadd.s32 v10, v12;
	_ =	sdelay $0x2  }
0x218: {  	[tilespmem:s1], [sflag:$0x2] =	stream.indirect_vreg.gather [hbm4b:s3+s11], $0x80, v13, vm0, $0xb8;
	[tilespmem:$0x8C80] =	vst v63  }
0x219: {  	_ = 	snop  }
0x21a: {  	[tilespmem:s0], [sflag:$0x2] =	stream.indirect_vreg.gather [hbm4b:s3+s11], $0x80, v12, vm0, $0xb8;
	[tilespmem:$0x8C80] =	vst v63  }
0x21b: {  	_ =	swait.ge [sflag:s6], $0x4000  }
0x21c: {  	[sflag:s6] =	ssyncset.done $0x0  }
0x21d: {  	s12 =	rddreg [dreg:$0x7];
	[sflag:s6] =	ssyncadd.s32 $0xFFFFC000  }
0x21e: {  	[hbm4b:s12+s11] =	stream.linear.scatter [tilespmem:s17], [sflag:$0x3], $0x4000, $0x38;
	[tilespmem:$0x8C80] =	vst v63  }
0x21f: {  	s12 =	rddreg [dreg:$0x1a]  }
.LBB2_10:
0x220: {  	v12 =	vld.idx.msk [tilespmem:v3+s16+$0x0], $0xffff;
	_ =	sdelay $0x3  }
0x221: {  	v13 =	vor.u32 s12, v2  }
0x222: {  	vm1 =	vgt.s32 v12, v13  }
0x223: {  	v12 =	vsel vm1, $0x80, v6;
	_ =	sdelay $0x4  }
0x224: {  	v14 =	vld.idx.msk [tilespmem:v12+s16+$0x0], $0xffff;
	_ =	sdelay $0x4  }
0x225: {  	v15 =	vsel vm1, $0x100, v5;
	vm2 =	vgt.s32 v14, v13  }
0x226: {  	v49 =	vsel vm1, $0x0, v4;
	v16 =	vor.u32 $0x1, v12;
	v12 =	vsel vm2, v12, v15  }
0x227: {  	v14 =	vsel vm2, v49, v16;
	v15 =	vadd.s32 $0xFFFFFFFF, v12  }
0x228: {  	v16 =	vxor.u32 v15, v14  }
0x229: {  	v15 =	vor.u32 v15, v14;
	v16 =	vshrl.u32 v16, $0x1  }
0x22a: {  	v15 =	vsub.s32 v15, v16;
	_ =	sdelay $0x4  }
0x22b: {  	v16 =	vld.idx.msk [tilespmem:v15+s16+$0x0], $0xffff;
	_ =	sdelay $0x4  }
0x22c: {  	v50 =	vor.u32 $0x1, v15;
	vm1 =	vgt.s32 v16, v13  }
0x22d: {  	v14 =	vsel vm1, v14, v50;
	v12 =	vsel vm1, v15, v12  }
0x22e: {  	v15 =	vxor.u32 v12, v14  }
0x22f: {  	v16 =	vand.u32 v12, v14;
	v15 =	vshrl.u32 v15, $0x1  }
0x230: {  	v15 =	vadd.s32 v15, v16;
	_ =	sdelay $0x4  }
0x231: {  	v16 =	vld.idx.msk [tilespmem:v15+s16+$0x0], $0xffff;
	_ =	sdelay $0x4  }
0x232: {  	v51 =	vadd.s32 $0x1, v15;
	vm1 =	vgt.s32 v16, v13  }
0x233: {  	v14 =	vsel vm1, v14, v51;
	v12 =	vsel vm1, v15, v12  }
0x234: {  	v15 =	vadd.s32 v12, v14  }
0x235: {  	v15 =	vshrl.u32 v15, $0x1;
	_ =	sdelay $0x4  }
0x236: {  	v52 =	vld.idx.msk [tilespmem:v15+s16+$0x0], $0xffff;
	_ =	sdelay $0x4  }
0x237: {  	v53 =	vadd.s32 $0x1, v15;
	vm1 =	vgt.s32 v52, v13  }
0x238: {  	v14 =	vsel vm1, v14, v53;
	v12 =	vsel vm1, v15, v12  }
0x239: {  	v15 =	vadd.s32 v12, v14  }
0x23a: {  	v15 =	vshrl.u32 v15, $0x1;
	_ =	sdelay $0x4  }
0x23b: {  	v54 =	vld.idx.msk [tilespmem:v15+s16+$0x0], $0xffff;
	_ =	sdelay $0x4  }
0x23c: {  	v55 =	vadd.s32 $0x1, v15;
	vm1 =	vgt.s32 v54, v13  }
0x23d: {  	v14 =	vsel vm1, v14, v55;
	v12 =	vsel vm1, v15, v12  }
0x23e: {  	v15 =	vadd.s32 v12, v14  }
0x23f: {  	v15 =	vshrl.u32 v15, $0x1;
	_ =	sdelay $0x4  }
0x240: {  	v56 =	vld.idx.msk [tilespmem:v15+s16+$0x0], $0xffff;
	_ =	sdelay $0x4  }
0x241: {  	v57 =	vadd.s32 $0x1, v15;
	vm1 =	vgt.s32 v56, v13  }
0x242: {  	v14 =	vsel vm1, v14, v57;
	v12 =	vsel vm1, v15, v12  }
0x243: {  	v15 =	vadd.s32 v12, v14  }
0x244: {  	v15 =	vshrl.u32 v15, $0x1;
	_ =	sdelay $0x4  }
0x245: {  	v58 =	vld.idx.msk [tilespmem:v15+s16+$0x0], $0xffff;
	_ =	sdelay $0x4  }
0x246: {  	v59 =	vadd.s32 $0x1, v15;
	vm1 =	vgt.s32 v58, v13  }
0x247: {  	v14 =	vsel vm1, v14, v59;
	v12 =	vsel vm1, v15, v12  }
0x248: {  	v15 =	vadd.s32 v12, v14  }
0x249: {  	v15 =	vshrl.u32 v15, $0x1;
	_ =	sdelay $0x4  }
0x24a: {  	v60 =	vld.idx.msk [tilespmem:v15+s16+$0x0], $0xffff;
	_ =	sdelay $0x4  }
0x24b: {  	v61 =	vadd.s32 $0x1, v15;
	vm1 =	vgt.s32 v60, v13  }
0x24c: {  	v14 =	vsel vm1, v14, v61;
	v12 =	vsel vm1, v15, v12  }
0x24d: {  	v12 =	vadd.s32 v12, v14  }
0x24e: {  	v12 =	vshrl.u32 v12, $0x1;
	_ =	sdelay $0x4  }
0x24f: {  	v62 =	vld.idx.msk [tilespmem:v12+s16+$0x0], $0xffff;
	_ =	sdelay $0x3  }
0x250: {  	p0 =	sne.s32 s11, $0xC0  }
.Ltmp4:
0x251: {  	v12 =	vadd.s32 $0x1, v12;
	vm1 =	vgt.s32 v62, v13;
	(pc) =	sbr.rel @p0 .LBB2_10-.Ltmp4, $4  }
0x252: {  	v12 =	vsel vm1, v14, v12;
	vm1 =	vge.s32 v13, v8  }
0x253: {  	s13 =	sshra.s32 s11, $0x2;
	v12 =	vadd.s32 v0, v12;
	v63 =	vsel vm1, $0x1, v7  }
0x254: {  	v12 =	vsel vm1, v1, v12;
	[tilespmem:s13+$0x980] =	vst v63  }
0x255: {  	s12 =	sadd.s32 $0x10, s12;
	s11 =	sadd.s32 $0x40, s11;
	[tilespmem:s13+$0x580] =	vst v12  }
0x256: {  	_ =	swait.ge [sflag:s4], $0x4000  }
0x257: {  	[sflag:s4] =	ssyncset.done $0x0  }
0x258: {  	[sflag:s4] =	ssyncadd.s32 $0xFFFFC000  }
0x259: {  	v12 =	vld [tilespmem:$0x580];
	_ =	sdelay $0x4  }
0x25a: {  	v13 =	vshll.u32 v12, $0x1  }
0x25b: {  	v12 =	vand.u32 $0x7, v12;
	v13 =	vand.u32 $0xFFFFFFF0, v13  }
0x25c: {  	v12 =	vor.u32 v12, v13  }
0x25d: {  	v13 =	vperm.xlane v12, v9;
	_ =	sdelay $0x1  }
0x25e: {  	v12 =	vperm.xlane v12, v11;
	v13 =	vadd.s32 v10, v13;
	_ =	sdelay $0x1  }
0x25f: {  	v12 =	vadd.s32 v10, v12;
	_ =	sdelay $0x1  }
0x260: {  	s11 =	simm.s32 $0x0  }
0x261: {  	[tilespmem:s17], [sflag:$0x1] =	stream.indirect_vreg.gather [hbm4b:s3+s11], $0x80, v13, vm0, $0xb8;
	[tilespmem:$0x8C80] =	vst v63  }
0x262: {  	_ = 	snop  }
0x263: {  	[tilespmem:s18], [sflag:$0x1] =	stream.indirect_vreg.gather [hbm4b:s3+s11], $0x80, v12, vm0, $0xb8;
	[tilespmem:$0x8C80] =	vst v63  }
0x264: {  	v12 =	vld [tilespmem:$0x590];
	_ =	sdelay $0x4  }
0x265: {  	v61 =	vshll.u32 v12, $0x1  }
0x266: {  	v12 =	vand.u32 $0x7, v12;
	v13 =	vand.u32 $0xFFFFFFF0, v61  }
0x267: {  	v12 =	vor.u32 v12, v13  }
0x268: {  	v13 =	vperm.xlane v12, v9;
	_ =	sdelay $0x1  }
0x269: {  	v12 =	vperm.xlane v12, v11;
	v13 =	vadd.s32 v10, v13;
	_ =	sdelay $0x1  }
0x26a: {  	v12 =	vadd.s32 v10, v12;
	_ =	sdelay $0x2  }
0x26b: {  	[tilespmem:s19], [sflag:$0x1] =	stream.indirect_vreg.gather [hbm4b:s3+s11], $0x80, v13, vm0, $0xb8;
	[tilespmem:$0x8C80] =	vst v63  }
0x26c: {  	_ = 	snop  }
0x26d: {  	[tilespmem:s20], [sflag:$0x1] =	stream.indirect_vreg.gather [hbm4b:s3+s11], $0x80, v12, vm0, $0xb8;
	[tilespmem:$0x8C80] =	vst v63  }
0x26e: {  	v12 =	vld [tilespmem:$0x5A0];
	_ =	sdelay $0x4  }
0x26f: {  	v62 =	vshll.u32 v12, $0x1  }
0x270: {  	v12 =	vand.u32 $0x7, v12;
	v13 =	vand.u32 $0xFFFFFFF0, v62  }
0x271: {  	v12 =	vor.u32 v12, v13  }
0x272: {  	v13 =	vperm.xlane v12, v9;
	_ =	sdelay $0x1  }
0x273: {  	v12 =	vperm.xlane v12, v11;
	v13 =	vadd.s32 v10, v13;
	_ =	sdelay $0x1  }
0x274: {  	v12 =	vadd.s32 v10, v12;
	_ =	sdelay $0x2  }
0x275: {  	[tilespmem:s21], [sflag:$0x1] =	stream.indirect_vreg.gather [hbm4b:s3+s11], $0x80, v13, vm0, $0xb8;
	[tilespmem:$0x8C80] =	vst v63  }
0x276: {  	_ = 	snop  }
0x277: {  	[tilespmem:s22], [sflag:$0x1] =	stream.indirect_vreg.gather [hbm4b:s3+s11], $0x80, v12, vm0, $0xb8;
	[tilespmem:$0x8C80] =	vst v63  }
0x278: {  	v12 =	vld [tilespmem:$0x5B0];
	_ =	sdelay $0x4  }
0x279: {  	v63 =	vshll.u32 v12, $0x1  }
0x27a: {  	v12 =	vand.u32 $0x7, v12;
	v13 =	vand.u32 $0xFFFFFFF0, v63  }
0x27b: {  	v12 =	vor.u32 v12, v13  }
0x27c: {  	v13 =	vperm.xlane v12, v9;
	_ =	sdelay $0x1  }
0x27d: {  	v12 =	vperm.xlane v12, v11;
	v13 =	vadd.s32 v10, v13;
	_ =	sdelay $0x1  }
0x27e: {  	v12 =	vadd.s32 v10, v12;
	_ =	sdelay $0x2  }
0x27f: {  	[tilespmem:s23], [sflag:$0x1] =	stream.indirect_vreg.gather [hbm4b:s3+s11], $0x80, v13, vm0, $0xb8;
	[tilespmem:$0x8C80] =	vst v63  }
0x280: {  	_ = 	snop  }
0x281: {  	[tilespmem:s24], [sflag:$0x1] =	stream.indirect_vreg.gather [hbm4b:s3+s11], $0x80, v12, vm0, $0xb8;
	[tilespmem:$0x8C80] =	vst v63  }
0x282: {  	_ =	swait.ge [sflag:s7], $0x4000  }
0x283: {  	[sflag:s7] =	ssyncset.done $0x0  }
0x284: {  	s12 =	rddreg [dreg:$0x8];
	[sflag:s7] =	ssyncadd.s32 $0xFFFFC000  }
0x285: {  	[hbm4b:s12+s11] =	stream.linear.scatter [tilespmem:s25], [sflag:$0x4], $0x4000, $0x38;
	[tilespmem:$0x8C80] =	vst v63  }
0x286: {  	s12 =	rddreg [dreg:$0x1b]  }
.LBB2_12:
0x287: {  	v12 =	vld.idx.msk [tilespmem:v3+s16+$0x0], $0xffff;
	_ =	sdelay $0x3  }
0x288: {  	v13 =	vor.u32 s12, v2  }
0x289: {  	vm1 =	vgt.s32 v12, v13  }
0x28a: {  	v12 =	vsel vm1, $0x80, v6;
	_ =	sdelay $0x4  }
0x28b: {  	v14 =	vld.idx.msk [tilespmem:v12+s16+$0x0], $0xffff;
	_ =	sdelay $0x4  }
0x28c: {  	v15 =	vsel vm1, $0x100, v5;
	vm2 =	vgt.s32 v14, v13  }
0x28d: {  	v49 =	vsel vm1, $0x0, v4;
	v16 =	vor.u32 $0x1, v12;
	v12 =	vsel vm2, v12, v15  }
0x28e: {  	v14 =	vsel vm2, v49, v16;
	v15 =	vadd.s32 $0xFFFFFFFF, v12  }
0x28f: {  	v16 =	vxor.u32 v15, v14  }
0x290: {  	v15 =	vor.u32 v15, v14;
	v16 =	vshrl.u32 v16, $0x1  }
0x291: {  	v15 =	vsub.s32 v15, v16;
	_ =	sdelay $0x4  }
0x292: {  	v16 =	vld.idx.msk [tilespmem:v15+s16+$0x0], $0xffff;
	_ =	sdelay $0x4  }
0x293: {  	v50 =	vor.u32 $0x1, v15;
	vm1 =	vgt.s32 v16, v13  }
0x294: {  	v14 =	vsel vm1, v14, v50;
	v12 =	vsel vm1, v15, v12  }
0x295: {  	v15 =	vxor.u32 v12, v14  }
0x296: {  	v16 =	vand.u32 v12, v14;
	v15 =	vshrl.u32 v15, $0x1  }
0x297: {  	v15 =	vadd.s32 v15, v16;
	_ =	sdelay $0x4  }
0x298: {  	v16 =	vld.idx.msk [tilespmem:v15+s16+$0x0], $0xffff;
	_ =	sdelay $0x4  }
0x299: {  	v51 =	vadd.s32 $0x1, v15;
	vm1 =	vgt.s32 v16, v13  }
0x29a: {  	v14 =	vsel vm1, v14, v51;
	v12 =	vsel vm1, v15, v12  }
0x29b: {  	v15 =	vadd.s32 v12, v14  }
0x29c: {  	v15 =	vshrl.u32 v15, $0x1;
	_ =	sdelay $0x4  }
0x29d: {  	v52 =	vld.idx.msk [tilespmem:v15+s16+$0x0], $0xffff;
	_ =	sdelay $0x4  }
0x29e: {  	v53 =	vadd.s32 $0x1, v15;
	vm1 =	vgt.s32 v52, v13  }
0x29f: {  	v14 =	vsel vm1, v14, v53;
	v12 =	vsel vm1, v15, v12  }
0x2a0: {  	v15 =	vadd.s32 v12, v14  }
0x2a1: {  	v15 =	vshrl.u32 v15, $0x1;
	_ =	sdelay $0x4  }
0x2a2: {  	v54 =	vld.idx.msk [tilespmem:v15+s16+$0x0], $0xffff;
	_ =	sdelay $0x4  }
0x2a3: {  	v55 =	vadd.s32 $0x1, v15;
	vm1 =	vgt.s32 v54, v13  }
0x2a4: {  	v14 =	vsel vm1, v14, v55;
	v12 =	vsel vm1, v15, v12  }
0x2a5: {  	v15 =	vadd.s32 v12, v14  }
0x2a6: {  	v15 =	vshrl.u32 v15, $0x1;
	_ =	sdelay $0x4  }
0x2a7: {  	v56 =	vld.idx.msk [tilespmem:v15+s16+$0x0], $0xffff;
	_ =	sdelay $0x4  }
0x2a8: {  	v57 =	vadd.s32 $0x1, v15;
	vm1 =	vgt.s32 v56, v13  }
0x2a9: {  	v14 =	vsel vm1, v14, v57;
	v12 =	vsel vm1, v15, v12  }
0x2aa: {  	v15 =	vadd.s32 v12, v14  }
0x2ab: {  	v15 =	vshrl.u32 v15, $0x1;
	_ =	sdelay $0x4  }
0x2ac: {  	v58 =	vld.idx.msk [tilespmem:v15+s16+$0x0], $0xffff;
	_ =	sdelay $0x4  }
0x2ad: {  	v59 =	vadd.s32 $0x1, v15;
	vm1 =	vgt.s32 v58, v13  }
0x2ae: {  	v14 =	vsel vm1, v14, v59;
	v12 =	vsel vm1, v15, v12  }
0x2af: {  	v15 =	vadd.s32 v12, v14  }
0x2b0: {  	v15 =	vshrl.u32 v15, $0x1;
	_ =	sdelay $0x4  }
0x2b1: {  	v60 =	vld.idx.msk [tilespmem:v15+s16+$0x0], $0xffff;
	_ =	sdelay $0x4  }
0x2b2: {  	v61 =	vadd.s32 $0x1, v15;
	vm1 =	vgt.s32 v60, v13  }
0x2b3: {  	v14 =	vsel vm1, v14, v61;
	v12 =	vsel vm1, v15, v12  }
0x2b4: {  	v12 =	vadd.s32 v12, v14  }
0x2b5: {  	v12 =	vshrl.u32 v12, $0x1;
	_ =	sdelay $0x4  }
0x2b6: {  	v62 =	vld.idx.msk [tilespmem:v12+s16+$0x0], $0xffff;
	_ =	sdelay $0x3  }
0x2b7: {  	p0 =	sne.s32 s11, $0xC0  }
.Ltmp5:
0x2b8: {  	v12 =	vadd.s32 $0x1, v12;
	vm1 =	vgt.s32 v62, v13;
	(pc) =	sbr.rel @p0 .LBB2_12-.Ltmp5, $4  }
0x2b9: {  	v12 =	vsel vm1, v14, v12;
	vm1 =	vge.s32 v13, v8  }
0x2ba: {  	s13 =	sshra.s32 s11, $0x2;
	v12 =	vadd.s32 v0, v12;
	v63 =	vsel vm1, $0x1, v7  }
0x2bb: {  	v12 =	vsel vm1, v1, v12;
	[tilespmem:s13+$0x9C0] =	vst v63  }
0x2bc: {  	s12 =	sadd.s32 $0x10, s12;
	s11 =	sadd.s32 $0x40, s11;
	[tilespmem:s13+$0x5C0] =	vst v12  }
0x2bd: {  	_ =	swait.ge [sflag:s9], $0x4000  }
0x2be: {  	[sflag:s9] =	ssyncset.done $0x0  }
0x2bf: {  	[sflag:s9] =	ssyncadd.s32 $0xFFFFC000  }
0x2c0: {  	v12 =	vld [tilespmem:$0x5C0];
	_ =	sdelay $0x4  }
0x2c1: {  	v13 =	vshll.u32 v12, $0x1  }
0x2c2: {  	v12 =	vand.u32 $0x7, v12;
	v13 =	vand.u32 $0xFFFFFFF0, v13  }
0x2c3: {  	v12 =	vor.u32 v12, v13  }
0x2c4: {  	v13 =	vperm.xlane v12, v9;
	_ =	sdelay $0x1  }
0x2c5: {  	v12 =	vperm.xlane v12, v11;
	v13 =	vadd.s32 v10, v13;
	_ =	sdelay $0x1  }
0x2c6: {  	v12 =	vadd.s32 v10, v12;
	_ =	sdelay $0x1  }
0x2c7: {  	s11 =	simm.s32 $0x0  }
0x2c8: {  	[tilespmem:s25], [sflag:$0x2] =	stream.indirect_vreg.gather [hbm4b:s3+s11], $0x80, v13, vm0, $0xb8;
	[tilespmem:$0x8C80] =	vst v63  }
0x2c9: {  	_ = 	snop  }
0x2ca: {  	[tilespmem:s26], [sflag:$0x2] =	stream.indirect_vreg.gather [hbm4b:s3+s11], $0x80, v12, vm0, $0xb8;
	[tilespmem:$0x8C80] =	vst v63  }
0x2cb: {  	v12 =	vld [tilespmem:$0x5D0];
	_ =	sdelay $0x4  }
0x2cc: {  	v61 =	vshll.u32 v12, $0x1  }
0x2cd: {  	v12 =	vand.u32 $0x7, v12;
	v13 =	vand.u32 $0xFFFFFFF0, v61  }
0x2ce: {  	v12 =	vor.u32 v12, v13  }
0x2cf: {  	v13 =	vperm.xlane v12, v9;
	_ =	sdelay $0x1  }
0x2d0: {  	v12 =	vperm.xlane v12, v11;
	v13 =	vadd.s32 v10, v13;
	_ =	sdelay $0x1  }
0x2d1: {  	v12 =	vadd.s32 v10, v12;
	_ =	sdelay $0x2  }
0x2d2: {  	[tilespmem:s28], [sflag:$0x2] =	stream.indirect_vreg.gather [hbm4b:s3+s11], $0x80, v13, vm0, $0xb8;
	[tilespmem:$0x8C80] =	vst v63  }
0x2d3: {  	_ = 	snop  }
0x2d4: {  	[tilespmem:s29], [sflag:$0x2] =	stream.indirect_vreg.gather [hbm4b:s3+s11], $0x80, v12, vm0, $0xb8;
	[tilespmem:$0x8C80] =	vst v63  }
0x2d5: {  	v12 =	vld [tilespmem:$0x5E0];
	_ =	sdelay $0x4  }
0x2d6: {  	v62 =	vshll.u32 v12, $0x1  }
0x2d7: {  	v12 =	vand.u32 $0x7, v12;
	v13 =	vand.u32 $0xFFFFFFF0, v62  }
0x2d8: {  	v12 =	vor.u32 v12, v13  }
0x2d9: {  	v13 =	vperm.xlane v12, v9;
	_ =	sdelay $0x1  }
0x2da: {  	v12 =	vperm.xlane v12, v11;
	v13 =	vadd.s32 v10, v13;
	_ =	sdelay $0x1  }
0x2db: {  	v12 =	vadd.s32 v10, v12;
	_ =	sdelay $0x2  }
0x2dc: {  	[tilespmem:s30], [sflag:$0x2] =	stream.indirect_vreg.gather [hbm4b:s3+s11], $0x80, v13, vm0, $0xb8;
	[tilespmem:$0x8C80] =	vst v63  }
0x2dd: {  	_ = 	snop  }
0x2de: {  	[tilespmem:s31], [sflag:$0x2] =	stream.indirect_vreg.gather [hbm4b:s3+s11], $0x80, v12, vm0, $0xb8;
	[tilespmem:$0x8C80] =	vst v63  }
0x2df: {  	v12 =	vld [tilespmem:$0x5F0];
	_ =	sdelay $0x4  }
0x2e0: {  	v63 =	vshll.u32 v12, $0x1  }
0x2e1: {  	v12 =	vand.u32 $0x7, v12;
	v13 =	vand.u32 $0xFFFFFFF0, v63  }
0x2e2: {  	v12 =	vor.u32 v12, v13  }
0x2e3: {  	v13 =	vperm.xlane v12, v9;
	_ =	sdelay $0x1  }
0x2e4: {  	v12 =	vperm.xlane v12, v11;
	v13 =	vadd.s32 v10, v13;
	_ =	sdelay $0x1  }
0x2e5: {  	v12 =	vadd.s32 v10, v12;
	_ =	sdelay $0x2  }
0x2e6: {  	[tilespmem:s1], [sflag:$0x2] =	stream.indirect_vreg.gather [hbm4b:s3+s11], $0x80, v13, vm0, $0xb8;
	[tilespmem:$0x8C80] =	vst v63  }
0x2e7: {  	_ = 	snop  }
0x2e8: {  	[tilespmem:s0], [sflag:$0x2] =	stream.indirect_vreg.gather [hbm4b:s3+s11], $0x80, v12, vm0, $0xb8;
	[tilespmem:$0x8C80] =	vst v63  }
0x2e9: {  	_ =	swait.ge [sflag:s6], $0x4000  }
0x2ea: {  	[sflag:s6] =	ssyncset.done $0x0  }
0x2eb: {  	s12 =	rddreg [dreg:$0x9];
	[sflag:s6] =	ssyncadd.s32 $0xFFFFC000  }
0x2ec: {  	[hbm4b:s12+s11] =	stream.linear.scatter [tilespmem:s17], [sflag:$0x3], $0x4000, $0x38;
	[tilespmem:$0x8C80] =	vst v63  }
0x2ed: {  	s12 =	rddreg [dreg:$0x1c]  }
.LBB2_14:
0x2ee: {  	v12 =	vld.idx.msk [tilespmem:v3+s16+$0x0], $0xffff;
	_ =	sdelay $0x3  }
0x2ef: {  	v13 =	vor.u32 s12, v2  }
0x2f0: {  	vm1 =	vgt.s32 v12, v13  }
0x2f1: {  	v12 =	vsel vm1, $0x80, v6;
	_ =	sdelay $0x4  }
0x2f2: {  	v14 =	vld.idx.msk [tilespmem:v12+s16+$0x0], $0xffff;
	_ =	sdelay $0x4  }
0x2f3: {  	v15 =	vsel vm1, $0x100, v5;
	vm2 =	vgt.s32 v14, v13  }
0x2f4: {  	v49 =	vsel vm1, $0x0, v4;
	v16 =	vor.u32 $0x1, v12;
	v12 =	vsel vm2, v12, v15  }
0x2f5: {  	v14 =	vsel vm2, v49, v16;
	v15 =	vadd.s32 $0xFFFFFFFF, v12  }
0x2f6: {  	v16 =	vxor.u32 v15, v14  }
0x2f7: {  	v15 =	vor.u32 v15, v14;
	v16 =	vshrl.u32 v16, $0x1  }
0x2f8: {  	v15 =	vsub.s32 v15, v16;
	_ =	sdelay $0x4  }
0x2f9: {  	v16 =	vld.idx.msk [tilespmem:v15+s16+$0x0], $0xffff;
	_ =	sdelay $0x4  }
0x2fa: {  	v50 =	vor.u32 $0x1, v15;
	vm1 =	vgt.s32 v16, v13  }
0x2fb: {  	v14 =	vsel vm1, v14, v50;
	v12 =	vsel vm1, v15, v12  }
0x2fc: {  	v15 =	vxor.u32 v12, v14  }
0x2fd: {  	v16 =	vand.u32 v12, v14;
	v15 =	vshrl.u32 v15, $0x1  }
0x2fe: {  	v15 =	vadd.s32 v15, v16;
	_ =	sdelay $0x4  }
0x2ff: {  	v16 =	vld.idx.msk [tilespmem:v15+s16+$0x0], $0xffff;
	_ =	sdelay $0x4  }
0x300: {  	v51 =	vadd.s32 $0x1, v15;
	vm1 =	vgt.s32 v16, v13  }
0x301: {  	v14 =	vsel vm1, v14, v51;
	v12 =	vsel vm1, v15, v12  }
0x302: {  	v15 =	vadd.s32 v12, v14  }
0x303: {  	v15 =	vshrl.u32 v15, $0x1;
	_ =	sdelay $0x4  }
0x304: {  	v52 =	vld.idx.msk [tilespmem:v15+s16+$0x0], $0xffff;
	_ =	sdelay $0x4  }
0x305: {  	v53 =	vadd.s32 $0x1, v15;
	vm1 =	vgt.s32 v52, v13  }
0x306: {  	v14 =	vsel vm1, v14, v53;
	v12 =	vsel vm1, v15, v12  }
0x307: {  	v15 =	vadd.s32 v12, v14  }
0x308: {  	v15 =	vshrl.u32 v15, $0x1;
	_ =	sdelay $0x4  }
0x309: {  	v54 =	vld.idx.msk [tilespmem:v15+s16+$0x0], $0xffff;
	_ =	sdelay $0x4  }
0x30a: {  	v55 =	vadd.s32 $0x1, v15;
	vm1 =	vgt.s32 v54, v13  }
0x30b: {  	v14 =	vsel vm1, v14, v55;
	v12 =	vsel vm1, v15, v12  }
0x30c: {  	v15 =	vadd.s32 v12, v14  }
0x30d: {  	v15 =	vshrl.u32 v15, $0x1;
	_ =	sdelay $0x4  }
0x30e: {  	v56 =	vld.idx.msk [tilespmem:v15+s16+$0x0], $0xffff;
	_ =	sdelay $0x4  }
0x30f: {  	v57 =	vadd.s32 $0x1, v15;
	vm1 =	vgt.s32 v56, v13  }
0x310: {  	v14 =	vsel vm1, v14, v57;
	v12 =	vsel vm1, v15, v12  }
0x311: {  	v15 =	vadd.s32 v12, v14  }
0x312: {  	v15 =	vshrl.u32 v15, $0x1;
	_ =	sdelay $0x4  }
0x313: {  	v58 =	vld.idx.msk [tilespmem:v15+s16+$0x0], $0xffff;
	_ =	sdelay $0x4  }
0x314: {  	v59 =	vadd.s32 $0x1, v15;
	vm1 =	vgt.s32 v58, v13  }
0x315: {  	v14 =	vsel vm1, v14, v59;
	v12 =	vsel vm1, v15, v12  }
0x316: {  	v15 =	vadd.s32 v12, v14  }
0x317: {  	v15 =	vshrl.u32 v15, $0x1;
	_ =	sdelay $0x4  }
0x318: {  	v60 =	vld.idx.msk [tilespmem:v15+s16+$0x0], $0xffff;
	_ =	sdelay $0x4  }
0x319: {  	v61 =	vadd.s32 $0x1, v15;
	vm1 =	vgt.s32 v60, v13  }
0x31a: {  	v14 =	vsel vm1, v14, v61;
	v12 =	vsel vm1, v15, v12  }
0x31b: {  	v12 =	vadd.s32 v12, v14  }
0x31c: {  	v12 =	vshrl.u32 v12, $0x1;
	_ =	sdelay $0x4  }
0x31d: {  	v62 =	vld.idx.msk [tilespmem:v12+s16+$0x0], $0xffff;
	_ =	sdelay $0x3  }
0x31e: {  	p0 =	sne.s32 s11, $0xC0  }
.Ltmp6:
0x31f: {  	v12 =	vadd.s32 $0x1, v12;
	vm1 =	vgt.s32 v62, v13;
	(pc) =	sbr.rel @p0 .LBB2_14-.Ltmp6, $4  }
0x320: {  	v12 =	vsel vm1, v14, v12;
	vm1 =	vge.s32 v13, v8  }
0x321: {  	s13 =	sshra.s32 s11, $0x2;
	v12 =	vadd.s32 v0, v12;
	v63 =	vsel vm1, $0x1, v7  }
0x322: {  	v12 =	vsel vm1, v1, v12;
	[tilespmem:s13+$0xA00] =	vst v63  }
0x323: {  	s12 =	sadd.s32 $0x10, s12;
	s11 =	sadd.s32 $0x40, s11;
	[tilespmem:s13+$0x600] =	vst v12  }
0x324: {  	_ =	swait.ge [sflag:s4], $0x4000  }
0x325: {  	[sflag:s4] =	ssyncset.done $0x0  }
0x326: {  	[sflag:s4] =	ssyncadd.s32 $0xFFFFC000  }
0x327: {  	v12 =	vld [tilespmem:$0x600];
	_ =	sdelay $0x4  }
0x328: {  	v13 =	vshll.u32 v12, $0x1  }
0x329: {  	v12 =	vand.u32 $0x7, v12;
	v13 =	vand.u32 $0xFFFFFFF0, v13  }
0x32a: {  	v12 =	vor.u32 v12, v13  }
0x32b: {  	v13 =	vperm.xlane v12, v9;
	_ =	sdelay $0x1  }
0x32c: {  	v12 =	vperm.xlane v12, v11;
	v13 =	vadd.s32 v10, v13;
	_ =	sdelay $0x1  }
0x32d: {  	v12 =	vadd.s32 v10, v12;
	_ =	sdelay $0x1  }
0x32e: {  	s11 =	simm.s32 $0x0  }
0x32f: {  	[tilespmem:s17], [sflag:$0x1] =	stream.indirect_vreg.gather [hbm4b:s3+s11], $0x80, v13, vm0, $0xb8;
	[tilespmem:$0x8C80] =	vst v63  }
0x330: {  	_ = 	snop  }
0x331: {  	[tilespmem:s18], [sflag:$0x1] =	stream.indirect_vreg.gather [hbm4b:s3+s11], $0x80, v12, vm0, $0xb8;
	[tilespmem:$0x8C80] =	vst v63  }
0x332: {  	v12 =	vld [tilespmem:$0x610];
	_ =	sdelay $0x4  }
0x333: {  	v61 =	vshll.u32 v12, $0x1  }
0x334: {  	v12 =	vand.u32 $0x7, v12;
	v13 =	vand.u32 $0xFFFFFFF0, v61  }
0x335: {  	v12 =	vor.u32 v12, v13  }
0x336: {  	v13 =	vperm.xlane v12, v9;
	_ =	sdelay $0x1  }
0x337: {  	v12 =	vperm.xlane v12, v11;
	v13 =	vadd.s32 v10, v13;
	_ =	sdelay $0x1  }
0x338: {  	v12 =	vadd.s32 v10, v12;
	_ =	sdelay $0x2  }
0x339: {  	[tilespmem:s19], [sflag:$0x1] =	stream.indirect_vreg.gather [hbm4b:s3+s11], $0x80, v13, vm0, $0xb8;
	[tilespmem:$0x8C80] =	vst v63  }
0x33a: {  	_ = 	snop  }
0x33b: {  	[tilespmem:s20], [sflag:$0x1] =	stream.indirect_vreg.gather [hbm4b:s3+s11], $0x80, v12, vm0, $0xb8;
	[tilespmem:$0x8C80] =	vst v63  }
0x33c: {  	v12 =	vld [tilespmem:$0x620];
	_ =	sdelay $0x4  }
0x33d: {  	v62 =	vshll.u32 v12, $0x1  }
0x33e: {  	v12 =	vand.u32 $0x7, v12;
	v13 =	vand.u32 $0xFFFFFFF0, v62  }
0x33f: {  	v12 =	vor.u32 v12, v13  }
0x340: {  	v13 =	vperm.xlane v12, v9;
	_ =	sdelay $0x1  }
0x341: {  	v12 =	vperm.xlane v12, v11;
	v13 =	vadd.s32 v10, v13;
	_ =	sdelay $0x1  }
0x342: {  	v12 =	vadd.s32 v10, v12;
	_ =	sdelay $0x2  }
0x343: {  	[tilespmem:s21], [sflag:$0x1] =	stream.indirect_vreg.gather [hbm4b:s3+s11], $0x80, v13, vm0, $0xb8;
	[tilespmem:$0x8C80] =	vst v63  }
0x344: {  	_ = 	snop  }
0x345: {  	[tilespmem:s22], [sflag:$0x1] =	stream.indirect_vreg.gather [hbm4b:s3+s11], $0x80, v12, vm0, $0xb8;
	[tilespmem:$0x8C80] =	vst v63  }
0x346: {  	v12 =	vld [tilespmem:$0x630];
	_ =	sdelay $0x4  }
0x347: {  	v63 =	vshll.u32 v12, $0x1  }
0x348: {  	v12 =	vand.u32 $0x7, v12;
	v13 =	vand.u32 $0xFFFFFFF0, v63  }
0x349: {  	v12 =	vor.u32 v12, v13  }
0x34a: {  	v13 =	vperm.xlane v12, v9;
	_ =	sdelay $0x1  }
0x34b: {  	v12 =	vperm.xlane v12, v11;
	v13 =	vadd.s32 v10, v13;
	_ =	sdelay $0x1  }
0x34c: {  	v12 =	vadd.s32 v10, v12;
	_ =	sdelay $0x2  }
0x34d: {  	[tilespmem:s23], [sflag:$0x1] =	stream.indirect_vreg.gather [hbm4b:s3+s11], $0x80, v13, vm0, $0xb8;
	[tilespmem:$0x8C80] =	vst v63  }
0x34e: {  	_ = 	snop  }
0x34f: {  	[tilespmem:s24], [sflag:$0x1] =	stream.indirect_vreg.gather [hbm4b:s3+s11], $0x80, v12, vm0, $0xb8;
	[tilespmem:$0x8C80] =	vst v63  }
0x350: {  	_ =	swait.ge [sflag:s7], $0x4000  }
0x351: {  	[sflag:s7] =	ssyncset.done $0x0  }
0x352: {  	s12 =	rddreg [dreg:$0xa];
	[sflag:s7] =	ssyncadd.s32 $0xFFFFC000  }
0x353: {  	[hbm4b:s12+s11] =	stream.linear.scatter [tilespmem:s25], [sflag:$0x4], $0x4000, $0x38;
	[tilespmem:$0x8C80] =	vst v63  }
0x354: {  	s12 =	rddreg [dreg:$0x1d]  }
.LBB2_16:
0x355: {  	v12 =	vld.idx.msk [tilespmem:v3+s16+$0x0], $0xffff;
	_ =	sdelay $0x3  }
0x356: {  	v13 =	vor.u32 s12, v2  }
0x357: {  	vm1 =	vgt.s32 v12, v13  }
0x358: {  	v12 =	vsel vm1, $0x80, v6;
	_ =	sdelay $0x4  }
0x359: {  	v14 =	vld.idx.msk [tilespmem:v12+s16+$0x0], $0xffff;
	_ =	sdelay $0x4  }
0x35a: {  	v15 =	vsel vm1, $0x100, v5;
	vm2 =	vgt.s32 v14, v13  }
0x35b: {  	v49 =	vsel vm1, $0x0, v4;
	v16 =	vor.u32 $0x1, v12;
	v12 =	vsel vm2, v12, v15  }
0x35c: {  	v14 =	vsel vm2, v49, v16;
	v15 =	vadd.s32 $0xFFFFFFFF, v12  }
0x35d: {  	v16 =	vxor.u32 v15, v14  }
0x35e: {  	v15 =	vor.u32 v15, v14;
	v16 =	vshrl.u32 v16, $0x1  }
0x35f: {  	v15 =	vsub.s32 v15, v16;
	_ =	sdelay $0x4  }
0x360: {  	v16 =	vld.idx.msk [tilespmem:v15+s16+$0x0], $0xffff;
	_ =	sdelay $0x4  }
0x361: {  	v50 =	vor.u32 $0x1, v15;
	vm1 =	vgt.s32 v16, v13  }
0x362: {  	v14 =	vsel vm1, v14, v50;
	v12 =	vsel vm1, v15, v12  }
0x363: {  	v15 =	vxor.u32 v12, v14  }
0x364: {  	v16 =	vand.u32 v12, v14;
	v15 =	vshrl.u32 v15, $0x1  }
0x365: {  	v15 =	vadd.s32 v15, v16;
	_ =	sdelay $0x4  }
0x366: {  	v16 =	vld.idx.msk [tilespmem:v15+s16+$0x0], $0xffff;
	_ =	sdelay $0x4  }
0x367: {  	v51 =	vadd.s32 $0x1, v15;
	vm1 =	vgt.s32 v16, v13  }
0x368: {  	v14 =	vsel vm1, v14, v51;
	v12 =	vsel vm1, v15, v12  }
0x369: {  	v15 =	vadd.s32 v12, v14  }
0x36a: {  	v15 =	vshrl.u32 v15, $0x1;
	_ =	sdelay $0x4  }
0x36b: {  	v52 =	vld.idx.msk [tilespmem:v15+s16+$0x0], $0xffff;
	_ =	sdelay $0x4  }
0x36c: {  	v53 =	vadd.s32 $0x1, v15;
	vm1 =	vgt.s32 v52, v13  }
0x36d: {  	v14 =	vsel vm1, v14, v53;
	v12 =	vsel vm1, v15, v12  }
0x36e: {  	v15 =	vadd.s32 v12, v14  }
0x36f: {  	v15 =	vshrl.u32 v15, $0x1;
	_ =	sdelay $0x4  }
0x370: {  	v54 =	vld.idx.msk [tilespmem:v15+s16+$0x0], $0xffff;
	_ =	sdelay $0x4  }
0x371: {  	v55 =	vadd.s32 $0x1, v15;
	vm1 =	vgt.s32 v54, v13  }
0x372: {  	v14 =	vsel vm1, v14, v55;
	v12 =	vsel vm1, v15, v12  }
0x373: {  	v15 =	vadd.s32 v12, v14  }
0x374: {  	v15 =	vshrl.u32 v15, $0x1;
	_ =	sdelay $0x4  }
0x375: {  	v56 =	vld.idx.msk [tilespmem:v15+s16+$0x0], $0xffff;
	_ =	sdelay $0x4  }
0x376: {  	v57 =	vadd.s32 $0x1, v15;
	vm1 =	vgt.s32 v56, v13  }
0x377: {  	v14 =	vsel vm1, v14, v57;
	v12 =	vsel vm1, v15, v12  }
0x378: {  	v15 =	vadd.s32 v12, v14  }
0x379: {  	v15 =	vshrl.u32 v15, $0x1;
	_ =	sdelay $0x4  }
0x37a: {  	v58 =	vld.idx.msk [tilespmem:v15+s16+$0x0], $0xffff;
	_ =	sdelay $0x4  }
0x37b: {  	v59 =	vadd.s32 $0x1, v15;
	vm1 =	vgt.s32 v58, v13  }
0x37c: {  	v14 =	vsel vm1, v14, v59;
	v12 =	vsel vm1, v15, v12  }
0x37d: {  	v15 =	vadd.s32 v12, v14  }
0x37e: {  	v15 =	vshrl.u32 v15, $0x1;
	_ =	sdelay $0x4  }
0x37f: {  	v60 =	vld.idx.msk [tilespmem:v15+s16+$0x0], $0xffff;
	_ =	sdelay $0x4  }
0x380: {  	v61 =	vadd.s32 $0x1, v15;
	vm1 =	vgt.s32 v60, v13  }
0x381: {  	v14 =	vsel vm1, v14, v61;
	v12 =	vsel vm1, v15, v12  }
0x382: {  	v12 =	vadd.s32 v12, v14  }
0x383: {  	v12 =	vshrl.u32 v12, $0x1;
	_ =	sdelay $0x4  }
0x384: {  	v62 =	vld.idx.msk [tilespmem:v12+s16+$0x0], $0xffff;
	_ =	sdelay $0x3  }
0x385: {  	p0 =	sne.s32 s11, $0xC0  }
.Ltmp7:
0x386: {  	v12 =	vadd.s32 $0x1, v12;
	vm1 =	vgt.s32 v62, v13;
	(pc) =	sbr.rel @p0 .LBB2_16-.Ltmp7, $4  }
0x387: {  	v12 =	vsel vm1, v14, v12;
	vm1 =	vge.s32 v13, v8  }
0x388: {  	s13 =	sshra.s32 s11, $0x2;
	v12 =	vadd.s32 v0, v12;
	v63 =	vsel vm1, $0x1, v7  }
0x389: {  	v12 =	vsel vm1, v1, v12;
	[tilespmem:s13+$0xA40] =	vst v63  }
0x38a: {  	s12 =	sadd.s32 $0x10, s12;
	s11 =	sadd.s32 $0x40, s11;
	[tilespmem:s13+$0x640] =	vst v12  }
0x38b: {  	_ =	swait.ge [sflag:s9], $0x4000  }
0x38c: {  	[sflag:s9] =	ssyncset.done $0x0  }
0x38d: {  	[sflag:s9] =	ssyncadd.s32 $0xFFFFC000  }
0x38e: {  	v12 =	vld [tilespmem:$0x640];
	_ =	sdelay $0x4  }
0x38f: {  	v13 =	vshll.u32 v12, $0x1  }
0x390: {  	v12 =	vand.u32 $0x7, v12;
	v13 =	vand.u32 $0xFFFFFFF0, v13  }
0x391: {  	v12 =	vor.u32 v12, v13  }
0x392: {  	v13 =	vperm.xlane v12, v9;
	_ =	sdelay $0x1  }
0x393: {  	v12 =	vperm.xlane v12, v11;
	v13 =	vadd.s32 v10, v13;
	_ =	sdelay $0x1  }
0x394: {  	v12 =	vadd.s32 v10, v12;
	_ =	sdelay $0x1  }
0x395: {  	s11 =	simm.s32 $0x0  }
0x396: {  	[tilespmem:s25], [sflag:$0x2] =	stream.indirect_vreg.gather [hbm4b:s3+s11], $0x80, v13, vm0, $0xb8;
	[tilespmem:$0x8C80] =	vst v63  }
0x397: {  	_ = 	snop  }
0x398: {  	[tilespmem:s26], [sflag:$0x2] =	stream.indirect_vreg.gather [hbm4b:s3+s11], $0x80, v12, vm0, $0xb8;
	[tilespmem:$0x8C80] =	vst v63  }
0x399: {  	v12 =	vld [tilespmem:$0x650];
	_ =	sdelay $0x4  }
0x39a: {  	v61 =	vshll.u32 v12, $0x1  }
0x39b: {  	v12 =	vand.u32 $0x7, v12;
	v13 =	vand.u32 $0xFFFFFFF0, v61  }
0x39c: {  	v12 =	vor.u32 v12, v13  }
0x39d: {  	v13 =	vperm.xlane v12, v9;
	_ =	sdelay $0x1  }
0x39e: {  	v12 =	vperm.xlane v12, v11;
	v13 =	vadd.s32 v10, v13;
	_ =	sdelay $0x1  }
0x39f: {  	v12 =	vadd.s32 v10, v12;
	_ =	sdelay $0x2  }
0x3a0: {  	[tilespmem:s28], [sflag:$0x2] =	stream.indirect_vreg.gather [hbm4b:s3+s11], $0x80, v13, vm0, $0xb8;
	[tilespmem:$0x8C80] =	vst v63  }
0x3a1: {  	_ = 	snop  }
0x3a2: {  	[tilespmem:s29], [sflag:$0x2] =	stream.indirect_vreg.gather [hbm4b:s3+s11], $0x80, v12, vm0, $0xb8;
	[tilespmem:$0x8C80] =	vst v63  }
0x3a3: {  	v12 =	vld [tilespmem:$0x660];
	_ =	sdelay $0x4  }
0x3a4: {  	v62 =	vshll.u32 v12, $0x1  }
0x3a5: {  	v12 =	vand.u32 $0x7, v12;
	v13 =	vand.u32 $0xFFFFFFF0, v62  }
0x3a6: {  	v12 =	vor.u32 v12, v13  }
0x3a7: {  	v13 =	vperm.xlane v12, v9;
	_ =	sdelay $0x1  }
0x3a8: {  	v12 =	vperm.xlane v12, v11;
	v13 =	vadd.s32 v10, v13;
	_ =	sdelay $0x1  }
0x3a9: {  	v12 =	vadd.s32 v10, v12;
	_ =	sdelay $0x2  }
0x3aa: {  	[tilespmem:s30], [sflag:$0x2] =	stream.indirect_vreg.gather [hbm4b:s3+s11], $0x80, v13, vm0, $0xb8;
	[tilespmem:$0x8C80] =	vst v63  }
0x3ab: {  	_ = 	snop  }
0x3ac: {  	[tilespmem:s31], [sflag:$0x2] =	stream.indirect_vreg.gather [hbm4b:s3+s11], $0x80, v12, vm0, $0xb8;
	[tilespmem:$0x8C80] =	vst v63  }
0x3ad: {  	v12 =	vld [tilespmem:$0x670];
	_ =	sdelay $0x4  }
0x3ae: {  	v63 =	vshll.u32 v12, $0x1  }
0x3af: {  	v12 =	vand.u32 $0x7, v12;
	v13 =	vand.u32 $0xFFFFFFF0, v63  }
0x3b0: {  	v12 =	vor.u32 v12, v13  }
0x3b1: {  	v13 =	vperm.xlane v12, v9;
	_ =	sdelay $0x1  }
0x3b2: {  	v12 =	vperm.xlane v12, v11;
	v13 =	vadd.s32 v10, v13;
	_ =	sdelay $0x1  }
0x3b3: {  	v12 =	vadd.s32 v10, v12;
	_ =	sdelay $0x2  }
0x3b4: {  	[tilespmem:s1], [sflag:$0x2] =	stream.indirect_vreg.gather [hbm4b:s3+s11], $0x80, v13, vm0, $0xb8;
	[tilespmem:$0x8C80] =	vst v63  }
0x3b5: {  	_ = 	snop  }
0x3b6: {  	[tilespmem:s0], [sflag:$0x2] =	stream.indirect_vreg.gather [hbm4b:s3+s11], $0x80, v12, vm0, $0xb8;
	[tilespmem:$0x8C80] =	vst v63  }
0x3b7: {  	_ =	swait.ge [sflag:s6], $0x4000  }
0x3b8: {  	[sflag:s6] =	ssyncset.done $0x0  }
0x3b9: {  	s12 =	rddreg [dreg:$0xb];
	[sflag:s6] =	ssyncadd.s32 $0xFFFFC000  }
0x3ba: {  	[hbm4b:s12+s11] =	stream.linear.scatter [tilespmem:s17], [sflag:$0x3], $0x4000, $0x38;
	[tilespmem:$0x8C80] =	vst v63  }
0x3bb: {  	s12 =	rddreg [dreg:$0x1e]  }
.LBB2_18:
0x3bc: {  	v12 =	vld.idx.msk [tilespmem:v3+s16+$0x0], $0xffff;
	_ =	sdelay $0x3  }
0x3bd: {  	v13 =	vor.u32 s12, v2  }
0x3be: {  	vm1 =	vgt.s32 v12, v13  }
0x3bf: {  	v12 =	vsel vm1, $0x80, v6;
	_ =	sdelay $0x4  }
0x3c0: {  	v14 =	vld.idx.msk [tilespmem:v12+s16+$0x0], $0xffff;
	_ =	sdelay $0x4  }
0x3c1: {  	v15 =	vsel vm1, $0x100, v5;
	vm2 =	vgt.s32 v14, v13  }
0x3c2: {  	v49 =	vsel vm1, $0x0, v4;
	v16 =	vor.u32 $0x1, v12;
	v12 =	vsel vm2, v12, v15  }
0x3c3: {  	v14 =	vsel vm2, v49, v16;
	v15 =	vadd.s32 $0xFFFFFFFF, v12  }
0x3c4: {  	v16 =	vxor.u32 v15, v14  }
0x3c5: {  	v15 =	vor.u32 v15, v14;
	v16 =	vshrl.u32 v16, $0x1  }
0x3c6: {  	v15 =	vsub.s32 v15, v16;
	_ =	sdelay $0x4  }
0x3c7: {  	v16 =	vld.idx.msk [tilespmem:v15+s16+$0x0], $0xffff;
	_ =	sdelay $0x4  }
0x3c8: {  	v50 =	vor.u32 $0x1, v15;
	vm1 =	vgt.s32 v16, v13  }
0x3c9: {  	v14 =	vsel vm1, v14, v50;
	v12 =	vsel vm1, v15, v12  }
0x3ca: {  	v15 =	vxor.u32 v12, v14  }
0x3cb: {  	v16 =	vand.u32 v12, v14;
	v15 =	vshrl.u32 v15, $0x1  }
0x3cc: {  	v15 =	vadd.s32 v15, v16;
	_ =	sdelay $0x4  }
0x3cd: {  	v16 =	vld.idx.msk [tilespmem:v15+s16+$0x0], $0xffff;
	_ =	sdelay $0x4  }
0x3ce: {  	v51 =	vadd.s32 $0x1, v15;
	vm1 =	vgt.s32 v16, v13  }
0x3cf: {  	v14 =	vsel vm1, v14, v51;
	v12 =	vsel vm1, v15, v12  }
0x3d0: {  	v15 =	vadd.s32 v12, v14  }
0x3d1: {  	v15 =	vshrl.u32 v15, $0x1;
	_ =	sdelay $0x4  }
0x3d2: {  	v52 =	vld.idx.msk [tilespmem:v15+s16+$0x0], $0xffff;
	_ =	sdelay $0x4  }
0x3d3: {  	v53 =	vadd.s32 $0x1, v15;
	vm1 =	vgt.s32 v52, v13  }
0x3d4: {  	v14 =	vsel vm1, v14, v53;
	v12 =	vsel vm1, v15, v12  }
0x3d5: {  	v15 =	vadd.s32 v12, v14  }
0x3d6: {  	v15 =	vshrl.u32 v15, $0x1;
	_ =	sdelay $0x4  }
0x3d7: {  	v54 =	vld.idx.msk [tilespmem:v15+s16+$0x0], $0xffff;
	_ =	sdelay $0x4  }
0x3d8: {  	v55 =	vadd.s32 $0x1, v15;
	vm1 =	vgt.s32 v54, v13  }
0x3d9: {  	v14 =	vsel vm1, v14, v55;
	v12 =	vsel vm1, v15, v12  }
0x3da: {  	v15 =	vadd.s32 v12, v14  }
0x3db: {  	v15 =	vshrl.u32 v15, $0x1;
	_ =	sdelay $0x4  }
0x3dc: {  	v56 =	vld.idx.msk [tilespmem:v15+s16+$0x0], $0xffff;
	_ =	sdelay $0x4  }
0x3dd: {  	v57 =	vadd.s32 $0x1, v15;
	vm1 =	vgt.s32 v56, v13  }
0x3de: {  	v14 =	vsel vm1, v14, v57;
	v12 =	vsel vm1, v15, v12  }
0x3df: {  	v15 =	vadd.s32 v12, v14  }
0x3e0: {  	v15 =	vshrl.u32 v15, $0x1;
	_ =	sdelay $0x4  }
0x3e1: {  	v58 =	vld.idx.msk [tilespmem:v15+s16+$0x0], $0xffff;
	_ =	sdelay $0x4  }
0x3e2: {  	v59 =	vadd.s32 $0x1, v15;
	vm1 =	vgt.s32 v58, v13  }
0x3e3: {  	v14 =	vsel vm1, v14, v59;
	v12 =	vsel vm1, v15, v12  }
0x3e4: {  	v15 =	vadd.s32 v12, v14  }
0x3e5: {  	v15 =	vshrl.u32 v15, $0x1;
	_ =	sdelay $0x4  }
0x3e6: {  	v60 =	vld.idx.msk [tilespmem:v15+s16+$0x0], $0xffff;
	_ =	sdelay $0x4  }
0x3e7: {  	v61 =	vadd.s32 $0x1, v15;
	vm1 =	vgt.s32 v60, v13  }
0x3e8: {  	v14 =	vsel vm1, v14, v61;
	v12 =	vsel vm1, v15, v12  }
0x3e9: {  	v12 =	vadd.s32 v12, v14  }
0x3ea: {  	v12 =	vshrl.u32 v12, $0x1;
	_ =	sdelay $0x4  }
0x3eb: {  	v62 =	vld.idx.msk [tilespmem:v12+s16+$0x0], $0xffff;
	_ =	sdelay $0x3  }
0x3ec: {  	p0 =	sne.s32 s11, $0xC0  }
.Ltmp8:
0x3ed: {  	v12 =	vadd.s32 $0x1, v12;
	vm1 =	vgt.s32 v62, v13;
	(pc) =	sbr.rel @p0 .LBB2_18-.Ltmp8, $4  }
0x3ee: {  	v12 =	vsel vm1, v14, v12;
	vm1 =	vge.s32 v13, v8  }
0x3ef: {  	s13 =	sshra.s32 s11, $0x2;
	v12 =	vadd.s32 v0, v12;
	v63 =	vsel vm1, $0x1, v7  }
0x3f0: {  	v12 =	vsel vm1, v1, v12;
	[tilespmem:s13+$0xA80] =	vst v63  }
0x3f1: {  	s12 =	sadd.s32 $0x10, s12;
	s11 =	sadd.s32 $0x40, s11;
	[tilespmem:s13+$0x680] =	vst v12  }
0x3f2: {  	_ =	swait.ge [sflag:s4], $0x4000  }
0x3f3: {  	[sflag:s4] =	ssyncset.done $0x0  }
0x3f4: {  	[sflag:s4] =	ssyncadd.s32 $0xFFFFC000  }
0x3f5: {  	v12 =	vld [tilespmem:$0x680];
	_ =	sdelay $0x4  }
0x3f6: {  	v13 =	vshll.u32 v12, $0x1  }
0x3f7: {  	v12 =	vand.u32 $0x7, v12;
	v13 =	vand.u32 $0xFFFFFFF0, v13  }
0x3f8: {  	v12 =	vor.u32 v12, v13  }
0x3f9: {  	v13 =	vperm.xlane v12, v9;
	_ =	sdelay $0x1  }
0x3fa: {  	v12 =	vperm.xlane v12, v11;
	v13 =	vadd.s32 v10, v13;
	_ =	sdelay $0x1  }
0x3fb: {  	v12 =	vadd.s32 v10, v12;
	_ =	sdelay $0x1  }
0x3fc: {  	s11 =	simm.s32 $0x0  }
0x3fd: {  	[tilespmem:s17], [sflag:$0x1] =	stream.indirect_vreg.gather [hbm4b:s3+s11], $0x80, v13, vm0, $0xb8;
	[tilespmem:$0x8C80] =	vst v63  }
0x3fe: {  	_ = 	snop  }
0x3ff: {  	[tilespmem:s18], [sflag:$0x1] =	stream.indirect_vreg.gather [hbm4b:s3+s11], $0x80, v12, vm0, $0xb8;
	[tilespmem:$0x8C80] =	vst v63  }
0x400: {  	v12 =	vld [tilespmem:$0x690];
	_ =	sdelay $0x4  }
0x401: {  	v61 =	vshll.u32 v12, $0x1  }
0x402: {  	v12 =	vand.u32 $0x7, v12;
	v13 =	vand.u32 $0xFFFFFFF0, v61  }
0x403: {  	v12 =	vor.u32 v12, v13  }
0x404: {  	v13 =	vperm.xlane v12, v9;
	_ =	sdelay $0x1  }
0x405: {  	v12 =	vperm.xlane v12, v11;
	v13 =	vadd.s32 v10, v13;
	_ =	sdelay $0x1  }
0x406: {  	v12 =	vadd.s32 v10, v12;
	_ =	sdelay $0x2  }
0x407: {  	[tilespmem:s19], [sflag:$0x1] =	stream.indirect_vreg.gather [hbm4b:s3+s11], $0x80, v13, vm0, $0xb8;
	[tilespmem:$0x8C80] =	vst v63  }
0x408: {  	_ = 	snop  }
0x409: {  	[tilespmem:s20], [sflag:$0x1] =	stream.indirect_vreg.gather [hbm4b:s3+s11], $0x80, v12, vm0, $0xb8;
	[tilespmem:$0x8C80] =	vst v63  }
0x40a: {  	v12 =	vld [tilespmem:$0x6A0];
	_ =	sdelay $0x4  }
0x40b: {  	v62 =	vshll.u32 v12, $0x1  }
0x40c: {  	v12 =	vand.u32 $0x7, v12;
	v13 =	vand.u32 $0xFFFFFFF0, v62  }
0x40d: {  	v12 =	vor.u32 v12, v13  }
0x40e: {  	v13 =	vperm.xlane v12, v9;
	_ =	sdelay $0x1  }
0x40f: {  	v12 =	vperm.xlane v12, v11;
	v13 =	vadd.s32 v10, v13;
	_ =	sdelay $0x1  }
0x410: {  	v12 =	vadd.s32 v10, v12;
	_ =	sdelay $0x2  }
0x411: {  	[tilespmem:s21], [sflag:$0x1] =	stream.indirect_vreg.gather [hbm4b:s3+s11], $0x80, v13, vm0, $0xb8;
	[tilespmem:$0x8C80] =	vst v63  }
0x412: {  	_ = 	snop  }
0x413: {  	[tilespmem:s22], [sflag:$0x1] =	stream.indirect_vreg.gather [hbm4b:s3+s11], $0x80, v12, vm0, $0xb8;
	[tilespmem:$0x8C80] =	vst v63  }
0x414: {  	v12 =	vld [tilespmem:$0x6B0];
	_ =	sdelay $0x4  }
0x415: {  	v63 =	vshll.u32 v12, $0x1  }
0x416: {  	v12 =	vand.u32 $0x7, v12;
	v13 =	vand.u32 $0xFFFFFFF0, v63  }
0x417: {  	v12 =	vor.u32 v12, v13  }
0x418: {  	v13 =	vperm.xlane v12, v9;
	_ =	sdelay $0x1  }
0x419: {  	v12 =	vperm.xlane v12, v11;
	v13 =	vadd.s32 v10, v13;
	_ =	sdelay $0x1  }
0x41a: {  	v12 =	vadd.s32 v10, v12;
	_ =	sdelay $0x2  }
0x41b: {  	[tilespmem:s23], [sflag:$0x1] =	stream.indirect_vreg.gather [hbm4b:s3+s11], $0x80, v13, vm0, $0xb8;
	[tilespmem:$0x8C80] =	vst v63  }
0x41c: {  	_ = 	snop  }
0x41d: {  	[tilespmem:s24], [sflag:$0x1] =	stream.indirect_vreg.gather [hbm4b:s3+s11], $0x80, v12, vm0, $0xb8;
	[tilespmem:$0x8C80] =	vst v63  }
0x41e: {  	_ =	swait.ge [sflag:s7], $0x4000  }
0x41f: {  	[sflag:s7] =	ssyncset.done $0x0  }
0x420: {  	s12 =	rddreg [dreg:$0xc];
	[sflag:s7] =	ssyncadd.s32 $0xFFFFC000  }
0x421: {  	[hbm4b:s12+s11] =	stream.linear.scatter [tilespmem:s25], [sflag:$0x4], $0x4000, $0x38;
	[tilespmem:$0x8C80] =	vst v63  }
0x422: {  	s12 =	rddreg [dreg:$0x1f]  }
.LBB2_20:
0x423: {  	v12 =	vld.idx.msk [tilespmem:v3+s16+$0x0], $0xffff;
	_ =	sdelay $0x3  }
0x424: {  	v13 =	vor.u32 s12, v2  }
0x425: {  	vm1 =	vgt.s32 v12, v13  }
0x426: {  	v12 =	vsel vm1, $0x80, v6;
	_ =	sdelay $0x4  }
0x427: {  	v14 =	vld.idx.msk [tilespmem:v12+s16+$0x0], $0xffff;
	_ =	sdelay $0x4  }
0x428: {  	v15 =	vsel vm1, $0x100, v5;
	vm2 =	vgt.s32 v14, v13  }
0x429: {  	v49 =	vsel vm1, $0x0, v4;
	v16 =	vor.u32 $0x1, v12;
	v12 =	vsel vm2, v12, v15  }
0x42a: {  	v14 =	vsel vm2, v49, v16;
	v15 =	vadd.s32 $0xFFFFFFFF, v12  }
0x42b: {  	v16 =	vxor.u32 v15, v14  }
0x42c: {  	v15 =	vor.u32 v15, v14;
	v16 =	vshrl.u32 v16, $0x1  }
0x42d: {  	v15 =	vsub.s32 v15, v16;
	_ =	sdelay $0x4  }
0x42e: {  	v16 =	vld.idx.msk [tilespmem:v15+s16+$0x0], $0xffff;
	_ =	sdelay $0x4  }
0x42f: {  	v50 =	vor.u32 $0x1, v15;
	vm1 =	vgt.s32 v16, v13  }
0x430: {  	v14 =	vsel vm1, v14, v50;
	v12 =	vsel vm1, v15, v12  }
0x431: {  	v15 =	vxor.u32 v12, v14  }
0x432: {  	v16 =	vand.u32 v12, v14;
	v15 =	vshrl.u32 v15, $0x1  }
0x433: {  	v15 =	vadd.s32 v15, v16;
	_ =	sdelay $0x4  }
0x434: {  	v16 =	vld.idx.msk [tilespmem:v15+s16+$0x0], $0xffff;
	_ =	sdelay $0x4  }
0x435: {  	v51 =	vadd.s32 $0x1, v15;
	vm1 =	vgt.s32 v16, v13  }
0x436: {  	v14 =	vsel vm1, v14, v51;
	v12 =	vsel vm1, v15, v12  }
0x437: {  	v15 =	vadd.s32 v12, v14  }
0x438: {  	v15 =	vshrl.u32 v15, $0x1;
	_ =	sdelay $0x4  }
0x439: {  	v52 =	vld.idx.msk [tilespmem:v15+s16+$0x0], $0xffff;
	_ =	sdelay $0x4  }
0x43a: {  	v53 =	vadd.s32 $0x1, v15;
	vm1 =	vgt.s32 v52, v13  }
0x43b: {  	v14 =	vsel vm1, v14, v53;
	v12 =	vsel vm1, v15, v12  }
0x43c: {  	v15 =	vadd.s32 v12, v14  }
0x43d: {  	v15 =	vshrl.u32 v15, $0x1;
	_ =	sdelay $0x4  }
0x43e: {  	v54 =	vld.idx.msk [tilespmem:v15+s16+$0x0], $0xffff;
	_ =	sdelay $0x4  }
0x43f: {  	v55 =	vadd.s32 $0x1, v15;
	vm1 =	vgt.s32 v54, v13  }
0x440: {  	v14 =	vsel vm1, v14, v55;
	v12 =	vsel vm1, v15, v12  }
0x441: {  	v15 =	vadd.s32 v12, v14  }
0x442: {  	v15 =	vshrl.u32 v15, $0x1;
	_ =	sdelay $0x4  }
0x443: {  	v56 =	vld.idx.msk [tilespmem:v15+s16+$0x0], $0xffff;
	_ =	sdelay $0x4  }
0x444: {  	v57 =	vadd.s32 $0x1, v15;
	vm1 =	vgt.s32 v56, v13  }
0x445: {  	v14 =	vsel vm1, v14, v57;
	v12 =	vsel vm1, v15, v12  }
0x446: {  	v15 =	vadd.s32 v12, v14  }
0x447: {  	v15 =	vshrl.u32 v15, $0x1;
	_ =	sdelay $0x4  }
0x448: {  	v58 =	vld.idx.msk [tilespmem:v15+s16+$0x0], $0xffff;
	_ =	sdelay $0x4  }
0x449: {  	v59 =	vadd.s32 $0x1, v15;
	vm1 =	vgt.s32 v58, v13  }
0x44a: {  	v14 =	vsel vm1, v14, v59;
	v12 =	vsel vm1, v15, v12  }
0x44b: {  	v15 =	vadd.s32 v12, v14  }
0x44c: {  	v15 =	vshrl.u32 v15, $0x1;
	_ =	sdelay $0x4  }
0x44d: {  	v60 =	vld.idx.msk [tilespmem:v15+s16+$0x0], $0xffff;
	_ =	sdelay $0x4  }
0x44e: {  	v61 =	vadd.s32 $0x1, v15;
	vm1 =	vgt.s32 v60, v13  }
0x44f: {  	v14 =	vsel vm1, v14, v61;
	v12 =	vsel vm1, v15, v12  }
0x450: {  	v12 =	vadd.s32 v12, v14  }
0x451: {  	v12 =	vshrl.u32 v12, $0x1;
	_ =	sdelay $0x4  }
0x452: {  	v62 =	vld.idx.msk [tilespmem:v12+s16+$0x0], $0xffff;
	_ =	sdelay $0x3  }
0x453: {  	p0 =	sne.s32 s11, $0xC0  }
.Ltmp9:
0x454: {  	v12 =	vadd.s32 $0x1, v12;
	vm1 =	vgt.s32 v62, v13;
	(pc) =	sbr.rel @p0 .LBB2_20-.Ltmp9, $4  }
0x455: {  	v12 =	vsel vm1, v14, v12;
	vm1 =	vge.s32 v13, v8  }
0x456: {  	s13 =	sshra.s32 s11, $0x2;
	v12 =	vadd.s32 v0, v12;
	v63 =	vsel vm1, $0x1, v7  }
0x457: {  	v12 =	vsel vm1, v1, v12;
	[tilespmem:s13+$0xAC0] =	vst v63  }
0x458: {  	s12 =	sadd.s32 $0x10, s12;
	s11 =	sadd.s32 $0x40, s11;
	[tilespmem:s13+$0x6C0] =	vst v12  }
0x459: {  	_ =	swait.ge [sflag:s9], $0x4000  }
0x45a: {  	[sflag:s9] =	ssyncset.done $0x0  }
0x45b: {  	[sflag:s9] =	ssyncadd.s32 $0xFFFFC000  }
0x45c: {  	v12 =	vld [tilespmem:$0x6C0];
	_ =	sdelay $0x4  }
0x45d: {  	v13 =	vshll.u32 v12, $0x1  }
0x45e: {  	v12 =	vand.u32 $0x7, v12;
	v13 =	vand.u32 $0xFFFFFFF0, v13  }
0x45f: {  	v12 =	vor.u32 v12, v13  }
0x460: {  	v13 =	vperm.xlane v12, v9;
	_ =	sdelay $0x1  }
0x461: {  	v12 =	vperm.xlane v12, v11;
	v13 =	vadd.s32 v10, v13;
	_ =	sdelay $0x1  }
0x462: {  	v12 =	vadd.s32 v10, v12;
	_ =	sdelay $0x1  }
0x463: {  	s11 =	simm.s32 $0x0  }
0x464: {  	[tilespmem:s25], [sflag:$0x2] =	stream.indirect_vreg.gather [hbm4b:s3+s11], $0x80, v13, vm0, $0xb8;
	[tilespmem:$0x8C80] =	vst v63  }
0x465: {  	_ = 	snop  }
0x466: {  	[tilespmem:s26], [sflag:$0x2] =	stream.indirect_vreg.gather [hbm4b:s3+s11], $0x80, v12, vm0, $0xb8;
	[tilespmem:$0x8C80] =	vst v63  }
0x467: {  	v12 =	vld [tilespmem:$0x6D0];
	_ =	sdelay $0x4  }
0x468: {  	v61 =	vshll.u32 v12, $0x1  }
0x469: {  	v12 =	vand.u32 $0x7, v12;
	v13 =	vand.u32 $0xFFFFFFF0, v61  }
0x46a: {  	v12 =	vor.u32 v12, v13  }
0x46b: {  	v13 =	vperm.xlane v12, v9;
	_ =	sdelay $0x1  }
0x46c: {  	v12 =	vperm.xlane v12, v11;
	v13 =	vadd.s32 v10, v13;
	_ =	sdelay $0x1  }
0x46d: {  	v12 =	vadd.s32 v10, v12;
	_ =	sdelay $0x2  }
0x46e: {  	[tilespmem:s28], [sflag:$0x2] =	stream.indirect_vreg.gather [hbm4b:s3+s11], $0x80, v13, vm0, $0xb8;
	[tilespmem:$0x8C80] =	vst v63  }
0x46f: {  	_ = 	snop  }
0x470: {  	[tilespmem:s29], [sflag:$0x2] =	stream.indirect_vreg.gather [hbm4b:s3+s11], $0x80, v12, vm0, $0xb8;
	[tilespmem:$0x8C80] =	vst v63  }
0x471: {  	v12 =	vld [tilespmem:$0x6E0];
	_ =	sdelay $0x4  }
0x472: {  	v62 =	vshll.u32 v12, $0x1  }
0x473: {  	v12 =	vand.u32 $0x7, v12;
	v13 =	vand.u32 $0xFFFFFFF0, v62  }
0x474: {  	v12 =	vor.u32 v12, v13  }
0x475: {  	v13 =	vperm.xlane v12, v9;
	_ =	sdelay $0x1  }
0x476: {  	v12 =	vperm.xlane v12, v11;
	v13 =	vadd.s32 v10, v13;
	_ =	sdelay $0x1  }
0x477: {  	v12 =	vadd.s32 v10, v12;
	_ =	sdelay $0x2  }
0x478: {  	[tilespmem:s30], [sflag:$0x2] =	stream.indirect_vreg.gather [hbm4b:s3+s11], $0x80, v13, vm0, $0xb8;
	[tilespmem:$0x8C80] =	vst v63  }
0x479: {  	_ = 	snop  }
0x47a: {  	[tilespmem:s31], [sflag:$0x2] =	stream.indirect_vreg.gather [hbm4b:s3+s11], $0x80, v12, vm0, $0xb8;
	[tilespmem:$0x8C80] =	vst v63  }
0x47b: {  	v12 =	vld [tilespmem:$0x6F0];
	_ =	sdelay $0x4  }
0x47c: {  	v63 =	vshll.u32 v12, $0x1  }
0x47d: {  	v12 =	vand.u32 $0x7, v12;
	v13 =	vand.u32 $0xFFFFFFF0, v63  }
0x47e: {  	v12 =	vor.u32 v12, v13  }
0x47f: {  	v13 =	vperm.xlane v12, v9;
	_ =	sdelay $0x1  }
0x480: {  	v12 =	vperm.xlane v12, v11;
	v13 =	vadd.s32 v10, v13;
	_ =	sdelay $0x1  }
0x481: {  	v12 =	vadd.s32 v10, v12;
	_ =	sdelay $0x2  }
0x482: {  	[tilespmem:s1], [sflag:$0x2] =	stream.indirect_vreg.gather [hbm4b:s3+s11], $0x80, v13, vm0, $0xb8;
	[tilespmem:$0x8C80] =	vst v63  }
0x483: {  	_ = 	snop  }
0x484: {  	[tilespmem:s0], [sflag:$0x2] =	stream.indirect_vreg.gather [hbm4b:s3+s11], $0x80, v12, vm0, $0xb8;
	[tilespmem:$0x8C80] =	vst v63  }
0x485: {  	_ =	swait.ge [sflag:s6], $0x4000  }
0x486: {  	[sflag:s6] =	ssyncset.done $0x0  }
0x487: {  	s12 =	rddreg [dreg:$0xd];
	[sflag:s6] =	ssyncadd.s32 $0xFFFFC000  }
0x488: {  	[hbm4b:s12+s11] =	stream.linear.scatter [tilespmem:s17], [sflag:$0x3], $0x4000, $0x38;
	[tilespmem:$0x8C80] =	vst v63  }
0x489: {  	s12 =	sld [smem:$0x7F9]  }
.LBB2_22:
0x48a: {  	v12 =	vld.idx.msk [tilespmem:v3+s16+$0x0], $0xffff;
	_ =	sdelay $0x3  }
0x48b: {  	v13 =	vor.u32 s12, v2  }
0x48c: {  	vm1 =	vgt.s32 v12, v13  }
0x48d: {  	v12 =	vsel vm1, $0x80, v6;
	_ =	sdelay $0x4  }
0x48e: {  	v14 =	vld.idx.msk [tilespmem:v12+s16+$0x0], $0xffff;
	_ =	sdelay $0x4  }
0x48f: {  	v15 =	vsel vm1, $0x100, v5;
	vm2 =	vgt.s32 v14, v13  }
0x490: {  	v49 =	vsel vm1, $0x0, v4;
	v16 =	vor.u32 $0x1, v12;
	v12 =	vsel vm2, v12, v15  }
0x491: {  	v14 =	vsel vm2, v49, v16;
	v15 =	vadd.s32 $0xFFFFFFFF, v12  }
0x492: {  	v16 =	vxor.u32 v15, v14  }
0x493: {  	v15 =	vor.u32 v15, v14;
	v16 =	vshrl.u32 v16, $0x1  }
0x494: {  	v15 =	vsub.s32 v15, v16;
	_ =	sdelay $0x4  }
0x495: {  	v16 =	vld.idx.msk [tilespmem:v15+s16+$0x0], $0xffff;
	_ =	sdelay $0x4  }
0x496: {  	v50 =	vor.u32 $0x1, v15;
	vm1 =	vgt.s32 v16, v13  }
0x497: {  	v14 =	vsel vm1, v14, v50;
	v12 =	vsel vm1, v15, v12  }
0x498: {  	v15 =	vxor.u32 v12, v14  }
0x499: {  	v16 =	vand.u32 v12, v14;
	v15 =	vshrl.u32 v15, $0x1  }
0x49a: {  	v15 =	vadd.s32 v15, v16;
	_ =	sdelay $0x4  }
0x49b: {  	v16 =	vld.idx.msk [tilespmem:v15+s16+$0x0], $0xffff;
	_ =	sdelay $0x4  }
0x49c: {  	v51 =	vadd.s32 $0x1, v15;
	vm1 =	vgt.s32 v16, v13  }
0x49d: {  	v14 =	vsel vm1, v14, v51;
	v12 =	vsel vm1, v15, v12  }
0x49e: {  	v15 =	vadd.s32 v12, v14  }
0x49f: {  	v15 =	vshrl.u32 v15, $0x1;
	_ =	sdelay $0x4  }
0x4a0: {  	v52 =	vld.idx.msk [tilespmem:v15+s16+$0x0], $0xffff;
	_ =	sdelay $0x4  }
0x4a1: {  	v53 =	vadd.s32 $0x1, v15;
	vm1 =	vgt.s32 v52, v13  }
0x4a2: {  	v14 =	vsel vm1, v14, v53;
	v12 =	vsel vm1, v15, v12  }
0x4a3: {  	v15 =	vadd.s32 v12, v14  }
0x4a4: {  	v15 =	vshrl.u32 v15, $0x1;
	_ =	sdelay $0x4  }
0x4a5: {  	v54 =	vld.idx.msk [tilespmem:v15+s16+$0x0], $0xffff;
	_ =	sdelay $0x4  }
0x4a6: {  	v55 =	vadd.s32 $0x1, v15;
	vm1 =	vgt.s32 v54, v13  }
0x4a7: {  	v14 =	vsel vm1, v14, v55;
	v12 =	vsel vm1, v15, v12  }
0x4a8: {  	v15 =	vadd.s32 v12, v14  }
0x4a9: {  	v15 =	vshrl.u32 v15, $0x1;
	_ =	sdelay $0x4  }
0x4aa: {  	v56 =	vld.idx.msk [tilespmem:v15+s16+$0x0], $0xffff;
	_ =	sdelay $0x4  }
0x4ab: {  	v57 =	vadd.s32 $0x1, v15;
	vm1 =	vgt.s32 v56, v13  }
0x4ac: {  	v14 =	vsel vm1, v14, v57;
	v12 =	vsel vm1, v15, v12  }
0x4ad: {  	v15 =	vadd.s32 v12, v14  }
0x4ae: {  	v15 =	vshrl.u32 v15, $0x1;
	_ =	sdelay $0x4  }
0x4af: {  	v58 =	vld.idx.msk [tilespmem:v15+s16+$0x0], $0xffff;
	_ =	sdelay $0x4  }
0x4b0: {  	v59 =	vadd.s32 $0x1, v15;
	vm1 =	vgt.s32 v58, v13  }
0x4b1: {  	v14 =	vsel vm1, v14, v59;
	v12 =	vsel vm1, v15, v12  }
0x4b2: {  	v15 =	vadd.s32 v12, v14  }
0x4b3: {  	v15 =	vshrl.u32 v15, $0x1;
	_ =	sdelay $0x4  }
0x4b4: {  	v60 =	vld.idx.msk [tilespmem:v15+s16+$0x0], $0xffff;
	_ =	sdelay $0x4  }
0x4b5: {  	v61 =	vadd.s32 $0x1, v15;
	vm1 =	vgt.s32 v60, v13  }
0x4b6: {  	v14 =	vsel vm1, v14, v61;
	v12 =	vsel vm1, v15, v12  }
0x4b7: {  	v12 =	vadd.s32 v12, v14  }
0x4b8: {  	v12 =	vshrl.u32 v12, $0x1;
	_ =	sdelay $0x4  }
0x4b9: {  	v62 =	vld.idx.msk [tilespmem:v12+s16+$0x0], $0xffff;
	_ =	sdelay $0x3  }
0x4ba: {  	p0 =	sne.s32 s11, $0xC0  }
.Ltmp10:
0x4bb: {  	v12 =	vadd.s32 $0x1, v12;
	vm1 =	vgt.s32 v62, v13;
	(pc) =	sbr.rel @p0 .LBB2_22-.Ltmp10, $4  }
0x4bc: {  	v12 =	vsel vm1, v14, v12;
	vm1 =	vge.s32 v13, v8  }
0x4bd: {  	s13 =	sshra.s32 s11, $0x2;
	v12 =	vadd.s32 v0, v12;
	v63 =	vsel vm1, $0x1, v7  }
0x4be: {  	v12 =	vsel vm1, v1, v12;
	[tilespmem:s13+$0xB00] =	vst v63  }
0x4bf: {  	s12 =	sadd.s32 $0x10, s12;
	s11 =	sadd.s32 $0x40, s11;
	[tilespmem:s13+$0x700] =	vst v12  }
0x4c0: {  	_ =	swait.ge [sflag:s4], $0x4000  }
0x4c1: {  	[sflag:s4] =	ssyncset.done $0x0  }
0x4c2: {  	[sflag:s4] =	ssyncadd.s32 $0xFFFFC000  }
0x4c3: {  	v12 =	vld [tilespmem:$0x700];
	_ =	sdelay $0x4  }
0x4c4: {  	v13 =	vshll.u32 v12, $0x1  }
0x4c5: {  	v12 =	vand.u32 $0x7, v12;
	v13 =	vand.u32 $0xFFFFFFF0, v13  }
0x4c6: {  	v12 =	vor.u32 v12, v13  }
0x4c7: {  	v13 =	vperm.xlane v12, v9;
	_ =	sdelay $0x1  }
0x4c8: {  	v12 =	vperm.xlane v12, v11;
	v13 =	vadd.s32 v10, v13;
	_ =	sdelay $0x1  }
0x4c9: {  	v12 =	vadd.s32 v10, v12;
	_ =	sdelay $0x1  }
0x4ca: {  	s11 =	simm.s32 $0x0  }
0x4cb: {  	[tilespmem:s17], [sflag:$0x1] =	stream.indirect_vreg.gather [hbm4b:s3+s11], $0x80, v13, vm0, $0xb8;
	[tilespmem:$0x8C80] =	vst v63  }
0x4cc: {  	_ = 	snop  }
0x4cd: {  	[tilespmem:s18], [sflag:$0x1] =	stream.indirect_vreg.gather [hbm4b:s3+s11], $0x80, v12, vm0, $0xb8;
	[tilespmem:$0x8C80] =	vst v63  }
0x4ce: {  	v12 =	vld [tilespmem:$0x710];
	_ =	sdelay $0x4  }
0x4cf: {  	v61 =	vshll.u32 v12, $0x1  }
0x4d0: {  	v12 =	vand.u32 $0x7, v12;
	v13 =	vand.u32 $0xFFFFFFF0, v61  }
0x4d1: {  	v12 =	vor.u32 v12, v13  }
0x4d2: {  	v13 =	vperm.xlane v12, v9;
	_ =	sdelay $0x1  }
0x4d3: {  	v12 =	vperm.xlane v12, v11;
	v13 =	vadd.s32 v10, v13;
	_ =	sdelay $0x1  }
0x4d4: {  	v12 =	vadd.s32 v10, v12;
	_ =	sdelay $0x2  }
0x4d5: {  	[tilespmem:s19], [sflag:$0x1] =	stream.indirect_vreg.gather [hbm4b:s3+s11], $0x80, v13, vm0, $0xb8;
	[tilespmem:$0x8C80] =	vst v63  }
0x4d6: {  	_ = 	snop  }
0x4d7: {  	[tilespmem:s20], [sflag:$0x1] =	stream.indirect_vreg.gather [hbm4b:s3+s11], $0x80, v12, vm0, $0xb8;
	[tilespmem:$0x8C80] =	vst v63  }
0x4d8: {  	v12 =	vld [tilespmem:$0x720];
	_ =	sdelay $0x4  }
0x4d9: {  	v62 =	vshll.u32 v12, $0x1  }
0x4da: {  	v12 =	vand.u32 $0x7, v12;
	v13 =	vand.u32 $0xFFFFFFF0, v62  }
0x4db: {  	v12 =	vor.u32 v12, v13  }
0x4dc: {  	v13 =	vperm.xlane v12, v9;
	_ =	sdelay $0x1  }
0x4dd: {  	v12 =	vperm.xlane v12, v11;
	v13 =	vadd.s32 v10, v13;
	_ =	sdelay $0x1  }
0x4de: {  	v12 =	vadd.s32 v10, v12;
	_ =	sdelay $0x2  }
0x4df: {  	[tilespmem:s21], [sflag:$0x1] =	stream.indirect_vreg.gather [hbm4b:s3+s11], $0x80, v13, vm0, $0xb8;
	[tilespmem:$0x8C80] =	vst v63  }
0x4e0: {  	_ = 	snop  }
0x4e1: {  	[tilespmem:s22], [sflag:$0x1] =	stream.indirect_vreg.gather [hbm4b:s3+s11], $0x80, v12, vm0, $0xb8;
	[tilespmem:$0x8C80] =	vst v63  }
0x4e2: {  	v12 =	vld [tilespmem:$0x730];
	_ =	sdelay $0x4  }
0x4e3: {  	v63 =	vshll.u32 v12, $0x1  }
0x4e4: {  	v12 =	vand.u32 $0x7, v12;
	v13 =	vand.u32 $0xFFFFFFF0, v63  }
0x4e5: {  	v12 =	vor.u32 v12, v13  }
0x4e6: {  	v13 =	vperm.xlane v12, v9;
	_ =	sdelay $0x1  }
0x4e7: {  	v12 =	vperm.xlane v12, v11;
	v13 =	vadd.s32 v10, v13;
	_ =	sdelay $0x1  }
0x4e8: {  	v12 =	vadd.s32 v10, v12;
	_ =	sdelay $0x2  }
0x4e9: {  	[tilespmem:s23], [sflag:$0x1] =	stream.indirect_vreg.gather [hbm4b:s3+s11], $0x80, v13, vm0, $0xb8;
	[tilespmem:$0x8C80] =	vst v63  }
0x4ea: {  	_ = 	snop  }
0x4eb: {  	[tilespmem:s24], [sflag:$0x1] =	stream.indirect_vreg.gather [hbm4b:s3+s11], $0x80, v12, vm0, $0xb8;
	[tilespmem:$0x8C80] =	vst v63  }
0x4ec: {  	_ =	swait.ge [sflag:s7], $0x4000  }
0x4ed: {  	[sflag:s7] =	ssyncset.done $0x0  }
0x4ee: {  	s12 =	rddreg [dreg:$0xe];
	[sflag:s7] =	ssyncadd.s32 $0xFFFFC000  }
0x4ef: {  	[hbm4b:s12+s11] =	stream.linear.scatter [tilespmem:s25], [sflag:$0x4], $0x4000, $0x38;
	[tilespmem:$0x8C80] =	vst v63  }
0x4f0: {  	s12 =	sld [smem:$0x7FA]  }
.LBB2_24:
0x4f1: {  	v12 =	vld.idx.msk [tilespmem:v3+s16+$0x0], $0xffff;
	_ =	sdelay $0x3  }
0x4f2: {  	v13 =	vor.u32 s12, v2  }
0x4f3: {  	vm1 =	vgt.s32 v12, v13  }
0x4f4: {  	v12 =	vsel vm1, $0x80, v6;
	_ =	sdelay $0x4  }
0x4f5: {  	v14 =	vld.idx.msk [tilespmem:v12+s16+$0x0], $0xffff;
	_ =	sdelay $0x4  }
0x4f6: {  	v15 =	vsel vm1, $0x100, v5;
	vm2 =	vgt.s32 v14, v13  }
0x4f7: {  	v49 =	vsel vm1, $0x0, v4;
	v16 =	vor.u32 $0x1, v12;
	v12 =	vsel vm2, v12, v15  }
0x4f8: {  	v14 =	vsel vm2, v49, v16;
	v15 =	vadd.s32 $0xFFFFFFFF, v12  }
0x4f9: {  	v16 =	vxor.u32 v15, v14  }
0x4fa: {  	v15 =	vor.u32 v15, v14;
	v16 =	vshrl.u32 v16, $0x1  }
0x4fb: {  	v15 =	vsub.s32 v15, v16;
	_ =	sdelay $0x4  }
0x4fc: {  	v16 =	vld.idx.msk [tilespmem:v15+s16+$0x0], $0xffff;
	_ =	sdelay $0x4  }
0x4fd: {  	v50 =	vor.u32 $0x1, v15;
	vm1 =	vgt.s32 v16, v13  }
0x4fe: {  	v14 =	vsel vm1, v14, v50;
	v12 =	vsel vm1, v15, v12  }
0x4ff: {  	v15 =	vxor.u32 v12, v14  }
0x500: {  	v16 =	vand.u32 v12, v14;
	v15 =	vshrl.u32 v15, $0x1  }
0x501: {  	v15 =	vadd.s32 v15, v16;
	_ =	sdelay $0x4  }
0x502: {  	v16 =	vld.idx.msk [tilespmem:v15+s16+$0x0], $0xffff;
	_ =	sdelay $0x4  }
0x503: {  	v51 =	vadd.s32 $0x1, v15;
	vm1 =	vgt.s32 v16, v13  }
0x504: {  	v14 =	vsel vm1, v14, v51;
	v12 =	vsel vm1, v15, v12  }
0x505: {  	v15 =	vadd.s32 v12, v14  }
0x506: {  	v15 =	vshrl.u32 v15, $0x1;
	_ =	sdelay $0x4  }
0x507: {  	v52 =	vld.idx.msk [tilespmem:v15+s16+$0x0], $0xffff;
	_ =	sdelay $0x4  }
0x508: {  	v53 =	vadd.s32 $0x1, v15;
	vm1 =	vgt.s32 v52, v13  }
0x509: {  	v14 =	vsel vm1, v14, v53;
	v12 =	vsel vm1, v15, v12  }
0x50a: {  	v15 =	vadd.s32 v12, v14  }
0x50b: {  	v15 =	vshrl.u32 v15, $0x1;
	_ =	sdelay $0x4  }
0x50c: {  	v54 =	vld.idx.msk [tilespmem:v15+s16+$0x0], $0xffff;
	_ =	sdelay $0x4  }
0x50d: {  	v55 =	vadd.s32 $0x1, v15;
	vm1 =	vgt.s32 v54, v13  }
0x50e: {  	v14 =	vsel vm1, v14, v55;
	v12 =	vsel vm1, v15, v12  }
0x50f: {  	v15 =	vadd.s32 v12, v14  }
0x510: {  	v15 =	vshrl.u32 v15, $0x1;
	_ =	sdelay $0x4  }
0x511: {  	v56 =	vld.idx.msk [tilespmem:v15+s16+$0x0], $0xffff;
	_ =	sdelay $0x4  }
0x512: {  	v57 =	vadd.s32 $0x1, v15;
	vm1 =	vgt.s32 v56, v13  }
0x513: {  	v14 =	vsel vm1, v14, v57;
	v12 =	vsel vm1, v15, v12  }
0x514: {  	v15 =	vadd.s32 v12, v14  }
0x515: {  	v15 =	vshrl.u32 v15, $0x1;
	_ =	sdelay $0x4  }
0x516: {  	v58 =	vld.idx.msk [tilespmem:v15+s16+$0x0], $0xffff;
	_ =	sdelay $0x4  }
0x517: {  	v59 =	vadd.s32 $0x1, v15;
	vm1 =	vgt.s32 v58, v13  }
0x518: {  	v14 =	vsel vm1, v14, v59;
	v12 =	vsel vm1, v15, v12  }
0x519: {  	v15 =	vadd.s32 v12, v14  }
0x51a: {  	v15 =	vshrl.u32 v15, $0x1;
	_ =	sdelay $0x4  }
0x51b: {  	v60 =	vld.idx.msk [tilespmem:v15+s16+$0x0], $0xffff;
	_ =	sdelay $0x4  }
0x51c: {  	v61 =	vadd.s32 $0x1, v15;
	vm1 =	vgt.s32 v60, v13  }
0x51d: {  	v14 =	vsel vm1, v14, v61;
	v12 =	vsel vm1, v15, v12  }
0x51e: {  	v12 =	vadd.s32 v12, v14  }
0x51f: {  	v12 =	vshrl.u32 v12, $0x1;
	_ =	sdelay $0x4  }
0x520: {  	v62 =	vld.idx.msk [tilespmem:v12+s16+$0x0], $0xffff;
	_ =	sdelay $0x3  }
0x521: {  	p0 =	sne.s32 s11, $0xC0  }
.Ltmp11:
0x522: {  	v12 =	vadd.s32 $0x1, v12;
	vm1 =	vgt.s32 v62, v13;
	(pc) =	sbr.rel @p0 .LBB2_24-.Ltmp11, $4  }
0x523: {  	v12 =	vsel vm1, v14, v12;
	vm1 =	vge.s32 v13, v8  }
0x524: {  	s13 =	sshra.s32 s11, $0x2;
	v12 =	vadd.s32 v0, v12;
	v63 =	vsel vm1, $0x1, v7  }
0x525: {  	v12 =	vsel vm1, v1, v12;
	[tilespmem:s13+$0xB40] =	vst v63  }
0x526: {  	s12 =	sadd.s32 $0x10, s12;
	s11 =	sadd.s32 $0x40, s11;
	[tilespmem:s13+$0x740] =	vst v12  }
0x527: {  	_ =	swait.ge [sflag:s9], $0x4000  }
0x528: {  	[sflag:s9] =	ssyncset.done $0x0  }
0x529: {  	[sflag:s9] =	ssyncadd.s32 $0xFFFFC000  }
0x52a: {  	v12 =	vld [tilespmem:$0x740];
	_ =	sdelay $0x4  }
0x52b: {  	v13 =	vshll.u32 v12, $0x1  }
0x52c: {  	v12 =	vand.u32 $0x7, v12;
	v13 =	vand.u32 $0xFFFFFFF0, v13  }
0x52d: {  	v12 =	vor.u32 v12, v13  }
0x52e: {  	v13 =	vperm.xlane v12, v9;
	_ =	sdelay $0x1  }
0x52f: {  	v12 =	vperm.xlane v12, v11;
	v13 =	vadd.s32 v10, v13;
	_ =	sdelay $0x1  }
0x530: {  	v12 =	vadd.s32 v10, v12;
	_ =	sdelay $0x1  }
0x531: {  	s11 =	simm.s32 $0x0  }
0x532: {  	[tilespmem:s25], [sflag:$0x2] =	stream.indirect_vreg.gather [hbm4b:s3+s11], $0x80, v13, vm0, $0xb8;
	[tilespmem:$0x8C80] =	vst v63  }
0x533: {  	_ = 	snop  }
0x534: {  	[tilespmem:s26], [sflag:$0x2] =	stream.indirect_vreg.gather [hbm4b:s3+s11], $0x80, v12, vm0, $0xb8;
	[tilespmem:$0x8C80] =	vst v63  }
0x535: {  	v12 =	vld [tilespmem:$0x750];
	_ =	sdelay $0x4  }
0x536: {  	v61 =	vshll.u32 v12, $0x1  }
0x537: {  	v12 =	vand.u32 $0x7, v12;
	v13 =	vand.u32 $0xFFFFFFF0, v61  }
0x538: {  	v12 =	vor.u32 v12, v13  }
0x539: {  	v13 =	vperm.xlane v12, v9;
	_ =	sdelay $0x1  }
0x53a: {  	v12 =	vperm.xlane v12, v11;
	v13 =	vadd.s32 v10, v13;
	_ =	sdelay $0x1  }
0x53b: {  	v12 =	vadd.s32 v10, v12;
	_ =	sdelay $0x2  }
0x53c: {  	[tilespmem:s28], [sflag:$0x2] =	stream.indirect_vreg.gather [hbm4b:s3+s11], $0x80, v13, vm0, $0xb8;
	[tilespmem:$0x8C80] =	vst v63  }
0x53d: {  	_ = 	snop  }
0x53e: {  	[tilespmem:s29], [sflag:$0x2] =	stream.indirect_vreg.gather [hbm4b:s3+s11], $0x80, v12, vm0, $0xb8;
	[tilespmem:$0x8C80] =	vst v63  }
0x53f: {  	v12 =	vld [tilespmem:$0x760];
	_ =	sdelay $0x4  }
0x540: {  	v62 =	vshll.u32 v12, $0x1  }
0x541: {  	v12 =	vand.u32 $0x7, v12;
	v13 =	vand.u32 $0xFFFFFFF0, v62  }
0x542: {  	v12 =	vor.u32 v12, v13  }
0x543: {  	v13 =	vperm.xlane v12, v9;
	_ =	sdelay $0x1  }
0x544: {  	v12 =	vperm.xlane v12, v11;
	v13 =	vadd.s32 v10, v13;
	_ =	sdelay $0x1  }
0x545: {  	v12 =	vadd.s32 v10, v12;
	_ =	sdelay $0x2  }
0x546: {  	[tilespmem:s30], [sflag:$0x2] =	stream.indirect_vreg.gather [hbm4b:s3+s11], $0x80, v13, vm0, $0xb8;
	[tilespmem:$0x8C80] =	vst v63  }
0x547: {  	_ = 	snop  }
0x548: {  	[tilespmem:s31], [sflag:$0x2] =	stream.indirect_vreg.gather [hbm4b:s3+s11], $0x80, v12, vm0, $0xb8;
	[tilespmem:$0x8C80] =	vst v63  }
0x549: {  	v12 =	vld [tilespmem:$0x770];
	_ =	sdelay $0x4  }
0x54a: {  	v63 =	vshll.u32 v12, $0x1  }
0x54b: {  	v12 =	vand.u32 $0x7, v12;
	v13 =	vand.u32 $0xFFFFFFF0, v63  }
0x54c: {  	v12 =	vor.u32 v12, v13  }
0x54d: {  	v13 =	vperm.xlane v12, v9;
	_ =	sdelay $0x1  }
0x54e: {  	v12 =	vperm.xlane v12, v11;
	v13 =	vadd.s32 v10, v13;
	_ =	sdelay $0x1  }
0x54f: {  	v12 =	vadd.s32 v10, v12;
	_ =	sdelay $0x2  }
0x550: {  	[tilespmem:s1], [sflag:$0x2] =	stream.indirect_vreg.gather [hbm4b:s3+s11], $0x80, v13, vm0, $0xb8;
	[tilespmem:$0x8C80] =	vst v63  }
0x551: {  	_ = 	snop  }
0x552: {  	[tilespmem:s0], [sflag:$0x2] =	stream.indirect_vreg.gather [hbm4b:s3+s11], $0x80, v12, vm0, $0xb8;
	[tilespmem:$0x8C80] =	vst v63  }
0x553: {  	_ =	swait.ge [sflag:s6], $0x4000  }
0x554: {  	[sflag:s6] =	ssyncset.done $0x0  }
0x555: {  	s12 =	rddreg [dreg:$0xf];
	[sflag:s6] =	ssyncadd.s32 $0xFFFFC000  }
0x556: {  	[hbm4b:s12+s11] =	stream.linear.scatter [tilespmem:s17], [sflag:$0x3], $0x4000, $0x38;
	[tilespmem:$0x8C80] =	vst v63  }
0x557: {  	s12 =	sld [smem:$0x7FB]  }
.LBB2_26:
0x558: {  	v12 =	vld.idx.msk [tilespmem:v3+s16+$0x0], $0xffff;
	_ =	sdelay $0x3  }
0x559: {  	v13 =	vor.u32 s12, v2  }
0x55a: {  	vm1 =	vgt.s32 v12, v13  }
0x55b: {  	v12 =	vsel vm1, $0x80, v6;
	_ =	sdelay $0x4  }
0x55c: {  	v14 =	vld.idx.msk [tilespmem:v12+s16+$0x0], $0xffff;
	_ =	sdelay $0x4  }
0x55d: {  	v15 =	vsel vm1, $0x100, v5;
	vm2 =	vgt.s32 v14, v13  }
0x55e: {  	v49 =	vsel vm1, $0x0, v4;
	v16 =	vor.u32 $0x1, v12;
	v12 =	vsel vm2, v12, v15  }
0x55f: {  	v14 =	vsel vm2, v49, v16;
	v15 =	vadd.s32 $0xFFFFFFFF, v12  }
0x560: {  	v16 =	vxor.u32 v15, v14  }
0x561: {  	v15 =	vor.u32 v15, v14;
	v16 =	vshrl.u32 v16, $0x1  }
0x562: {  	v15 =	vsub.s32 v15, v16;
	_ =	sdelay $0x4  }
0x563: {  	v16 =	vld.idx.msk [tilespmem:v15+s16+$0x0], $0xffff;
	_ =	sdelay $0x4  }
0x564: {  	v50 =	vor.u32 $0x1, v15;
	vm1 =	vgt.s32 v16, v13  }
0x565: {  	v14 =	vsel vm1, v14, v50;
	v12 =	vsel vm1, v15, v12  }
0x566: {  	v15 =	vxor.u32 v12, v14  }
0x567: {  	v16 =	vand.u32 v12, v14;
	v15 =	vshrl.u32 v15, $0x1  }
0x568: {  	v15 =	vadd.s32 v15, v16;
	_ =	sdelay $0x4  }
0x569: {  	v16 =	vld.idx.msk [tilespmem:v15+s16+$0x0], $0xffff;
	_ =	sdelay $0x4  }
0x56a: {  	v51 =	vadd.s32 $0x1, v15;
	vm1 =	vgt.s32 v16, v13  }
0x56b: {  	v14 =	vsel vm1, v14, v51;
	v12 =	vsel vm1, v15, v12  }
0x56c: {  	v15 =	vadd.s32 v12, v14  }
0x56d: {  	v15 =	vshrl.u32 v15, $0x1;
	_ =	sdelay $0x4  }
0x56e: {  	v52 =	vld.idx.msk [tilespmem:v15+s16+$0x0], $0xffff;
	_ =	sdelay $0x4  }
0x56f: {  	v53 =	vadd.s32 $0x1, v15;
	vm1 =	vgt.s32 v52, v13  }
0x570: {  	v14 =	vsel vm1, v14, v53;
	v12 =	vsel vm1, v15, v12  }
0x571: {  	v15 =	vadd.s32 v12, v14  }
0x572: {  	v15 =	vshrl.u32 v15, $0x1;
	_ =	sdelay $0x4  }
0x573: {  	v54 =	vld.idx.msk [tilespmem:v15+s16+$0x0], $0xffff;
	_ =	sdelay $0x4  }
0x574: {  	v55 =	vadd.s32 $0x1, v15;
	vm1 =	vgt.s32 v54, v13  }
0x575: {  	v14 =	vsel vm1, v14, v55;
	v12 =	vsel vm1, v15, v12  }
0x576: {  	v15 =	vadd.s32 v12, v14  }
0x577: {  	v15 =	vshrl.u32 v15, $0x1;
	_ =	sdelay $0x4  }
0x578: {  	v56 =	vld.idx.msk [tilespmem:v15+s16+$0x0], $0xffff;
	_ =	sdelay $0x4  }
0x579: {  	v57 =	vadd.s32 $0x1, v15;
	vm1 =	vgt.s32 v56, v13  }
0x57a: {  	v14 =	vsel vm1, v14, v57;
	v12 =	vsel vm1, v15, v12  }
0x57b: {  	v15 =	vadd.s32 v12, v14  }
0x57c: {  	v15 =	vshrl.u32 v15, $0x1;
	_ =	sdelay $0x4  }
0x57d: {  	v58 =	vld.idx.msk [tilespmem:v15+s16+$0x0], $0xffff;
	_ =	sdelay $0x4  }
0x57e: {  	v59 =	vadd.s32 $0x1, v15;
	vm1 =	vgt.s32 v58, v13  }
0x57f: {  	v14 =	vsel vm1, v14, v59;
	v12 =	vsel vm1, v15, v12  }
0x580: {  	v15 =	vadd.s32 v12, v14  }
0x581: {  	v15 =	vshrl.u32 v15, $0x1;
	_ =	sdelay $0x4  }
0x582: {  	v60 =	vld.idx.msk [tilespmem:v15+s16+$0x0], $0xffff;
	_ =	sdelay $0x4  }
0x583: {  	v61 =	vadd.s32 $0x1, v15;
	vm1 =	vgt.s32 v60, v13  }
0x584: {  	v14 =	vsel vm1, v14, v61;
	v12 =	vsel vm1, v15, v12  }
0x585: {  	v12 =	vadd.s32 v12, v14  }
0x586: {  	v12 =	vshrl.u32 v12, $0x1;
	_ =	sdelay $0x4  }
0x587: {  	v62 =	vld.idx.msk [tilespmem:v12+s16+$0x0], $0xffff;
	_ =	sdelay $0x3  }
0x588: {  	p0 =	sne.s32 s11, $0xC0  }
.Ltmp12:
0x589: {  	v12 =	vadd.s32 $0x1, v12;
	vm1 =	vgt.s32 v62, v13;
	(pc) =	sbr.rel @p0 .LBB2_26-.Ltmp12, $4  }
0x58a: {  	v12 =	vsel vm1, v14, v12;
	vm1 =	vge.s32 v13, v8  }
0x58b: {  	s13 =	sshra.s32 s11, $0x2;
	v12 =	vadd.s32 v0, v12;
	v63 =	vsel vm1, $0x1, v7  }
0x58c: {  	v12 =	vsel vm1, v1, v12;
	[tilespmem:s13+$0xB80] =	vst v63  }
0x58d: {  	s12 =	sadd.s32 $0x10, s12;
	s11 =	sadd.s32 $0x40, s11;
	[tilespmem:s13+$0x780] =	vst v12  }
0x58e: {  	_ =	swait.ge [sflag:s4], $0x4000  }
0x58f: {  	[sflag:s4] =	ssyncset.done $0x0  }
0x590: {  	[sflag:s4] =	ssyncadd.s32 $0xFFFFC000  }
0x591: {  	v12 =	vld [tilespmem:$0x780];
	_ =	sdelay $0x4  }
0x592: {  	v13 =	vshll.u32 v12, $0x1  }
0x593: {  	v12 =	vand.u32 $0x7, v12;
	v13 =	vand.u32 $0xFFFFFFF0, v13  }
0x594: {  	v12 =	vor.u32 v12, v13  }
0x595: {  	v13 =	vperm.xlane v12, v9;
	_ =	sdelay $0x1  }
0x596: {  	v12 =	vperm.xlane v12, v11;
	v13 =	vadd.s32 v10, v13;
	_ =	sdelay $0x1  }
0x597: {  	v12 =	vadd.s32 v10, v12;
	_ =	sdelay $0x1  }
0x598: {  	s11 =	simm.s32 $0x0  }
0x599: {  	[tilespmem:s17], [sflag:$0x1] =	stream.indirect_vreg.gather [hbm4b:s3+s11], $0x80, v13, vm0, $0xb8;
	[tilespmem:$0x8C80] =	vst v63  }
0x59a: {  	_ = 	snop  }
0x59b: {  	[tilespmem:s18], [sflag:$0x1] =	stream.indirect_vreg.gather [hbm4b:s3+s11], $0x80, v12, vm0, $0xb8;
	[tilespmem:$0x8C80] =	vst v63  }
0x59c: {  	v12 =	vld [tilespmem:$0x790];
	_ =	sdelay $0x4  }
0x59d: {  	v61 =	vshll.u32 v12, $0x1  }
0x59e: {  	v12 =	vand.u32 $0x7, v12;
	v13 =	vand.u32 $0xFFFFFFF0, v61  }
0x59f: {  	v12 =	vor.u32 v12, v13  }
0x5a0: {  	v13 =	vperm.xlane v12, v9;
	_ =	sdelay $0x1  }
0x5a1: {  	v12 =	vperm.xlane v12, v11;
	v13 =	vadd.s32 v10, v13;
	_ =	sdelay $0x1  }
0x5a2: {  	v12 =	vadd.s32 v10, v12;
	_ =	sdelay $0x2  }
0x5a3: {  	[tilespmem:s19], [sflag:$0x1] =	stream.indirect_vreg.gather [hbm4b:s3+s11], $0x80, v13, vm0, $0xb8;
	[tilespmem:$0x8C80] =	vst v63  }
0x5a4: {  	_ = 	snop  }
0x5a5: {  	[tilespmem:s20], [sflag:$0x1] =	stream.indirect_vreg.gather [hbm4b:s3+s11], $0x80, v12, vm0, $0xb8;
	[tilespmem:$0x8C80] =	vst v63  }
0x5a6: {  	v12 =	vld [tilespmem:$0x7A0];
	_ =	sdelay $0x4  }
0x5a7: {  	v62 =	vshll.u32 v12, $0x1  }
0x5a8: {  	v12 =	vand.u32 $0x7, v12;
	v13 =	vand.u32 $0xFFFFFFF0, v62  }
0x5a9: {  	v12 =	vor.u32 v12, v13  }
0x5aa: {  	v13 =	vperm.xlane v12, v9;
	_ =	sdelay $0x1  }
0x5ab: {  	v12 =	vperm.xlane v12, v11;
	v13 =	vadd.s32 v10, v13;
	_ =	sdelay $0x1  }
0x5ac: {  	v12 =	vadd.s32 v10, v12;
	_ =	sdelay $0x2  }
0x5ad: {  	[tilespmem:s21], [sflag:$0x1] =	stream.indirect_vreg.gather [hbm4b:s3+s11], $0x80, v13, vm0, $0xb8;
	[tilespmem:$0x8C80] =	vst v63  }
0x5ae: {  	_ = 	snop  }
0x5af: {  	[tilespmem:s22], [sflag:$0x1] =	stream.indirect_vreg.gather [hbm4b:s3+s11], $0x80, v12, vm0, $0xb8;
	[tilespmem:$0x8C80] =	vst v63  }
0x5b0: {  	v12 =	vld [tilespmem:$0x7B0];
	_ =	sdelay $0x4  }
0x5b1: {  	v63 =	vshll.u32 v12, $0x1  }
0x5b2: {  	v12 =	vand.u32 $0x7, v12;
	v13 =	vand.u32 $0xFFFFFFF0, v63  }
0x5b3: {  	v12 =	vor.u32 v12, v13  }
0x5b4: {  	v13 =	vperm.xlane v12, v9;
	_ =	sdelay $0x1  }
0x5b5: {  	v12 =	vperm.xlane v12, v11;
	v13 =	vadd.s32 v10, v13;
	_ =	sdelay $0x1  }
0x5b6: {  	v12 =	vadd.s32 v10, v12;
	_ =	sdelay $0x2  }
0x5b7: {  	[tilespmem:s23], [sflag:$0x1] =	stream.indirect_vreg.gather [hbm4b:s3+s11], $0x80, v13, vm0, $0xb8;
	[tilespmem:$0x8C80] =	vst v63  }
0x5b8: {  	_ = 	snop  }
0x5b9: {  	[tilespmem:s24], [sflag:$0x1] =	stream.indirect_vreg.gather [hbm4b:s3+s11], $0x80, v12, vm0, $0xb8;
	[tilespmem:$0x8C80] =	vst v63  }
0x5ba: {  	_ =	swait.ge [sflag:s7], $0x4000  }
0x5bb: {  	[sflag:s7] =	ssyncset.done $0x0  }
0x5bc: {  	s12 =	rddreg [dreg:$0x10];
	[sflag:s7] =	ssyncadd.s32 $0xFFFFC000  }
0x5bd: {  	[hbm4b:s12+s11] =	stream.linear.scatter [tilespmem:s25], [sflag:$0x4], $0x4000, $0x38;
	[tilespmem:$0x8C80] =	vst v63  }
0x5be: {  	s12 =	sld [smem:$0x7FC]  }
.LBB2_28:
0x5bf: {  	v12 =	vld.idx.msk [tilespmem:v3+s16+$0x0], $0xffff;
	_ =	sdelay $0x3  }
0x5c0: {  	v13 =	vor.u32 s12, v2  }
0x5c1: {  	vm1 =	vgt.s32 v12, v13  }
0x5c2: {  	v12 =	vsel vm1, $0x80, v6;
	_ =	sdelay $0x4  }
0x5c3: {  	v14 =	vld.idx.msk [tilespmem:v12+s16+$0x0], $0xffff;
	_ =	sdelay $0x4  }
0x5c4: {  	v15 =	vsel vm1, $0x100, v5;
	vm2 =	vgt.s32 v14, v13  }
0x5c5: {  	v49 =	vsel vm1, $0x0, v4;
	v16 =	vor.u32 $0x1, v12;
	v12 =	vsel vm2, v12, v15  }
0x5c6: {  	v14 =	vsel vm2, v49, v16;
	v15 =	vadd.s32 $0xFFFFFFFF, v12  }
0x5c7: {  	v16 =	vxor.u32 v15, v14  }
0x5c8: {  	v15 =	vor.u32 v15, v14;
	v16 =	vshrl.u32 v16, $0x1  }
0x5c9: {  	v15 =	vsub.s32 v15, v16;
	_ =	sdelay $0x4  }
0x5ca: {  	v16 =	vld.idx.msk [tilespmem:v15+s16+$0x0], $0xffff;
	_ =	sdelay $0x4  }
0x5cb: {  	v50 =	vor.u32 $0x1, v15;
	vm1 =	vgt.s32 v16, v13  }
0x5cc: {  	v14 =	vsel vm1, v14, v50;
	v12 =	vsel vm1, v15, v12  }
0x5cd: {  	v15 =	vxor.u32 v12, v14  }
0x5ce: {  	v16 =	vand.u32 v12, v14;
	v15 =	vshrl.u32 v15, $0x1  }
0x5cf: {  	v15 =	vadd.s32 v15, v16;
	_ =	sdelay $0x4  }
0x5d0: {  	v16 =	vld.idx.msk [tilespmem:v15+s16+$0x0], $0xffff;
	_ =	sdelay $0x4  }
0x5d1: {  	v51 =	vadd.s32 $0x1, v15;
	vm1 =	vgt.s32 v16, v13  }
0x5d2: {  	v14 =	vsel vm1, v14, v51;
	v12 =	vsel vm1, v15, v12  }
0x5d3: {  	v15 =	vadd.s32 v12, v14  }
0x5d4: {  	v15 =	vshrl.u32 v15, $0x1;
	_ =	sdelay $0x4  }
0x5d5: {  	v52 =	vld.idx.msk [tilespmem:v15+s16+$0x0], $0xffff;
	_ =	sdelay $0x4  }
0x5d6: {  	v53 =	vadd.s32 $0x1, v15;
	vm1 =	vgt.s32 v52, v13  }
0x5d7: {  	v14 =	vsel vm1, v14, v53;
	v12 =	vsel vm1, v15, v12  }
0x5d8: {  	v15 =	vadd.s32 v12, v14  }
0x5d9: {  	v15 =	vshrl.u32 v15, $0x1;
	_ =	sdelay $0x4  }
0x5da: {  	v54 =	vld.idx.msk [tilespmem:v15+s16+$0x0], $0xffff;
	_ =	sdelay $0x4  }
0x5db: {  	v55 =	vadd.s32 $0x1, v15;
	vm1 =	vgt.s32 v54, v13  }
0x5dc: {  	v14 =	vsel vm1, v14, v55;
	v12 =	vsel vm1, v15, v12  }
0x5dd: {  	v15 =	vadd.s32 v12, v14  }
0x5de: {  	v15 =	vshrl.u32 v15, $0x1;
	_ =	sdelay $0x4  }
0x5df: {  	v56 =	vld.idx.msk [tilespmem:v15+s16+$0x0], $0xffff;
	_ =	sdelay $0x4  }
0x5e0: {  	v57 =	vadd.s32 $0x1, v15;
	vm1 =	vgt.s32 v56, v13  }
0x5e1: {  	v14 =	vsel vm1, v14, v57;
	v12 =	vsel vm1, v15, v12  }
0x5e2: {  	v15 =	vadd.s32 v12, v14  }
0x5e3: {  	v15 =	vshrl.u32 v15, $0x1;
	_ =	sdelay $0x4  }
0x5e4: {  	v58 =	vld.idx.msk [tilespmem:v15+s16+$0x0], $0xffff;
	_ =	sdelay $0x4  }
0x5e5: {  	v59 =	vadd.s32 $0x1, v15;
	vm1 =	vgt.s32 v58, v13  }
0x5e6: {  	v14 =	vsel vm1, v14, v59;
	v12 =	vsel vm1, v15, v12  }
0x5e7: {  	v15 =	vadd.s32 v12, v14  }
0x5e8: {  	v15 =	vshrl.u32 v15, $0x1;
	_ =	sdelay $0x4  }
0x5e9: {  	v60 =	vld.idx.msk [tilespmem:v15+s16+$0x0], $0xffff;
	_ =	sdelay $0x4  }
0x5ea: {  	v61 =	vadd.s32 $0x1, v15;
	vm1 =	vgt.s32 v60, v13  }
0x5eb: {  	v14 =	vsel vm1, v14, v61;
	v12 =	vsel vm1, v15, v12  }
0x5ec: {  	v12 =	vadd.s32 v12, v14  }
0x5ed: {  	v12 =	vshrl.u32 v12, $0x1;
	_ =	sdelay $0x4  }
0x5ee: {  	v62 =	vld.idx.msk [tilespmem:v12+s16+$0x0], $0xffff;
	_ =	sdelay $0x3  }
0x5ef: {  	p0 =	sne.s32 s11, $0xC0  }
.Ltmp13:
0x5f0: {  	v12 =	vadd.s32 $0x1, v12;
	vm1 =	vgt.s32 v62, v13;
	(pc) =	sbr.rel @p0 .LBB2_28-.Ltmp13, $4  }
0x5f1: {  	v12 =	vsel vm1, v14, v12;
	vm1 =	vge.s32 v13, v8  }
0x5f2: {  	s13 =	sshra.s32 s11, $0x2;
	v12 =	vadd.s32 v0, v12;
	v63 =	vsel vm1, $0x1, v7  }
0x5f3: {  	v12 =	vsel vm1, v1, v12;
	[tilespmem:s13+$0xBC0] =	vst v63  }
0x5f4: {  	s12 =	sadd.s32 $0x10, s12;
	s11 =	sadd.s32 $0x40, s11;
	[tilespmem:s13+$0x7C0] =	vst v12  }
0x5f5: {  	_ =	swait.ge [sflag:s9], $0x4000  }
0x5f6: {  	[sflag:s9] =	ssyncset.done $0x0  }
0x5f7: {  	[sflag:s9] =	ssyncadd.s32 $0xFFFFC000  }
0x5f8: {  	v12 =	vld [tilespmem:$0x7C0];
	_ =	sdelay $0x4  }
0x5f9: {  	v13 =	vshll.u32 v12, $0x1  }
0x5fa: {  	v12 =	vand.u32 $0x7, v12;
	v13 =	vand.u32 $0xFFFFFFF0, v13  }
0x5fb: {  	v12 =	vor.u32 v12, v13  }
0x5fc: {  	v13 =	vperm.xlane v12, v9;
	_ =	sdelay $0x1  }
0x5fd: {  	v12 =	vperm.xlane v12, v11;
	v13 =	vadd.s32 v10, v13;
	_ =	sdelay $0x1  }
0x5fe: {  	v12 =	vadd.s32 v10, v12;
	_ =	sdelay $0x1  }
0x5ff: {  	s11 =	simm.s32 $0x0  }
0x600: {  	[tilespmem:s25], [sflag:$0x2] =	stream.indirect_vreg.gather [hbm4b:s3+s11], $0x80, v13, vm0, $0xb8;
	[tilespmem:$0x8C80] =	vst v63  }
0x601: {  	_ = 	snop  }
0x602: {  	[tilespmem:s26], [sflag:$0x2] =	stream.indirect_vreg.gather [hbm4b:s3+s11], $0x80, v12, vm0, $0xb8;
	[tilespmem:$0x8C80] =	vst v63  }
0x603: {  	v12 =	vld [tilespmem:$0x7D0];
	_ =	sdelay $0x4  }
0x604: {  	v61 =	vshll.u32 v12, $0x1  }
0x605: {  	v12 =	vand.u32 $0x7, v12;
	v13 =	vand.u32 $0xFFFFFFF0, v61  }
0x606: {  	v12 =	vor.u32 v12, v13  }
0x607: {  	v13 =	vperm.xlane v12, v9;
	_ =	sdelay $0x1  }
0x608: {  	v12 =	vperm.xlane v12, v11;
	v13 =	vadd.s32 v10, v13;
	_ =	sdelay $0x1  }
0x609: {  	v12 =	vadd.s32 v10, v12;
	_ =	sdelay $0x2  }
0x60a: {  	[tilespmem:s28], [sflag:$0x2] =	stream.indirect_vreg.gather [hbm4b:s3+s11], $0x80, v13, vm0, $0xb8;
	[tilespmem:$0x8C80] =	vst v63  }
0x60b: {  	_ = 	snop  }
0x60c: {  	[tilespmem:s29], [sflag:$0x2] =	stream.indirect_vreg.gather [hbm4b:s3+s11], $0x80, v12, vm0, $0xb8;
	[tilespmem:$0x8C80] =	vst v63  }
0x60d: {  	v12 =	vld [tilespmem:$0x7E0];
	_ =	sdelay $0x4  }
0x60e: {  	v62 =	vshll.u32 v12, $0x1  }
0x60f: {  	v12 =	vand.u32 $0x7, v12;
	v13 =	vand.u32 $0xFFFFFFF0, v62  }
0x610: {  	v12 =	vor.u32 v12, v13  }
0x611: {  	v13 =	vperm.xlane v12, v9;
	_ =	sdelay $0x1  }
0x612: {  	v12 =	vperm.xlane v12, v11;
	v13 =	vadd.s32 v10, v13;
	_ =	sdelay $0x1  }
0x613: {  	v12 =	vadd.s32 v10, v12;
	_ =	sdelay $0x2  }
0x614: {  	[tilespmem:s30], [sflag:$0x2] =	stream.indirect_vreg.gather [hbm4b:s3+s11], $0x80, v13, vm0, $0xb8;
	[tilespmem:$0x8C80] =	vst v63  }
0x615: {  	_ = 	snop  }
0x616: {  	[tilespmem:s31], [sflag:$0x2] =	stream.indirect_vreg.gather [hbm4b:s3+s11], $0x80, v12, vm0, $0xb8;
	[tilespmem:$0x8C80] =	vst v63  }
0x617: {  	v12 =	vld [tilespmem:$0x7F0];
	_ =	sdelay $0x4  }
0x618: {  	v63 =	vshll.u32 v12, $0x1  }
0x619: {  	v12 =	vand.u32 $0x7, v12;
	v13 =	vand.u32 $0xFFFFFFF0, v63  }
0x61a: {  	v12 =	vor.u32 v12, v13  }
0x61b: {  	v13 =	vperm.xlane v12, v9;
	_ =	sdelay $0x1  }
0x61c: {  	v12 =	vperm.xlane v12, v11;
	v13 =	vadd.s32 v10, v13;
	_ =	sdelay $0x1  }
0x61d: {  	v12 =	vadd.s32 v10, v12;
	_ =	sdelay $0x2  }
0x61e: {  	[tilespmem:s1], [sflag:$0x2] =	stream.indirect_vreg.gather [hbm4b:s3+s11], $0x80, v13, vm0, $0xb8;
	[tilespmem:$0x8C80] =	vst v63  }
0x61f: {  	_ = 	snop  }
0x620: {  	[tilespmem:s0], [sflag:$0x2] =	stream.indirect_vreg.gather [hbm4b:s3+s11], $0x80, v12, vm0, $0xb8;
	[tilespmem:$0x8C80] =	vst v63  }
0x621: {  	_ =	swait.ge [sflag:s6], $0x4000  }
0x622: {  	[sflag:s6] =	ssyncset.done $0x0  }
0x623: {  	s12 =	rddreg [dreg:$0x11];
	[sflag:s6] =	ssyncadd.s32 $0xFFFFC000  }
0x624: {  	[hbm4b:s12+s11] =	stream.linear.scatter [tilespmem:s17], [sflag:$0x3], $0x4000, $0x38;
	[tilespmem:$0x8C80] =	vst v63  }
0x625: {  	s12 =	sld [smem:$0x7FD]  }
.LBB2_30:
0x626: {  	v12 =	vld.idx.msk [tilespmem:v3+s16+$0x0], $0xffff;
	_ =	sdelay $0x3  }
0x627: {  	v13 =	vor.u32 s12, v2  }
0x628: {  	vm1 =	vgt.s32 v12, v13  }
0x629: {  	v12 =	vsel vm1, $0x80, v6;
	_ =	sdelay $0x4  }
0x62a: {  	v14 =	vld.idx.msk [tilespmem:v12+s16+$0x0], $0xffff;
	_ =	sdelay $0x4  }
0x62b: {  	v15 =	vsel vm1, $0x100, v5;
	vm2 =	vgt.s32 v14, v13  }
0x62c: {  	v49 =	vsel vm1, $0x0, v4;
	v16 =	vor.u32 $0x1, v12;
	v12 =	vsel vm2, v12, v15  }
0x62d: {  	v14 =	vsel vm2, v49, v16;
	v15 =	vadd.s32 $0xFFFFFFFF, v12  }
0x62e: {  	v16 =	vxor.u32 v15, v14  }
0x62f: {  	v15 =	vor.u32 v15, v14;
	v16 =	vshrl.u32 v16, $0x1  }
0x630: {  	v15 =	vsub.s32 v15, v16;
	_ =	sdelay $0x4  }
0x631: {  	v16 =	vld.idx.msk [tilespmem:v15+s16+$0x0], $0xffff;
	_ =	sdelay $0x4  }
0x632: {  	v50 =	vor.u32 $0x1, v15;
	vm1 =	vgt.s32 v16, v13  }
0x633: {  	v14 =	vsel vm1, v14, v50;
	v12 =	vsel vm1, v15, v12  }
0x634: {  	v15 =	vxor.u32 v12, v14  }
0x635: {  	v16 =	vand.u32 v12, v14;
	v15 =	vshrl.u32 v15, $0x1  }
0x636: {  	v15 =	vadd.s32 v15, v16;
	_ =	sdelay $0x4  }
0x637: {  	v16 =	vld.idx.msk [tilespmem:v15+s16+$0x0], $0xffff;
	_ =	sdelay $0x4  }
0x638: {  	v51 =	vadd.s32 $0x1, v15;
	vm1 =	vgt.s32 v16, v13  }
0x639: {  	v14 =	vsel vm1, v14, v51;
	v12 =	vsel vm1, v15, v12  }
0x63a: {  	v15 =	vadd.s32 v12, v14  }
0x63b: {  	v15 =	vshrl.u32 v15, $0x1;
	_ =	sdelay $0x4  }
0x63c: {  	v52 =	vld.idx.msk [tilespmem:v15+s16+$0x0], $0xffff;
	_ =	sdelay $0x4  }
0x63d: {  	v53 =	vadd.s32 $0x1, v15;
	vm1 =	vgt.s32 v52, v13  }
0x63e: {  	v14 =	vsel vm1, v14, v53;
	v12 =	vsel vm1, v15, v12  }
0x63f: {  	v15 =	vadd.s32 v12, v14  }
0x640: {  	v15 =	vshrl.u32 v15, $0x1;
	_ =	sdelay $0x4  }
0x641: {  	v54 =	vld.idx.msk [tilespmem:v15+s16+$0x0], $0xffff;
	_ =	sdelay $0x4  }
0x642: {  	v55 =	vadd.s32 $0x1, v15;
	vm1 =	vgt.s32 v54, v13  }
0x643: {  	v14 =	vsel vm1, v14, v55;
	v12 =	vsel vm1, v15, v12  }
0x644: {  	v15 =	vadd.s32 v12, v14  }
0x645: {  	v15 =	vshrl.u32 v15, $0x1;
	_ =	sdelay $0x4  }
0x646: {  	v56 =	vld.idx.msk [tilespmem:v15+s16+$0x0], $0xffff;
	_ =	sdelay $0x4  }
0x647: {  	v57 =	vadd.s32 $0x1, v15;
	vm1 =	vgt.s32 v56, v13  }
0x648: {  	v14 =	vsel vm1, v14, v57;
	v12 =	vsel vm1, v15, v12  }
0x649: {  	v15 =	vadd.s32 v12, v14  }
0x64a: {  	v15 =	vshrl.u32 v15, $0x1;
	_ =	sdelay $0x4  }
0x64b: {  	v58 =	vld.idx.msk [tilespmem:v15+s16+$0x0], $0xffff;
	_ =	sdelay $0x4  }
0x64c: {  	v59 =	vadd.s32 $0x1, v15;
	vm1 =	vgt.s32 v58, v13  }
0x64d: {  	v14 =	vsel vm1, v14, v59;
	v12 =	vsel vm1, v15, v12  }
0x64e: {  	v15 =	vadd.s32 v12, v14  }
0x64f: {  	v15 =	vshrl.u32 v15, $0x1;
	_ =	sdelay $0x4  }
0x650: {  	v60 =	vld.idx.msk [tilespmem:v15+s16+$0x0], $0xffff;
	_ =	sdelay $0x4  }
0x651: {  	v61 =	vadd.s32 $0x1, v15;
	vm1 =	vgt.s32 v60, v13  }
0x652: {  	v14 =	vsel vm1, v14, v61;
	v12 =	vsel vm1, v15, v12  }
0x653: {  	v12 =	vadd.s32 v12, v14  }
0x654: {  	v12 =	vshrl.u32 v12, $0x1;
	_ =	sdelay $0x4  }
0x655: {  	v62 =	vld.idx.msk [tilespmem:v12+s16+$0x0], $0xffff;
	_ =	sdelay $0x3  }
0x656: {  	p0 =	sne.s32 s11, $0xC0  }
.Ltmp14:
0x657: {  	v12 =	vadd.s32 $0x1, v12;
	vm1 =	vgt.s32 v62, v13;
	(pc) =	sbr.rel @p0 .LBB2_30-.Ltmp14, $4  }
0x658: {  	v12 =	vsel vm1, v14, v12;
	vm1 =	vge.s32 v13, v8  }
0x659: {  	s13 =	sshra.s32 s11, $0x2;
	v12 =	vadd.s32 v0, v12;
	v63 =	vsel vm1, $0x1, v7  }
0x65a: {  	v12 =	vsel vm1, v1, v12;
	[tilespmem:s13+$0xC00] =	vst v63  }
0x65b: {  	s12 =	sadd.s32 $0x10, s12;
	s11 =	sadd.s32 $0x40, s11;
	[tilespmem:s13+$0x800] =	vst v12  }
0x65c: {  	_ =	swait.ge [sflag:s4], $0x4000  }
0x65d: {  	[sflag:s4] =	ssyncset.done $0x0  }
0x65e: {  	[sflag:s4] =	ssyncadd.s32 $0xFFFFC000  }
0x65f: {  	v12 =	vld [tilespmem:$0x800];
	_ =	sdelay $0x4  }
0x660: {  	v13 =	vshll.u32 v12, $0x1  }
0x661: {  	v12 =	vand.u32 $0x7, v12;
	v13 =	vand.u32 $0xFFFFFFF0, v13  }
0x662: {  	v12 =	vor.u32 v12, v13  }
0x663: {  	v13 =	vperm.xlane v12, v9;
	_ =	sdelay $0x1  }
0x664: {  	v12 =	vperm.xlane v12, v11;
	v13 =	vadd.s32 v10, v13;
	_ =	sdelay $0x1  }
0x665: {  	v12 =	vadd.s32 v10, v12;
	_ =	sdelay $0x1  }
0x666: {  	s11 =	simm.s32 $0x0  }
0x667: {  	[tilespmem:s17], [sflag:$0x1] =	stream.indirect_vreg.gather [hbm4b:s3+s11], $0x80, v13, vm0, $0xb8;
	[tilespmem:$0x8C80] =	vst v63  }
0x668: {  	_ = 	snop  }
0x669: {  	[tilespmem:s18], [sflag:$0x1] =	stream.indirect_vreg.gather [hbm4b:s3+s11], $0x80, v12, vm0, $0xb8;
	[tilespmem:$0x8C80] =	vst v63  }
0x66a: {  	v12 =	vld [tilespmem:$0x810];
	_ =	sdelay $0x4  }
0x66b: {  	v61 =	vshll.u32 v12, $0x1  }
0x66c: {  	v12 =	vand.u32 $0x7, v12;
	v13 =	vand.u32 $0xFFFFFFF0, v61  }
0x66d: {  	v12 =	vor.u32 v12, v13  }
0x66e: {  	v13 =	vperm.xlane v12, v9;
	_ =	sdelay $0x1  }
0x66f: {  	v12 =	vperm.xlane v12, v11;
	v13 =	vadd.s32 v10, v13;
	_ =	sdelay $0x1  }
0x670: {  	v12 =	vadd.s32 v10, v12;
	_ =	sdelay $0x2  }
0x671: {  	[tilespmem:s19], [sflag:$0x1] =	stream.indirect_vreg.gather [hbm4b:s3+s11], $0x80, v13, vm0, $0xb8;
	[tilespmem:$0x8C80] =	vst v63  }
0x672: {  	_ = 	snop  }
0x673: {  	[tilespmem:s20], [sflag:$0x1] =	stream.indirect_vreg.gather [hbm4b:s3+s11], $0x80, v12, vm0, $0xb8;
	[tilespmem:$0x8C80] =	vst v63  }
0x674: {  	v12 =	vld [tilespmem:$0x820];
	_ =	sdelay $0x4  }
0x675: {  	v62 =	vshll.u32 v12, $0x1  }
0x676: {  	v12 =	vand.u32 $0x7, v12;
	v13 =	vand.u32 $0xFFFFFFF0, v62  }
0x677: {  	v12 =	vor.u32 v12, v13  }
0x678: {  	v13 =	vperm.xlane v12, v9;
	_ =	sdelay $0x1  }
0x679: {  	v12 =	vperm.xlane v12, v11;
	v13 =	vadd.s32 v10, v13;
	_ =	sdelay $0x1  }
0x67a: {  	v12 =	vadd.s32 v10, v12;
	_ =	sdelay $0x2  }
0x67b: {  	[tilespmem:s21], [sflag:$0x1] =	stream.indirect_vreg.gather [hbm4b:s3+s11], $0x80, v13, vm0, $0xb8;
	[tilespmem:$0x8C80] =	vst v63  }
0x67c: {  	_ = 	snop  }
0x67d: {  	[tilespmem:s22], [sflag:$0x1] =	stream.indirect_vreg.gather [hbm4b:s3+s11], $0x80, v12, vm0, $0xb8;
	[tilespmem:$0x8C80] =	vst v63  }
0x67e: {  	v12 =	vld [tilespmem:$0x830];
	_ =	sdelay $0x4  }
0x67f: {  	v63 =	vshll.u32 v12, $0x1  }
0x680: {  	v12 =	vand.u32 $0x7, v12;
	v13 =	vand.u32 $0xFFFFFFF0, v63  }
0x681: {  	v12 =	vor.u32 v12, v13  }
0x682: {  	v13 =	vperm.xlane v12, v9;
	_ =	sdelay $0x1  }
0x683: {  	v12 =	vperm.xlane v12, v11;
	v13 =	vadd.s32 v10, v13;
	_ =	sdelay $0x1  }
0x684: {  	v12 =	vadd.s32 v10, v12;
	_ =	sdelay $0x2  }
0x685: {  	[tilespmem:s23], [sflag:$0x1] =	stream.indirect_vreg.gather [hbm4b:s3+s11], $0x80, v13, vm0, $0xb8;
	[tilespmem:$0x8C80] =	vst v63  }
0x686: {  	_ = 	snop  }
0x687: {  	[tilespmem:s24], [sflag:$0x1] =	stream.indirect_vreg.gather [hbm4b:s3+s11], $0x80, v12, vm0, $0xb8;
	[tilespmem:$0x8C80] =	vst v63  }
0x688: {  	_ =	swait.ge [sflag:s7], $0x4000  }
0x689: {  	[sflag:s7] =	ssyncset.done $0x0  }
0x68a: {  	s12 =	rddreg [dreg:$0x12];
	[sflag:s7] =	ssyncadd.s32 $0xFFFFC000  }
0x68b: {  	[hbm4b:s12+s11] =	stream.linear.scatter [tilespmem:s25], [sflag:$0x4], $0x4000, $0x38;
	[tilespmem:$0x8C80] =	vst v63  }
0x68c: {  	s12 =	smov.u32 s14  }
.LBB2_32:
0x68d: {  	v12 =	vld.idx.msk [tilespmem:v3+s16+$0x0], $0xffff;
	_ =	sdelay $0x3  }
0x68e: {  	v13 =	vor.u32 s12, v2  }
0x68f: {  	vm1 =	vgt.s32 v12, v13  }
0x690: {  	v12 =	vsel vm1, $0x80, v6;
	_ =	sdelay $0x4  }
0x691: {  	v14 =	vld.idx.msk [tilespmem:v12+s16+$0x0], $0xffff;
	_ =	sdelay $0x4  }
0x692: {  	v15 =	vsel vm1, $0x100, v5;
	vm2 =	vgt.s32 v14, v13  }
0x693: {  	v49 =	vsel vm1, $0x0, v4;
	v16 =	vor.u32 $0x1, v12;
	v12 =	vsel vm2, v12, v15  }
0x694: {  	v14 =	vsel vm2, v49, v16;
	v15 =	vadd.s32 $0xFFFFFFFF, v12  }
0x695: {  	v16 =	vxor.u32 v15, v14  }
0x696: {  	v15 =	vor.u32 v15, v14;
	v16 =	vshrl.u32 v16, $0x1  }
0x697: {  	v15 =	vsub.s32 v15, v16;
	_ =	sdelay $0x4  }
0x698: {  	v16 =	vld.idx.msk [tilespmem:v15+s16+$0x0], $0xffff;
	_ =	sdelay $0x4  }
0x699: {  	v50 =	vor.u32 $0x1, v15;
	vm1 =	vgt.s32 v16, v13  }
0x69a: {  	v14 =	vsel vm1, v14, v50;
	v12 =	vsel vm1, v15, v12  }
0x69b: {  	v15 =	vxor.u32 v12, v14  }
0x69c: {  	v16 =	vand.u32 v12, v14;
	v15 =	vshrl.u32 v15, $0x1  }
0x69d: {  	v15 =	vadd.s32 v15, v16;
	_ =	sdelay $0x4  }
0x69e: {  	v16 =	vld.idx.msk [tilespmem:v15+s16+$0x0], $0xffff;
	_ =	sdelay $0x4  }
0x69f: {  	v51 =	vadd.s32 $0x1, v15;
	vm1 =	vgt.s32 v16, v13  }
0x6a0: {  	v14 =	vsel vm1, v14, v51;
	v12 =	vsel vm1, v15, v12  }
0x6a1: {  	v15 =	vadd.s32 v12, v14  }
0x6a2: {  	v15 =	vshrl.u32 v15, $0x1;
	_ =	sdelay $0x4  }
0x6a3: {  	v52 =	vld.idx.msk [tilespmem:v15+s16+$0x0], $0xffff;
	_ =	sdelay $0x4  }
0x6a4: {  	v53 =	vadd.s32 $0x1, v15;
	vm1 =	vgt.s32 v52, v13  }
0x6a5: {  	v14 =	vsel vm1, v14, v53;
	v12 =	vsel vm1, v15, v12  }
0x6a6: {  	v15 =	vadd.s32 v12, v14  }
0x6a7: {  	v15 =	vshrl.u32 v15, $0x1;
	_ =	sdelay $0x4  }
0x6a8: {  	v54 =	vld.idx.msk [tilespmem:v15+s16+$0x0], $0xffff;
	_ =	sdelay $0x4  }
0x6a9: {  	v55 =	vadd.s32 $0x1, v15;
	vm1 =	vgt.s32 v54, v13  }
0x6aa: {  	v14 =	vsel vm1, v14, v55;
	v12 =	vsel vm1, v15, v12  }
0x6ab: {  	v15 =	vadd.s32 v12, v14  }
0x6ac: {  	v15 =	vshrl.u32 v15, $0x1;
	_ =	sdelay $0x4  }
0x6ad: {  	v56 =	vld.idx.msk [tilespmem:v15+s16+$0x0], $0xffff;
	_ =	sdelay $0x4  }
0x6ae: {  	v57 =	vadd.s32 $0x1, v15;
	vm1 =	vgt.s32 v56, v13  }
0x6af: {  	v14 =	vsel vm1, v14, v57;
	v12 =	vsel vm1, v15, v12  }
0x6b0: {  	v15 =	vadd.s32 v12, v14  }
0x6b1: {  	v15 =	vshrl.u32 v15, $0x1;
	_ =	sdelay $0x4  }
0x6b2: {  	v58 =	vld.idx.msk [tilespmem:v15+s16+$0x0], $0xffff;
	_ =	sdelay $0x4  }
0x6b3: {  	v59 =	vadd.s32 $0x1, v15;
	vm1 =	vgt.s32 v58, v13  }
0x6b4: {  	v14 =	vsel vm1, v14, v59;
	v12 =	vsel vm1, v15, v12  }
0x6b5: {  	v15 =	vadd.s32 v12, v14  }
0x6b6: {  	v15 =	vshrl.u32 v15, $0x1;
	_ =	sdelay $0x4  }
0x6b7: {  	v60 =	vld.idx.msk [tilespmem:v15+s16+$0x0], $0xffff;
	_ =	sdelay $0x4  }
0x6b8: {  	v61 =	vadd.s32 $0x1, v15;
	vm1 =	vgt.s32 v60, v13  }
0x6b9: {  	v14 =	vsel vm1, v14, v61;
	v12 =	vsel vm1, v15, v12  }
0x6ba: {  	v12 =	vadd.s32 v12, v14  }
0x6bb: {  	v12 =	vshrl.u32 v12, $0x1;
	_ =	sdelay $0x4  }
0x6bc: {  	v62 =	vld.idx.msk [tilespmem:v12+s16+$0x0], $0xffff;
	_ =	sdelay $0x3  }
0x6bd: {  	p0 =	sne.s32 s11, $0xC0  }
.Ltmp15:
0x6be: {  	v12 =	vadd.s32 $0x1, v12;
	vm1 =	vgt.s32 v62, v13;
	(pc) =	sbr.rel @p0 .LBB2_32-.Ltmp15, $4  }
0x6bf: {  	v12 =	vsel vm1, v14, v12;
	vm1 =	vge.s32 v13, v8  }
0x6c0: {  	s13 =	sshra.s32 s11, $0x2;
	v12 =	vadd.s32 v0, v12;
	v63 =	vsel vm1, $0x1, v7  }
0x6c1: {  	v12 =	vsel vm1, v1, v12;
	[tilespmem:s13+$0xC40] =	vst v63  }
0x6c2: {  	s12 =	sadd.s32 $0x10, s12;
	s11 =	sadd.s32 $0x40, s11;
	[tilespmem:s13+$0x840] =	vst v12  }
0x6c3: {  	_ =	swait.ge [sflag:s9], $0x4000  }
0x6c4: {  	[sflag:s9] =	ssyncset.done $0x0  }
0x6c5: {  	[sflag:s9] =	ssyncadd.s32 $0xFFFFC000  }
0x6c6: {  	v8 =	vld [tilespmem:$0x840];
	_ =	sdelay $0x4  }
0x6c7: {  	v12 =	vshll.u32 v8, $0x1  }
0x6c8: {  	v8 =	vand.u32 $0x7, v8;
	v12 =	vand.u32 $0xFFFFFFF0, v12  }
0x6c9: {  	v8 =	vor.u32 v8, v12  }
0x6ca: {  	v12 =	vperm.xlane v8, v9;
	_ =	sdelay $0x1  }
0x6cb: {  	v8 =	vperm.xlane v8, v11;
	v12 =	vadd.s32 v10, v12;
	_ =	sdelay $0x1  }
0x6cc: {  	v8 =	vadd.s32 v10, v8;
	_ =	sdelay $0x2  }
0x6cd: {  	[tilespmem:s25], [sflag:$0x2] =	stream.indirect_vreg.gather [hbm4b:s3+s2], $0x80, v12, vm0, $0xb8;
	[tilespmem:$0x8C80] =	vst v63  }
0x6ce: {  	_ = 	snop  }
0x6cf: {  	[tilespmem:s26], [sflag:$0x2] =	stream.indirect_vreg.gather [hbm4b:s3+s2], $0x80, v8, vm0, $0xb8;
	[tilespmem:$0x8C80] =	vst v63  }
0x6d0: {  	v8 =	vld [tilespmem:$0x850];
	_ =	sdelay $0x4  }
0x6d1: {  	v60 =	vshll.u32 v8, $0x1  }
0x6d2: {  	v8 =	vand.u32 $0x7, v8;
	v12 =	vand.u32 $0xFFFFFFF0, v60  }
0x6d3: {  	v8 =	vor.u32 v8, v12  }
0x6d4: {  	v12 =	vperm.xlane v8, v9;
	_ =	sdelay $0x1  }
0x6d5: {  	v8 =	vperm.xlane v8, v11;
	v12 =	vadd.s32 v10, v12;
	_ =	sdelay $0x1  }
0x6d6: {  	v8 =	vadd.s32 v10, v8;
	_ =	sdelay $0x2  }
0x6d7: {  	[tilespmem:s28], [sflag:$0x2] =	stream.indirect_vreg.gather [hbm4b:s3+s2], $0x80, v12, vm0, $0xb8;
	[tilespmem:$0x8C80] =	vst v63  }
0x6d8: {  	_ = 	snop  }
0x6d9: {  	[tilespmem:s29], [sflag:$0x2] =	stream.indirect_vreg.gather [hbm4b:s3+s2], $0x80, v8, vm0, $0xb8;
	[tilespmem:$0x8C80] =	vst v63  }
0x6da: {  	v8 =	vld [tilespmem:$0x860];
	_ =	sdelay $0x4  }
0x6db: {  	v61 =	vshll.u32 v8, $0x1  }
0x6dc: {  	v8 =	vand.u32 $0x7, v8;
	v12 =	vand.u32 $0xFFFFFFF0, v61  }
0x6dd: {  	v8 =	vor.u32 v8, v12  }
0x6de: {  	v12 =	vperm.xlane v8, v9;
	_ =	sdelay $0x1  }
0x6df: {  	v8 =	vperm.xlane v8, v11;
	v12 =	vadd.s32 v10, v12;
	_ =	sdelay $0x1  }
0x6e0: {  	v8 =	vadd.s32 v10, v8;
	_ =	sdelay $0x2  }
0x6e1: {  	[tilespmem:s30], [sflag:$0x2] =	stream.indirect_vreg.gather [hbm4b:s3+s2], $0x80, v12, vm0, $0xb8;
	[tilespmem:$0x8C80] =	vst v63  }
0x6e2: {  	_ = 	snop  }
0x6e3: {  	[tilespmem:s31], [sflag:$0x2] =	stream.indirect_vreg.gather [hbm4b:s3+s2], $0x80, v8, vm0, $0xb8;
	[tilespmem:$0x8C80] =	vst v63  }
0x6e4: {  	v8 =	vld [tilespmem:$0x870];
	_ =	sdelay $0x4  }
0x6e5: {  	v62 =	vshll.u32 v8, $0x1  }
0x6e6: {  	v8 =	vand.u32 $0x7, v8;
	v12 =	vand.u32 $0xFFFFFFF0, v62  }
0x6e7: {  	v8 =	vor.u32 v8, v12  }
0x6e8: {  	v63 =	vperm.xlane v8, v9;
	_ =	sdelay $0x1  }
0x6e9: {  	v8 =	vperm.xlane v8, v11;
	v9 =	vadd.s32 v10, v63;
	_ =	sdelay $0x1  }
0x6ea: {  	v8 =	vadd.s32 v10, v8;
	_ =	sdelay $0x2  }
0x6eb: {  	[tilespmem:s1], [sflag:$0x2] =	stream.indirect_vreg.gather [hbm4b:s3+s2], $0x80, v9, vm0, $0xb8;
	[tilespmem:$0x8C80] =	vst v63  }
0x6ec: {  	_ = 	snop  }
0x6ed: {  	[tilespmem:s0], [sflag:$0x2] =	stream.indirect_vreg.gather [hbm4b:s3+s2], $0x80, v8, vm0, $0xb8;
	[tilespmem:$0x8C80] =	vst v63  }
0x6ee: {  	_ =	swait.ge [sflag:s6], $0x4000  }
0x6ef: {  	[sflag:s6] =	ssyncset.done $0x0  }
0x6f0: {  	s11 =	rddreg [dreg:$0x15];
	[sflag:s6] =	ssyncadd.s32 $0xFFFFC000  }
0x6f1: {  	[hbm4b:s11+s2] =	stream.linear.scatter [tilespmem:s17], [sflag:$0x3], $0x4000, $0x38;
	[tilespmem:$0x8C80] =	vst v63  }
0x6f2: {  	_ =	swait.ge [sflag:s7], $0x4000  }
0x6f3: {  	[sflag:s7] =	ssyncset.done $0x0  }
0x6f4: {  	s12 =	rddreg [dreg:$0x16];
	[sflag:s7] =	ssyncadd.s32 $0xFFFFC000  }
0x6f5: {  	[hbm4b:s12+s2] =	stream.linear.scatter [tilespmem:s25], [sflag:$0x4], $0x4000, $0x38;
	[tilespmem:$0x8C80] =	vst v63  }
0x6f6: {  	_ =	swait.ge [sflag:s4], $0x4000  }
0x6f7: {  	[sflag:s4] =	ssyncset.done $0x0  }
0x6f8: {  	[sflag:s4] =	ssyncadd.s32 $0xFFFFC000  }
0x6f9: {  	_ =	swait.ge [sflag:s9], $0x4000  }
0x6fa: {  	[sflag:s9] =	ssyncset.done $0x0  }
0x6fb: {  	s12 =	simm.s32 $0x880;
	s13 =	rddreg [dreg:$0x13];
	[sflag:s9] =	ssyncadd.s32 $0xFFFFC000  }
0x6fc: {  	[hbm4b:s13+s2] =	stream.linear.scatter [tilespmem:s12], [sflag:$0x5], $0x400, $0x38;
	[tilespmem:$0x8C80] =	vst v63  }
0x6fd: {  	_ =	swait.ge [sflag:s15], $0x400  }
0x6fe: {  	s10 =	sadd.s32 $0x1, s10;
	s13 =	rddreg [dreg:$0x14]  }
0x6ff: {  	p0 =	sne.s32 s10, s13  }
.Ltmp16:
0x700: {  	_ = 	snop;
	(pc) =	sbr.rel @p0 .LBB2_1-.Ltmp16, $3  }
0x701: {  	_ =	sdelay $0x1  }
0x702: {  	[sflag:s15] =	ssyncset.done $0x0  }
0x703: {  	[sflag:s15] =	ssyncadd.s32 $0xFFFFFC00  }
0x704: {  	_ =	sfence.sel $0x180000  }
0x705: {  	[bflag:$0x0] =	sbarrier.arrive $0xFFFF  }
0x706: {  	_ =	strace $0x90000047  }
0x707: {  	s0 =	stileid.u32;
	[bflag:$0x2] =	sbarrier.arrive $0xFFFF  }
0x708: {  	p0 =	sne.s32 s0, $0x0;
	s0 =	rddreg [dreg:$0x3]  }
0x709: {  	s0 =	sadd.s32 @!p0 $0x100000, s0  }
0x70a: {  	[sflag:s0] =	ssyncadd.tile.s32 @!p0 $0x1;
	_ =	shalt  }
.Lfunc_end2:
_tile_overlayer_lowered:
.L_overlay_start_2:
0x70b: {  	(tag) =	ssettag $0x2  }
0x70c: {  	s0 =	rddreg [dreg:$0x0];
	s2 =	stileid.u32  }
0x70d: {  	s1 =	rddreg [dreg:$0x1];
	p0 =	sne.s32 s2, $0x0  }
0x70e: {  	s3 =	rddreg [dreg:$0x2];
	[bflag:$0x3] =	sbarrier.arrive $0xFFFF;
	s2 =	simm.s32 @!p0 $0x1C05  }
0x70f: {  	[timem:s3], [sflag:s2] =	dma.local @!p0 [hbm:s0], s1  }
0x710: {  	s0 =	simm.s32 @!p0 $0x5  }
0x711: {  	_ =	swait.ge @!p0 [sflag:s0], s1  }
0x712: {  	s1 =	ssub.s32 @!p0 $0x0, s1;
	[sflag:s0] =	ssyncset.done @!p0 $0x0  }
0x713: {  	[sflag:s0] =	ssyncadd.s32 @!p0 s1  }
0x714: {  	[bflag:$0x3] =	sbarrier.arrive $0xFFFF  }
0x715: {  	_ =	shalt  }

</sc_bundles>
